<compile_context>
chip_gen: v7x
topology: tpu7x:2x2x1
jax: 0.10.2.dev20260603
libtpu: 0.0.44.dev20260713+nightly
codegen_flags: <defaults>
</compile_context>

<pallas_src>
import functools

import jax
import jax.numpy as jnp
from jax import lax
from jax.experimental import pallas as pl
from jax.experimental.pallas import tpu as pltpu
from jax.experimental.pallas import tpu_sc as plsc

_N = 10000
_E = 320000
_D = 128
_L = 3
_VOCAB = 32

_NC = 2
_NS = 16
_NW = _NC * _NS
_EPW = _E // _NW
_CHUNK = 80
_NCHUNK = _EPW // _CHUNK
_NDUMP = 128
_NOUT = _N + _NDUMP + 2 * _NS
_RPT = 640

_BLK = 2000
_NBLK = _N // _BLK


def _sc_agg_body(x_hbm, src_hbm, mflag_hbm, scat_hbm, fin_hbm, zeros_hbm,
                 out0_hbm, out1_hbm,
                 srcidx_v, mflag_v, scat_v, idx16_v, rows_v, ring_v, sem):
    c = lax.axis_index("c")
    s = lax.axis_index("s")
    w = c * _NS + s

    stripe = pl.multiple_of(
        jnp.minimum(s * _RPT, _NOUT - _RPT).astype(jnp.int32), 8)

    @pl.when(c == 0)
    def _():
        pltpu.sync_copy(zeros_hbm.at[pl.ds(stripe, _RPT)],
                        out0_hbm.at[pl.ds(stripe, _RPT)])

    @pl.when(c == 1)
    def _():
        pltpu.sync_copy(zeros_hbm.at[pl.ds(stripe, _RPT)],
                        out1_hbm.at[pl.ds(stripe, _RPT)])

    plsc.subcore_barrier()

    ebase = w * _EPW

    def chunk_body(g, acc):
        base = ebase + g * _CHUNK
        pltpu.sync_copy(src_hbm.at[pl.ds(base, _CHUNK)], srcidx_v)
        pltpu.sync_copy(mflag_hbm.at[pl.ds(base, _CHUNK)], mflag_v)
        pltpu.sync_copy(scat_hbm.at[pl.ds(base, _CHUNK)], scat_v)
        pltpu.async_copy(x_hbm.at[srcidx_v], rows_v, sem).wait()

        def edge_body(k, acc):
            m = mflag_v[k]
            new = []
            for ci in range(8):
                row = rows_v[k, pl.ds(16 * ci, 16)]
                a = acc[ci] * m + row
                ring_v[k, pl.ds(16 * ci, 16)] = a
                new.append(a)
            return tuple(new)

        acc = lax.fori_loop(0, _CHUNK, edge_body, acc, unroll=8)

        @pl.when(c == 0)
        def _():
            pltpu.sync_copy(ring_v, out0_hbm.at[scat_v])

        @pl.when(c == 1)
        def _():
            pltpu.sync_copy(ring_v, out1_hbm.at[scat_v])

        return acc

    acc0 = tuple(jnp.zeros((16,), jnp.float32) for _ in range(8))
    acc = lax.fori_loop(0, _NCHUNK, chunk_body, acc0)

    for ci in range(8):
        ring_v[0, pl.ds(16 * ci, 16)] = acc[ci]
    pltpu.sync_copy(fin_hbm.at[pl.ds(w * 16, 16)], idx16_v)

    @pl.when(c == 0)
    def _():
        pltpu.sync_copy(ring_v.at[pl.ds(0, 16)], out0_hbm.at[idx16_v])

    @pl.when(c == 1)
    def _():
        pltpu.sync_copy(ring_v.at[pl.ds(0, 16)], out1_hbm.at[idx16_v])


@functools.lru_cache(maxsize=None)
def _sc_agg_kernel():
    return functools.partial(
        pl.kernel,
        out_type=[jax.ShapeDtypeStruct((_NOUT, _D), jnp.float32),
                  jax.ShapeDtypeStruct((_NOUT, _D), jnp.float32)],
        mesh=plsc.VectorSubcoreMesh(core_axis_name="c", subcore_axis_name="s"),
        scratch_types=[
            pltpu.VMEM((_CHUNK,), jnp.int32),
            pltpu.VMEM((_CHUNK, 16), jnp.float32),
            pltpu.VMEM((_CHUNK,), jnp.int32),
            pltpu.VMEM((16,), jnp.int32),
            pltpu.VMEM((_CHUNK, _D), jnp.float32),
            pltpu.VMEM((_CHUNK, _D), jnp.float32),
            pltpu.SemaphoreType.DMA,
        ],
    )(_sc_agg_body)


def _sc_agg(x, src_sorted, mflag, scat, fin, zeros):
    return _sc_agg_kernel()(x, src_sorted, mflag, scat, fin, zeros)


def _edge_metadata(src, dst):
    order = jnp.argsort(dst, stable=True)
    so = jnp.take(src, order)
    do = jnp.take(dst, order)
    e = jnp.arange(_E, dtype=jnp.int32)
    prev = jnp.concatenate([jnp.full((1,), -1, jnp.int32), do[:-1]])
    flag = ((do != prev) | (e % _EPW == 0)).astype(jnp.int32)
    mflag = jnp.broadcast_to((1 - flag).astype(jnp.float32)[:, None],
                             (_E, 16)) + jnp.zeros((_E, 16), jnp.float32)
    run_id = jnp.cumsum(flag) - 1
    rid2 = run_id.reshape(_NW, _EPW)
    is_first = (rid2 == rid2[:, :1]).reshape(_E)
    is_last = (rid2 == rid2[:, -1:]).reshape(_E)
    closes = jnp.concatenate([flag[1:], jnp.ones((1,), jnp.int32)]) == 1
    s_local = ((e // _EPW) % _NS).astype(jnp.int32)
    dump = (_N + (e % _NDUMP)).astype(jnp.int32)
    side_first = _N + _NDUMP + 2 * s_local
    scat = jnp.where(closes & ~is_last,
                     jnp.where(is_first, side_first, do), dump)

    lanes = jnp.arange(16, dtype=jnp.int32)
    tiles = jnp.arange(_NW, dtype=jnp.int32)
    fin = jnp.where(lanes[None, :] == 0,
                    (_N + _NDUMP + 2 * (tiles % _NS) + 1)[:, None],
                    _N + lanes[None, :] * 8).astype(jnp.int32)

    d2 = do.reshape(_NW, _EPW)
    nf = d2[:, 0].reshape(_NC, _NS)
    nl = d2[:, -1].reshape(_NC, _NS)
    nodecol = jnp.stack([nf, nl], axis=2).reshape(2 * _NW)
    selT = (jnp.arange(_N, dtype=jnp.int32)[:, None] ==
            nodecol[None, :]).astype(jnp.float32)
    return so, mflag, scat.astype(jnp.int32), fin.reshape(-1), selT


_HI = lax.Precision.HIGHEST


def _emb_body(depth_ref, demb_ref, out_ref):
    oh = (depth_ref[...] == lax.broadcasted_iota(
        jnp.int32, (_BLK, _VOCAB), 1)).astype(jnp.float32)
    out_ref[...] = jnp.dot(oh, demb_ref[...],
                           preferred_element_type=jnp.float32, precision=_HI)


def _enc_body(feat_ref, wenc_ref, benc_ref, emb_ref, out_ref):
    x = jnp.dot(feat_ref[...], wenc_ref[...],
                preferred_element_type=jnp.float32)
    out_ref[...] = x + benc_ref[...] + emb_ref[...]


def _colsum8(v, blk):
    acc = jnp.zeros((8, _D), jnp.float32)

    def body(i, acc):
        return acc + v[pl.ds(i * 8, 8), :]

    return lax.fori_loop(0, blk // 8, body, acc)


def _tree8(a):
    t = a[0:4] + a[4:8]
    t = t[0:2] + t[2:4]
    return t[0:1] + t[1:2]


def _mlp_body(x_ref, a0_ref, a1_ref, selt_ref, side_ref, w1, b1, w2, b2, w3,
              b3, h_ref, sum_ref):
    i = pl.program_id(0)
    t = (x_ref[...] + (a0_ref[...] + a1_ref[...])
         + jnp.dot(selt_ref[...], side_ref[...],
                   preferred_element_type=jnp.float32, precision=_HI))
    h = jnp.maximum(jnp.dot(t, w1[...],
                            preferred_element_type=jnp.float32) + b1[...], 0.0)
    h = jnp.maximum(jnp.dot(h, w2[...],
                            preferred_element_type=jnp.float32) + b2[...], 0.0)
    h = jnp.maximum(jnp.dot(h, w3[...],
                            preferred_element_type=jnp.float32) + b3[...], 0.0)
    h_ref[...] = h

    def body(j, acc):
        return acc + h_ref[pl.ds(j * 8, 8), :]

    part = lax.fori_loop(0, _BLK // 8, body, jnp.zeros((8, _D), jnp.float32))

    @pl.when(i == 0)
    def _():
        sum_ref[...] = part

    @pl.when(i != 0)
    def _():
        sum_ref[...] = sum_ref[...] + part


def _var_body(h_ref, sum_ref, var_ref):
    i = pl.program_id(0)
    mean = _tree8(sum_ref[...]) / jnp.float32(_N)

    def body(j, acc):
        blk = h_ref[pl.ds(j * 8, 8), :] - mean
        return acc + blk * blk

    part = lax.fori_loop(0, _BLK // 8, body, jnp.zeros((8, _D), jnp.float32))

    @pl.when(i == 0)
    def _():
        var_ref[...] = part

    @pl.when(i != 0)
    def _():
        var_ref[...] = var_ref[...] + part


def _bn_body(h_ref, sum_ref, var_ref, g_ref, b_ref, out_ref, *, apply_relu):
    mean = _tree8(sum_ref[...]) / jnp.float32(_N)
    var = _tree8(var_ref[...]) / jnp.float32(_N)
    inv = g_ref[...] * lax.rsqrt(var + 1e-5)
    o = (h_ref[...] - mean) * inv + b_ref[...]
    if apply_relu:
        o = jnp.maximum(o, 0.0)
    out_ref[...] = o


_row_spec = pl.BlockSpec((_BLK, _D), lambda i: (i, 0))
_acc_spec = pl.BlockSpec((8, _D), lambda i: (0, 0))


def _enc_call(feat, depth2d, wenc, benc2d, demb):
    emb = pl.pallas_call(
        _emb_body,
        grid=(_NBLK,),
        in_specs=[
            pl.BlockSpec((_BLK, 1), lambda i: (i, 0)),
            pl.BlockSpec((_VOCAB, _D), lambda i: (0, 0)),
        ],
        out_specs=_row_spec,
        out_shape=jax.ShapeDtypeStruct((_N, _D), jnp.float32),
    )(depth2d, demb)
    return pl.pallas_call(
        _enc_body,
        grid=(_NBLK,),
        in_specs=[
            _row_spec,
            pl.BlockSpec((_D, _D), lambda i: (0, 0)),
            pl.BlockSpec((1, _D), lambda i: (0, 0)),
            _row_spec,
        ],
        out_specs=_row_spec,
        out_shape=jax.ShapeDtypeStruct((_N, _D), jnp.float32),
    )(feat, wenc, benc2d, emb)


def _mlp_call(x, a0, a1, selT, side, w1, b1, w2, b2, w3, b3):
    wspec = pl.BlockSpec((_D, _D), lambda i: (0, 0))
    bspec = pl.BlockSpec((1, _D), lambda i: (0, 0))
    return pl.pallas_call(
        _mlp_body,
        grid=(_NBLK,),
        in_specs=[_row_spec, _row_spec, _row_spec,
                  pl.BlockSpec((_BLK, 2 * _NW), lambda i: (i, 0)),
                  pl.BlockSpec((2 * _NW, _D), lambda i: (0, 0)),
                  wspec, bspec, wspec, bspec, wspec, bspec],
        out_specs=[_row_spec, _acc_spec],
        out_shape=[jax.ShapeDtypeStruct((_N, _D), jnp.float32),
                   jax.ShapeDtypeStruct((8, _D), jnp.float32)],
    )(x, a0, a1, selT, side, w1, b1, w2, b2, w3, b3)


def _var_call(h, hsum):
    return pl.pallas_call(
        _var_body,
        grid=(_NBLK,),
        in_specs=[_row_spec, _acc_spec],
        out_specs=_acc_spec,
        out_shape=jax.ShapeDtypeStruct((8, _D), jnp.float32),
    )(h, hsum)


def _bn_call(h, hsum, hvar, g, b, apply_relu):
    return pl.pallas_call(
        functools.partial(_bn_body, apply_relu=apply_relu),
        grid=(_NBLK,),
        in_specs=[_row_spec, _acc_spec, _acc_spec,
                  pl.BlockSpec((1, _D), lambda i: (0, 0)),
                  pl.BlockSpec((1, _D), lambda i: (0, 0))],
        out_specs=_row_spec,
        out_shape=jax.ShapeDtypeStruct((_N, _D), jnp.float32),
    )(h, hsum, hvar, g, b)


def kernel(feat, depth, edge_index, W_enc, b_enc, depth_emb,
           W1, b1, W2, b2, W3, b3, gamma, beta):
    src = edge_index[0]
    dst = edge_index[1]
    so, mflag, scat, fin, selT = _edge_metadata(src, dst)
    zeros = jnp.zeros((_NOUT, _D), jnp.float32)

    x = _enc_call(feat, depth.reshape(_N, 1), W_enc,
                  b_enc.reshape(1, _D), depth_emb)

    b1r = b1.reshape(1, _D)
    b2r = b2.reshape(1, _D)
    b3r = b3.reshape(1, _D)
    for l in range(_L):
        out0, out1 = _sc_agg(x, so, mflag, scat, fin, zeros)
        side = jnp.concatenate([out0[_N + _NDUMP:], out1[_N + _NDUMP:]], 0)
        h, hsum = _mlp_call(x, out0[:_N], out1[:_N], selT, side,
                            W1, b1r, W2, b2r, W3, b3r)
        hvar = _var_call(h, hsum)
        x = _bn_call(h, hsum, hvar, gamma[l].reshape(1, _D),
                     beta[l].reshape(1, _D), apply_relu=(l < _L - 1))
    return x

# --- scband reference (transcript-rebuilt; emitter-appended) ---
"""Pipeline reference for scband-gnn-50044958933160 (READ-ONLY COPY).

The authoritative reference and input builder live on the scoring server;
editing this copy changes nothing except your own understanding.
"""

import jax, jax.numpy as jnp
import numpy as np

N = 10000
E = 320000
D = 128
L = 3
DEPTH_VOCAB = 32

def setup_inputs(seed: int = 0) -> dict:
    key = jax.random.key(seed)
    ks = jax.random.split(key, 12)
    s = 1.0 / np.sqrt(D)
    return {
        "feat": jax.random.normal(ks[0], (N, D), dtype=jnp.float32),
        "depth": jax.random.randint(ks[1], (N,), 0, 20, dtype=jnp.int32),
        "edge_index": jax.random.randint(ks[2], (2, E), 0, N, dtype=jnp.int32),
        "W_enc": jax.random.normal(ks[3], (D, D), dtype=jnp.float32) * s,
        "b_enc": jnp.zeros((D,), dtype=jnp.float32),
        "depth_emb": jax.random.normal(ks[4], (DEPTH_VOCAB, D), dtype=jnp.float32) * 0.05,
        "W1": jax.random.normal(ks[5], (D, D), dtype=jnp.float32) * s,
        "b1": jnp.zeros((D,), dtype=jnp.float32),
        "W2": jax.random.normal(ks[6], (D, D), dtype=jnp.float32) * s,
        "b2": jnp.zeros((D,), dtype=jnp.float32),
        "W3": jax.random.normal(ks[7], (D, D), dtype=jnp.float32) * s,
        "b3": jnp.zeros((D,), dtype=jnp.float32),
        "gamma": jnp.ones((L, D), dtype=jnp.float32),
        "beta": jnp.zeros((L, D), dtype=jnp.float32),
    }

def _mlp(h, W1, b1, W2, b2, W3, b3):
    h = jax.nn.relu(h @ W1 + b1)
    h = jax.nn.relu(h @ W2 + b2)
    h = jax.nn.relu(h @ W3 + b3)
    return h

def _bn(h, g, b):
    mean = jnp.mean(h, axis=0)
    var = jnp.var(h, axis=0)
    return (h - mean) / jnp.sqrt(var + 1e-5) * g + b

def reference(feat, depth, edge_index, W_enc, b_enc, depth_emb, W1, b1, W2, b2, W3, b3, gamma, beta):
    # node_encoder: linear(feat) + depth embedding lookup
    x = feat @ W_enc + b_enc + depth_emb[depth]
    src = edge_index[0]
    dst = edge_index[1]
    for l in range(L):
        # GIN conv: (1 + eps)*x + sum_{j in N(i)} x_j, eps = 0, apply shared MLP
        msg = x[src]
        agg = jnp.zeros_like(x).at[dst].add(msg)
        h = _mlp(x + agg, W1, b1, W2, b2, W3, b3)
        h = _bn(h, gamma[l], beta[l])
        if l < L - 1:
            h = jax.nn.relu(h)
        # dropout p = 0.0 -> identity; residual = False; JK = 'last'
        x = h
    return x

if __name__ == "__main__":
    import jax
    _d = setup_inputs()
    print(jax.jit(kernel)(*tuple(_d.values())))

</pallas_src>

<mosaic_0001>
#map = affine_map<(d0, d1) -> (0, 0)>
#map1 = affine_map<(d0, d1) -> (0)>
module attributes {stable_mosaic.version = 14 : i64} {
  func.func @_sc_agg_body(%arg0: i32, %arg1: i32, %arg2: memref<10000x128xf32, #tpu.memory_space<hbm>>, %arg3: memref<320000xi32, #tpu.memory_space<hbm>>, %arg4: memref<320000x16xf32, #tpu.memory_space<hbm>>, %arg5: memref<320000xi32, #tpu.memory_space<hbm>>, %arg6: memref<512xi32, #tpu.memory_space<hbm>>, %arg7: memref<10160x128xf32, #tpu.memory_space<hbm>>, %arg8: memref<10160x128xf32, #tpu.memory_space<hbm>>, %arg9: memref<10160x128xf32, #tpu.memory_space<hbm>>, %arg10: memref<80xi32, #tpu.memory_space<vmem>>, %arg11: memref<80x16xf32, #tpu.memory_space<vmem>>, %arg12: memref<80xi32, #tpu.memory_space<vmem>>, %arg13: memref<16xi32, #tpu.memory_space<vmem>>, %arg14: memref<80x128xf32, #tpu.memory_space<vmem>>, %arg15: memref<80x128xf32, #tpu.memory_space<vmem>>, %arg16: memref<!tpu.dma_semaphore, #tpu.memory_space<semaphore_mem>>) attributes {dimension_semantics = [#tpu.dimension_semantics<core_parallel>, #tpu.dimension_semantics<subcore_parallel>], iteration_bounds = array<i64: 2, 16>, scalar_prefetch = 0 : i64, scratch_operands = 7 : i64, tpu.core_type = #tpu.core_type<sc_vector_subcore>, window_params = [{transform_indices = #map}, {transform_indices = #map1}, {transform_indices = #map}, {transform_indices = #map1}, {transform_indices = #map1}, {transform_indices = #map}, {transform_indices = #map}, {transform_indices = #map}]} {
    %mul3A = arith.constant 16 : i32
    %mul3A_0 = arith.muli %arg0, %mul3A : i32
    %add3A = arith.addi %mul3A_0, %arg1 : i32
    %mul3A_1 = arith.constant 640 : i32
    %mul3A_2 = arith.muli %arg1, %mul3A_1 : i32
    %min3A = arith.constant 9520 : i32
    %min3A_3 = arith.minsi %mul3A_2, %min3A : i32
    %multiple_of3A = tpu.assume_multiple %min3A_3, 8 : i32
    %eq3A = arith.constant 0 : i32
    %eq3A_4 = arith.cmpi eq, %arg0, %eq3A : i32
    %convert_element_type3A = arith.extui %eq3A_4 : i1 to i32
    %cond3A = arith.constant 0 : i32
    %cond3A_5 = arith.cmpi ne, %convert_element_type3A, %cond3A : i32
    scf.if %cond3A_5 {
      "tpu.region"() ({
        %run_scoped3A = tpu.sem_alloc : memref<!tpu.dma_semaphore, #tpu.memory_space<semaphore_mem>>
        %dma_start3A = arith.constant 0 : i32
        %dma_start3A_92 = tpu.memref_slice %arg8[%multiple_of3A, %dma_start3A] : memref<10160x128xf32, #tpu.memory_space<hbm>> -> memref<640x128xf32, #tpu.memory_space<hbm>>
        %dma_start3A_93 = arith.constant 0 : i32
        %dma_start3A_94 = tpu.memref_slice %arg7[%multiple_of3A, %dma_start3A_93] : memref<10160x128xf32, #tpu.memory_space<hbm>> -> memref<640x128xf32, #tpu.memory_space<hbm>>
        tpu.enqueue_dma source(%dma_start3A_94 : memref<640x128xf32, #tpu.memory_space<hbm>>) target(%dma_start3A_92 : memref<640x128xf32, #tpu.memory_space<hbm>>) target_semaphore(%run_scoped3A : memref<!tpu.dma_semaphore, #tpu.memory_space<semaphore_mem>>)
        %dma_wait3A = arith.constant 0 : i32
        %dma_wait3A_95 = tpu.memref_slice %arg8[%multiple_of3A, %dma_wait3A] : memref<10160x128xf32, #tpu.memory_space<hbm>> -> memref<640x128xf32, #tpu.memory_space<hbm>>
        %dma_wait3A_96 = arith.constant 0 : i32
        %dma_wait3A_97 = tpu.memref_slice %arg7[%multiple_of3A, %dma_wait3A_96] : memref<10160x128xf32, #tpu.memory_space<hbm>> -> memref<640x128xf32, #tpu.memory_space<hbm>>
        tpu.wait_dma2 semaphore(%run_scoped3A : memref<!tpu.dma_semaphore, #tpu.memory_space<semaphore_mem>>) src(%dma_wait3A_97 : memref<640x128xf32, #tpu.memory_space<hbm>>) dst(%dma_wait3A_95 : memref<640x128xf32, #tpu.memory_space<hbm>>)
        tpu.yield
      }) : () -> ()
    } else {
    }
    %eq3A_6 = arith.constant 1 : i32
    %eq3A_7 = arith.cmpi eq, %arg0, %eq3A_6 : i32
    %convert_element_type3A_8 = arith.extui %eq3A_7 : i1 to i32
    %cond3A_9 = arith.constant 0 : i32
    %cond3A_10 = arith.cmpi ne, %convert_element_type3A_8, %cond3A_9 : i32
    scf.if %cond3A_10 {
      "tpu.region"() ({
        %run_scoped3A = tpu.sem_alloc : memref<!tpu.dma_semaphore, #tpu.memory_space<semaphore_mem>>
        %dma_start3A = arith.constant 0 : i32
        %dma_start3A_92 = tpu.memref_slice %arg9[%multiple_of3A, %dma_start3A] : memref<10160x128xf32, #tpu.memory_space<hbm>> -> memref<640x128xf32, #tpu.memory_space<hbm>>
        %dma_start3A_93 = arith.constant 0 : i32
        %dma_start3A_94 = tpu.memref_slice %arg7[%multiple_of3A, %dma_start3A_93] : memref<10160x128xf32, #tpu.memory_space<hbm>> -> memref<640x128xf32, #tpu.memory_space<hbm>>
        tpu.enqueue_dma source(%dma_start3A_94 : memref<640x128xf32, #tpu.memory_space<hbm>>) target(%dma_start3A_92 : memref<640x128xf32, #tpu.memory_space<hbm>>) target_semaphore(%run_scoped3A : memref<!tpu.dma_semaphore, #tpu.memory_space<semaphore_mem>>)
        %dma_wait3A = arith.constant 0 : i32
        %dma_wait3A_95 = tpu.memref_slice %arg9[%multiple_of3A, %dma_wait3A] : memref<10160x128xf32, #tpu.memory_space<hbm>> -> memref<640x128xf32, #tpu.memory_space<hbm>>
        %dma_wait3A_96 = arith.constant 0 : i32
        %dma_wait3A_97 = tpu.memref_slice %arg7[%multiple_of3A, %dma_wait3A_96] : memref<10160x128xf32, #tpu.memory_space<hbm>> -> memref<640x128xf32, #tpu.memory_space<hbm>>
        tpu.wait_dma2 semaphore(%run_scoped3A : memref<!tpu.dma_semaphore, #tpu.memory_space<semaphore_mem>>) src(%dma_wait3A_97 : memref<640x128xf32, #tpu.memory_space<hbm>>) dst(%dma_wait3A_95 : memref<640x128xf32, #tpu.memory_space<hbm>>)
        tpu.yield
      }) : () -> ()
    } else {
    }
    %barrier3A = arith.constant 0 : index
    tpu.barrier barrier_id(%barrier3A)
    %mul3A_11 = arith.constant 10000 : i32
    %mul3A_12 = arith.muli %add3A, %mul3A_11 : i32
    %broadcast_in_dim3A = arith.constant 0.000000e+00 : f32
    %broadcast_in_dim3A_13 = vector.broadcast %broadcast_in_dim3A : f32 to vector<16xf32>
    %broadcast_in_dim3A_14 = arith.constant 0.000000e+00 : f32
    %broadcast_in_dim3A_15 = vector.broadcast %broadcast_in_dim3A_14 : f32 to vector<16xf32>
    %broadcast_in_dim3A_16 = arith.constant 0.000000e+00 : f32
    %broadcast_in_dim3A_17 = vector.broadcast %broadcast_in_dim3A_16 : f32 to vector<16xf32>
    %broadcast_in_dim3A_18 = arith.constant 0.000000e+00 : f32
    %broadcast_in_dim3A_19 = vector.broadcast %broadcast_in_dim3A_18 : f32 to vector<16xf32>
    %broadcast_in_dim3A_20 = arith.constant 0.000000e+00 : f32
    %broadcast_in_dim3A_21 = vector.broadcast %broadcast_in_dim3A_20 : f32 to vector<16xf32>
    %broadcast_in_dim3A_22 = arith.constant 0.000000e+00 : f32
    %broadcast_in_dim3A_23 = vector.broadcast %broadcast_in_dim3A_22 : f32 to vector<16xf32>
    %broadcast_in_dim3A_24 = arith.constant 0.000000e+00 : f32
    %broadcast_in_dim3A_25 = vector.broadcast %broadcast_in_dim3A_24 : f32 to vector<16xf32>
    %broadcast_in_dim3A_26 = arith.constant 0.000000e+00 : f32
    %broadcast_in_dim3A_27 = vector.broadcast %broadcast_in_dim3A_26 : f32 to vector<16xf32>
    %scan3A = arith.constant 0 : i32
    %scan3A_28 = arith.constant 125 : i32
    %scan3A_29 = arith.addi %scan3A, %scan3A_28 : i32
    %scan3A_30 = arith.constant 1 : i32
    %scan3A_31:8 = scf.for %scan3A_92 = %scan3A to %scan3A_29 step %scan3A_30 iter_args(%scan3A_93 = %broadcast_in_dim3A_13, %scan3A_94 = %broadcast_in_dim3A_15, %scan3A_95 = %broadcast_in_dim3A_17, %scan3A_96 = %broadcast_in_dim3A_19, %scan3A_97 = %broadcast_in_dim3A_21, %scan3A_98 = %broadcast_in_dim3A_23, %scan3A_99 = %broadcast_in_dim3A_25, %scan3A_100 = %broadcast_in_dim3A_27) -> (vector<16xf32>, vector<16xf32>, vector<16xf32>, vector<16xf32>, vector<16xf32>, vector<16xf32>, vector<16xf32>, vector<16xf32>)  : i32 {
      %mul3A_101 = arith.constant 80 : i32
      %mul3A_102 = arith.muli %scan3A_92, %mul3A_101 : i32
      %add3A_103 = arith.addi %mul3A_12, %mul3A_102 : i32
      "tpu.region"() ({
        %run_scoped3A = tpu.sem_alloc : memref<!tpu.dma_semaphore, #tpu.memory_space<semaphore_mem>>
        %dma_start3A_124 = tpu.memref_slice %arg3[%add3A_103] : memref<320000xi32, #tpu.memory_space<hbm>> -> memref<80xi32, #tpu.memory_space<hbm>>
        %dma_start3A_125 = tpu.memref_slice %arg3[%add3A_103] : memref<320000xi32, #tpu.memory_space<hbm>> -> memref<80xi32, #tpu.memory_space<hbm>>
        tpu.enqueue_dma source(%dma_start3A_125 : memref<80xi32, #tpu.memory_space<hbm>>) target(%arg10 : memref<80xi32, #tpu.memory_space<vmem>>) target_semaphore(%run_scoped3A : memref<!tpu.dma_semaphore, #tpu.memory_space<semaphore_mem>>)
        %dma_wait3A_126 = tpu.memref_slice %arg3[%add3A_103] : memref<320000xi32, #tpu.memory_space<hbm>> -> memref<80xi32, #tpu.memory_space<hbm>>
        %dma_wait3A_127 = tpu.memref_slice %arg3[%add3A_103] : memref<320000xi32, #tpu.memory_space<hbm>> -> memref<80xi32, #tpu.memory_space<hbm>>
        tpu.wait_dma2 semaphore(%run_scoped3A : memref<!tpu.dma_semaphore, #tpu.memory_space<semaphore_mem>>) src(%dma_wait3A_127 : memref<80xi32, #tpu.memory_space<hbm>>) dst(%arg10 : memref<80xi32, #tpu.memory_space<vmem>>)
        tpu.yield
      }) : () -> ()
      "tpu.region"() ({
        %run_scoped3A = tpu.sem_alloc : memref<!tpu.dma_semaphore, #tpu.memory_space<semaphore_mem>>
        %dma_start3A_124 = arith.constant 0 : i32
        %dma_start3A_125 = tpu.memref_slice %arg4[%add3A_103, %dma_start3A_124] : memref<320000x16xf32, #tpu.memory_space<hbm>> -> memref<80x16xf32, #tpu.memory_space<hbm>>
        %dma_start3A_126 = arith.constant 0 : i32
        %dma_start3A_127 = tpu.memref_slice %arg4[%add3A_103, %dma_start3A_126] : memref<320000x16xf32, #tpu.memory_space<hbm>> -> memref<80x16xf32, #tpu.memory_space<hbm>>
        tpu.enqueue_dma source(%dma_start3A_127 : memref<80x16xf32, #tpu.memory_space<hbm>>) target(%arg11 : memref<80x16xf32, #tpu.memory_space<vmem>>) target_semaphore(%run_scoped3A : memref<!tpu.dma_semaphore, #tpu.memory_space<semaphore_mem>>)
        %dma_wait3A_128 = arith.constant 0 : i32
        %dma_wait3A_129 = tpu.memref_slice %arg4[%add3A_103, %dma_wait3A_128] : memref<320000x16xf32, #tpu.memory_space<hbm>> -> memref<80x16xf32, #tpu.memory_space<hbm>>
        %dma_wait3A_130 = arith.constant 0 : i32
        %dma_wait3A_131 = tpu.memref_slice %arg4[%add3A_103, %dma_wait3A_130] : memref<320000x16xf32, #tpu.memory_space<hbm>> -> memref<80x16xf32, #tpu.memory_space<hbm>>
        tpu.wait_dma2 semaphore(%run_scoped3A : memref<!tpu.dma_semaphore, #tpu.memory_space<semaphore_mem>>) src(%dma_wait3A_131 : memref<80x16xf32, #tpu.memory_space<hbm>>) dst(%arg11 : memref<80x16xf32, #tpu.memory_space<vmem>>)
        tpu.yield
      }) : () -> ()
      "tpu.region"() ({
        %run_scoped3A = tpu.sem_alloc : memref<!tpu.dma_semaphore, #tpu.memory_space<semaphore_mem>>
        %dma_start3A_124 = tpu.memref_slice %arg5[%add3A_103] : memref<320000xi32, #tpu.memory_space<hbm>> -> memref<80xi32, #tpu.memory_space<hbm>>
        %dma_start3A_125 = tpu.memref_slice %arg5[%add3A_103] : memref<320000xi32, #tpu.memory_space<hbm>> -> memref<80xi32, #tpu.memory_space<hbm>>
        tpu.enqueue_dma source(%dma_start3A_125 : memref<80xi32, #tpu.memory_space<hbm>>) target(%arg12 : memref<80xi32, #tpu.memory_space<vmem>>) target_semaphore(%run_scoped3A : memref<!tpu.dma_semaphore, #tpu.memory_space<semaphore_mem>>)
        %dma_wait3A_126 = tpu.memref_slice %arg5[%add3A_103] : memref<320000xi32, #tpu.memory_space<hbm>> -> memref<80xi32, #tpu.memory_space<hbm>>
        %dma_wait3A_127 = tpu.memref_slice %arg5[%add3A_103] : memref<320000xi32, #tpu.memory_space<hbm>> -> memref<80xi32, #tpu.memory_space<hbm>>
        tpu.wait_dma2 semaphore(%run_scoped3A : memref<!tpu.dma_semaphore, #tpu.memory_space<semaphore_mem>>) src(%dma_wait3A_127 : memref<80xi32, #tpu.memory_space<hbm>>) dst(%arg12 : memref<80xi32, #tpu.memory_space<vmem>>)
        tpu.yield
      }) : () -> ()
      %dma_start3A = arith.constant 0 : i32
      %dma_start3A_104 = arith.constant 0 : i32
      %dma_start3A_105 = tpu.memref_slice %arg2[%dma_start3A, %dma_start3A_104] : memref<10000x128xf32, #tpu.memory_space<hbm>> -> memref<10000x128xf32, #tpu.memory_space<hbm>>
      tpu.enqueue_indirect_dma source(%dma_start3A_105 : memref<10000x128xf32, #tpu.memory_space<hbm>>) target(%arg14 : memref<80x128xf32, #tpu.memory_space<vmem>>) offsets(%arg10 : memref<80xi32, #tpu.memory_space<vmem>>) semaphore(%arg16 : memref<!tpu.dma_semaphore, #tpu.memory_space<semaphore_mem>>)
      %dma_wait3A = arith.constant 0 : i32
      %dma_wait3A_106 = arith.constant 0 : i32
      %dma_wait3A_107 = tpu.memref_slice %arg2[%dma_wait3A, %dma_wait3A_106] : memref<10000x128xf32, #tpu.memory_space<hbm>> -> memref<10000x128xf32, #tpu.memory_space<hbm>>
      tpu.wait_indirect_dma semaphore(%arg16 : memref<!tpu.dma_semaphore, #tpu.memory_space<semaphore_mem>>) src(%dma_wait3A_107 : memref<10000x128xf32, #tpu.memory_space<hbm>>) dst(%arg14 : memref<80x128xf32, #tpu.memory_space<vmem>>)
      %scan3A_108 = arith.constant 0 : i32
      %scan3A_109 = arith.constant 80 : i32
      %scan3A_110 = arith.addi %scan3A_108, %scan3A_109 : i32
      %scan3A_111 = arith.constant 8 : i32
      %scan3A_112:8 = scf.for %scan3A_124 = %scan3A_108 to %scan3A_110 step %scan3A_111 iter_args(%scan3A_125 = %scan3A_93, %scan3A_126 = %scan3A_94, %scan3A_127 = %scan3A_95, %scan3A_128 = %scan3A_96, %scan3A_129 = %scan3A_97, %scan3A_130 = %scan3A_98, %scan3A_131 = %scan3A_99, %scan3A_132 = %scan3A_100) -> (vector<16xf32>, vector<16xf32>, vector<16xf32>, vector<16xf32>, vector<16xf32>, vector<16xf32>, vector<16xf32>, vector<16xf32>)  : i32 {
        %get3A = arith.index_cast %scan3A_124 : i32 to index
        %get3A_133 = arith.constant 0 : index
        %get3A_134 = tpu.vector_load %arg11[%get3A, %get3A_133] {strides = array<i32>} : memref<80x16xf32, #tpu.memory_space<vmem>>, vector<1x16xf32>,
        %get3A_135 = vector.shape_cast %get3A_134 : vector<1x16xf32> to vector<16xf32>
        %get3A_136 = arith.index_cast %scan3A_124 : i32 to index
        %get3A_137 = arith.constant 0 : index
        %get3A_138 = tpu.vector_load %arg14[%get3A_136, %get3A_137] {strides = array<i32>} : memref<80x128xf32, #tpu.memory_space<vmem>>, vector<1x16xf32>,
        %get3A_139 = vector.shape_cast %get3A_138 : vector<1x16xf32> to vector<16xf32>
        %mul3A_140 = arith.mulf %scan3A_125, %get3A_135 : vector<16xf32>
        %add3A_141 = arith.addf %mul3A_140, %get3A_139 : vector<16xf32>
        %swap3A_142 = arith.index_cast %scan3A_124 : i32 to index
        %swap3A_143 = arith.constant 0 : index
        %swap3A_144 = tpu.vector_load %arg15[%swap3A_142, %swap3A_143] {strides = array<i32>} : memref<80x128xf32, #tpu.memory_space<vmem>>, vector<1x16xf32>,
        %swap3A_145 = vector.shape_cast %swap3A_144 : vector<1x16xf32> to vector<16xf32>
        %swap3A_146 = vector.shape_cast %add3A_141 : vector<16xf32> to vector<1x16xf32>
        tpu.vector_store %arg15[%swap3A_142, %swap3A_143], %swap3A_146 {strides = array<i32>} : memref<80x128xf32, #tpu.memory_space<vmem>>, vector<1x16xf32>,
        %get3A_147 = arith.index_cast %scan3A_124 : i32 to index
        %get3A_148 = arith.constant 16 : index
        %get3A_149 = tpu.vector_load %arg14[%get3A_147, %get3A_148] {strides = array<i32>} : memref<80x128xf32, #tpu.memory_space<vmem>>, vector<1x16xf32>,
        %get3A_150 = vector.shape_cast %get3A_149 : vector<1x16xf32> to vector<16xf32>
        %mul3A_151 = arith.mulf %scan3A_126, %get3A_135 : vector<16xf32>
        %add3A_152 = arith.addf %mul3A_151, %get3A_150 : vector<16xf32>
        %swap3A_153 = arith.index_cast %scan3A_124 : i32 to index
        %swap3A_154 = arith.constant 16 : index
        %swap3A_155 = tpu.vector_load %arg15[%swap3A_153, %swap3A_154] {strides = array<i32>} : memref<80x128xf32, #tpu.memory_space<vmem>>, vector<1x16xf32>,
        %swap3A_156 = vector.shape_cast %swap3A_155 : vector<1x16xf32> to vector<16xf32>
        %swap3A_157 = vector.shape_cast %add3A_152 : vector<16xf32> to vector<1x16xf32>
        tpu.vector_store %arg15[%swap3A_153, %swap3A_154], %swap3A_157 {strides = array<i32>} : memref<80x128xf32, #tpu.memory_space<vmem>>, vector<1x16xf32>,
        %get3A_158 = arith.index_cast %scan3A_124 : i32 to index
        %get3A_159 = arith.constant 32 : index
        %get3A_160 = tpu.vector_load %arg14[%get3A_158, %get3A_159] {strides = array<i32>} : memref<80x128xf32, #tpu.memory_space<vmem>>, vector<1x16xf32>,
        %get3A_161 = vector.shape_cast %get3A_160 : vector<1x16xf32> to vector<16xf32>
        %mul3A_162 = arith.mulf %scan3A_127, %get3A_135 : vector<16xf32>
        %add3A_163 = arith.addf %mul3A_162, %get3A_161 : vector<16xf32>
        %swap3A_164 = arith.index_cast %scan3A_124 : i32 to index
        %swap3A_165 = arith.constant 32 : index
        %swap3A_166 = tpu.vector_load %arg15[%swap3A_164, %swap3A_165] {strides = array<i32>} : memref<80x128xf32, #tpu.memory_space<vmem>>, vector<1x16xf32>,
        %swap3A_167 = vector.shape_cast %swap3A_166 : vector<1x16xf32> to vector<16xf32>
        %swap3A_168 = vector.shape_cast %add3A_163 : vector<16xf32> to vector<1x16xf32>
        tpu.vector_store %arg15[%swap3A_164, %swap3A_165], %swap3A_168 {strides = array<i32>} : memref<80x128xf32, #tpu.memory_space<vmem>>, vector<1x16xf32>,
        %get3A_169 = arith.index_cast %scan3A_124 : i32 to index
        %get3A_170 = arith.constant 48 : index
        %get3A_171 = tpu.vector_load %arg14[%get3A_169, %get3A_170] {strides = array<i32>} : memref<80x128xf32, #tpu.memory_space<vmem>>, vector<1x16xf32>,
        %get3A_172 = vector.shape_cast %get3A_171 : vector<1x16xf32> to vector<16xf32>
        %mul3A_173 = arith.mulf %scan3A_128, %get3A_135 : vector<16xf32>
        %add3A_174 = arith.addf %mul3A_173, %get3A_172 : vector<16xf32>
        %swap3A_175 = arith.index_cast %scan3A_124 : i32 to index
        %swap3A_176 = arith.constant 48 : index
        %swap3A_177 = tpu.vector_load %arg15[%swap3A_175, %swap3A_176] {strides = array<i32>} : memref<80x128xf32, #tpu.memory_space<vmem>>, vector<1x16xf32>,
        %swap3A_178 = vector.shape_cast %swap3A_177 : vector<1x16xf32> to vector<16xf32>
        %swap3A_179 = vector.shape_cast %add3A_174 : vector<16xf32> to vector<1x16xf32>
        tpu.vector_store %arg15[%swap3A_175, %swap3A_176], %swap3A_179 {strides = array<i32>} : memref<80x128xf32, #tpu.memory_space<vmem>>, vector<1x16xf32>,
        %get3A_180 = arith.index_cast %scan3A_124 : i32 to index
        %get3A_181 = arith.constant 64 : index
        %get3A_182 = tpu.vector_load %arg14[%get3A_180, %get3A_181] {strides = array<i32>} : memref<80x128xf32, #tpu.memory_space<vmem>>, vector<1x16xf32>,
        %get3A_183 = vector.shape_cast %get3A_182 : vector<1x16xf32> to vector<16xf32>
        %mul3A_184 = arith.mulf %scan3A_129, %get3A_135 : vector<16xf32>
        %add3A_185 = arith.addf %mul3A_184, %get3A_183 : vector<16xf32>
        %swap3A_186 = arith.index_cast %scan3A_124 : i32 to index
        %swap3A_187 = arith.constant 64 : index
        %swap3A_188 = tpu.vector_load %arg15[%swap3A_186, %swap3A_187] {strides = array<i32>} : memref<80x128xf32, #tpu.memory_space<vmem>>, vector<1x16xf32>,
        %swap3A_189 = vector.shape_cast %swap3A_188 : vector<1x16xf32> to vector<16xf32>
        %swap3A_190 = vector.shape_cast %add3A_185 : vector<16xf32> to vector<1x16xf32>
        tpu.vector_store %arg15[%swap3A_186, %swap3A_187], %swap3A_190 {strides = array<i32>} : memref<80x128xf32, #tpu.memory_space<vmem>>, vector<1x16xf32>,
        %get3A_191 = arith.index_cast %scan3A_124 : i32 to index
        %get3A_192 = arith.constant 80 : index
        %get3A_193 = tpu.vector_load %arg14[%get3A_191, %get3A_192] {strides = array<i32>} : memref<80x128xf32, #tpu.memory_space<vmem>>, vector<1x16xf32>,
        %get3A_194 = vector.shape_cast %get3A_193 : vector<1x16xf32> to vector<16xf32>
        %mul3A_195 = arith.mulf %scan3A_130, %get3A_135 : vector<16xf32>
        %add3A_196 = arith.addf %mul3A_195, %get3A_194 : vector<16xf32>
        %swap3A_197 = arith.index_cast %scan3A_124 : i32 to index
        %swap3A_198 = arith.constant 80 : index
        %swap3A_199 = tpu.vector_load %arg15[%swap3A_197, %swap3A_198] {strides = array<i32>} : memref<80x128xf32, #tpu.memory_space<vmem>>, vector<1x16xf32>,
        %swap3A_200 = vector.shape_cast %swap3A_199 : vector<1x16xf32> to vector<16xf32>
        %swap3A_201 = vector.shape_cast %add3A_196 : vector<16xf32> to vector<1x16xf32>
        tpu.vector_store %arg15[%swap3A_197, %swap3A_198], %swap3A_201 {strides = array<i32>} : memref<80x128xf32, #tpu.memory_space<vmem>>, vector<1x16xf32>,
        %get3A_202 = arith.index_cast %scan3A_124 : i32 to index
        %get3A_203 = arith.constant 96 : index
        %get3A_204 = tpu.vector_load %arg14[%get3A_202, %get3A_203] {strides = array<i32>} : memref<80x128xf32, #tpu.memory_space<vmem>>, vector<1x16xf32>,
        %get3A_205 = vector.shape_cast %get3A_204 : vector<1x16xf32> to vector<16xf32>
        %mul3A_206 = arith.mulf %scan3A_131, %get3A_135 : vector<16xf32>
        %add3A_207 = arith.addf %mul3A_206, %get3A_205 : vector<16xf32>
        %swap3A_208 = arith.index_cast %scan3A_124 : i32 to index
        %swap3A_209 = arith.constant 96 : index
        %swap3A_210 = tpu.vector_load %arg15[%swap3A_208, %swap3A_209] {strides = array<i32>} : memref<80x128xf32, #tpu.memory_space<vmem>>, vector<1x16xf32>,
        %swap3A_211 = vector.shape_cast %swap3A_210 : vector<1x16xf32> to vector<16xf32>
        %swap3A_212 = vector.shape_cast %add3A_207 : vector<16xf32> to vector<1x16xf32>
        tpu.vector_store %arg15[%swap3A_208, %swap3A_209], %swap3A_212 {strides = array<i32>} : memref<80x128xf32, #tpu.memory_space<vmem>>, vector<1x16xf32>,
        %get3A_213 = arith.index_cast %scan3A_124 : i32 to index
        %get3A_214 = arith.constant 112 : index
        %get3A_215 = tpu.vector_load %arg14[%get3A_213, %get3A_214] {strides = array<i32>} : memref<80x128xf32, #tpu.memory_space<vmem>>, vector<1x16xf32>,
        %get3A_216 = vector.shape_cast %get3A_215 : vector<1x16xf32> to vector<16xf32>
        %mul3A_217 = arith.mulf %scan3A_132, %get3A_135 : vector<16xf32>
        %add3A_218 = arith.addf %mul3A_217, %get3A_216 : vector<16xf32>
        %swap3A_219 = arith.index_cast %scan3A_124 : i32 to index
        %swap3A_220 = arith.constant 112 : index
        %swap3A_221 = tpu.vector_load %arg15[%swap3A_219, %swap3A_220] {strides = array<i32>} : memref<80x128xf32, #tpu.memory_space<vmem>>, vector<1x16xf32>,
        %swap3A_222 = vector.shape_cast %swap3A_221 : vector<1x16xf32> to vector<16xf32>
        %swap3A_223 = vector.shape_cast %add3A_218 : vector<16xf32> to vector<1x16xf32>
        tpu.vector_store %arg15[%swap3A_219, %swap3A_220], %swap3A_223 {strides = array<i32>} : memref<80x128xf32, #tpu.memory_space<vmem>>, vector<1x16xf32>,
        %scan3A_224 = arith.constant 1 : i32
        %scan3A_225 = arith.addi %scan3A_124, %scan3A_224 : i32
        %get3A_226 = arith.index_cast %scan3A_225 : i32 to index
        %get3A_227 = arith.constant 0 : index
        %get3A_228 = tpu.vector_load %arg11[%get3A_226, %get3A_227] {strides = array<i32>} : memref<80x16xf32, #tpu.memory_space<vmem>>, vector<1x16xf32>,
        %get3A_229 = vector.shape_cast %get3A_228 : vector<1x16xf32> to vector<16xf32>
        %get3A_230 = arith.index_cast %scan3A_225 : i32 to index
        %get3A_231 = arith.constant 0 : index
        %get3A_232 = tpu.vector_load %arg14[%get3A_230, %get3A_231] {strides = array<i32>} : memref<80x128xf32, #tpu.memory_space<vmem>>, vector<1x16xf32>,
        %get3A_233 = vector.shape_cast %get3A_232 : vector<1x16xf32> to vector<16xf32>
        %mul3A_234 = arith.mulf %add3A_141, %get3A_229 : vector<16xf32>
        %add3A_235 = arith.addf %mul3A_234, %get3A_233 : vector<16xf32>
        %swap3A_236 = arith.index_cast %scan3A_225 : i32 to index
        %swap3A_237 = arith.constant 0 : index
        %swap3A_238 = tpu.vector_load %arg15[%swap3A_236, %swap3A_237] {strides = array<i32>} : memref<80x128xf32, #tpu.memory_space<vmem>>, vector<1x16xf32>,
        %swap3A_239 = vector.shape_cast %swap3A_238 : vector<1x16xf32> to vector<16xf32>
        %swap3A_240 = vector.shape_cast %add3A_235 : vector<16xf32> to vector<1x16xf32>
        tpu.vector_store %arg15[%swap3A_236, %swap3A_237], %swap3A_240 {strides = array<i32>} : memref<80x128xf32, #tpu.memory_space<vmem>>, vector<1x16xf32>,
        %get3A_241 = arith.index_cast %scan3A_225 : i32 to index
        %get3A_242 = arith.constant 16 : index
        %get3A_243 = tpu.vector_load %arg14[%get3A_241, %get3A_242] {strides = array<i32>} : memref<80x128xf32, #tpu.memory_space<vmem>>, vector<1x16xf32>,
        %get3A_244 = vector.shape_cast %get3A_243 : vector<1x16xf32> to vector<16xf32>
        %mul3A_245 = arith.mulf %add3A_152, %get3A_229 : vector<16xf32>
        %add3A_246 = arith.addf %mul3A_245, %get3A_244 : vector<16xf32>
        %swap3A_247 = arith.index_cast %scan3A_225 : i32 to index
        %swap3A_248 = arith.constant 16 : index
        %swap3A_249 = tpu.vector_load %arg15[%swap3A_247, %swap3A_248] {strides = array<i32>} : memref<80x128xf32, #tpu.memory_space<vmem>>, vector<1x16xf32>,
        %swap3A_250 = vector.shape_cast %swap3A_249 : vector<1x16xf32> to vector<16xf32>
        %swap3A_251 = vector.shape_cast %add3A_246 : vector<16xf32> to vector<1x16xf32>
        tpu.vector_store %arg15[%swap3A_247, %swap3A_248], %swap3A_251 {strides = array<i32>} : memref<80x128xf32, #tpu.memory_space<vmem>>, vector<1x16xf32>,
        %get3A_252 = arith.index_cast %scan3A_225 : i32 to index
        %get3A_253 = arith.constant 32 : index
        %get3A_254 = tpu.vector_load %arg14[%get3A_252, %get3A_253] {strides = array<i32>} : memref<80x128xf32, #tpu.memory_space<vmem>>, vector<1x16xf32>,
        %get3A_255 = vector.shape_cast %get3A_254 : vector<1x16xf32> to vector<16xf32>
        %mul3A_256 = arith.mulf %add3A_163, %get3A_229 : vector<16xf32>
        %add3A_257 = arith.addf %mul3A_256, %get3A_255 : vector<16xf32>
        %swap3A_258 = arith.index_cast %scan3A_225 : i32 to index
        %swap3A_259 = arith.constant 32 : index
        %swap3A_260 = tpu.vector_load %arg15[%swap3A_258, %swap3A_259] {strides = array<i32>} : memref<80x128xf32, #tpu.memory_space<vmem>>, vector<1x16xf32>,
        %swap3A_261 = vector.shape_cast %swap3A_260 : vector<1x16xf32> to vector<16xf32>
        %swap3A_262 = vector.shape_cast %add3A_257 : vector<16xf32> to vector<1x16xf32>
        tpu.vector_store %arg15[%swap3A_258, %swap3A_259], %swap3A_262 {strides = array<i32>} : memref<80x128xf32, #tpu.memory_space<vmem>>, vector<1x16xf32>,
        %get3A_263 = arith.index_cast %scan3A_225 : i32 to index
        %get3A_264 = arith.constant 48 : index
        %get3A_265 = tpu.vector_load %arg14[%get3A_263, %get3A_264] {strides = array<i32>} : memref<80x128xf32, #tpu.memory_space<vmem>>, vector<1x16xf32>,
        %get3A_266 = vector.shape_cast %get3A_265 : vector<1x16xf32> to vector<16xf32>
        %mul3A_267 = arith.mulf %add3A_174, %get3A_229 : vector<16xf32>
        %add3A_268 = arith.addf %mul3A_267, %get3A_266 : vector<16xf32>
        %swap3A_269 = arith.index_cast %scan3A_225 : i32 to index
        %swap3A_270 = arith.constant 48 : index
        %swap3A_271 = tpu.vector_load %arg15[%swap3A_269, %swap3A_270] {strides = array<i32>} : memref<80x128xf32, #tpu.memory_space<vmem>>, vector<1x16xf32>,
        %swap3A_272 = vector.shape_cast %swap3A_271 : vector<1x16xf32> to vector<16xf32>
        %swap3A_273 = vector.shape_cast %add3A_268 : vector<16xf32> to vector<1x16xf32>
        tpu.vector_store %arg15[%swap3A_269, %swap3A_270], %swap3A_273 {strides = array<i32>} : memref<80x128xf32, #tpu.memory_space<vmem>>, vector<1x16xf32>,
        %get3A_274 = arith.index_cast %scan3A_225 : i32 to index
        %get3A_275 = arith.constant 64 : index
        %get3A_276 = tpu.vector_load %arg14[%get3A_274, %get3A_275] {strides = array<i32>} : memref<80x128xf32, #tpu.memory_space<vmem>>, vector<1x16xf32>,
        %get3A_277 = vector.shape_cast %get3A_276 : vector<1x16xf32> to vector<16xf32>
        %mul3A_278 = arith.mulf %add3A_185, %get3A_229 : vector<16xf32>
        %add3A_279 = arith.addf %mul3A_278, %get3A_277 : vector<16xf32>
        %swap3A_280 = arith.index_cast %scan3A_225 : i32 to index
        %swap3A_281 = arith.constant 64 : index
        %swap3A_282 = tpu.vector_load %arg15[%swap3A_280, %swap3A_281] {strides = array<i32>} : memref<80x128xf32, #tpu.memory_space<vmem>>, vector<1x16xf32>,
        %swap3A_283 = vector.shape_cast %swap3A_282 : vector<1x16xf32> to vector<16xf32>
        %swap3A_284 = vector.shape_cast %add3A_279 : vector<16xf32> to vector<1x16xf32>
        tpu.vector_store %arg15[%swap3A_280, %swap3A_281], %swap3A_284 {strides = array<i32>} : memref<80x128xf32, #tpu.memory_space<vmem>>, vector<1x16xf32>,
        %get3A_285 = arith.index_cast %scan3A_225 : i32 to index
        %get3A_286 = arith.constant 80 : index
        %get3A_287 = tpu.vector_load %arg14[%get3A_285, %get3A_286] {strides = array<i32>} : memref<80x128xf32, #tpu.memory_space<vmem>>, vector<1x16xf32>,
        %get3A_288 = vector.shape_cast %get3A_287 : vector<1x16xf32> to vector<16xf32>
        %mul3A_289 = arith.mulf %add3A_196, %get3A_229 : vector<16xf32>
        %add3A_290 = arith.addf %mul3A_289, %get3A_288 : vector<16xf32>
        %swap3A_291 = arith.index_cast %scan3A_225 : i32 to index
        %swap3A_292 = arith.constant 80 : index
        %swap3A_293 = tpu.vector_load %arg15[%swap3A_291, %swap3A_292] {strides = array<i32>} : memref<80x128xf32, #tpu.memory_space<vmem>>, vector<1x16xf32>,
        %swap3A_294 = vector.shape_cast %swap3A_293 : vector<1x16xf32> to vector<16xf32>
        %swap3A_295 = vector.shape_cast %add3A_290 : vector<16xf32> to vector<1x16xf32>
        tpu.vector_store %arg15[%swap3A_291, %swap3A_292], %swap3A_295 {strides = array<i32>} : memref<80x128xf32, #tpu.memory_space<vmem>>, vector<1x16xf32>,
        %get3A_296 = arith.index_cast %scan3A_225 : i32 to index
        %get3A_297 = arith.constant 96 : index
        %get3A_298 = tpu.vector_load %arg14[%get3A_296, %get3A_297] {strides = array<i32>} : memref<80x128xf32, #tpu.memory_space<vmem>>, vector<1x16xf32>,
        %get3A_299 = vector.shape_cast %get3A_298 : vector<1x16xf32> to vector<16xf32>
        %mul3A_300 = arith.mulf %add3A_207, %get3A_229 : vector<16xf32>
        %add3A_301 = arith.addf %mul3A_300, %get3A_299 : vector<16xf32>
        %swap3A_302 = arith.index_cast %scan3A_225 : i32 to index
        %swap3A_303 = arith.constant 96 : index
        %swap3A_304 = tpu.vector_load %arg15[%swap3A_302, %swap3A_303] {strides = array<i32>} : memref<80x128xf32, #tpu.memory_space<vmem>>, vector<1x16xf32>,
        %swap3A_305 = vector.shape_cast %swap3A_304 : vector<1x16xf32> to vector<16xf32>
        %swap3A_306 = vector.shape_cast %add3A_301 : vector<16xf32> to vector<1x16xf32>
        tpu.vector_store %arg15[%swap3A_302, %swap3A_303], %swap3A_306 {strides = array<i32>} : memref<80x128xf32, #tpu.memory_space<vmem>>, vector<1x16xf32>,
        %get3A_307 = arith.index_cast %scan3A_225 : i32 to index
        %get3A_308 = arith.constant 112 : index
        %get3A_309 = tpu.vector_load %arg14[%get3A_307, %get3A_308] {strides = array<i32>} : memref<80x128xf32, #tpu.memory_space<vmem>>, vector<1x16xf32>,
        %get3A_310 = vector.shape_cast %get3A_309 : vector<1x16xf32> to vector<16xf32>
        %mul3A_311 = arith.mulf %add3A_218, %get3A_229 : vector<16xf32>
        %add3A_312 = arith.addf %mul3A_311, %get3A_310 : vector<16xf32>
        %swap3A_313 = arith.index_cast %scan3A_225 : i32 to index
        %swap3A_314 = arith.constant 112 : index
        %swap3A_315 = tpu.vector_load %arg15[%swap3A_313, %swap3A_314] {strides = array<i32>} : memref<80x128xf32, #tpu.memory_space<vmem>>, vector<1x16xf32>,
        %swap3A_316 = vector.shape_cast %swap3A_315 : vector<1x16xf32> to vector<16xf32>
        %swap3A_317 = vector.shape_cast %add3A_312 : vector<16xf32> to vector<1x16xf32>
        tpu.vector_store %arg15[%swap3A_313, %swap3A_314], %swap3A_317 {strides = array<i32>} : memref<80x128xf32, #tpu.memory_space<vmem>>, vector<1x16xf32>,
        %scan3A_318 = arith.constant 2 : i32
        %scan3A_319 = arith.addi %scan3A_124, %scan3A_318 : i32
        %get3A_320 = arith.index_cast %scan3A_319 : i32 to index
        %get3A_321 = arith.constant 0 : index
        %get3A_322 = tpu.vector_load %arg11[%get3A_320, %get3A_321] {strides = array<i32>} : memref<80x16xf32, #tpu.memory_space<vmem>>, vector<1x16xf32>,
        %get3A_323 = vector.shape_cast %get3A_322 : vector<1x16xf32> to vector<16xf32>
        %get3A_324 = arith.index_cast %scan3A_319 : i32 to index
        %get3A_325 = arith.constant 0 : index
        %get3A_326 = tpu.vector_load %arg14[%get3A_324, %get3A_325] {strides = array<i32>} : memref<80x128xf32, #tpu.memory_space<vmem>>, vector<1x16xf32>,
        %get3A_327 = vector.shape_cast %get3A_326 : vector<1x16xf32> to vector<16xf32>
        %mul3A_328 = arith.mulf %add3A_235, %get3A_323 : vector<16xf32>
        %add3A_329 = arith.addf %mul3A_328, %get3A_327 : vector<16xf32>
        %swap3A_330 = arith.index_cast %scan3A_319 : i32 to index
        %swap3A_331 = arith.constant 0 : index
        %swap3A_332 = tpu.vector_load %arg15[%swap3A_330, %swap3A_331] {strides = array<i32>} : memref<80x128xf32, #tpu.memory_space<vmem>>, vector<1x16xf32>,
        %swap3A_333 = vector.shape_cast %swap3A_332 : vector<1x16xf32> to vector<16xf32>
        %swap3A_334 = vector.shape_cast %add3A_329 : vector<16xf32> to vector<1x16xf32>
        tpu.vector_store %arg15[%swap3A_330, %swap3A_331], %swap3A_334 {strides = array<i32>} : memref<80x128xf32, #tpu.memory_space<vmem>>, vector<1x16xf32>,
        %get3A_335 = arith.index_cast %scan3A_319 : i32 to index
        %get3A_336 = arith.constant 16 : index
        %get3A_337 = tpu.vector_load %arg14[%get3A_335, %get3A_336] {strides = array<i32>} : memref<80x128xf32, #tpu.memory_space<vmem>>, vector<1x16xf32>,
        %get3A_338 = vector.shape_cast %get3A_337 : vector<1x16xf32> to vector<16xf32>
        %mul3A_339 = arith.mulf %add3A_246, %get3A_323 : vector<16xf32>
        %add3A_340 = arith.addf %mul3A_339, %get3A_338 : vector<16xf32>
        %swap3A_341 = arith.index_cast %scan3A_319 : i32 to index
        %swap3A_342 = arith.constant 16 : index
        %swap3A_343 = tpu.vector_load %arg15[%swap3A_341, %swap3A_342] {strides = array<i32>} : memref<80x128xf32, #tpu.memory_space<vmem>>, vector<1x16xf32>,
        %swap3A_344 = vector.shape_cast %swap3A_343 : vector<1x16xf32> to vector<16xf32>
        %swap3A_345 = vector.shape_cast %add3A_340 : vector<16xf32> to vector<1x16xf32>
        tpu.vector_store %arg15[%swap3A_341, %swap3A_342], %swap3A_345 {strides = array<i32>} : memref<80x128xf32, #tpu.memory_space<vmem>>, vector<1x16xf32>,
        %get3A_346 = arith.index_cast %scan3A_319 : i32 to index
        %get3A_347 = arith.constant 32 : index
        %get3A_348 = tpu.vector_load %arg14[%get3A_346, %get3A_347] {strides = array<i32>} : memref<80x128xf32, #tpu.memory_space<vmem>>, vector<1x16xf32>,
        %get3A_349 = vector.shape_cast %get3A_348 : vector<1x16xf32> to vector<16xf32>
        %mul3A_350 = arith.mulf %add3A_257, %get3A_323 : vector<16xf32>
        %add3A_351 = arith.addf %mul3A_350, %get3A_349 : vector<16xf32>
        %swap3A_352 = arith.index_cast %scan3A_319 : i32 to index
        %swap3A_353 = arith.constant 32 : index
        %swap3A_354 = tpu.vector_load %arg15[%swap3A_352, %swap3A_353] {strides = array<i32>} : memref<80x128xf32, #tpu.memory_space<vmem>>, vector<1x16xf32>,
        %swap3A_355 = vector.shape_cast %swap3A_354 : vector<1x16xf32> to vector<16xf32>
        %swap3A_356 = vector.shape_cast %add3A_351 : vector<16xf32> to vector<1x16xf32>
        tpu.vector_store %arg15[%swap3A_352, %swap3A_353], %swap3A_356 {strides = array<i32>} : memref<80x128xf32, #tpu.memory_space<vmem>>, vector<1x16xf32>,
        %get3A_357 = arith.index_cast %scan3A_319 : i32 to index
        %get3A_358 = arith.constant 48 : index
        %get3A_359 = tpu.vector_load %arg14[%get3A_357, %get3A_358] {strides = array<i32>} : memref<80x128xf32, #tpu.memory_space<vmem>>, vector<1x16xf32>,
        %get3A_360 = vector.shape_cast %get3A_359 : vector<1x16xf32> to vector<16xf32>
        %mul3A_361 = arith.mulf %add3A_268, %get3A_323 : vector<16xf32>
        %add3A_362 = arith.addf %mul3A_361, %get3A_360 : vector<16xf32>
        %swap3A_363 = arith.index_cast %scan3A_319 : i32 to index
        %swap3A_364 = arith.constant 48 : index
        %swap3A_365 = tpu.vector_load %arg15[%swap3A_363, %swap3A_364] {strides = array<i32>} : memref<80x128xf32, #tpu.memory_space<vmem>>, vector<1x16xf32>,
        %swap3A_366 = vector.shape_cast %swap3A_365 : vector<1x16xf32> to vector<16xf32>
        %swap3A_367 = vector.shape_cast %add3A_362 : vector<16xf32> to vector<1x16xf32>
        tpu.vector_store %arg15[%swap3A_363, %swap3A_364], %swap3A_367 {strides = array<i32>} : memref<80x128xf32, #tpu.memory_space<vmem>>, vector<1x16xf32>,
        %get3A_368 = arith.index_cast %scan3A_319 : i32 to index
        %get3A_369 = arith.constant 64 : index
        %get3A_370 = tpu.vector_load %arg14[%get3A_368, %get3A_369] {strides = array<i32>} : memref<80x128xf32, #tpu.memory_space<vmem>>, vector<1x16xf32>,
        %get3A_371 = vector.shape_cast %get3A_370 : vector<1x16xf32> to vector<16xf32>
        %mul3A_372 = arith.mulf %add3A_279, %get3A_323 : vector<16xf32>
        %add3A_373 = arith.addf %mul3A_372, %get3A_371 : vector<16xf32>
        %swap3A_374 = arith.index_cast %scan3A_319 : i32 to index
        %swap3A_375 = arith.constant 64 : index
        %swap3A_376 = tpu.vector_load %arg15[%swap3A_374, %swap3A_375] {strides = array<i32>} : memref<80x128xf32, #tpu.memory_space<vmem>>, vector<1x16xf32>,
        %swap3A_377 = vector.shape_cast %swap3A_376 : vector<1x16xf32> to vector<16xf32>
        %swap3A_378 = vector.shape_cast %add3A_373 : vector<16xf32> to vector<1x16xf32>
        tpu.vector_store %arg15[%swap3A_374, %swap3A_375], %swap3A_378 {strides = array<i32>} : memref<80x128xf32, #tpu.memory_space<vmem>>, vector<1x16xf32>,
        %get3A_379 = arith.index_cast %scan3A_319 : i32 to index
        %get3A_380 = arith.constant 80 : index
        %get3A_381 = tpu.vector_load %arg14[%get3A_379, %get3A_380] {strides = array<i32>} : memref<80x128xf32, #tpu.memory_space<vmem>>, vector<1x16xf32>,
        %get3A_382 = vector.shape_cast %get3A_381 : vector<1x16xf32> to vector<16xf32>
        %mul3A_383 = arith.mulf %add3A_290, %get3A_323 : vector<16xf32>
        %add3A_384 = arith.addf %mul3A_383, %get3A_382 : vector<16xf32>
        %swap3A_385 = arith.index_cast %scan3A_319 : i32 to index
        %swap3A_386 = arith.constant 80 : index
        %swap3A_387 = tpu.vector_load %arg15[%swap3A_385, %swap3A_386] {strides = array<i32>} : memref<80x128xf32, #tpu.memory_space<vmem>>, vector<1x16xf32>,
        %swap3A_388 = vector.shape_cast %swap3A_387 : vector<1x16xf32> to vector<16xf32>
        %swap3A_389 = vector.shape_cast %add3A_384 : vector<16xf32> to vector<1x16xf32>
        tpu.vector_store %arg15[%swap3A_385, %swap3A_386], %swap3A_389 {strides = array<i32>} : memref<80x128xf32, #tpu.memory_space<vmem>>, vector<1x16xf32>,
        %get3A_390 = arith.index_cast %scan3A_319 : i32 to index
        %get3A_391 = arith.constant 96 : index
        %get3A_392 = tpu.vector_load %arg14[%get3A_390, %get3A_391] {strides = array<i32>} : memref<80x128xf32, #tpu.memory_space<vmem>>, vector<1x16xf32>,
        %get3A_393 = vector.shape_cast %get3A_392 : vector<1x16xf32> to vector<16xf32>
        %mul3A_394 = arith.mulf %add3A_301, %get3A_323 : vector<16xf32>
        %add3A_395 = arith.addf %mul3A_394, %get3A_393 : vector<16xf32>
        %swap3A_396 = arith.index_cast %scan3A_319 : i32 to index
        %swap3A_397 = arith.constant 96 : index
        %swap3A_398 = tpu.vector_load %arg15[%swap3A_396, %swap3A_397] {strides = array<i32>} : memref<80x128xf32, #tpu.memory_space<vmem>>, vector<1x16xf32>,
        %swap3A_399 = vector.shape_cast %swap3A_398 : vector<1x16xf32> to vector<16xf32>
        %swap3A_400 = vector.shape_cast %add3A_395 : vector<16xf32> to vector<1x16xf32>
        tpu.vector_store %arg15[%swap3A_396, %swap3A_397], %swap3A_400 {strides = array<i32>} : memref<80x128xf32, #tpu.memory_space<vmem>>, vector<1x16xf32>,
        %get3A_401 = arith.index_cast %scan3A_319 : i32 to index
        %get3A_402 = arith.constant 112 : index
        %get3A_403 = tpu.vector_load %arg14[%get3A_401, %get3A_402] {strides = array<i32>} : memref<80x128xf32, #tpu.memory_space<vmem>>, vector<1x16xf32>,
        %get3A_404 = vector.shape_cast %get3A_403 : vector<1x16xf32> to vector<16xf32>
        %mul3A_405 = arith.mulf %add3A_312, %get3A_323 : vector<16xf32>
        %add3A_406 = arith.addf %mul3A_405, %get3A_404 : vector<16xf32>
        %swap3A_407 = arith.index_cast %scan3A_319 : i32 to index
        %swap3A_408 = arith.constant 112 : index
        %swap3A_409 = tpu.vector_load %arg15[%swap3A_407, %swap3A_408] {strides = array<i32>} : memref<80x128xf32, #tpu.memory_space<vmem>>, vector<1x16xf32>,
        %swap3A_410 = vector.shape_cast %swap3A_409 : vector<1x16xf32> to vector<16xf32>
        %swap3A_411 = vector.shape_cast %add3A_406 : vector<16xf32> to vector<1x16xf32>
        tpu.vector_store %arg15[%swap3A_407, %swap3A_408], %swap3A_411 {strides = array<i32>} : memref<80x128xf32, #tpu.memory_space<vmem>>, vector<1x16xf32>,
        %scan3A_412 = arith.constant 3 : i32
        %scan3A_413 = arith.addi %scan3A_124, %scan3A_412 : i32
        %get3A_414 = arith.index_cast %scan3A_413 : i32 to index
        %get3A_415 = arith.constant 0 : index
        %get3A_416 = tpu.vector_load %arg11[%get3A_414, %get3A_415] {strides = array<i32>} : memref<80x16xf32, #tpu.memory_space<vmem>>, vector<1x16xf32>,
        %get3A_417 = vector.shape_cast %get3A_416 : vector<1x16xf32> to vector<16xf32>
        %get3A_418 = arith.index_cast %scan3A_413 : i32 to index
        %get3A_419 = arith.constant 0 : index
        %get3A_420 = tpu.vector_load %arg14[%get3A_418, %get3A_419] {strides = array<i32>} : memref<80x128xf32, #tpu.memory_space<vmem>>, vector<1x16xf32>,
        %get3A_421 = vector.shape_cast %get3A_420 : vector<1x16xf32> to vector<16xf32>
        %mul3A_422 = arith.mulf %add3A_329, %get3A_417 : vector<16xf32>
        %add3A_423 = arith.addf %mul3A_422, %get3A_421 : vector<16xf32>
        %swap3A_424 = arith.index_cast %scan3A_413 : i32 to index
        %swap3A_425 = arith.constant 0 : index
        %swap3A_426 = tpu.vector_load %arg15[%swap3A_424, %swap3A_425] {strides = array<i32>} : memref<80x128xf32, #tpu.memory_space<vmem>>, vector<1x16xf32>,
        %swap3A_427 = vector.shape_cast %swap3A_426 : vector<1x16xf32> to vector<16xf32>
        %swap3A_428 = vector.shape_cast %add3A_423 : vector<16xf32> to vector<1x16xf32>
        tpu.vector_store %arg15[%swap3A_424, %swap3A_425], %swap3A_428 {strides = array<i32>} : memref<80x128xf32, #tpu.memory_space<vmem>>, vector<1x16xf32>,
        %get3A_429 = arith.index_cast %scan3A_413 : i32 to index
        %get3A_430 = arith.constant 16 : index
        %get3A_431 = tpu.vector_load %arg14[%get3A_429, %get3A_430] {strides = array<i32>} : memref<80x128xf32, #tpu.memory_space<vmem>>, vector<1x16xf32>,
        %get3A_432 = vector.shape_cast %get3A_431 : vector<1x16xf32> to vector<16xf32>
        %mul3A_433 = arith.mulf %add3A_340, %get3A_417 : vector<16xf32>
        %add3A_434 = arith.addf %mul3A_433, %get3A_432 : vector<16xf32>
        %swap3A_435 = arith.index_cast %scan3A_413 : i32 to index
        %swap3A_436 = arith.constant 16 : index
        %swap3A_437 = tpu.vector_load %arg15[%swap3A_435, %swap3A_436] {strides = array<i32>} : memref<80x128xf32, #tpu.memory_space<vmem>>, vector<1x16xf32>,
        %swap3A_438 = vector.shape_cast %swap3A_437 : vector<1x16xf32> to vector<16xf32>
        %swap3A_439 = vector.shape_cast %add3A_434 : vector<16xf32> to vector<1x16xf32>
        tpu.vector_store %arg15[%swap3A_435, %swap3A_436], %swap3A_439 {strides = array<i32>} : memref<80x128xf32, #tpu.memory_space<vmem>>, vector<1x16xf32>,
        %get3A_440 = arith.index_cast %scan3A_413 : i32 to index
        %get3A_441 = arith.constant 32 : index
        %get3A_442 = tpu.vector_load %arg14[%get3A_440, %get3A_441] {strides = array<i32>} : memref<80x128xf32, #tpu.memory_space<vmem>>, vector<1x16xf32>,
        %get3A_443 = vector.shape_cast %get3A_442 : vector<1x16xf32> to vector<16xf32>
        %mul3A_444 = arith.mulf %add3A_351, %get3A_417 : vector<16xf32>
        %add3A_445 = arith.addf %mul3A_444, %get3A_443 : vector<16xf32>
        %swap3A_446 = arith.index_cast %scan3A_413 : i32 to index
        %swap3A_447 = arith.constant 32 : index
        %swap3A_448 = tpu.vector_load %arg15[%swap3A_446, %swap3A_447] {strides = array<i32>} : memref<80x128xf32, #tpu.memory_space<vmem>>, vector<1x16xf32>,
        %swap3A_449 = vector.shape_cast %swap3A_448 : vector<1x16xf32> to vector<16xf32>
        %swap3A_450 = vector.shape_cast %add3A_445 : vector<16xf32> to vector<1x16xf32>
        tpu.vector_store %arg15[%swap3A_446, %swap3A_447], %swap3A_450 {strides = array<i32>} : memref<80x128xf32, #tpu.memory_space<vmem>>, vector<1x16xf32>,
        %get3A_451 = arith.index_cast %scan3A_413 : i32 to index
        %get3A_452 = arith.constant 48 : index
        %get3A_453 = tpu.vector_load %arg14[%get3A_451, %get3A_452] {strides = array<i32>} : memref<80x128xf32, #tpu.memory_space<vmem>>, vector<1x16xf32>,
        %get3A_454 = vector.shape_cast %get3A_453 : vector<1x16xf32> to vector<16xf32>
        %mul3A_455 = arith.mulf %add3A_362, %get3A_417 : vector<16xf32>
        %add3A_456 = arith.addf %mul3A_455, %get3A_454 : vector<16xf32>
        %swap3A_457 = arith.index_cast %scan3A_413 : i32 to index
        %swap3A_458 = arith.constant 48 : index
        %swap3A_459 = tpu.vector_load %arg15[%swap3A_457, %swap3A_458] {strides = array<i32>} : memref<80x128xf32, #tpu.memory_space<vmem>>, vector<1x16xf32>,
        %swap3A_460 = vector.shape_cast %swap3A_459 : vector<1x16xf32> to vector<16xf32>
        %swap3A_461 = vector.shape_cast %add3A_456 : vector<16xf32> to vector<1x16xf32>
        tpu.vector_store %arg15[%swap3A_457, %swap3A_458], %swap3A_461 {strides = array<i32>} : memref<80x128xf32, #tpu.memory_space<vmem>>, vector<1x16xf32>,
        %get3A_462 = arith.index_cast %scan3A_413 : i32 to index
        %get3A_463 = arith.constant 64 : index
        %get3A_464 = tpu.vector_load %arg14[%get3A_462, %get3A_463] {strides = array<i32>} : memref<80x128xf32, #tpu.memory_space<vmem>>, vector<1x16xf32>,
        %get3A_465 = vector.shape_cast %get3A_464 : vector<1x16xf32> to vector<16xf32>
        %mul3A_466 = arith.mulf %add3A_373, %get3A_417 : vector<16xf32>
        %add3A_467 = arith.addf %mul3A_466, %get3A_465 : vector<16xf32>
        %swap3A_468 = arith.index_cast %scan3A_413 : i32 to index
        %swap3A_469 = arith.constant 64 : index
        %swap3A_470 = tpu.vector_load %arg15[%swap3A_468, %swap3A_469] {strides = array<i32>} : memref<80x128xf32, #tpu.memory_space<vmem>>, vector<1x16xf32>,
        %swap3A_471 = vector.shape_cast %swap3A_470 : vector<1x16xf32> to vector<16xf32>
        %swap3A_472 = vector.shape_cast %add3A_467 : vector<16xf32> to vector<1x16xf32>
        tpu.vector_store %arg15[%swap3A_468, %swap3A_469], %swap3A_472 {strides = array<i32>} : memref<80x128xf32, #tpu.memory_space<vmem>>, vector<1x16xf32>,
        %get3A_473 = arith.index_cast %scan3A_413 : i32 to index
        %get3A_474 = arith.constant 80 : index
        %get3A_475 = tpu.vector_load %arg14[%get3A_473, %get3A_474] {strides = array<i32>} : memref<80x128xf32, #tpu.memory_space<vmem>>, vector<1x16xf32>,
        %get3A_476 = vector.shape_cast %get3A_475 : vector<1x16xf32> to vector<16xf32>
        %mul3A_477 = arith.mulf %add3A_384, %get3A_417 : vector<16xf32>
        %add3A_478 = arith.addf %mul3A_477, %get3A_476 : vector<16xf32>
        %swap3A_479 = arith.index_cast %scan3A_413 : i32 to index
        %swap3A_480 = arith.constant 80 : index
        %swap3A_481 = tpu.vector_load %arg15[%swap3A_479, %swap3A_480] {strides = array<i32>} : memref<80x128xf32, #tpu.memory_space<vmem>>, vector<1x16xf32>,
        %swap3A_482 = vector.shape_cast %swap3A_481 : vector<1x16xf32> to vector<16xf32>
        %swap3A_483 = vector.shape_cast %add3A_478 : vector<16xf32> to vector<1x16xf32>
        tpu.vector_store %arg15[%swap3A_479, %swap3A_480], %swap3A_483 {strides = array<i32>} : memref<80x128xf32, #tpu.memory_space<vmem>>, vector<1x16xf32>,
        %get3A_484 = arith.index_cast %scan3A_413 : i32 to index
        %get3A_485 = arith.constant 96 : index
        %get3A_486 = tpu.vector_load %arg14[%get3A_484, %get3A_485] {strides = array<i32>} : memref<80x128xf32, #tpu.memory_space<vmem>>, vector<1x16xf32>,
        %get3A_487 = vector.shape_cast %get3A_486 : vector<1x16xf32> to vector<16xf32>
        %mul3A_488 = arith.mulf %add3A_395, %get3A_417 : vector<16xf32>
        %add3A_489 = arith.addf %mul3A_488, %get3A_487 : vector<16xf32>
        %swap3A_490 = arith.index_cast %scan3A_413 : i32 to index
        %swap3A_491 = arith.constant 96 : index
        %swap3A_492 = tpu.vector_load %arg15[%swap3A_490, %swap3A_491] {strides = array<i32>} : memref<80x128xf32, #tpu.memory_space<vmem>>, vector<1x16xf32>,
        %swap3A_493 = vector.shape_cast %swap3A_492 : vector<1x16xf32> to vector<16xf32>
        %swap3A_494 = vector.shape_cast %add3A_489 : vector<16xf32> to vector<1x16xf32>
        tpu.vector_store %arg15[%swap3A_490, %swap3A_491], %swap3A_494 {strides = array<i32>} : memref<80x128xf32, #tpu.memory_space<vmem>>, vector<1x16xf32>,
        %get3A_495 = arith.index_cast %scan3A_413 : i32 to index
        %get3A_496 = arith.constant 112 : index
        %get3A_497 = tpu.vector_load %arg14[%get3A_495, %get3A_496] {strides = array<i32>} : memref<80x128xf32, #tpu.memory_space<vmem>>, vector<1x16xf32>,
        %get3A_498 = vector.shape_cast %get3A_497 : vector<1x16xf32> to vector<16xf32>
        %mul3A_499 = arith.mulf %add3A_406, %get3A_417 : vector<16xf32>
        %add3A_500 = arith.addf %mul3A_499, %get3A_498 : vector<16xf32>
        %swap3A_501 = arith.index_cast %scan3A_413 : i32 to index
        %swap3A_502 = arith.constant 112 : index
        %swap3A_503 = tpu.vector_load %arg15[%swap3A_501, %swap3A_502] {strides = array<i32>} : memref<80x128xf32, #tpu.memory_space<vmem>>, vector<1x16xf32>,
        %swap3A_504 = vector.shape_cast %swap3A_503 : vector<1x16xf32> to vector<16xf32>
        %swap3A_505 = vector.shape_cast %add3A_500 : vector<16xf32> to vector<1x16xf32>
        tpu.vector_store %arg15[%swap3A_501, %swap3A_502], %swap3A_505 {strides = array<i32>} : memref<80x128xf32, #tpu.memory_space<vmem>>, vector<1x16xf32>,
        %scan3A_506 = arith.constant 4 : i32
        %scan3A_507 = arith.addi %scan3A_124, %scan3A_506 : i32
        %get3A_508 = arith.index_cast %scan3A_507 : i32 to index
        %get3A_509 = arith.constant 0 : index
        %get3A_510 = tpu.vector_load %arg11[%get3A_508, %get3A_509] {strides = array<i32>} : memref<80x16xf32, #tpu.memory_space<vmem>>, vector<1x16xf32>,
        %get3A_511 = vector.shape_cast %get3A_510 : vector<1x16xf32> to vector<16xf32>
        %get3A_512 = arith.index_cast %scan3A_507 : i32 to index
        %get3A_513 = arith.constant 0 : index
        %get3A_514 = tpu.vector_load %arg14[%get3A_512, %get3A_513] {strides = array<i32>} : memref<80x128xf32, #tpu.memory_space<vmem>>, vector<1x16xf32>,
        %get3A_515 = vector.shape_cast %get3A_514 : vector<1x16xf32> to vector<16xf32>
        %mul3A_516 = arith.mulf %add3A_423, %get3A_511 : vector<16xf32>
        %add3A_517 = arith.addf %mul3A_516, %get3A_515 : vector<16xf32>
        %swap3A_518 = arith.index_cast %scan3A_507 : i32 to index
        %swap3A_519 = arith.constant 0 : index
        %swap3A_520 = tpu.vector_load %arg15[%swap3A_518, %swap3A_519] {strides = array<i32>} : memref<80x128xf32, #tpu.memory_space<vmem>>, vector<1x16xf32>,
        %swap3A_521 = vector.shape_cast %swap3A_520 : vector<1x16xf32> to vector<16xf32>
        %swap3A_522 = vector.shape_cast %add3A_517 : vector<16xf32> to vector<1x16xf32>
        tpu.vector_store %arg15[%swap3A_518, %swap3A_519], %swap3A_522 {strides = array<i32>} : memref<80x128xf32, #tpu.memory_space<vmem>>, vector<1x16xf32>,
        %get3A_523 = arith.index_cast %scan3A_507 : i32 to index
        %get3A_524 = arith.constant 16 : index
        %get3A_525 = tpu.vector_load %arg14[%get3A_523, %get3A_524] {strides = array<i32>} : memref<80x128xf32, #tpu.memory_space<vmem>>, vector<1x16xf32>,
        %get3A_526 = vector.shape_cast %get3A_525 : vector<1x16xf32> to vector<16xf32>
        %mul3A_527 = arith.mulf %add3A_434, %get3A_511 : vector<16xf32>
        %add3A_528 = arith.addf %mul3A_527, %get3A_526 : vector<16xf32>
        %swap3A_529 = arith.index_cast %scan3A_507 : i32 to index
        %swap3A_530 = arith.constant 16 : index
        %swap3A_531 = tpu.vector_load %arg15[%swap3A_529, %swap3A_530] {strides = array<i32>} : memref<80x128xf32, #tpu.memory_space<vmem>>, vector<1x16xf32>,
        %swap3A_532 = vector.shape_cast %swap3A_531 : vector<1x16xf32> to vector<16xf32>
        %swap3A_533 = vector.shape_cast %add3A_528 : vector<16xf32> to vector<1x16xf32>
        tpu.vector_store %arg15[%swap3A_529, %swap3A_530], %swap3A_533 {strides = array<i32>} : memref<80x128xf32, #tpu.memory_space<vmem>>, vector<1x16xf32>,
        %get3A_534 = arith.index_cast %scan3A_507 : i32 to index
        %get3A_535 = arith.constant 32 : index
        %get3A_536 = tpu.vector_load %arg14[%get3A_534, %get3A_535] {strides = array<i32>} : memref<80x128xf32, #tpu.memory_space<vmem>>, vector<1x16xf32>,
        %get3A_537 = vector.shape_cast %get3A_536 : vector<1x16xf32> to vector<16xf32>
        %mul3A_538 = arith.mulf %add3A_445, %get3A_511 : vector<16xf32>
        %add3A_539 = arith.addf %mul3A_538, %get3A_537 : vector<16xf32>
        %swap3A_540 = arith.index_cast %scan3A_507 : i32 to index
        %swap3A_541 = arith.constant 32 : index
        %swap3A_542 = tpu.vector_load %arg15[%swap3A_540, %swap3A_541] {strides = array<i32>} : memref<80x128xf32, #tpu.memory_space<vmem>>, vector<1x16xf32>,
        %swap3A_543 = vector.shape_cast %swap3A_542 : vector<1x16xf32> to vector<16xf32>
        %swap3A_544 = vector.shape_cast %add3A_539 : vector<16xf32> to vector<1x16xf32>
        tpu.vector_store %arg15[%swap3A_540, %swap3A_541], %swap3A_544 {strides = array<i32>} : memref<80x128xf32, #tpu.memory_space<vmem>>, vector<1x16xf32>,
        %get3A_545 = arith.index_cast %scan3A_507 : i32 to index
        %get3A_546 = arith.constant 48 : index
        %get3A_547 = tpu.vector_load %arg14[%get3A_545, %get3A_546] {strides = array<i32>} : memref<80x128xf32, #tpu.memory_space<vmem>>, vector<1x16xf32>,
        %get3A_548 = vector.shape_cast %get3A_547 : vector<1x16xf32> to vector<16xf32>
        %mul3A_549 = arith.mulf %add3A_456, %get3A_511 : vector<16xf32>
        %add3A_550 = arith.addf %mul3A_549, %get3A_548 : vector<16xf32>
        %swap3A_551 = arith.index_cast %scan3A_507 : i32 to index
        %swap3A_552 = arith.constant 48 : index
        %swap3A_553 = tpu.vector_load %arg15[%swap3A_551, %swap3A_552] {strides = array<i32>} : memref<80x128xf32, #tpu.memory_space<vmem>>, vector<1x16xf32>,
        %swap3A_554 = vector.shape_cast %swap3A_553 : vector<1x16xf32> to vector<16xf32>
        %swap3A_555 = vector.shape_cast %add3A_550 : vector<16xf32> to vector<1x16xf32>
        tpu.vector_store %arg15[%swap3A_551, %swap3A_552], %swap3A_555 {strides = array<i32>} : memref<80x128xf32, #tpu.memory_space<vmem>>, vector<1x16xf32>,
        %get3A_556 = arith.index_cast %scan3A_507 : i32 to index
        %get3A_557 = arith.constant 64 : index
        %get3A_558 = tpu.vector_load %arg14[%get3A_556, %get3A_557] {strides = array<i32>} : memref<80x128xf32, #tpu.memory_space<vmem>>, vector<1x16xf32>,
        %get3A_559 = vector.shape_cast %get3A_558 : vector<1x16xf32> to vector<16xf32>
        %mul3A_560 = arith.mulf %add3A_467, %get3A_511 : vector<16xf32>
        %add3A_561 = arith.addf %mul3A_560, %get3A_559 : vector<16xf32>
        %swap3A_562 = arith.index_cast %scan3A_507 : i32 to index
        %swap3A_563 = arith.constant 64 : index
        %swap3A_564 = tpu.vector_load %arg15[%swap3A_562, %swap3A_563] {strides = array<i32>} : memref<80x128xf32, #tpu.memory_space<vmem>>, vector<1x16xf32>,
        %swap3A_565 = vector.shape_cast %swap3A_564 : vector<1x16xf32> to vector<16xf32>
        %swap3A_566 = vector.shape_cast %add3A_561 : vector<16xf32> to vector<1x16xf32>
        tpu.vector_store %arg15[%swap3A_562, %swap3A_563], %swap3A_566 {strides = array<i32>} : memref<80x128xf32, #tpu.memory_space<vmem>>, vector<1x16xf32>,
        %get3A_567 = arith.index_cast %scan3A_507 : i32 to index
        %get3A_568 = arith.constant 80 : index
        %get3A_569 = tpu.vector_load %arg14[%get3A_567, %get3A_568] {strides = array<i32>} : memref<80x128xf32, #tpu.memory_space<vmem>>, vector<1x16xf32>,
        %get3A_570 = vector.shape_cast %get3A_569 : vector<1x16xf32> to vector<16xf32>
        %mul3A_571 = arith.mulf %add3A_478, %get3A_511 : vector<16xf32>
        %add3A_572 = arith.addf %mul3A_571, %get3A_570 : vector<16xf32>
        %swap3A_573 = arith.index_cast %scan3A_507 : i32 to index
        %swap3A_574 = arith.constant 80 : index
        %swap3A_575 = tpu.vector_load %arg15[%swap3A_573, %swap3A_574] {strides = array<i32>} : memref<80x128xf32, #tpu.memory_space<vmem>>, vector<1x16xf32>,
        %swap3A_576 = vector.shape_cast %swap3A_575 : vector<1x16xf32> to vector<16xf32>
        %swap3A_577 = vector.shape_cast %add3A_572 : vector<16xf32> to vector<1x16xf32>
        tpu.vector_store %arg15[%swap3A_573, %swap3A_574], %swap3A_577 {strides = array<i32>} : memref<80x128xf32, #tpu.memory_space<vmem>>, vector<1x16xf32>,
        %get3A_578 = arith.index_cast %scan3A_507 : i32 to index
        %get3A_579 = arith.constant 96 : index
        %get3A_580 = tpu.vector_load %arg14[%get3A_578, %get3A_579] {strides = array<i32>} : memref<80x128xf32, #tpu.memory_space<vmem>>, vector<1x16xf32>,
        %get3A_581 = vector.shape_cast %get3A_580 : vector<1x16xf32> to vector<16xf32>
        %mul3A_582 = arith.mulf %add3A_489, %get3A_511 : vector<16xf32>
        %add3A_583 = arith.addf %mul3A_582, %get3A_581 : vector<16xf32>
        %swap3A_584 = arith.index_cast %scan3A_507 : i32 to index
        %swap3A_585 = arith.constant 96 : index
        %swap3A_586 = tpu.vector_load %arg15[%swap3A_584, %swap3A_585] {strides = array<i32>} : memref<80x128xf32, #tpu.memory_space<vmem>>, vector<1x16xf32>,
        %swap3A_587 = vector.shape_cast %swap3A_586 : vector<1x16xf32> to vector<16xf32>
        %swap3A_588 = vector.shape_cast %add3A_583 : vector<16xf32> to vector<1x16xf32>
        tpu.vector_store %arg15[%swap3A_584, %swap3A_585], %swap3A_588 {strides = array<i32>} : memref<80x128xf32, #tpu.memory_space<vmem>>, vector<1x16xf32>,
        %get3A_589 = arith.index_cast %scan3A_507 : i32 to index
        %get3A_590 = arith.constant 112 : index
        %get3A_591 = tpu.vector_load %arg14[%get3A_589, %get3A_590] {strides = array<i32>} : memref<80x128xf32, #tpu.memory_space<vmem>>, vector<1x16xf32>,
        %get3A_592 = vector.shape_cast %get3A_591 : vector<1x16xf32> to vector<16xf32>
        %mul3A_593 = arith.mulf %add3A_500, %get3A_511 : vector<16xf32>
        %add3A_594 = arith.addf %mul3A_593, %get3A_592 : vector<16xf32>
        %swap3A_595 = arith.index_cast %scan3A_507 : i32 to index
        %swap3A_596 = arith.constant 112 : index
        %swap3A_597 = tpu.vector_load %arg15[%swap3A_595, %swap3A_596] {strides = array<i32>} : memref<80x128xf32, #tpu.memory_space<vmem>>, vector<1x16xf32>,
        %swap3A_598 = vector.shape_cast %swap3A_597 : vector<1x16xf32> to vector<16xf32>
        %swap3A_599 = vector.shape_cast %add3A_594 : vector<16xf32> to vector<1x16xf32>
        tpu.vector_store %arg15[%swap3A_595, %swap3A_596], %swap3A_599 {strides = array<i32>} : memref<80x128xf32, #tpu.memory_space<vmem>>, vector<1x16xf32>,
        %scan3A_600 = arith.constant 5 : i32
        %scan3A_601 = arith.addi %scan3A_124, %scan3A_600 : i32
        %get3A_602 = arith.index_cast %scan3A_601 : i32 to index
        %get3A_603 = arith.constant 0 : index
        %get3A_604 = tpu.vector_load %arg11[%get3A_602, %get3A_603] {strides = array<i32>} : memref<80x16xf32, #tpu.memory_space<vmem>>, vector<1x16xf32>,
        %get3A_605 = vector.shape_cast %get3A_604 : vector<1x16xf32> to vector<16xf32>
        %get3A_606 = arith.index_cast %scan3A_601 : i32 to index
        %get3A_607 = arith.constant 0 : index
        %get3A_608 = tpu.vector_load %arg14[%get3A_606, %get3A_607] {strides = array<i32>} : memref<80x128xf32, #tpu.memory_space<vmem>>, vector<1x16xf32>,
        %get3A_609 = vector.shape_cast %get3A_608 : vector<1x16xf32> to vector<16xf32>
        %mul3A_610 = arith.mulf %add3A_517, %get3A_605 : vector<16xf32>
        %add3A_611 = arith.addf %mul3A_610, %get3A_609 : vector<16xf32>
        %swap3A_612 = arith.index_cast %scan3A_601 : i32 to index
        %swap3A_613 = arith.constant 0 : index
        %swap3A_614 = tpu.vector_load %arg15[%swap3A_612, %swap3A_613] {strides = array<i32>} : memref<80x128xf32, #tpu.memory_space<vmem>>, vector<1x16xf32>,
        %swap3A_615 = vector.shape_cast %swap3A_614 : vector<1x16xf32> to vector<16xf32>
        %swap3A_616 = vector.shape_cast %add3A_611 : vector<16xf32> to vector<1x16xf32>
        tpu.vector_store %arg15[%swap3A_612, %swap3A_613], %swap3A_616 {strides = array<i32>} : memref<80x128xf32, #tpu.memory_space<vmem>>, vector<1x16xf32>,
        %get3A_617 = arith.index_cast %scan3A_601 : i32 to index
        %get3A_618 = arith.constant 16 : index
        %get3A_619 = tpu.vector_load %arg14[%get3A_617, %get3A_618] {strides = array<i32>} : memref<80x128xf32, #tpu.memory_space<vmem>>, vector<1x16xf32>,
        %get3A_620 = vector.shape_cast %get3A_619 : vector<1x16xf32> to vector<16xf32>
        %mul3A_621 = arith.mulf %add3A_528, %get3A_605 : vector<16xf32>
        %add3A_622 = arith.addf %mul3A_621, %get3A_620 : vector<16xf32>
        %swap3A_623 = arith.index_cast %scan3A_601 : i32 to index
        %swap3A_624 = arith.constant 16 : index
        %swap3A_625 = tpu.vector_load %arg15[%swap3A_623, %swap3A_624] {strides = array<i32>} : memref<80x128xf32, #tpu.memory_space<vmem>>, vector<1x16xf32>,
        %swap3A_626 = vector.shape_cast %swap3A_625 : vector<1x16xf32> to vector<16xf32>
        %swap3A_627 = vector.shape_cast %add3A_622 : vector<16xf32> to vector<1x16xf32>
        tpu.vector_store %arg15[%swap3A_623, %swap3A_624], %swap3A_627 {strides = array<i32>} : memref<80x128xf32, #tpu.memory_space<vmem>>, vector<1x16xf32>,
        %get3A_628 = arith.index_cast %scan3A_601 : i32 to index
        %get3A_629 = arith.constant 32 : index
        %get3A_630 = tpu.vector_load %arg14[%get3A_628, %get3A_629] {strides = array<i32>} : memref<80x128xf32, #tpu.memory_space<vmem>>, vector<1x16xf32>,
        %get3A_631 = vector.shape_cast %get3A_630 : vector<1x16xf32> to vector<16xf32>
        %mul3A_632 = arith.mulf %add3A_539, %get3A_605 : vector<16xf32>
        %add3A_633 = arith.addf %mul3A_632, %get3A_631 : vector<16xf32>
        %swap3A_634 = arith.index_cast %scan3A_601 : i32 to index
        %swap3A_635 = arith.constant 32 : index
        %swap3A_636 = tpu.vector_load %arg15[%swap3A_634, %swap3A_635] {strides = array<i32>} : memref<80x128xf32, #tpu.memory_space<vmem>>, vector<1x16xf32>,
        %swap3A_637 = vector.shape_cast %swap3A_636 : vector<1x16xf32> to vector<16xf32>
        %swap3A_638 = vector.shape_cast %add3A_633 : vector<16xf32> to vector<1x16xf32>
        tpu.vector_store %arg15[%swap3A_634, %swap3A_635], %swap3A_638 {strides = array<i32>} : memref<80x128xf32, #tpu.memory_space<vmem>>, vector<1x16xf32>,
        %get3A_639 = arith.index_cast %scan3A_601 : i32 to index
        %get3A_640 = arith.constant 48 : index
        %get3A_641 = tpu.vector_load %arg14[%get3A_639, %get3A_640] {strides = array<i32>} : memref<80x128xf32, #tpu.memory_space<vmem>>, vector<1x16xf32>,
        %get3A_642 = vector.shape_cast %get3A_641 : vector<1x16xf32> to vector<16xf32>
        %mul3A_643 = arith.mulf %add3A_550, %get3A_605 : vector<16xf32>
        %add3A_644 = arith.addf %mul3A_643, %get3A_642 : vector<16xf32>
        %swap3A_645 = arith.index_cast %scan3A_601 : i32 to index
        %swap3A_646 = arith.constant 48 : index
        %swap3A_647 = tpu.vector_load %arg15[%swap3A_645, %swap3A_646] {strides = array<i32>} : memref<80x128xf32, #tpu.memory_space<vmem>>, vector<1x16xf32>,
        %swap3A_648 = vector.shape_cast %swap3A_647 : vector<1x16xf32> to vector<16xf32>
        %swap3A_649 = vector.shape_cast %add3A_644 : vector<16xf32> to vector<1x16xf32>
        tpu.vector_store %arg15[%swap3A_645, %swap3A_646], %swap3A_649 {strides = array<i32>} : memref<80x128xf32, #tpu.memory_space<vmem>>, vector<1x16xf32>,
        %get3A_650 = arith.index_cast %scan3A_601 : i32 to index
        %get3A_651 = arith.constant 64 : index
        %get3A_652 = tpu.vector_load %arg14[%get3A_650, %get3A_651] {strides = array<i32>} : memref<80x128xf32, #tpu.memory_space<vmem>>, vector<1x16xf32>,
        %get3A_653 = vector.shape_cast %get3A_652 : vector<1x16xf32> to vector<16xf32>
        %mul3A_654 = arith.mulf %add3A_561, %get3A_605 : vector<16xf32>
        %add3A_655 = arith.addf %mul3A_654, %get3A_653 : vector<16xf32>
        %swap3A_656 = arith.index_cast %scan3A_601 : i32 to index
        %swap3A_657 = arith.constant 64 : index
        %swap3A_658 = tpu.vector_load %arg15[%swap3A_656, %swap3A_657] {strides = array<i32>} : memref<80x128xf32, #tpu.memory_space<vmem>>, vector<1x16xf32>,
        %swap3A_659 = vector.shape_cast %swap3A_658 : vector<1x16xf32> to vector<16xf32>
        %swap3A_660 = vector.shape_cast %add3A_655 : vector<16xf32> to vector<1x16xf32>
        tpu.vector_store %arg15[%swap3A_656, %swap3A_657], %swap3A_660 {strides = array<i32>} : memref<80x128xf32, #tpu.memory_space<vmem>>, vector<1x16xf32>,
        %get3A_661 = arith.index_cast %scan3A_601 : i32 to index
        %get3A_662 = arith.constant 80 : index
        %get3A_663 = tpu.vector_load %arg14[%get3A_661, %get3A_662] {strides = array<i32>} : memref<80x128xf32, #tpu.memory_space<vmem>>, vector<1x16xf32>,
        %get3A_664 = vector.shape_cast %get3A_663 : vector<1x16xf32> to vector<16xf32>
        %mul3A_665 = arith.mulf %add3A_572, %get3A_605 : vector<16xf32>
        %add3A_666 = arith.addf %mul3A_665, %get3A_664 : vector<16xf32>
        %swap3A_667 = arith.index_cast %scan3A_601 : i32 to index
        %swap3A_668 = arith.constant 80 : index
        %swap3A_669 = tpu.vector_load %arg15[%swap3A_667, %swap3A_668] {strides = array<i32>} : memref<80x128xf32, #tpu.memory_space<vmem>>, vector<1x16xf32>,
        %swap3A_670 = vector.shape_cast %swap3A_669 : vector<1x16xf32> to vector<16xf32>
        %swap3A_671 = vector.shape_cast %add3A_666 : vector<16xf32> to vector<1x16xf32>
        tpu.vector_store %arg15[%swap3A_667, %swap3A_668], %swap3A_671 {strides = array<i32>} : memref<80x128xf32, #tpu.memory_space<vmem>>, vector<1x16xf32>,
        %get3A_672 = arith.index_cast %scan3A_601 : i32 to index
        %get3A_673 = arith.constant 96 : index
        %get3A_674 = tpu.vector_load %arg14[%get3A_672, %get3A_673] {strides = array<i32>} : memref<80x128xf32, #tpu.memory_space<vmem>>, vector<1x16xf32>,
        %get3A_675 = vector.shape_cast %get3A_674 : vector<1x16xf32> to vector<16xf32>
        %mul3A_676 = arith.mulf %add3A_583, %get3A_605 : vector<16xf32>
        %add3A_677 = arith.addf %mul3A_676, %get3A_675 : vector<16xf32>
        %swap3A_678 = arith.index_cast %scan3A_601 : i32 to index
        %swap3A_679 = arith.constant 96 : index
        %swap3A_680 = tpu.vector_load %arg15[%swap3A_678, %swap3A_679] {strides = array<i32>} : memref<80x128xf32, #tpu.memory_space<vmem>>, vector<1x16xf32>,
        %swap3A_681 = vector.shape_cast %swap3A_680 : vector<1x16xf32> to vector<16xf32>
        %swap3A_682 = vector.shape_cast %add3A_677 : vector<16xf32> to vector<1x16xf32>
        tpu.vector_store %arg15[%swap3A_678, %swap3A_679], %swap3A_682 {strides = array<i32>} : memref<80x128xf32, #tpu.memory_space<vmem>>, vector<1x16xf32>,
        %get3A_683 = arith.index_cast %scan3A_601 : i32 to index
        %get3A_684 = arith.constant 112 : index
        %get3A_685 = tpu.vector_load %arg14[%get3A_683, %get3A_684] {strides = array<i32>} : memref<80x128xf32, #tpu.memory_space<vmem>>, vector<1x16xf32>,
        %get3A_686 = vector.shape_cast %get3A_685 : vector<1x16xf32> to vector<16xf32>
        %mul3A_687 = arith.mulf %add3A_594, %get3A_605 : vector<16xf32>
        %add3A_688 = arith.addf %mul3A_687, %get3A_686 : vector<16xf32>
        %swap3A_689 = arith.index_cast %scan3A_601 : i32 to index
        %swap3A_690 = arith.constant 112 : index
        %swap3A_691 = tpu.vector_load %arg15[%swap3A_689, %swap3A_690] {strides = array<i32>} : memref<80x128xf32, #tpu.memory_space<vmem>>, vector<1x16xf32>,
        %swap3A_692 = vector.shape_cast %swap3A_691 : vector<1x16xf32> to vector<16xf32>
        %swap3A_693 = vector.shape_cast %add3A_688 : vector<16xf32> to vector<1x16xf32>
        tpu.vector_store %arg15[%swap3A_689, %swap3A_690], %swap3A_693 {strides = array<i32>} : memref<80x128xf32, #tpu.memory_space<vmem>>, vector<1x16xf32>,
        %scan3A_694 = arith.constant 6 : i32
        %scan3A_695 = arith.addi %scan3A_124, %scan3A_694 : i32
        %get3A_696 = arith.index_cast %scan3A_695 : i32 to index
        %get3A_697 = arith.constant 0 : index
        %get3A_698 = tpu.vector_load %arg11[%get3A_696, %get3A_697] {strides = array<i32>} : memref<80x16xf32, #tpu.memory_space<vmem>>, vector<1x16xf32>,
        %get3A_699 = vector.shape_cast %get3A_698 : vector<1x16xf32> to vector<16xf32>
        %get3A_700 = arith.index_cast %scan3A_695 : i32 to index
        %get3A_701 = arith.constant 0 : index
        %get3A_702 = tpu.vector_load %arg14[%get3A_700, %get3A_701] {strides = array<i32>} : memref<80x128xf32, #tpu.memory_space<vmem>>, vector<1x16xf32>,
        %get3A_703 = vector.shape_cast %get3A_702 : vector<1x16xf32> to vector<16xf32>
        %mul3A_704 = arith.mulf %add3A_611, %get3A_699 : vector<16xf32>
        %add3A_705 = arith.addf %mul3A_704, %get3A_703 : vector<16xf32>
        %swap3A_706 = arith.index_cast %scan3A_695 : i32 to index
        %swap3A_707 = arith.constant 0 : index
        %swap3A_708 = tpu.vector_load %arg15[%swap3A_706, %swap3A_707] {strides = array<i32>} : memref<80x128xf32, #tpu.memory_space<vmem>>, vector<1x16xf32>,
        %swap3A_709 = vector.shape_cast %swap3A_708 : vector<1x16xf32> to vector<16xf32>
        %swap3A_710 = vector.shape_cast %add3A_705 : vector<16xf32> to vector<1x16xf32>
        tpu.vector_store %arg15[%swap3A_706, %swap3A_707], %swap3A_710 {strides = array<i32>} : memref<80x128xf32, #tpu.memory_space<vmem>>, vector<1x16xf32>,
        %get3A_711 = arith.index_cast %scan3A_695 : i32 to index
        %get3A_712 = arith.constant 16 : index
        %get3A_713 = tpu.vector_load %arg14[%get3A_711, %get3A_712] {strides = array<i32>} : memref<80x128xf32, #tpu.memory_space<vmem>>, vector<1x16xf32>,
        %get3A_714 = vector.shape_cast %get3A_713 : vector<1x16xf32> to vector<16xf32>
        %mul3A_715 = arith.mulf %add3A_622, %get3A_699 : vector<16xf32>
        %add3A_716 = arith.addf %mul3A_715, %get3A_714 : vector<16xf32>
        %swap3A_717 = arith.index_cast %scan3A_695 : i32 to index
        %swap3A_718 = arith.constant 16 : index
        %swap3A_719 = tpu.vector_load %arg15[%swap3A_717, %swap3A_718] {strides = array<i32>} : memref<80x128xf32, #tpu.memory_space<vmem>>, vector<1x16xf32>,
        %swap3A_720 = vector.shape_cast %swap3A_719 : vector<1x16xf32> to vector<16xf32>
        %swap3A_721 = vector.shape_cast %add3A_716 : vector<16xf32> to vector<1x16xf32>
        tpu.vector_store %arg15[%swap3A_717, %swap3A_718], %swap3A_721 {strides = array<i32>} : memref<80x128xf32, #tpu.memory_space<vmem>>, vector<1x16xf32>,
        %get3A_722 = arith.index_cast %scan3A_695 : i32 to index
        %get3A_723 = arith.constant 32 : index
        %get3A_724 = tpu.vector_load %arg14[%get3A_722, %get3A_723] {strides = array<i32>} : memref<80x128xf32, #tpu.memory_space<vmem>>, vector<1x16xf32>,
        %get3A_725 = vector.shape_cast %get3A_724 : vector<1x16xf32> to vector<16xf32>
        %mul3A_726 = arith.mulf %add3A_633, %get3A_699 : vector<16xf32>
        %add3A_727 = arith.addf %mul3A_726, %get3A_725 : vector<16xf32>
        %swap3A_728 = arith.index_cast %scan3A_695 : i32 to index
        %swap3A_729 = arith.constant 32 : index
        %swap3A_730 = tpu.vector_load %arg15[%swap3A_728, %swap3A_729] {strides = array<i32>} : memref<80x128xf32, #tpu.memory_space<vmem>>, vector<1x16xf32>,
        %swap3A_731 = vector.shape_cast %swap3A_730 : vector<1x16xf32> to vector<16xf32>
        %swap3A_732 = vector.shape_cast %add3A_727 : vector<16xf32> to vector<1x16xf32>
        tpu.vector_store %arg15[%swap3A_728, %swap3A_729], %swap3A_732 {strides = array<i32>} : memref<80x128xf32, #tpu.memory_space<vmem>>, vector<1x16xf32>,
        %get3A_733 = arith.index_cast %scan3A_695 : i32 to index
        %get3A_734 = arith.constant 48 : index
        %get3A_735 = tpu.vector_load %arg14[%get3A_733, %get3A_734] {strides = array<i32>} : memref<80x128xf32, #tpu.memory_space<vmem>>, vector<1x16xf32>,
        %get3A_736 = vector.shape_cast %get3A_735 : vector<1x16xf32> to vector<16xf32>
        %mul3A_737 = arith.mulf %add3A_644, %get3A_699 : vector<16xf32>
        %add3A_738 = arith.addf %mul3A_737, %get3A_736 : vector<16xf32>
        %swap3A_739 = arith.index_cast %scan3A_695 : i32 to index
        %swap3A_740 = arith.constant 48 : index
        %swap3A_741 = tpu.vector_load %arg15[%swap3A_739, %swap3A_740] {strides = array<i32>} : memref<80x128xf32, #tpu.memory_space<vmem>>, vector<1x16xf32>,
        %swap3A_742 = vector.shape_cast %swap3A_741 : vector<1x16xf32> to vector<16xf32>
        %swap3A_743 = vector.shape_cast %add3A_738 : vector<16xf32> to vector<1x16xf32>
        tpu.vector_store %arg15[%swap3A_739, %swap3A_740], %swap3A_743 {strides = array<i32>} : memref<80x128xf32, #tpu.memory_space<vmem>>, vector<1x16xf32>,
        %get3A_744 = arith.index_cast %scan3A_695 : i32 to index
        %get3A_745 = arith.constant 64 : index
        %get3A_746 = tpu.vector_load %arg14[%get3A_744, %get3A_745] {strides = array<i32>} : memref<80x128xf32, #tpu.memory_space<vmem>>, vector<1x16xf32>,
        %get3A_747 = vector.shape_cast %get3A_746 : vector<1x16xf32> to vector<16xf32>
        %mul3A_748 = arith.mulf %add3A_655, %get3A_699 : vector<16xf32>
        %add3A_749 = arith.addf %mul3A_748, %get3A_747 : vector<16xf32>
        %swap3A_750 = arith.index_cast %scan3A_695 : i32 to index
        %swap3A_751 = arith.constant 64 : index
        %swap3A_752 = tpu.vector_load %arg15[%swap3A_750, %swap3A_751] {strides = array<i32>} : memref<80x128xf32, #tpu.memory_space<vmem>>, vector<1x16xf32>,
        %swap3A_753 = vector.shape_cast %swap3A_752 : vector<1x16xf32> to vector<16xf32>
        %swap3A_754 = vector.shape_cast %add3A_749 : vector<16xf32> to vector<1x16xf32>
        tpu.vector_store %arg15[%swap3A_750, %swap3A_751], %swap3A_754 {strides = array<i32>} : memref<80x128xf32, #tpu.memory_space<vmem>>, vector<1x16xf32>,
        %get3A_755 = arith.index_cast %scan3A_695 : i32 to index
        %get3A_756 = arith.constant 80 : index
        %get3A_757 = tpu.vector_load %arg14[%get3A_755, %get3A_756] {strides = array<i32>} : memref<80x128xf32, #tpu.memory_space<vmem>>, vector<1x16xf32>,
        %get3A_758 = vector.shape_cast %get3A_757 : vector<1x16xf32> to vector<16xf32>
        %mul3A_759 = arith.mulf %add3A_666, %get3A_699 : vector<16xf32>
        %add3A_760 = arith.addf %mul3A_759, %get3A_758 : vector<16xf32>
        %swap3A_761 = arith.index_cast %scan3A_695 : i32 to index
        %swap3A_762 = arith.constant 80 : index
        %swap3A_763 = tpu.vector_load %arg15[%swap3A_761, %swap3A_762] {strides = array<i32>} : memref<80x128xf32, #tpu.memory_space<vmem>>, vector<1x16xf32>,
        %swap3A_764 = vector.shape_cast %swap3A_763 : vector<1x16xf32> to vector<16xf32>
        %swap3A_765 = vector.shape_cast %add3A_760 : vector<16xf32> to vector<1x16xf32>
        tpu.vector_store %arg15[%swap3A_761, %swap3A_762], %swap3A_765 {strides = array<i32>} : memref<80x128xf32, #tpu.memory_space<vmem>>, vector<1x16xf32>,
        %get3A_766 = arith.index_cast %scan3A_695 : i32 to index
        %get3A_767 = arith.constant 96 : index
        %get3A_768 = tpu.vector_load %arg14[%get3A_766, %get3A_767] {strides = array<i32>} : memref<80x128xf32, #tpu.memory_space<vmem>>, vector<1x16xf32>,
        %get3A_769 = vector.shape_cast %get3A_768 : vector<1x16xf32> to vector<16xf32>
        %mul3A_770 = arith.mulf %add3A_677, %get3A_699 : vector<16xf32>
        %add3A_771 = arith.addf %mul3A_770, %get3A_769 : vector<16xf32>
        %swap3A_772 = arith.index_cast %scan3A_695 : i32 to index
        %swap3A_773 = arith.constant 96 : index
        %swap3A_774 = tpu.vector_load %arg15[%swap3A_772, %swap3A_773] {strides = array<i32>} : memref<80x128xf32, #tpu.memory_space<vmem>>, vector<1x16xf32>,
        %swap3A_775 = vector.shape_cast %swap3A_774 : vector<1x16xf32> to vector<16xf32>
        %swap3A_776 = vector.shape_cast %add3A_771 : vector<16xf32> to vector<1x16xf32>
        tpu.vector_store %arg15[%swap3A_772, %swap3A_773], %swap3A_776 {strides = array<i32>} : memref<80x128xf32, #tpu.memory_space<vmem>>, vector<1x16xf32>,
        %get3A_777 = arith.index_cast %scan3A_695 : i32 to index
        %get3A_778 = arith.constant 112 : index
        %get3A_779 = tpu.vector_load %arg14[%get3A_777, %get3A_778] {strides = array<i32>} : memref<80x128xf32, #tpu.memory_space<vmem>>, vector<1x16xf32>,
        %get3A_780 = vector.shape_cast %get3A_779 : vector<1x16xf32> to vector<16xf32>
        %mul3A_781 = arith.mulf %add3A_688, %get3A_699 : vector<16xf32>
        %add3A_782 = arith.addf %mul3A_781, %get3A_780 : vector<16xf32>
        %swap3A_783 = arith.index_cast %scan3A_695 : i32 to index
        %swap3A_784 = arith.constant 112 : index
        %swap3A_785 = tpu.vector_load %arg15[%swap3A_783, %swap3A_784] {strides = array<i32>} : memref<80x128xf32, #tpu.memory_space<vmem>>, vector<1x16xf32>,
        %swap3A_786 = vector.shape_cast %swap3A_785 : vector<1x16xf32> to vector<16xf32>
        %swap3A_787 = vector.shape_cast %add3A_782 : vector<16xf32> to vector<1x16xf32>
        tpu.vector_store %arg15[%swap3A_783, %swap3A_784], %swap3A_787 {strides = array<i32>} : memref<80x128xf32, #tpu.memory_space<vmem>>, vector<1x16xf32>,
        %scan3A_788 = arith.constant 7 : i32
        %scan3A_789 = arith.addi %scan3A_124, %scan3A_788 : i32
        %get3A_790 = arith.index_cast %scan3A_789 : i32 to index
        %get3A_791 = arith.constant 0 : index
        %get3A_792 = tpu.vector_load %arg11[%get3A_790, %get3A_791] {strides = array<i32>} : memref<80x16xf32, #tpu.memory_space<vmem>>, vector<1x16xf32>,
        %get3A_793 = vector.shape_cast %get3A_792 : vector<1x16xf32> to vector<16xf32>
        %get3A_794 = arith.index_cast %scan3A_789 : i32 to index
        %get3A_795 = arith.constant 0 : index
        %get3A_796 = tpu.vector_load %arg14[%get3A_794, %get3A_795] {strides = array<i32>} : memref<80x128xf32, #tpu.memory_space<vmem>>, vector<1x16xf32>,
        %get3A_797 = vector.shape_cast %get3A_796 : vector<1x16xf32> to vector<16xf32>
        %mul3A_798 = arith.mulf %add3A_705, %get3A_793 : vector<16xf32>
        %add3A_799 = arith.addf %mul3A_798, %get3A_797 : vector<16xf32>
        %swap3A_800 = arith.index_cast %scan3A_789 : i32 to index
        %swap3A_801 = arith.constant 0 : index
        %swap3A_802 = tpu.vector_load %arg15[%swap3A_800, %swap3A_801] {strides = array<i32>} : memref<80x128xf32, #tpu.memory_space<vmem>>, vector<1x16xf32>,
        %swap3A_803 = vector.shape_cast %swap3A_802 : vector<1x16xf32> to vector<16xf32>
        %swap3A_804 = vector.shape_cast %add3A_799 : vector<16xf32> to vector<1x16xf32>
        tpu.vector_store %arg15[%swap3A_800, %swap3A_801], %swap3A_804 {strides = array<i32>} : memref<80x128xf32, #tpu.memory_space<vmem>>, vector<1x16xf32>,
        %get3A_805 = arith.index_cast %scan3A_789 : i32 to index
        %get3A_806 = arith.constant 16 : index
        %get3A_807 = tpu.vector_load %arg14[%get3A_805, %get3A_806] {strides = array<i32>} : memref<80x128xf32, #tpu.memory_space<vmem>>, vector<1x16xf32>,
        %get3A_808 = vector.shape_cast %get3A_807 : vector<1x16xf32> to vector<16xf32>
        %mul3A_809 = arith.mulf %add3A_716, %get3A_793 : vector<16xf32>
        %add3A_810 = arith.addf %mul3A_809, %get3A_808 : vector<16xf32>
        %swap3A_811 = arith.index_cast %scan3A_789 : i32 to index
        %swap3A_812 = arith.constant 16 : index
        %swap3A_813 = tpu.vector_load %arg15[%swap3A_811, %swap3A_812] {strides = array<i32>} : memref<80x128xf32, #tpu.memory_space<vmem>>, vector<1x16xf32>,
        %swap3A_814 = vector.shape_cast %swap3A_813 : vector<1x16xf32> to vector<16xf32>
        %swap3A_815 = vector.shape_cast %add3A_810 : vector<16xf32> to vector<1x16xf32>
        tpu.vector_store %arg15[%swap3A_811, %swap3A_812], %swap3A_815 {strides = array<i32>} : memref<80x128xf32, #tpu.memory_space<vmem>>, vector<1x16xf32>,
        %get3A_816 = arith.index_cast %scan3A_789 : i32 to index
        %get3A_817 = arith.constant 32 : index
        %get3A_818 = tpu.vector_load %arg14[%get3A_816, %get3A_817] {strides = array<i32>} : memref<80x128xf32, #tpu.memory_space<vmem>>, vector<1x16xf32>,
        %get3A_819 = vector.shape_cast %get3A_818 : vector<1x16xf32> to vector<16xf32>
        %mul3A_820 = arith.mulf %add3A_727, %get3A_793 : vector<16xf32>
        %add3A_821 = arith.addf %mul3A_820, %get3A_819 : vector<16xf32>
        %swap3A_822 = arith.index_cast %scan3A_789 : i32 to index
        %swap3A_823 = arith.constant 32 : index
        %swap3A_824 = tpu.vector_load %arg15[%swap3A_822, %swap3A_823] {strides = array<i32>} : memref<80x128xf32, #tpu.memory_space<vmem>>, vector<1x16xf32>,
        %swap3A_825 = vector.shape_cast %swap3A_824 : vector<1x16xf32> to vector<16xf32>
        %swap3A_826 = vector.shape_cast %add3A_821 : vector<16xf32> to vector<1x16xf32>
        tpu.vector_store %arg15[%swap3A_822, %swap3A_823], %swap3A_826 {strides = array<i32>} : memref<80x128xf32, #tpu.memory_space<vmem>>, vector<1x16xf32>,
        %get3A_827 = arith.index_cast %scan3A_789 : i32 to index
        %get3A_828 = arith.constant 48 : index
        %get3A_829 = tpu.vector_load %arg14[%get3A_827, %get3A_828] {strides = array<i32>} : memref<80x128xf32, #tpu.memory_space<vmem>>, vector<1x16xf32>,
        %get3A_830 = vector.shape_cast %get3A_829 : vector<1x16xf32> to vector<16xf32>
        %mul3A_831 = arith.mulf %add3A_738, %get3A_793 : vector<16xf32>
        %add3A_832 = arith.addf %mul3A_831, %get3A_830 : vector<16xf32>
        %swap3A_833 = arith.index_cast %scan3A_789 : i32 to index
        %swap3A_834 = arith.constant 48 : index
        %swap3A_835 = tpu.vector_load %arg15[%swap3A_833, %swap3A_834] {strides = array<i32>} : memref<80x128xf32, #tpu.memory_space<vmem>>, vector<1x16xf32>,
        %swap3A_836 = vector.shape_cast %swap3A_835 : vector<1x16xf32> to vector<16xf32>
        %swap3A_837 = vector.shape_cast %add3A_832 : vector<16xf32> to vector<1x16xf32>
        tpu.vector_store %arg15[%swap3A_833, %swap3A_834], %swap3A_837 {strides = array<i32>} : memref<80x128xf32, #tpu.memory_space<vmem>>, vector<1x16xf32>,
        %get3A_838 = arith.index_cast %scan3A_789 : i32 to index
        %get3A_839 = arith.constant 64 : index
        %get3A_840 = tpu.vector_load %arg14[%get3A_838, %get3A_839] {strides = array<i32>} : memref<80x128xf32, #tpu.memory_space<vmem>>, vector<1x16xf32>,
        %get3A_841 = vector.shape_cast %get3A_840 : vector<1x16xf32> to vector<16xf32>
        %mul3A_842 = arith.mulf %add3A_749, %get3A_793 : vector<16xf32>
        %add3A_843 = arith.addf %mul3A_842, %get3A_841 : vector<16xf32>
        %swap3A_844 = arith.index_cast %scan3A_789 : i32 to index
        %swap3A_845 = arith.constant 64 : index
        %swap3A_846 = tpu.vector_load %arg15[%swap3A_844, %swap3A_845] {strides = array<i32>} : memref<80x128xf32, #tpu.memory_space<vmem>>, vector<1x16xf32>,
        %swap3A_847 = vector.shape_cast %swap3A_846 : vector<1x16xf32> to vector<16xf32>
        %swap3A_848 = vector.shape_cast %add3A_843 : vector<16xf32> to vector<1x16xf32>
        tpu.vector_store %arg15[%swap3A_844, %swap3A_845], %swap3A_848 {strides = array<i32>} : memref<80x128xf32, #tpu.memory_space<vmem>>, vector<1x16xf32>,
        %get3A_849 = arith.index_cast %scan3A_789 : i32 to index
        %get3A_850 = arith.constant 80 : index
        %get3A_851 = tpu.vector_load %arg14[%get3A_849, %get3A_850] {strides = array<i32>} : memref<80x128xf32, #tpu.memory_space<vmem>>, vector<1x16xf32>,
        %get3A_852 = vector.shape_cast %get3A_851 : vector<1x16xf32> to vector<16xf32>
        %mul3A_853 = arith.mulf %add3A_760, %get3A_793 : vector<16xf32>
        %add3A_854 = arith.addf %mul3A_853, %get3A_852 : vector<16xf32>
        %swap3A_855 = arith.index_cast %scan3A_789 : i32 to index
        %swap3A_856 = arith.constant 80 : index
        %swap3A_857 = tpu.vector_load %arg15[%swap3A_855, %swap3A_856] {strides = array<i32>} : memref<80x128xf32, #tpu.memory_space<vmem>>, vector<1x16xf32>,
        %swap3A_858 = vector.shape_cast %swap3A_857 : vector<1x16xf32> to vector<16xf32>
        %swap3A_859 = vector.shape_cast %add3A_854 : vector<16xf32> to vector<1x16xf32>
        tpu.vector_store %arg15[%swap3A_855, %swap3A_856], %swap3A_859 {strides = array<i32>} : memref<80x128xf32, #tpu.memory_space<vmem>>, vector<1x16xf32>,
        %get3A_860 = arith.index_cast %scan3A_789 : i32 to index
        %get3A_861 = arith.constant 96 : index
        %get3A_862 = tpu.vector_load %arg14[%get3A_860, %get3A_861] {strides = array<i32>} : memref<80x128xf32, #tpu.memory_space<vmem>>, vector<1x16xf32>,
        %get3A_863 = vector.shape_cast %get3A_862 : vector<1x16xf32> to vector<16xf32>
        %mul3A_864 = arith.mulf %add3A_771, %get3A_793 : vector<16xf32>
        %add3A_865 = arith.addf %mul3A_864, %get3A_863 : vector<16xf32>
        %swap3A_866 = arith.index_cast %scan3A_789 : i32 to index
        %swap3A_867 = arith.constant 96 : index
        %swap3A_868 = tpu.vector_load %arg15[%swap3A_866, %swap3A_867] {strides = array<i32>} : memref<80x128xf32, #tpu.memory_space<vmem>>, vector<1x16xf32>,
        %swap3A_869 = vector.shape_cast %swap3A_868 : vector<1x16xf32> to vector<16xf32>
        %swap3A_870 = vector.shape_cast %add3A_865 : vector<16xf32> to vector<1x16xf32>
        tpu.vector_store %arg15[%swap3A_866, %swap3A_867], %swap3A_870 {strides = array<i32>} : memref<80x128xf32, #tpu.memory_space<vmem>>, vector<1x16xf32>,
        %get3A_871 = arith.index_cast %scan3A_789 : i32 to index
        %get3A_872 = arith.constant 112 : index
        %get3A_873 = tpu.vector_load %arg14[%get3A_871, %get3A_872] {strides = array<i32>} : memref<80x128xf32, #tpu.memory_space<vmem>>, vector<1x16xf32>,
        %get3A_874 = vector.shape_cast %get3A_873 : vector<1x16xf32> to vector<16xf32>
        %mul3A_875 = arith.mulf %add3A_782, %get3A_793 : vector<16xf32>
        %add3A_876 = arith.addf %mul3A_875, %get3A_874 : vector<16xf32>
        %swap3A_877 = arith.index_cast %scan3A_789 : i32 to index
        %swap3A_878 = arith.constant 112 : index
        %swap3A_879 = tpu.vector_load %arg15[%swap3A_877, %swap3A_878] {strides = array<i32>} : memref<80x128xf32, #tpu.memory_space<vmem>>, vector<1x16xf32>,
        %swap3A_880 = vector.shape_cast %swap3A_879 : vector<1x16xf32> to vector<16xf32>
        %swap3A_881 = vector.shape_cast %add3A_876 : vector<16xf32> to vector<1x16xf32>
        tpu.vector_store %arg15[%swap3A_877, %swap3A_878], %swap3A_881 {strides = array<i32>} : memref<80x128xf32, #tpu.memory_space<vmem>>, vector<1x16xf32>,
        scf.yield %add3A_799, %add3A_810, %add3A_821, %add3A_832, %add3A_843, %add3A_854, %add3A_865, %add3A_876 : vector<16xf32>, vector<16xf32>, vector<16xf32>, vector<16xf32>, vector<16xf32>, vector<16xf32>, vector<16xf32>, vector<16xf32>
      }
      %scan3A_113 = arith.constant 80 : i32
      %eq3A_114 = arith.constant 0 : i32
      %eq3A_115 = arith.cmpi eq, %arg0, %eq3A_114 : i32
      %convert_element_type3A_116 = arith.extui %eq3A_115 : i1 to i32
      %cond3A_117 = arith.constant 0 : i32
      %cond3A_118 = arith.cmpi ne, %convert_element_type3A_116, %cond3A_117 : i32
      scf.if %cond3A_118 {
        "tpu.region"() ({
          %run_scoped3A = tpu.sem_alloc : memref<!tpu.dma_semaphore, #tpu.memory_space<semaphore_mem>>
          %dma_start3A_124 = arith.constant 0 : i32
          %dma_start3A_125 = arith.constant 0 : i32
          %dma_start3A_126 = tpu.memref_slice %arg8[%dma_start3A_124, %dma_start3A_125] : memref<10160x128xf32, #tpu.memory_space<hbm>> -> memref<10160x128xf32, #tpu.memory_space<hbm>>
          tpu.enqueue_indirect_dma source(%arg15 : memref<80x128xf32, #tpu.memory_space<vmem>>) target(%dma_start3A_126 : memref<10160x128xf32, #tpu.memory_space<hbm>>) offsets(%arg12 : memref<80xi32, #tpu.memory_space<vmem>>) semaphore(%run_scoped3A : memref<!tpu.dma_semaphore, #tpu.memory_space<semaphore_mem>>)
          %dma_wait3A_127 = arith.constant 0 : i32
          %dma_wait3A_128 = arith.constant 0 : i32
          %dma_wait3A_129 = tpu.memref_slice %arg8[%dma_wait3A_127, %dma_wait3A_128] : memref<10160x128xf32, #tpu.memory_space<hbm>> -> memref<10160x128xf32, #tpu.memory_space<hbm>>
          tpu.wait_indirect_dma semaphore(%run_scoped3A : memref<!tpu.dma_semaphore, #tpu.memory_space<semaphore_mem>>) src(%arg15 : memref<80x128xf32, #tpu.memory_space<vmem>>) dst(%dma_wait3A_129 : memref<10160x128xf32, #tpu.memory_space<hbm>>)
          tpu.yield
        }) : () -> ()
      } else {
      }
      %eq3A_119 = arith.constant 1 : i32
      %eq3A_120 = arith.cmpi eq, %arg0, %eq3A_119 : i32
      %convert_element_type3A_121 = arith.extui %eq3A_120 : i1 to i32
      %cond3A_122 = arith.constant 0 : i32
      %cond3A_123 = arith.cmpi ne, %convert_element_type3A_121, %cond3A_122 : i32
      scf.if %cond3A_123 {
        "tpu.region"() ({
          %run_scoped3A = tpu.sem_alloc : memref<!tpu.dma_semaphore, #tpu.memory_space<semaphore_mem>>
          %dma_start3A_124 = arith.constant 0 : i32
          %dma_start3A_125 = arith.constant 0 : i32
          %dma_start3A_126 = tpu.memref_slice %arg9[%dma_start3A_124, %dma_start3A_125] : memref<10160x128xf32, #tpu.memory_space<hbm>> -> memref<10160x128xf32, #tpu.memory_space<hbm>>
          tpu.enqueue_indirect_dma source(%arg15 : memref<80x128xf32, #tpu.memory_space<vmem>>) target(%dma_start3A_126 : memref<10160x128xf32, #tpu.memory_space<hbm>>) offsets(%arg12 : memref<80xi32, #tpu.memory_space<vmem>>) semaphore(%run_scoped3A : memref<!tpu.dma_semaphore, #tpu.memory_space<semaphore_mem>>)
          %dma_wait3A_127 = arith.constant 0 : i32
          %dma_wait3A_128 = arith.constant 0 : i32
          %dma_wait3A_129 = tpu.memref_slice %arg9[%dma_wait3A_127, %dma_wait3A_128] : memref<10160x128xf32, #tpu.memory_space<hbm>> -> memref<10160x128xf32, #tpu.memory_space<hbm>>
          tpu.wait_indirect_dma semaphore(%run_scoped3A : memref<!tpu.dma_semaphore, #tpu.memory_space<semaphore_mem>>) src(%arg15 : memref<80x128xf32, #tpu.memory_space<vmem>>) dst(%dma_wait3A_129 : memref<10160x128xf32, #tpu.memory_space<hbm>>)
          tpu.yield
        }) : () -> ()
      } else {
      }
      scf.yield %scan3A_112#0, %scan3A_112#1, %scan3A_112#2, %scan3A_112#3, %scan3A_112#4, %scan3A_112#5, %scan3A_112#6, %scan3A_112#7 : vector<16xf32>, vector<16xf32>, vector<16xf32>, vector<16xf32>, vector<16xf32>, vector<16xf32>, vector<16xf32>, vector<16xf32>
    }
    %scan3A_32 = arith.constant 125 : i32
    %swap3A = arith.constant 0 : i32
    %swap3A_33 = arith.index_cast %swap3A : i32 to index
    %swap3A_34 = arith.constant 0 : index
    %swap3A_35 = tpu.vector_load %arg15[%swap3A_33, %swap3A_34] {strides = array<i32>} : memref<80x128xf32, #tpu.memory_space<vmem>>, vector<1x16xf32>,
    %swap3A_36 = vector.shape_cast %swap3A_35 : vector<1x16xf32> to vector<16xf32>
    %swap3A_37 = vector.shape_cast %scan3A_31#0 : vector<16xf32> to vector<1x16xf32>
    tpu.vector_store %arg15[%swap3A_33, %swap3A_34], %swap3A_37 {strides = array<i32>} : memref<80x128xf32, #tpu.memory_space<vmem>>, vector<1x16xf32>,
    %swap3A_38 = arith.constant 0 : i32
    %swap3A_39 = arith.index_cast %swap3A_38 : i32 to index
    %swap3A_40 = arith.constant 16 : index
    %swap3A_41 = tpu.vector_load %arg15[%swap3A_39, %swap3A_40] {strides = array<i32>} : memref<80x128xf32, #tpu.memory_space<vmem>>, vector<1x16xf32>,
    %swap3A_42 = vector.shape_cast %swap3A_41 : vector<1x16xf32> to vector<16xf32>
    %swap3A_43 = vector.shape_cast %scan3A_31#1 : vector<16xf32> to vector<1x16xf32>
    tpu.vector_store %arg15[%swap3A_39, %swap3A_40], %swap3A_43 {strides = array<i32>} : memref<80x128xf32, #tpu.memory_space<vmem>>, vector<1x16xf32>,
    %swap3A_44 = arith.constant 0 : i32
    %swap3A_45 = arith.index_cast %swap3A_44 : i32 to index
    %swap3A_46 = arith.constant 32 : index
    %swap3A_47 = tpu.vector_load %arg15[%swap3A_45, %swap3A_46] {strides = array<i32>} : memref<80x128xf32, #tpu.memory_space<vmem>>, vector<1x16xf32>,
    %swap3A_48 = vector.shape_cast %swap3A_47 : vector<1x16xf32> to vector<16xf32>
    %swap3A_49 = vector.shape_cast %scan3A_31#2 : vector<16xf32> to vector<1x16xf32>
    tpu.vector_store %arg15[%swap3A_45, %swap3A_46], %swap3A_49 {strides = array<i32>} : memref<80x128xf32, #tpu.memory_space<vmem>>, vector<1x16xf32>,
    %swap3A_50 = arith.constant 0 : i32
    %swap3A_51 = arith.index_cast %swap3A_50 : i32 to index
    %swap3A_52 = arith.constant 48 : index
    %swap3A_53 = tpu.vector_load %arg15[%swap3A_51, %swap3A_52] {strides = array<i32>} : memref<80x128xf32, #tpu.memory_space<vmem>>, vector<1x16xf32>,
    %swap3A_54 = vector.shape_cast %swap3A_53 : vector<1x16xf32> to vector<16xf32>
    %swap3A_55 = vector.shape_cast %scan3A_31#3 : vector<16xf32> to vector<1x16xf32>
    tpu.vector_store %arg15[%swap3A_51, %swap3A_52], %swap3A_55 {strides = array<i32>} : memref<80x128xf32, #tpu.memory_space<vmem>>, vector<1x16xf32>,
    %swap3A_56 = arith.constant 0 : i32
    %swap3A_57 = arith.index_cast %swap3A_56 : i32 to index
    %swap3A_58 = arith.constant 64 : index
    %swap3A_59 = tpu.vector_load %arg15[%swap3A_57, %swap3A_58] {strides = array<i32>} : memref<80x128xf32, #tpu.memory_space<vmem>>, vector<1x16xf32>,
    %swap3A_60 = vector.shape_cast %swap3A_59 : vector<1x16xf32> to vector<16xf32>
    %swap3A_61 = vector.shape_cast %scan3A_31#4 : vector<16xf32> to vector<1x16xf32>
    tpu.vector_store %arg15[%swap3A_57, %swap3A_58], %swap3A_61 {strides = array<i32>} : memref<80x128xf32, #tpu.memory_space<vmem>>, vector<1x16xf32>,
    %swap3A_62 = arith.constant 0 : i32
    %swap3A_63 = arith.index_cast %swap3A_62 : i32 to index
    %swap3A_64 = arith.constant 80 : index
    %swap3A_65 = tpu.vector_load %arg15[%swap3A_63, %swap3A_64] {strides = array<i32>} : memref<80x128xf32, #tpu.memory_space<vmem>>, vector<1x16xf32>,
    %swap3A_66 = vector.shape_cast %swap3A_65 : vector<1x16xf32> to vector<16xf32>
    %swap3A_67 = vector.shape_cast %scan3A_31#5 : vector<16xf32> to vector<1x16xf32>
    tpu.vector_store %arg15[%swap3A_63, %swap3A_64], %swap3A_67 {strides = array<i32>} : memref<80x128xf32, #tpu.memory_space<vmem>>, vector<1x16xf32>,
    %swap3A_68 = arith.constant 0 : i32
    %swap3A_69 = arith.index_cast %swap3A_68 : i32 to index
    %swap3A_70 = arith.constant 96 : index
    %swap3A_71 = tpu.vector_load %arg15[%swap3A_69, %swap3A_70] {strides = array<i32>} : memref<80x128xf32, #tpu.memory_space<vmem>>, vector<1x16xf32>,
    %swap3A_72 = vector.shape_cast %swap3A_71 : vector<1x16xf32> to vector<16xf32>
    %swap3A_73 = vector.shape_cast %scan3A_31#6 : vector<16xf32> to vector<1x16xf32>
    tpu.vector_store %arg15[%swap3A_69, %swap3A_70], %swap3A_73 {strides = array<i32>} : memref<80x128xf32, #tpu.memory_space<vmem>>, vector<1x16xf32>,
    %swap3A_74 = arith.constant 0 : i32
    %swap3A_75 = arith.index_cast %swap3A_74 : i32 to index
    %swap3A_76 = arith.constant 112 : index
    %swap3A_77 = tpu.vector_load %arg15[%swap3A_75, %swap3A_76] {strides = array<i32>} : memref<80x128xf32, #tpu.memory_space<vmem>>, vector<1x16xf32>,
    %swap3A_78 = vector.shape_cast %swap3A_77 : vector<1x16xf32> to vector<16xf32>
    %swap3A_79 = vector.shape_cast %scan3A_31#7 : vector<16xf32> to vector<1x16xf32>
    tpu.vector_store %arg15[%swap3A_75, %swap3A_76], %swap3A_79 {strides = array<i32>} : memref<80x128xf32, #tpu.memory_space<vmem>>, vector<1x16xf32>,
    %mul3A_80 = arith.constant 16 : i32
    %mul3A_81 = arith.muli %add3A, %mul3A_80 : i32
    "tpu.region"() ({
      %run_scoped3A = tpu.sem_alloc : memref<!tpu.dma_semaphore, #tpu.memory_space<semaphore_mem>>
      %dma_start3A = tpu.memref_slice %arg6[%mul3A_81] : memref<512xi32, #tpu.memory_space<hbm>> -> memref<16xi32, #tpu.memory_space<hbm>>
      %dma_start3A_92 = tpu.memref_slice %arg6[%mul3A_81] : memref<512xi32, #tpu.memory_space<hbm>> -> memref<16xi32, #tpu.memory_space<hbm>>
      tpu.enqueue_dma source(%dma_start3A_92 : memref<16xi32, #tpu.memory_space<hbm>>) target(%arg13 : memref<16xi32, #tpu.memory_space<vmem>>) target_semaphore(%run_scoped3A : memref<!tpu.dma_semaphore, #tpu.memory_space<semaphore_mem>>)
      %dma_wait3A = tpu.memref_slice %arg6[%mul3A_81] : memref<512xi32, #tpu.memory_space<hbm>> -> memref<16xi32, #tpu.memory_space<hbm>>
      %dma_wait3A_93 = tpu.memref_slice %arg6[%mul3A_81] : memref<512xi32, #tpu.memory_space<hbm>> -> memref<16xi32, #tpu.memory_space<hbm>>
      tpu.wait_dma2 semaphore(%run_scoped3A : memref<!tpu.dma_semaphore, #tpu.memory_space<semaphore_mem>>) src(%dma_wait3A_93 : memref<16xi32, #tpu.memory_space<hbm>>) dst(%arg13 : memref<16xi32, #tpu.memory_space<vmem>>)
      tpu.yield
    }) : () -> ()
    %eq3A_82 = arith.constant 0 : i32
    %eq3A_83 = arith.cmpi eq, %arg0, %eq3A_82 : i32
    %convert_element_type3A_84 = arith.extui %eq3A_83 : i1 to i32
    %cond3A_85 = arith.constant 0 : i32
    %cond3A_86 = arith.cmpi ne, %convert_element_type3A_84, %cond3A_85 : i32
    scf.if %cond3A_86 {
      "tpu.region"() ({
        %run_scoped3A = tpu.sem_alloc : memref<!tpu.dma_semaphore, #tpu.memory_space<semaphore_mem>>
        %dma_start3A = arith.constant 0 : i32
        %dma_start3A_92 = arith.constant 0 : i32
        %dma_start3A_93 = tpu.memref_slice %arg15[%dma_start3A, %dma_start3A_92] : memref<80x128xf32, #tpu.memory_space<vmem>> -> memref<16x128xf32, #tpu.memory_space<vmem>>
        %dma_start3A_94 = arith.constant 0 : i32
        %dma_start3A_95 = arith.constant 0 : i32
        %dma_start3A_96 = tpu.memref_slice %arg8[%dma_start3A_94, %dma_start3A_95] : memref<10160x128xf32, #tpu.memory_space<hbm>> -> memref<10160x128xf32, #tpu.memory_space<hbm>>
        tpu.enqueue_indirect_dma source(%dma_start3A_93 : memref<16x128xf32, #tpu.memory_space<vmem>>) target(%dma_start3A_96 : memref<10160x128xf32, #tpu.memory_space<hbm>>) offsets(%arg13 : memref<16xi32, #tpu.memory_space<vmem>>) semaphore(%run_scoped3A : memref<!tpu.dma_semaphore, #tpu.memory_space<semaphore_mem>>)
        %dma_wait3A = arith.constant 0 : i32
        %dma_wait3A_97 = arith.constant 0 : i32
        %dma_wait3A_98 = tpu.memref_slice %arg15[%dma_wait3A, %dma_wait3A_97] : memref<80x128xf32, #tpu.memory_space<vmem>> -> memref<16x128xf32, #tpu.memory_space<vmem>>
        %dma_wait3A_99 = arith.constant 0 : i32
        %dma_wait3A_100 = arith.constant 0 : i32
        %dma_wait3A_101 = tpu.memref_slice %arg8[%dma_wait3A_99, %dma_wait3A_100] : memref<10160x128xf32, #tpu.memory_space<hbm>> -> memref<10160x128xf32, #tpu.memory_space<hbm>>
        tpu.wait_indirect_dma semaphore(%run_scoped3A : memref<!tpu.dma_semaphore, #tpu.memory_space<semaphore_mem>>) src(%dma_wait3A_98 : memref<16x128xf32, #tpu.memory_space<vmem>>) dst(%dma_wait3A_101 : memref<10160x128xf32, #tpu.memory_space<hbm>>)
        tpu.yield
      }) : () -> ()
    } else {
    }
    %eq3A_87 = arith.constant 1 : i32
    %eq3A_88 = arith.cmpi eq, %arg0, %eq3A_87 : i32
    %convert_element_type3A_89 = arith.extui %eq3A_88 : i1 to i32
    %cond3A_90 = arith.constant 0 : i32
    %cond3A_91 = arith.cmpi ne, %convert_element_type3A_89, %cond3A_90 : i32
    scf.if %cond3A_91 {
      "tpu.region"() ({
        %run_scoped3A = tpu.sem_alloc : memref<!tpu.dma_semaphore, #tpu.memory_space<semaphore_mem>>
        %dma_start3A = arith.constant 0 : i32
        %dma_start3A_92 = arith.constant 0 : i32
        %dma_start3A_93 = tpu.memref_slice %arg15[%dma_start3A, %dma_start3A_92] : memref<80x128xf32, #tpu.memory_space<vmem>> -> memref<16x128xf32, #tpu.memory_space<vmem>>
        %dma_start3A_94 = arith.constant 0 : i32
        %dma_start3A_95 = arith.constant 0 : i32
        %dma_start3A_96 = tpu.memref_slice %arg9[%dma_start3A_94, %dma_start3A_95] : memref<10160x128xf32, #tpu.memory_space<hbm>> -> memref<10160x128xf32, #tpu.memory_space<hbm>>
        tpu.enqueue_indirect_dma source(%dma_start3A_93 : memref<16x128xf32, #tpu.memory_space<vmem>>) target(%dma_start3A_96 : memref<10160x128xf32, #tpu.memory_space<hbm>>) offsets(%arg13 : memref<16xi32, #tpu.memory_space<vmem>>) semaphore(%run_scoped3A : memref<!tpu.dma_semaphore, #tpu.memory_space<semaphore_mem>>)
        %dma_wait3A = arith.constant 0 : i32
        %dma_wait3A_97 = arith.constant 0 : i32
        %dma_wait3A_98 = tpu.memref_slice %arg15[%dma_wait3A, %dma_wait3A_97] : memref<80x128xf32, #tpu.memory_space<vmem>> -> memref<16x128xf32, #tpu.memory_space<vmem>>
        %dma_wait3A_99 = arith.constant 0 : i32
        %dma_wait3A_100 = arith.constant 0 : i32
        %dma_wait3A_101 = tpu.memref_slice %arg9[%dma_wait3A_99, %dma_wait3A_100] : memref<10160x128xf32, #tpu.memory_space<hbm>> -> memref<10160x128xf32, #tpu.memory_space<hbm>>
        tpu.wait_indirect_dma semaphore(%run_scoped3A : memref<!tpu.dma_semaphore, #tpu.memory_space<semaphore_mem>>) src(%dma_wait3A_98 : memref<16x128xf32, #tpu.memory_space<vmem>>) dst(%dma_wait3A_101 : memref<10160x128xf32, #tpu.memory_space<hbm>>)
        tpu.yield
      }) : () -> ()
    } else {
    }
    return
  }
}

#map = affine_map<(d0, d1) -> (0, 0)>
#map1 = affine_map<(d0, d1) -> (0)>
module attributes {stable_mosaic.version = 14 : i64} {
  func.func @_sc_agg_body(%arg0: i32, %arg1: i32, %arg2: memref<10000x128xf32, #tpu.memory_space<hbm>>, %arg3: memref<320000xi32, #tpu.memory_space<hbm>>, %arg4: memref<320000x16xf32, #tpu.memory_space<hbm>>, %arg5: memref<320000xi32, #tpu.memory_space<hbm>>, %arg6: memref<512xi32, #tpu.memory_space<hbm>>, %arg7: memref<10160x128xf32, #tpu.memory_space<hbm>>, %arg8: memref<10160x128xf32, #tpu.memory_space<hbm>>, %arg9: memref<10160x128xf32, #tpu.memory_space<hbm>>, %arg10: memref<80xi32, #tpu.memory_space<vmem>>, %arg11: memref<80x16xf32, #tpu.memory_space<vmem>>, %arg12: memref<80xi32, #tpu.memory_space<vmem>>, %arg13: memref<16xi32, #tpu.memory_space<vmem>>, %arg14: memref<80x128xf32, #tpu.memory_space<vmem>>, %arg15: memref<80x128xf32, #tpu.memory_space<vmem>>, %arg16: memref<!tpu.dma_semaphore, #tpu.memory_space<semaphore_mem>>) attributes {dimension_semantics = [#tpu.dimension_semantics<core_parallel>, #tpu.dimension_semantics<subcore_parallel>], iteration_bounds = array<i64: 2, 16>, scalar_prefetch = 0 : i64, scratch_operands = 7 : i64, tpu.core_type = #tpu.core_type<sc_vector_subcore>, window_params = [{transform_indices = #map}, {transform_indices = #map1}, {transform_indices = #map}, {transform_indices = #map1}, {transform_indices = #map1}, {transform_indices = #map}, {transform_indices = #map}, {transform_indices = #map}]} {
    %mul3A = arith.constant 16 : i32
    %mul3A_0 = arith.muli %arg0, %mul3A : i32
    %add3A = arith.addi %mul3A_0, %arg1 : i32
    %mul3A_1 = arith.constant 640 : i32
    %mul3A_2 = arith.muli %arg1, %mul3A_1 : i32
    %min3A = arith.constant 9520 : i32
    %min3A_3 = arith.minsi %mul3A_2, %min3A : i32
    %multiple_of3A = tpu.assume_multiple %min3A_3, 8 : i32
    %eq3A = arith.constant 0 : i32
    %eq3A_4 = arith.cmpi eq, %arg0, %eq3A : i32
    %convert_element_type3A = arith.extui %eq3A_4 : i1 to i32
    %cond3A = arith.constant 0 : i32
    %cond3A_5 = arith.cmpi ne, %convert_element_type3A, %cond3A : i32
    scf.if %cond3A_5 {
      "tpu.region"() ({
        %run_scoped3A = tpu.sem_alloc : memref<!tpu.dma_semaphore, #tpu.memory_space<semaphore_mem>>
        %dma_start3A = arith.constant 0 : i32
        %dma_start3A_92 = tpu.memref_slice %arg8[%multiple_of3A, %dma_start3A] : memref<10160x128xf32, #tpu.memory_space<hbm>> -> memref<640x128xf32, #tpu.memory_space<hbm>>
        %dma_start3A_93 = arith.constant 0 : i32
        %dma_start3A_94 = tpu.memref_slice %arg7[%multiple_of3A, %dma_start3A_93] : memref<10160x128xf32, #tpu.memory_space<hbm>> -> memref<640x128xf32, #tpu.memory_space<hbm>>
        tpu.enqueue_dma source(%dma_start3A_94 : memref<640x128xf32, #tpu.memory_space<hbm>>) target(%dma_start3A_92 : memref<640x128xf32, #tpu.memory_space<hbm>>) target_semaphore(%run_scoped3A : memref<!tpu.dma_semaphore, #tpu.memory_space<semaphore_mem>>)
        %dma_wait3A = arith.constant 0 : i32
        %dma_wait3A_95 = tpu.memref_slice %arg8[%multiple_of3A, %dma_wait3A] : memref<10160x128xf32, #tpu.memory_space<hbm>> -> memref<640x128xf32, #tpu.memory_space<hbm>>
        %dma_wait3A_96 = arith.constant 0 : i32
        %dma_wait3A_97 = tpu.memref_slice %arg7[%multiple_of3A, %dma_wait3A_96] : memref<10160x128xf32, #tpu.memory_space<hbm>> -> memref<640x128xf32, #tpu.memory_space<hbm>>
        tpu.wait_dma2 semaphore(%run_scoped3A : memref<!tpu.dma_semaphore, #tpu.memory_space<semaphore_mem>>) src(%dma_wait3A_97 : memref<640x128xf32, #tpu.memory_space<hbm>>) dst(%dma_wait3A_95 : memref<640x128xf32, #tpu.memory_space<hbm>>)
        tpu.yield
      }) : () -> ()
    } else {
    }
    %eq3A_6 = arith.constant 1 : i32
    %eq3A_7 = arith.cmpi eq, %arg0, %eq3A_6 : i32
    %convert_element_type3A_8 = arith.extui %eq3A_7 : i1 to i32
    %cond3A_9 = arith.constant 0 : i32
    %cond3A_10 = arith.cmpi ne, %convert_element_type3A_8, %cond3A_9 : i32
    scf.if %cond3A_10 {
      "tpu.region"() ({
        %run_scoped3A = tpu.sem_alloc : memref<!tpu.dma_semaphore, #tpu.memory_space<semaphore_mem>>
        %dma_start3A = arith.constant 0 : i32
        %dma_start3A_92 = tpu.memref_slice %arg9[%multiple_of3A, %dma_start3A] : memref<10160x128xf32, #tpu.memory_space<hbm>> -> memref<640x128xf32, #tpu.memory_space<hbm>>
        %dma_start3A_93 = arith.constant 0 : i32
        %dma_start3A_94 = tpu.memref_slice %arg7[%multiple_of3A, %dma_start3A_93] : memref<10160x128xf32, #tpu.memory_space<hbm>> -> memref<640x128xf32, #tpu.memory_space<hbm>>
        tpu.enqueue_dma source(%dma_start3A_94 : memref<640x128xf32, #tpu.memory_space<hbm>>) target(%dma_start3A_92 : memref<640x128xf32, #tpu.memory_space<hbm>>) target_semaphore(%run_scoped3A : memref<!tpu.dma_semaphore, #tpu.memory_space<semaphore_mem>>)
        %dma_wait3A = arith.constant 0 : i32
        %dma_wait3A_95 = tpu.memref_slice %arg9[%multiple_of3A, %dma_wait3A] : memref<10160x128xf32, #tpu.memory_space<hbm>> -> memref<640x128xf32, #tpu.memory_space<hbm>>
        %dma_wait3A_96 = arith.constant 0 : i32
        %dma_wait3A_97 = tpu.memref_slice %arg7[%multiple_of3A, %dma_wait3A_96] : memref<10160x128xf32, #tpu.memory_space<hbm>> -> memref<640x128xf32, #tpu.memory_space<hbm>>
        tpu.wait_dma2 semaphore(%run_scoped3A : memref<!tpu.dma_semaphore, #tpu.memory_space<semaphore_mem>>) src(%dma_wait3A_97 : memref<640x128xf32, #tpu.memory_space<hbm>>) dst(%dma_wait3A_95 : memref<640x128xf32, #tpu.memory_space<hbm>>)
        tpu.yield
      }) : () -> ()
    } else {
    }
    %barrier3A = arith.constant 0 : index
    tpu.barrier barrier_id(%barrier3A)
    %mul3A_11 = arith.constant 10000 : i32
    %mul3A_12 = arith.muli %add3A, %mul3A_11 : i32
    %broadcast_in_dim3A = arith.constant 0.000000e+00 : f32
    %broadcast_in_dim3A_13 = vector.broadcast %broadcast_in_dim3A : f32 to vector<16xf32>
    %broadcast_in_dim3A_14 = arith.constant 0.000000e+00 : f32
    %broadcast_in_dim3A_15 = vector.broadcast %broadcast_in_dim3A_14 : f32 to vector<16xf32>
    %broadcast_in_dim3A_16 = arith.constant 0.000000e+00 : f32
    %broadcast_in_dim3A_17 = vector.broadcast %broadcast_in_dim3A_16 : f32 to vector<16xf32>
    %broadcast_in_dim3A_18 = arith.constant 0.000000e+00 : f32
    %broadcast_in_dim3A_19 = vector.broadcast %broadcast_in_dim3A_18 : f32 to vector<16xf32>
    %broadcast_in_dim3A_20 = arith.constant 0.000000e+00 : f32
    %broadcast_in_dim3A_21 = vector.broadcast %broadcast_in_dim3A_20 : f32 to vector<16xf32>
    %broadcast_in_dim3A_22 = arith.constant 0.000000e+00 : f32
    %broadcast_in_dim3A_23 = vector.broadcast %broadcast_in_dim3A_22 : f32 to vector<16xf32>
    %broadcast_in_dim3A_24 = arith.constant 0.000000e+00 : f32
    %broadcast_in_dim3A_25 = vector.broadcast %broadcast_in_dim3A_24 : f32 to vector<16xf32>
    %broadcast_in_dim3A_26 = arith.constant 0.000000e+00 : f32
    %broadcast_in_dim3A_27 = vector.broadcast %broadcast_in_dim3A_26 : f32 to vector<16xf32>
    %scan3A = arith.constant 0 : i32
    %scan3A_28 = arith.constant 125 : i32
    %scan3A_29 = arith.addi %scan3A, %scan3A_28 : i32
    %scan3A_30 = arith.constant 1 : i32
    %scan3A_31:8 = scf.for %scan3A_92 = %scan3A to %scan3A_29 step %scan3A_30 iter_args(%scan3A_93 = %broadcast_in_dim3A_13, %scan3A_94 = %broadcast_in_dim3A_15, %scan3A_95 = %broadcast_in_dim3A_17, %scan3A_96 = %broadcast_in_dim3A_19, %scan3A_97 = %broadcast_in_dim3A_21, %scan3A_98 = %broadcast_in_dim3A_23, %scan3A_99 = %broadcast_in_dim3A_25, %scan3A_100 = %broadcast_in_dim3A_27) -> (vector<16xf32>, vector<16xf32>, vector<16xf32>, vector<16xf32>, vector<16xf32>, vector<16xf32>, vector<16xf32>, vector<16xf32>)  : i32 {
      %mul3A_101 = arith.constant 80 : i32
      %mul3A_102 = arith.muli %scan3A_92, %mul3A_101 : i32
      %add3A_103 = arith.addi %mul3A_12, %mul3A_102 : i32
      "tpu.region"() ({
        %run_scoped3A = tpu.sem_alloc : memref<!tpu.dma_semaphore, #tpu.memory_space<semaphore_mem>>
        %dma_start3A_124 = tpu.memref_slice %arg3[%add3A_103] : memref<320000xi32, #tpu.memory_space<hbm>> -> memref<80xi32, #tpu.memory_space<hbm>>
        %dma_start3A_125 = tpu.memref_slice %arg3[%add3A_103] : memref<320000xi32, #tpu.memory_space<hbm>> -> memref<80xi32, #tpu.memory_space<hbm>>
        tpu.enqueue_dma source(%dma_start3A_125 : memref<80xi32, #tpu.memory_space<hbm>>) target(%arg10 : memref<80xi32, #tpu.memory_space<vmem>>) target_semaphore(%run_scoped3A : memref<!tpu.dma_semaphore, #tpu.memory_space<semaphore_mem>>)
        %dma_wait3A_126 = tpu.memref_slice %arg3[%add3A_103] : memref<320000xi32, #tpu.memory_space<hbm>> -> memref<80xi32, #tpu.memory_space<hbm>>
        %dma_wait3A_127 = tpu.memref_slice %arg3[%add3A_103] : memref<320000xi32, #tpu.memory_space<hbm>> -> memref<80xi32, #tpu.memory_space<hbm>>
        tpu.wait_dma2 semaphore(%run_scoped3A : memref<!tpu.dma_semaphore, #tpu.memory_space<semaphore_mem>>) src(%dma_wait3A_127 : memref<80xi32, #tpu.memory_space<hbm>>) dst(%arg10 : memref<80xi32, #tpu.memory_space<vmem>>)
        tpu.yield
      }) : () -> ()
      "tpu.region"() ({
        %run_scoped3A = tpu.sem_alloc : memref<!tpu.dma_semaphore, #tpu.memory_space<semaphore_mem>>
        %dma_start3A_124 = arith.constant 0 : i32
        %dma_start3A_125 = tpu.memref_slice %arg4[%add3A_103, %dma_start3A_124] : memref<320000x16xf32, #tpu.memory_space<hbm>> -> memref<80x16xf32, #tpu.memory_space<hbm>>
        %dma_start3A_126 = arith.constant 0 : i32
        %dma_start3A_127 = tpu.memref_slice %arg4[%add3A_103, %dma_start3A_126] : memref<320000x16xf32, #tpu.memory_space<hbm>> -> memref<80x16xf32, #tpu.memory_space<hbm>>
        tpu.enqueue_dma source(%dma_start3A_127 : memref<80x16xf32, #tpu.memory_space<hbm>>) target(%arg11 : memref<80x16xf32, #tpu.memory_space<vmem>>) target_semaphore(%run_scoped3A : memref<!tpu.dma_semaphore, #tpu.memory_space<semaphore_mem>>)
        %dma_wait3A_128 = arith.constant 0 : i32
        %dma_wait3A_129 = tpu.memref_slice %arg4[%add3A_103, %dma_wait3A_128] : memref<320000x16xf32, #tpu.memory_space<hbm>> -> memref<80x16xf32, #tpu.memory_space<hbm>>
        %dma_wait3A_130 = arith.constant 0 : i32
        %dma_wait3A_131 = tpu.memref_slice %arg4[%add3A_103, %dma_wait3A_130] : memref<320000x16xf32, #tpu.memory_space<hbm>> -> memref<80x16xf32, #tpu.memory_space<hbm>>
        tpu.wait_dma2 semaphore(%run_scoped3A : memref<!tpu.dma_semaphore, #tpu.memory_space<semaphore_mem>>) src(%dma_wait3A_131 : memref<80x16xf32, #tpu.memory_space<hbm>>) dst(%arg11 : memref<80x16xf32, #tpu.memory_space<vmem>>)
        tpu.yield
      }) : () -> ()
      "tpu.region"() ({
        %run_scoped3A = tpu.sem_alloc : memref<!tpu.dma_semaphore, #tpu.memory_space<semaphore_mem>>
        %dma_start3A_124 = tpu.memref_slice %arg5[%add3A_103] : memref<320000xi32, #tpu.memory_space<hbm>> -> memref<80xi32, #tpu.memory_space<hbm>>
        %dma_start3A_125 = tpu.memref_slice %arg5[%add3A_103] : memref<320000xi32, #tpu.memory_space<hbm>> -> memref<80xi32, #tpu.memory_space<hbm>>
        tpu.enqueue_dma source(%dma_start3A_125 : memref<80xi32, #tpu.memory_space<hbm>>) target(%arg12 : memref<80xi32, #tpu.memory_space<vmem>>) target_semaphore(%run_scoped3A : memref<!tpu.dma_semaphore, #tpu.memory_space<semaphore_mem>>)
        %dma_wait3A_126 = tpu.memref_slice %arg5[%add3A_103] : memref<320000xi32, #tpu.memory_space<hbm>> -> memref<80xi32, #tpu.memory_space<hbm>>
        %dma_wait3A_127 = tpu.memref_slice %arg5[%add3A_103] : memref<320000xi32, #tpu.memory_space<hbm>> -> memref<80xi32, #tpu.memory_space<hbm>>
        tpu.wait_dma2 semaphore(%run_scoped3A : memref<!tpu.dma_semaphore, #tpu.memory_space<semaphore_mem>>) src(%dma_wait3A_127 : memref<80xi32, #tpu.memory_space<hbm>>) dst(%arg12 : memref<80xi32, #tpu.memory_space<vmem>>)
        tpu.yield
      }) : () -> ()
      %dma_start3A = arith.constant 0 : i32
      %dma_start3A_104 = arith.constant 0 : i32
      %dma_start3A_105 = tpu.memref_slice %arg2[%dma_start3A, %dma_start3A_104] : memref<10000x128xf32, #tpu.memory_space<hbm>> -> memref<10000x128xf32, #tpu.memory_space<hbm>>
      tpu.enqueue_indirect_dma source(%dma_start3A_105 : memref<10000x128xf32, #tpu.memory_space<hbm>>) target(%arg14 : memref<80x128xf32, #tpu.memory_space<vmem>>) offsets(%arg10 : memref<80xi32, #tpu.memory_space<vmem>>) semaphore(%arg16 : memref<!tpu.dma_semaphore, #tpu.memory_space<semaphore_mem>>)
      %dma_wait3A = arith.constant 0 : i32
      %dma_wait3A_106 = arith.constant 0 : i32
      %dma_wait3A_107 = tpu.memref_slice %arg2[%dma_wait3A, %dma_wait3A_106] : memref<10000x128xf32, #tpu.memory_space<hbm>> -> memref<10000x128xf32, #tpu.memory_space<hbm>>
      tpu.wait_indirect_dma semaphore(%arg16 : memref<!tpu.dma_semaphore, #tpu.memory_space<semaphore_mem>>) src(%dma_wait3A_107 : memref<10000x128xf32, #tpu.memory_space<hbm>>) dst(%arg14 : memref<80x128xf32, #tpu.memory_space<vmem>>)
      %scan3A_108 = arith.constant 0 : i32
      %scan3A_109 = arith.constant 80 : i32
      %scan3A_110 = arith.addi %scan3A_108, %scan3A_109 : i32
      %scan3A_111 = arith.constant 8 : i32
      %scan3A_112:8 = scf.for %scan3A_124 = %scan3A_108 to %scan3A_110 step %scan3A_111 iter_args(%scan3A_125 = %scan3A_93, %scan3A_126 = %scan3A_94, %scan3A_127 = %scan3A_95, %scan3A_128 = %scan3A_96, %scan3A_129 = %scan3A_97, %scan3A_130 = %scan3A_98, %scan3A_131 = %scan3A_99, %scan3A_132 = %scan3A_100) -> (vector<16xf32>, vector<16xf32>, vector<16xf32>, vector<16xf32>, vector<16xf32>, vector<16xf32>, vector<16xf32>, vector<16xf32>)  : i32 {
        %get3A = arith.index_cast %scan3A_124 : i32 to index
        %get3A_133 = arith.constant 0 : index
        %get3A_134 = tpu.vector_load %arg11[%get3A, %get3A_133] {strides = array<i32>} : memref<80x16xf32, #tpu.memory_space<vmem>>, vector<1x16xf32>,
        %get3A_135 = vector.shape_cast %get3A_134 : vector<1x16xf32> to vector<16xf32>
        %get3A_136 = arith.index_cast %scan3A_124 : i32 to index
        %get3A_137 = arith.constant 0 : index
        %get3A_138 = tpu.vector_load %arg14[%get3A_136, %get3A_137] {strides = array<i32>} : memref<80x128xf32, #tpu.memory_space<vmem>>, vector<1x16xf32>,
        %get3A_139 = vector.shape_cast %get3A_138 : vector<1x16xf32> to vector<16xf32>
        %mul3A_140 = arith.mulf %scan3A_125, %get3A_135 : vector<16xf32>
        %add3A_141 = arith.addf %mul3A_140, %get3A_139 : vector<16xf32>
        %swap3A_142 = arith.index_cast %scan3A_124 : i32 to index
        %swap3A_143 = arith.constant 0 : index
        %swap3A_144 = tpu.vector_load %arg15[%swap3A_142, %swap3A_143] {strides = array<i32>} : memref<80x128xf32, #tpu.memory_space<vmem>>, vector<1x16xf32>,
        %swap3A_145 = vector.shape_cast %swap3A_144 : vector<1x16xf32> to vector<16xf32>
        %swap3A_146 = vector.shape_cast %add3A_141 : vector<16xf32> to vector<1x16xf32>
        tpu.vector_store %arg15[%swap3A_142, %swap3A_143], %swap3A_146 {strides = array<i32>} : memref<80x128xf32, #tpu.memory_space<vmem>>, vector<1x16xf32>,
        %get3A_147 = arith.index_cast %scan3A_124 : i32 to index
        %get3A_148 = arith.constant 16 : index
        %get3A_149 = tpu.vector_load %arg14[%get3A_147, %get3A_148] {strides = array<i32>} : memref<80x128xf32, #tpu.memory_space<vmem>>, vector<1x16xf32>,
        %get3A_150 = vector.shape_cast %get3A_149 : vector<1x16xf32> to vector<16xf32>
        %mul3A_151 = arith.mulf %scan3A_126, %get3A_135 : vector<16xf32>
        %add3A_152 = arith.addf %mul3A_151, %get3A_150 : vector<16xf32>
        %swap3A_153 = arith.index_cast %scan3A_124 : i32 to index
        %swap3A_154 = arith.constant 16 : index
        %swap3A_155 = tpu.vector_load %arg15[%swap3A_153, %swap3A_154] {strides = array<i32>} : memref<80x128xf32, #tpu.memory_space<vmem>>, vector<1x16xf32>,
        %swap3A_156 = vector.shape_cast %swap3A_155 : vector<1x16xf32> to vector<16xf32>
        %swap3A_157 = vector.shape_cast %add3A_152 : vector<16xf32> to vector<1x16xf32>
        tpu.vector_store %arg15[%swap3A_153, %swap3A_154], %swap3A_157 {strides = array<i32>} : memref<80x128xf32, #tpu.memory_space<vmem>>, vector<1x16xf32>,
        %get3A_158 = arith.index_cast %scan3A_124 : i32 to index
        %get3A_159 = arith.constant 32 : index
        %get3A_160 = tpu.vector_load %arg14[%get3A_158, %get3A_159] {strides = array<i32>} : memref<80x128xf32, #tpu.memory_space<vmem>>, vector<1x16xf32>,
        %get3A_161 = vector.shape_cast %get3A_160 : vector<1x16xf32> to vector<16xf32>
        %mul3A_162 = arith.mulf %scan3A_127, %get3A_135 : vector<16xf32>
        %add3A_163 = arith.addf %mul3A_162, %get3A_161 : vector<16xf32>
        %swap3A_164 = arith.index_cast %scan3A_124 : i32 to index
        %swap3A_165 = arith.constant 32 : index
        %swap3A_166 = tpu.vector_load %arg15[%swap3A_164, %swap3A_165] {strides = array<i32>} : memref<80x128xf32, #tpu.memory_space<vmem>>, vector<1x16xf32>,
        %swap3A_167 = vector.shape_cast %swap3A_166 : vector<1x16xf32> to vector<16xf32>
        %swap3A_168 = vector.shape_cast %add3A_163 : vector<16xf32> to vector<1x16xf32>
        tpu.vector_store %arg15[%swap3A_164, %swap3A_165], %swap3A_168 {strides = array<i32>} : memref<80x128xf32, #tpu.memory_space<vmem>>, vector<1x16xf32>,
        %get3A_169 = arith.index_cast %scan3A_124 : i32 to index
        %get3A_170 = arith.constant 48 : index
        %get3A_171 = tpu.vector_load %arg14[%get3A_169, %get3A_170] {strides = array<i32>} : memref<80x128xf32, #tpu.memory_space<vmem>>, vector<1x16xf32>,
        %get3A_172 = vector.shape_cast %get3A_171 : vector<1x16xf32> to vector<16xf32>
        %mul3A_173 = arith.mulf %scan3A_128, %get3A_135 : vector<16xf32>
        %add3A_174 = arith.addf %mul3A_173, %get3A_172 : vector<16xf32>
        %swap3A_175 = arith.index_cast %scan3A_124 : i32 to index
        %swap3A_176 = arith.constant 48 : index
        %swap3A_177 = tpu.vector_load %arg15[%swap3A_175, %swap3A_176] {strides = array<i32>} : memref<80x128xf32, #tpu.memory_space<vmem>>, vector<1x16xf32>,
        %swap3A_178 = vector.shape_cast %swap3A_177 : vector<1x16xf32> to vector<16xf32>
        %swap3A_179 = vector.shape_cast %add3A_174 : vector<16xf32> to vector<1x16xf32>
        tpu.vector_store %arg15[%swap3A_175, %swap3A_176], %swap3A_179 {strides = array<i32>} : memref<80x128xf32, #tpu.memory_space<vmem>>, vector<1x16xf32>,
        %get3A_180 = arith.index_cast %scan3A_124 : i32 to index
        %get3A_181 = arith.constant 64 : index
        %get3A_182 = tpu.vector_load %arg14[%get3A_180, %get3A_181] {strides = array<i32>} : memref<80x128xf32, #tpu.memory_space<vmem>>, vector<1x16xf32>,
        %get3A_183 = vector.shape_cast %get3A_182 : vector<1x16xf32> to vector<16xf32>
        %mul3A_184 = arith.mulf %scan3A_129, %get3A_135 : vector<16xf32>
        %add3A_185 = arith.addf %mul3A_184, %get3A_183 : vector<16xf32>
        %swap3A_186 = arith.index_cast %scan3A_124 : i32 to index
        %swap3A_187 = arith.constant 64 : index
        %swap3A_188 = tpu.vector_load %arg15[%swap3A_186, %swap3A_187] {strides = array<i32>} : memref<80x128xf32, #tpu.memory_space<vmem>>, vector<1x16xf32>,
        %swap3A_189 = vector.shape_cast %swap3A_188 : vector<1x16xf32> to vector<16xf32>
        %swap3A_190 = vector.shape_cast %add3A_185 : vector<16xf32> to vector<1x16xf32>
        tpu.vector_store %arg15[%swap3A_186, %swap3A_187], %swap3A_190 {strides = array<i32>} : memref<80x128xf32, #tpu.memory_space<vmem>>, vector<1x16xf32>,
        %get3A_191 = arith.index_cast %scan3A_124 : i32 to index
        %get3A_192 = arith.constant 80 : index
        %get3A_193 = tpu.vector_load %arg14[%get3A_191, %get3A_192] {strides = array<i32>} : memref<80x128xf32, #tpu.memory_space<vmem>>, vector<1x16xf32>,
        %get3A_194 = vector.shape_cast %get3A_193 : vector<1x16xf32> to vector<16xf32>
        %mul3A_195 = arith.mulf %scan3A_130, %get3A_135 : vector<16xf32>
        %add3A_196 = arith.addf %mul3A_195, %get3A_194 : vector<16xf32>
        %swap3A_197 = arith.index_cast %scan3A_124 : i32 to index
        %swap3A_198 = arith.constant 80 : index
        %swap3A_199 = tpu.vector_load %arg15[%swap3A_197, %swap3A_198] {strides = array<i32>} : memref<80x128xf32, #tpu.memory_space<vmem>>, vector<1x16xf32>,
        %swap3A_200 = vector.shape_cast %swap3A_199 : vector<1x16xf32> to vector<16xf32>
        %swap3A_201 = vector.shape_cast %add3A_196 : vector<16xf32> to vector<1x16xf32>
        tpu.vector_store %arg15[%swap3A_197, %swap3A_198], %swap3A_201 {strides = array<i32>} : memref<80x128xf32, #tpu.memory_space<vmem>>, vector<1x16xf32>,
        %get3A_202 = arith.index_cast %scan3A_124 : i32 to index
        %get3A_203 = arith.constant 96 : index
        %get3A_204 = tpu.vector_load %arg14[%get3A_202, %get3A_203] {strides = array<i32>} : memref<80x128xf32, #tpu.memory_space<vmem>>, vector<1x16xf32>,
        %get3A_205 = vector.shape_cast %get3A_204 : vector<1x16xf32> to vector<16xf32>
        %mul3A_206 = arith.mulf %scan3A_131, %get3A_135 : vector<16xf32>
        %add3A_207 = arith.addf %mul3A_206, %get3A_205 : vector<16xf32>
        %swap3A_208 = arith.index_cast %scan3A_124 : i32 to index
        %swap3A_209 = arith.constant 96 : index
        %swap3A_210 = tpu.vector_load %arg15[%swap3A_208, %swap3A_209] {strides = array<i32>} : memref<80x128xf32, #tpu.memory_space<vmem>>, vector<1x16xf32>,
        %swap3A_211 = vector.shape_cast %swap3A_210 : vector<1x16xf32> to vector<16xf32>
        %swap3A_212 = vector.shape_cast %add3A_207 : vector<16xf32> to vector<1x16xf32>
        tpu.vector_store %arg15[%swap3A_208, %swap3A_209], %swap3A_212 {strides = array<i32>} : memref<80x128xf32, #tpu.memory_space<vmem>>, vector<1x16xf32>,
        %get3A_213 = arith.index_cast %scan3A_124 : i32 to index
        %get3A_214 = arith.constant 112 : index
        %get3A_215 = tpu.vector_load %arg14[%get3A_213, %get3A_214] {strides = array<i32>} : memref<80x128xf32, #tpu.memory_space<vmem>>, vector<1x16xf32>,
        %get3A_216 = vector.shape_cast %get3A_215 : vector<1x16xf32> to vector<16xf32>
        %mul3A_217 = arith.mulf %scan3A_132, %get3A_135 : vector<16xf32>
        %add3A_218 = arith.addf %mul3A_217, %get3A_216 : vector<16xf32>
        %swap3A_219 = arith.index_cast %scan3A_124 : i32 to index
        %swap3A_220 = arith.constant 112 : index
        %swap3A_221 = tpu.vector_load %arg15[%swap3A_219, %swap3A_220] {strides = array<i32>} : memref<80x128xf32, #tpu.memory_space<vmem>>, vector<1x16xf32>,
        %swap3A_222 = vector.shape_cast %swap3A_221 : vector<1x16xf32> to vector<16xf32>
        %swap3A_223 = vector.shape_cast %add3A_218 : vector<16xf32> to vector<1x16xf32>
        tpu.vector_store %arg15[%swap3A_219, %swap3A_220], %swap3A_223 {strides = array<i32>} : memref<80x128xf32, #tpu.memory_space<vmem>>, vector<1x16xf32>,
        %scan3A_224 = arith.constant 1 : i32
        %scan3A_225 = arith.addi %scan3A_124, %scan3A_224 : i32
        %get3A_226 = arith.index_cast %scan3A_225 : i32 to index
        %get3A_227 = arith.constant 0 : index
        %get3A_228 = tpu.vector_load %arg11[%get3A_226, %get3A_227] {strides = array<i32>} : memref<80x16xf32, #tpu.memory_space<vmem>>, vector<1x16xf32>,
        %get3A_229 = vector.shape_cast %get3A_228 : vector<1x16xf32> to vector<16xf32>
        %get3A_230 = arith.index_cast %scan3A_225 : i32 to index
        %get3A_231 = arith.constant 0 : index
        %get3A_232 = tpu.vector_load %arg14[%get3A_230, %get3A_231] {strides = array<i32>} : memref<80x128xf32, #tpu.memory_space<vmem>>, vector<1x16xf32>,
        %get3A_233 = vector.shape_cast %get3A_232 : vector<1x16xf32> to vector<16xf32>
        %mul3A_234 = arith.mulf %add3A_141, %get3A_229 : vector<16xf32>
        %add3A_235 = arith.addf %mul3A_234, %get3A_233 : vector<16xf32>
        %swap3A_236 = arith.index_cast %scan3A_225 : i32 to index
        %swap3A_237 = arith.constant 0 : index
        %swap3A_238 = tpu.vector_load %arg15[%swap3A_236, %swap3A_237] {strides = array<i32>} : memref<80x128xf32, #tpu.memory_space<vmem>>, vector<1x16xf32>,
        %swap3A_239 = vector.shape_cast %swap3A_238 : vector<1x16xf32> to vector<16xf32>
        %swap3A_240 = vector.shape_cast %add3A_235 : vector<16xf32> to vector<1x16xf32>
        tpu.vector_store %arg15[%swap3A_236, %swap3A_237], %swap3A_240 {strides = array<i32>} : memref<80x128xf32, #tpu.memory_space<vmem>>, vector<1x16xf32>,
        %get3A_241 = arith.index_cast %scan3A_225 : i32 to index
        %get3A_242 = arith.constant 16 : index
        %get3A_243 = tpu.vector_load %arg14[%get3A_241, %get3A_242] {strides = array<i32>} : memref<80x128xf32, #tpu.memory_space<vmem>>, vector<1x16xf32>,
        %get3A_244 = vector.shape_cast %get3A_243 : vector<1x16xf32> to vector<16xf32>
        %mul3A_245 = arith.mulf %add3A_152, %get3A_229 : vector<16xf32>
        %add3A_246 = arith.addf %mul3A_245, %get3A_244 : vector<16xf32>
        %swap3A_247 = arith.index_cast %scan3A_225 : i32 to index
        %swap3A_248 = arith.constant 16 : index
        %swap3A_249 = tpu.vector_load %arg15[%swap3A_247, %swap3A_248] {strides = array<i32>} : memref<80x128xf32, #tpu.memory_space<vmem>>, vector<1x16xf32>,
        %swap3A_250 = vector.shape_cast %swap3A_249 : vector<1x16xf32> to vector<16xf32>
        %swap3A_251 = vector.shape_cast %add3A_246 : vector<16xf32> to vector<1x16xf32>
        tpu.vector_store %arg15[%swap3A_247, %swap3A_248], %swap3A_251 {strides = array<i32>} : memref<80x128xf32, #tpu.memory_space<vmem>>, vector<1x16xf32>,
        %get3A_252 = arith.index_cast %scan3A_225 : i32 to index
        %get3A_253 = arith.constant 32 : index
        %get3A_254 = tpu.vector_load %arg14[%get3A_252, %get3A_253] {strides = array<i32>} : memref<80x128xf32, #tpu.memory_space<vmem>>, vector<1x16xf32>,
        %get3A_255 = vector.shape_cast %get3A_254 : vector<1x16xf32> to vector<16xf32>
        %mul3A_256 = arith.mulf %add3A_163, %get3A_229 : vector<16xf32>
        %add3A_257 = arith.addf %mul3A_256, %get3A_255 : vector<16xf32>
        %swap3A_258 = arith.index_cast %scan3A_225 : i32 to index
        %swap3A_259 = arith.constant 32 : index
        %swap3A_260 = tpu.vector_load %arg15[%swap3A_258, %swap3A_259] {strides = array<i32>} : memref<80x128xf32, #tpu.memory_space<vmem>>, vector<1x16xf32>,
        %swap3A_261 = vector.shape_cast %swap3A_260 : vector<1x16xf32> to vector<16xf32>
        %swap3A_262 = vector.shape_cast %add3A_257 : vector<16xf32> to vector<1x16xf32>
        tpu.vector_store %arg15[%swap3A_258, %swap3A_259], %swap3A_262 {strides = array<i32>} : memref<80x128xf32, #tpu.memory_space<vmem>>, vector<1x16xf32>,
        %get3A_263 = arith.index_cast %scan3A_225 : i32 to index
        %get3A_264 = arith.constant 48 : index
        %get3A_265 = tpu.vector_load %arg14[%get3A_263, %get3A_264] {strides = array<i32>} : memref<80x128xf32, #tpu.memory_space<vmem>>, vector<1x16xf32>,
        %get3A_266 = vector.shape_cast %get3A_265 : vector<1x16xf32> to vector<16xf32>
        %mul3A_267 = arith.mulf %add3A_174, %get3A_229 : vector<16xf32>
        %add3A_268 = arith.addf %mul3A_267, %get3A_266 : vector<16xf32>
        %swap3A_269 = arith.index_cast %scan3A_225 : i32 to index
        %swap3A_270 = arith.constant 48 : index
        %swap3A_271 = tpu.vector_load %arg15[%swap3A_269, %swap3A_270] {strides = array<i32>} : memref<80x128xf32, #tpu.memory_space<vmem>>, vector<1x16xf32>,
        %swap3A_272 = vector.shape_cast %swap3A_271 : vector<1x16xf32> to vector<16xf32>
        %swap3A_273 = vector.shape_cast %add3A_268 : vector<16xf32> to vector<1x16xf32>
        tpu.vector_store %arg15[%swap3A_269, %swap3A_270], %swap3A_273 {strides = array<i32>} : memref<80x128xf32, #tpu.memory_space<vmem>>, vector<1x16xf32>,
        %get3A_274 = arith.index_cast %scan3A_225 : i32 to index
        %get3A_275 = arith.constant 64 : index
        %get3A_276 = tpu.vector_load %arg14[%get3A_274, %get3A_275] {strides = array<i32>} : memref<80x128xf32, #tpu.memory_space<vmem>>, vector<1x16xf32>,
        %get3A_277 = vector.shape_cast %get3A_276 : vector<1x16xf32> to vector<16xf32>
        %mul3A_278 = arith.mulf %add3A_185, %get3A_229 : vector<16xf32>
        %add3A_279 = arith.addf %mul3A_278, %get3A_277 : vector<16xf32>
        %swap3A_280 = arith.index_cast %scan3A_225 : i32 to index
        %swap3A_281 = arith.constant 64 : index
        %swap3A_282 = tpu.vector_load %arg15[%swap3A_280, %swap3A_281] {strides = array<i32>} : memref<80x128xf32, #tpu.memory_space<vmem>>, vector<1x16xf32>,
        %swap3A_283 = vector.shape_cast %swap3A_282 : vector<1x16xf32> to vector<16xf32>
        %swap3A_284 = vector.shape_cast %add3A_279 : vector<16xf32> to vector<1x16xf32>
        tpu.vector_store %arg15[%swap3A_280, %swap3A_281], %swap3A_284 {strides = array<i32>} : memref<80x128xf32, #tpu.memory_space<vmem>>, vector<1x16xf32>,
        %get3A_285 = arith.index_cast %scan3A_225 : i32 to index
        %get3A_286 = arith.constant 80 : index
        %get3A_287 = tpu.vector_load %arg14[%get3A_285, %get3A_286] {strides = array<i32>} : memref<80x128xf32, #tpu.memory_space<vmem>>, vector<1x16xf32>,
        %get3A_288 = vector.shape_cast %get3A_287 : vector<1x16xf32> to vector<16xf32>
        %mul3A_289 = arith.mulf %add3A_196, %get3A_229 : vector<16xf32>
        %add3A_290 = arith.addf %mul3A_289, %get3A_288 : vector<16xf32>
        %swap3A_291 = arith.index_cast %scan3A_225 : i32 to index
        %swap3A_292 = arith.constant 80 : index
        %swap3A_293 = tpu.vector_load %arg15[%swap3A_291, %swap3A_292] {strides = array<i32>} : memref<80x128xf32, #tpu.memory_space<vmem>>, vector<1x16xf32>,
        %swap3A_294 = vector.shape_cast %swap3A_293 : vector<1x16xf32> to vector<16xf32>
        %swap3A_295 = vector.shape_cast %add3A_290 : vector<16xf32> to vector<1x16xf32>
        tpu.vector_store %arg15[%swap3A_291, %swap3A_292], %swap3A_295 {strides = array<i32>} : memref<80x128xf32, #tpu.memory_space<vmem>>, vector<1x16xf32>,
        %get3A_296 = arith.index_cast %scan3A_225 : i32 to index
        %get3A_297 = arith.constant 96 : index
        %get3A_298 = tpu.vector_load %arg14[%get3A_296, %get3A_297] {strides = array<i32>} : memref<80x128xf32, #tpu.memory_space<vmem>>, vector<1x16xf32>,
        %get3A_299 = vector.shape_cast %get3A_298 : vector<1x16xf32> to vector<16xf32>
        %mul3A_300 = arith.mulf %add3A_207, %get3A_229 : vector<16xf32>
        %add3A_301 = arith.addf %mul3A_300, %get3A_299 : vector<16xf32>
        %swap3A_302 = arith.index_cast %scan3A_225 : i32 to index
        %swap3A_303 = arith.constant 96 : index
        %swap3A_304 = tpu.vector_load %arg15[%swap3A_302, %swap3A_303] {strides = array<i32>} : memref<80x128xf32, #tpu.memory_space<vmem>>, vector<1x16xf32>,
        %swap3A_305 = vector.shape_cast %swap3A_304 : vector<1x16xf32> to vector<16xf32>
        %swap3A_306 = vector.shape_cast %add3A_301 : vector<16xf32> to vector<1x16xf32>
        tpu.vector_store %arg15[%swap3A_302, %swap3A_303], %swap3A_306 {strides = array<i32>} : memref<80x128xf32, #tpu.memory_space<vmem>>, vector<1x16xf32>,
        %get3A_307 = arith.index_cast %scan3A_225 : i32 to index
        %get3A_308 = arith.constant 112 : index
        %get3A_309 = tpu.vector_load %arg14[%get3A_307, %get3A_308] {strides = array<i32>} : memref<80x128xf32, #tpu.memory_space<vmem>>, vector<1x16xf32>,
        %get3A_310 = vector.shape_cast %get3A_309 : vector<1x16xf32> to vector<16xf32>
        %mul3A_311 = arith.mulf %add3A_218, %get3A_229 : vector<16xf32>
        %add3A_312 = arith.addf %mul3A_311, %get3A_310 : vector<16xf32>
        %swap3A_313 = arith.index_cast %scan3A_225 : i32 to index
        %swap3A_314 = arith.constant 112 : index
        %swap3A_315 = tpu.vector_load %arg15[%swap3A_313, %swap3A_314] {strides = array<i32>} : memref<80x128xf32, #tpu.memory_space<vmem>>, vector<1x16xf32>,
        %swap3A_316 = vector.shape_cast %swap3A_315 : vector<1x16xf32> to vector<16xf32>
        %swap3A_317 = vector.shape_cast %add3A_312 : vector<16xf32> to vector<1x16xf32>
        tpu.vector_store %arg15[%swap3A_313, %swap3A_314], %swap3A_317 {strides = array<i32>} : memref<80x128xf32, #tpu.memory_space<vmem>>, vector<1x16xf32>,
        %scan3A_318 = arith.constant 2 : i32
        %scan3A_319 = arith.addi %scan3A_124, %scan3A_318 : i32
        %get3A_320 = arith.index_cast %scan3A_319 : i32 to index
        %get3A_321 = arith.constant 0 : index
        %get3A_322 = tpu.vector_load %arg11[%get3A_320, %get3A_321] {strides = array<i32>} : memref<80x16xf32, #tpu.memory_space<vmem>>, vector<1x16xf32>,
        %get3A_323 = vector.shape_cast %get3A_322 : vector<1x16xf32> to vector<16xf32>
        %get3A_324 = arith.index_cast %scan3A_319 : i32 to index
        %get3A_325 = arith.constant 0 : index
        %get3A_326 = tpu.vector_load %arg14[%get3A_324, %get3A_325] {strides = array<i32>} : memref<80x128xf32, #tpu.memory_space<vmem>>, vector<1x16xf32>,
        %get3A_327 = vector.shape_cast %get3A_326 : vector<1x16xf32> to vector<16xf32>
        %mul3A_328 = arith.mulf %add3A_235, %get3A_323 : vector<16xf32>
        %add3A_329 = arith.addf %mul3A_328, %get3A_327 : vector<16xf32>
        %swap3A_330 = arith.index_cast %scan3A_319 : i32 to index
        %swap3A_331 = arith.constant 0 : index
        %swap3A_332 = tpu.vector_load %arg15[%swap3A_330, %swap3A_331] {strides = array<i32>} : memref<80x128xf32, #tpu.memory_space<vmem>>, vector<1x16xf32>,
        %swap3A_333 = vector.shape_cast %swap3A_332 : vector<1x16xf32> to vector<16xf32>
        %swap3A_334 = vector.shape_cast %add3A_329 : vector<16xf32> to vector<1x16xf32>
        tpu.vector_store %arg15[%swap3A_330, %swap3A_331], %swap3A_334 {strides = array<i32>} : memref<80x128xf32, #tpu.memory_space<vmem>>, vector<1x16xf32>,
        %get3A_335 = arith.index_cast %scan3A_319 : i32 to index
        %get3A_336 = arith.constant 16 : index
        %get3A_337 = tpu.vector_load %arg14[%get3A_335, %get3A_336] {strides = array<i32>} : memref<80x128xf32, #tpu.memory_space<vmem>>, vector<1x16xf32>,
        %get3A_338 = vector.shape_cast %get3A_337 : vector<1x16xf32> to vector<16xf32>
        %mul3A_339 = arith.mulf %add3A_246, %get3A_323 : vector<16xf32>
        %add3A_340 = arith.addf %mul3A_339, %get3A_338 : vector<16xf32>
        %swap3A_341 = arith.index_cast %scan3A_319 : i32 to index
        %swap3A_342 = arith.constant 16 : index
        %swap3A_343 = tpu.vector_load %arg15[%swap3A_341, %swap3A_342] {strides = array<i32>} : memref<80x128xf32, #tpu.memory_space<vmem>>, vector<1x16xf32>,
        %swap3A_344 = vector.shape_cast %swap3A_343 : vector<1x16xf32> to vector<16xf32>
        %swap3A_345 = vector.shape_cast %add3A_340 : vector<16xf32> to vector<1x16xf32>
        tpu.vector_store %arg15[%swap3A_341, %swap3A_342], %swap3A_345 {strides = array<i32>} : memref<80x128xf32, #tpu.memory_space<vmem>>, vector<1x16xf32>,
        %get3A_346 = arith.index_cast %scan3A_319 : i32 to index
        %get3A_347 = arith.constant 32 : index
        %get3A_348 = tpu.vector_load %arg14[%get3A_346, %get3A_347] {strides = array<i32>} : memref<80x128xf32, #tpu.memory_space<vmem>>, vector<1x16xf32>,
        %get3A_349 = vector.shape_cast %get3A_348 : vector<1x16xf32> to vector<16xf32>
        %mul3A_350 = arith.mulf %add3A_257, %get3A_323 : vector<16xf32>
        %add3A_351 = arith.addf %mul3A_350, %get3A_349 : vector<16xf32>
        %swap3A_352 = arith.index_cast %scan3A_319 : i32 to index
        %swap3A_353 = arith.constant 32 : index
        %swap3A_354 = tpu.vector_load %arg15[%swap3A_352, %swap3A_353] {strides = array<i32>} : memref<80x128xf32, #tpu.memory_space<vmem>>, vector<1x16xf32>,
        %swap3A_355 = vector.shape_cast %swap3A_354 : vector<1x16xf32> to vector<16xf32>
        %swap3A_356 = vector.shape_cast %add3A_351 : vector<16xf32> to vector<1x16xf32>
        tpu.vector_store %arg15[%swap3A_352, %swap3A_353], %swap3A_356 {strides = array<i32>} : memref<80x128xf32, #tpu.memory_space<vmem>>, vector<1x16xf32>,
        %get3A_357 = arith.index_cast %scan3A_319 : i32 to index
        %get3A_358 = arith.constant 48 : index
        %get3A_359 = tpu.vector_load %arg14[%get3A_357, %get3A_358] {strides = array<i32>} : memref<80x128xf32, #tpu.memory_space<vmem>>, vector<1x16xf32>,
        %get3A_360 = vector.shape_cast %get3A_359 : vector<1x16xf32> to vector<16xf32>
        %mul3A_361 = arith.mulf %add3A_268, %get3A_323 : vector<16xf32>
        %add3A_362 = arith.addf %mul3A_361, %get3A_360 : vector<16xf32>
        %swap3A_363 = arith.index_cast %scan3A_319 : i32 to index
        %swap3A_364 = arith.constant 48 : index
        %swap3A_365 = tpu.vector_load %arg15[%swap3A_363, %swap3A_364] {strides = array<i32>} : memref<80x128xf32, #tpu.memory_space<vmem>>, vector<1x16xf32>,
        %swap3A_366 = vector.shape_cast %swap3A_365 : vector<1x16xf32> to vector<16xf32>
        %swap3A_367 = vector.shape_cast %add3A_362 : vector<16xf32> to vector<1x16xf32>
        tpu.vector_store %arg15[%swap3A_363, %swap3A_364], %swap3A_367 {strides = array<i32>} : memref<80x128xf32, #tpu.memory_space<vmem>>, vector<1x16xf32>,
        %get3A_368 = arith.index_cast %scan3A_319 : i32 to index
        %get3A_369 = arith.constant 64 : index
        %get3A_370 = tpu.vector_load %arg14[%get3A_368, %get3A_369] {strides = array<i32>} : memref<80x128xf32, #tpu.memory_space<vmem>>, vector<1x16xf32>,
        %get3A_371 = vector.shape_cast %get3A_370 : vector<1x16xf32> to vector<16xf32>
        %mul3A_372 = arith.mulf %add3A_279, %get3A_323 : vector<16xf32>
        %add3A_373 = arith.addf %mul3A_372, %get3A_371 : vector<16xf32>
        %swap3A_374 = arith.index_cast %scan3A_319 : i32 to index
        %swap3A_375 = arith.constant 64 : index
        %swap3A_376 = tpu.vector_load %arg15[%swap3A_374, %swap3A_375] {strides = array<i32>} : memref<80x128xf32, #tpu.memory_space<vmem>>, vector<1x16xf32>,
        %swap3A_377 = vector.shape_cast %swap3A_376 : vector<1x16xf32> to vector<16xf32>
        %swap3A_378 = vector.shape_cast %add3A_373 : vector<16xf32> to vector<1x16xf32>
        tpu.vector_store %arg15[%swap3A_374, %swap3A_375], %swap3A_378 {strides = array<i32>} : memref<80x128xf32, #tpu.memory_space<vmem>>, vector<1x16xf32>,
        %get3A_379 = arith.index_cast %scan3A_319 : i32 to index
        %get3A_380 = arith.constant 80 : index
        %get3A_381 = tpu.vector_load %arg14[%get3A_379, %get3A_380] {strides = array<i32>} : memref<80x128xf32, #tpu.memory_space<vmem>>, vector<1x16xf32>,
        %get3A_382 = vector.shape_cast %get3A_381 : vector<1x16xf32> to vector<16xf32>
        %mul3A_383 = arith.mulf %add3A_290, %get3A_323 : vector<16xf32>
        %add3A_384 = arith.addf %mul3A_383, %get3A_382 : vector<16xf32>
        %swap3A_385 = arith.index_cast %scan3A_319 : i32 to index
        %swap3A_386 = arith.constant 80 : index
        %swap3A_387 = tpu.vector_load %arg15[%swap3A_385, %swap3A_386] {strides = array<i32>} : memref<80x128xf32, #tpu.memory_space<vmem>>, vector<1x16xf32>,
        %swap3A_388 = vector.shape_cast %swap3A_387 : vector<1x16xf32> to vector<16xf32>
        %swap3A_389 = vector.shape_cast %add3A_384 : vector<16xf32> to vector<1x16xf32>
        tpu.vector_store %arg15[%swap3A_385, %swap3A_386], %swap3A_389 {strides = array<i32>} : memref<80x128xf32, #tpu.memory_space<vmem>>, vector<1x16xf32>,
        %get3A_390 = arith.index_cast %scan3A_319 : i32 to index
        %get3A_391 = arith.constant 96 : index
        %get3A_392 = tpu.vector_load %arg14[%get3A_390, %get3A_391] {strides = array<i32>} : memref<80x128xf32, #tpu.memory_space<vmem>>, vector<1x16xf32>,
        %get3A_393 = vector.shape_cast %get3A_392 : vector<1x16xf32> to vector<16xf32>
        %mul3A_394 = arith.mulf %add3A_301, %get3A_323 : vector<16xf32>
        %add3A_395 = arith.addf %mul3A_394, %get3A_393 : vector<16xf32>
        %swap3A_396 = arith.index_cast %scan3A_319 : i32 to index
        %swap3A_397 = arith.constant 96 : index
        %swap3A_398 = tpu.vector_load %arg15[%swap3A_396, %swap3A_397] {strides = array<i32>} : memref<80x128xf32, #tpu.memory_space<vmem>>, vector<1x16xf32>,
        %swap3A_399 = vector.shape_cast %swap3A_398 : vector<1x16xf32> to vector<16xf32>
        %swap3A_400 = vector.shape_cast %add3A_395 : vector<16xf32> to vector<1x16xf32>
        tpu.vector_store %arg15[%swap3A_396, %swap3A_397], %swap3A_400 {strides = array<i32>} : memref<80x128xf32, #tpu.memory_space<vmem>>, vector<1x16xf32>,
        %get3A_401 = arith.index_cast %scan3A_319 : i32 to index
        %get3A_402 = arith.constant 112 : index
        %get3A_403 = tpu.vector_load %arg14[%get3A_401, %get3A_402] {strides = array<i32>} : memref<80x128xf32, #tpu.memory_space<vmem>>, vector<1x16xf32>,
        %get3A_404 = vector.shape_cast %get3A_403 : vector<1x16xf32> to vector<16xf32>
        %mul3A_405 = arith.mulf %add3A_312, %get3A_323 : vector<16xf32>
        %add3A_406 = arith.addf %mul3A_405, %get3A_404 : vector<16xf32>
        %swap3A_407 = arith.index_cast %scan3A_319 : i32 to index
        %swap3A_408 = arith.constant 112 : index
        %swap3A_409 = tpu.vector_load %arg15[%swap3A_407, %swap3A_408] {strides = array<i32>} : memref<80x128xf32, #tpu.memory_space<vmem>>, vector<1x16xf32>,
        %swap3A_410 = vector.shape_cast %swap3A_409 : vector<1x16xf32> to vector<16xf32>
        %swap3A_411 = vector.shape_cast %add3A_406 : vector<16xf32> to vector<1x16xf32>
        tpu.vector_store %arg15[%swap3A_407, %swap3A_408], %swap3A_411 {strides = array<i32>} : memref<80x128xf32, #tpu.memory_space<vmem>>, vector<1x16xf32>,
        %scan3A_412 = arith.constant 3 : i32
        %scan3A_413 = arith.addi %scan3A_124, %scan3A_412 : i32
        %get3A_414 = arith.index_cast %scan3A_413 : i32 to index
        %get3A_415 = arith.constant 0 : index
        %get3A_416 = tpu.vector_load %arg11[%get3A_414, %get3A_415] {strides = array<i32>} : memref<80x16xf32, #tpu.memory_space<vmem>>, vector<1x16xf32>,
        %get3A_417 = vector.shape_cast %get3A_416 : vector<1x16xf32> to vector<16xf32>
        %get3A_418 = arith.index_cast %scan3A_413 : i32 to index
        %get3A_419 = arith.constant 0 : index
        %get3A_420 = tpu.vector_load %arg14[%get3A_418, %get3A_419] {strides = array<i32>} : memref<80x128xf32, #tpu.memory_space<vmem>>, vector<1x16xf32>,
        %get3A_421 = vector.shape_cast %get3A_420 : vector<1x16xf32> to vector<16xf32>
        %mul3A_422 = arith.mulf %add3A_329, %get3A_417 : vector<16xf32>
        %add3A_423 = arith.addf %mul3A_422, %get3A_421 : vector<16xf32>
        %swap3A_424 = arith.index_cast %scan3A_413 : i32 to index
        %swap3A_425 = arith.constant 0 : index
        %swap3A_426 = tpu.vector_load %arg15[%swap3A_424, %swap3A_425] {strides = array<i32>} : memref<80x128xf32, #tpu.memory_space<vmem>>, vector<1x16xf32>,
        %swap3A_427 = vector.shape_cast %swap3A_426 : vector<1x16xf32> to vector<16xf32>
        %swap3A_428 = vector.shape_cast %add3A_423 : vector<16xf32> to vector<1x16xf32>
        tpu.vector_store %arg15[%swap3A_424, %swap3A_425], %swap3A_428 {strides = array<i32>} : memref<80x128xf32, #tpu.memory_space<vmem>>, vector<1x16xf32>,
        %get3A_429 = arith.index_cast %scan3A_413 : i32 to index
        %get3A_430 = arith.constant 16 : index
        %get3A_431 = tpu.vector_load %arg14[%get3A_429, %get3A_430] {strides = array<i32>} : memref<80x128xf32, #tpu.memory_space<vmem>>, vector<1x16xf32>,
        %get3A_432 = vector.shape_cast %get3A_431 : vector<1x16xf32> to vector<16xf32>
        %mul3A_433 = arith.mulf %add3A_340, %get3A_417 : vector<16xf32>
        %add3A_434 = arith.addf %mul3A_433, %get3A_432 : vector<16xf32>
        %swap3A_435 = arith.index_cast %scan3A_413 : i32 to index
        %swap3A_436 = arith.constant 16 : index
        %swap3A_437 = tpu.vector_load %arg15[%swap3A_435, %swap3A_436] {strides = array<i32>} : memref<80x128xf32, #tpu.memory_space<vmem>>, vector<1x16xf32>,
        %swap3A_438 = vector.shape_cast %swap3A_437 : vector<1x16xf32> to vector<16xf32>
        %swap3A_439 = vector.shape_cast %add3A_434 : vector<16xf32> to vector<1x16xf32>
        tpu.vector_store %arg15[%swap3A_435, %swap3A_436], %swap3A_439 {strides = array<i32>} : memref<80x128xf32, #tpu.memory_space<vmem>>, vector<1x16xf32>,
        %get3A_440 = arith.index_cast %scan3A_413 : i32 to index
        %get3A_441 = arith.constant 32 : index
        %get3A_442 = tpu.vector_load %arg14[%get3A_440, %get3A_441] {strides = array<i32>} : memref<80x128xf32, #tpu.memory_space<vmem>>, vector<1x16xf32>,
        %get3A_443 = vector.shape_cast %get3A_442 : vector<1x16xf32> to vector<16xf32>
        %mul3A_444 = arith.mulf %add3A_351, %get3A_417 : vector<16xf32>
        %add3A_445 = arith.addf %mul3A_444, %get3A_443 : vector<16xf32>
        %swap3A_446 = arith.index_cast %scan3A_413 : i32 to index
        %swap3A_447 = arith.constant 32 : index
        %swap3A_448 = tpu.vector_load %arg15[%swap3A_446, %swap3A_447] {strides = array<i32>} : memref<80x128xf32, #tpu.memory_space<vmem>>, vector<1x16xf32>,
        %swap3A_449 = vector.shape_cast %swap3A_448 : vector<1x16xf32> to vector<16xf32>
        %swap3A_450 = vector.shape_cast %add3A_445 : vector<16xf32> to vector<1x16xf32>
        tpu.vector_store %arg15[%swap3A_446, %swap3A_447], %swap3A_450 {strides = array<i32>} : memref<80x128xf32, #tpu.memory_space<vmem>>, vector<1x16xf32>,
        %get3A_451 = arith.index_cast %scan3A_413 : i32 to index
        %get3A_452 = arith.constant 48 : index
        %get3A_453 = tpu.vector_load %arg14[%get3A_451, %get3A_452] {strides = array<i32>} : memref<80x128xf32, #tpu.memory_space<vmem>>, vector<1x16xf32>,
        %get3A_454 = vector.shape_cast %get3A_453 : vector<1x16xf32> to vector<16xf32>
        %mul3A_455 = arith.mulf %add3A_362, %get3A_417 : vector<16xf32>
        %add3A_456 = arith.addf %mul3A_455, %get3A_454 : vector<16xf32>
        %swap3A_457 = arith.index_cast %scan3A_413 : i32 to index
        %swap3A_458 = arith.constant 48 : index
        %swap3A_459 = tpu.vector_load %arg15[%swap3A_457, %swap3A_458] {strides = array<i32>} : memref<80x128xf32, #tpu.memory_space<vmem>>, vector<1x16xf32>,
        %swap3A_460 = vector.shape_cast %swap3A_459 : vector<1x16xf32> to vector<16xf32>
        %swap3A_461 = vector.shape_cast %add3A_456 : vector<16xf32> to vector<1x16xf32>
        tpu.vector_store %arg15[%swap3A_457, %swap3A_458], %swap3A_461 {strides = array<i32>} : memref<80x128xf32, #tpu.memory_space<vmem>>, vector<1x16xf32>,
        %get3A_462 = arith.index_cast %scan3A_413 : i32 to index
        %get3A_463 = arith.constant 64 : index
        %get3A_464 = tpu.vector_load %arg14[%get3A_462, %get3A_463] {strides = array<i32>} : memref<80x128xf32, #tpu.memory_space<vmem>>, vector<1x16xf32>,
        %get3A_465 = vector.shape_cast %get3A_464 : vector<1x16xf32> to vector<16xf32>
        %mul3A_466 = arith.mulf %add3A_373, %get3A_417 : vector<16xf32>
        %add3A_467 = arith.addf %mul3A_466, %get3A_465 : vector<16xf32>
        %swap3A_468 = arith.index_cast %scan3A_413 : i32 to index
        %swap3A_469 = arith.constant 64 : index
        %swap3A_470 = tpu.vector_load %arg15[%swap3A_468, %swap3A_469] {strides = array<i32>} : memref<80x128xf32, #tpu.memory_space<vmem>>, vector<1x16xf32>,
        %swap3A_471 = vector.shape_cast %swap3A_470 : vector<1x16xf32> to vector<16xf32>
        %swap3A_472 = vector.shape_cast %add3A_467 : vector<16xf32> to vector<1x16xf32>
        tpu.vector_store %arg15[%swap3A_468, %swap3A_469], %swap3A_472 {strides = array<i32>} : memref<80x128xf32, #tpu.memory_space<vmem>>, vector<1x16xf32>,
        %get3A_473 = arith.index_cast %scan3A_413 : i32 to index
        %get3A_474 = arith.constant 80 : index
        %get3A_475 = tpu.vector_load %arg14[%get3A_473, %get3A_474] {strides = array<i32>} : memref<80x128xf32, #tpu.memory_space<vmem>>, vector<1x16xf32>,
        %get3A_476 = vector.shape_cast %get3A_475 : vector<1x16xf32> to vector<16xf32>
        %mul3A_477 = arith.mulf %add3A_384, %get3A_417 : vector<16xf32>
        %add3A_478 = arith.addf %mul3A_477, %get3A_476 : vector<16xf32>
        %swap3A_479 = arith.index_cast %scan3A_413 : i32 to index
        %swap3A_480 = arith.constant 80 : index
        %swap3A_481 = tpu.vector_load %arg15[%swap3A_479, %swap3A_480] {strides = array<i32>} : memref<80x128xf32, #tpu.memory_space<vmem>>, vector<1x16xf32>,
        %swap3A_482 = vector.shape_cast %swap3A_481 : vector<1x16xf32> to vector<16xf32>
        %swap3A_483 = vector.shape_cast %add3A_478 : vector<16xf32> to vector<1x16xf32>
        tpu.vector_store %arg15[%swap3A_479, %swap3A_480], %swap3A_483 {strides = array<i32>} : memref<80x128xf32, #tpu.memory_space<vmem>>, vector<1x16xf32>,
        %get3A_484 = arith.index_cast %scan3A_413 : i32 to index
        %get3A_485 = arith.constant 96 : index
        %get3A_486 = tpu.vector_load %arg14[%get3A_484, %get3A_485] {strides = array<i32>} : memref<80x128xf32, #tpu.memory_space<vmem>>, vector<1x16xf32>,
        %get3A_487 = vector.shape_cast %get3A_486 : vector<1x16xf32> to vector<16xf32>
        %mul3A_488 = arith.mulf %add3A_395, %get3A_417 : vector<16xf32>
        %add3A_489 = arith.addf %mul3A_488, %get3A_487 : vector<16xf32>
        %swap3A_490 = arith.index_cast %scan3A_413 : i32 to index
        %swap3A_491 = arith.constant 96 : index
        %swap3A_492 = tpu.vector_load %arg15[%swap3A_490, %swap3A_491] {strides = array<i32>} : memref<80x128xf32, #tpu.memory_space<vmem>>, vector<1x16xf32>,
        %swap3A_493 = vector.shape_cast %swap3A_492 : vector<1x16xf32> to vector<16xf32>
        %swap3A_494 = vector.shape_cast %add3A_489 : vector<16xf32> to vector<1x16xf32>
        tpu.vector_store %arg15[%swap3A_490, %swap3A_491], %swap3A_494 {strides = array<i32>} : memref<80x128xf32, #tpu.memory_space<vmem>>, vector<1x16xf32>,
        %get3A_495 = arith.index_cast %scan3A_413 : i32 to index
        %get3A_496 = arith.constant 112 : index
        %get3A_497 = tpu.vector_load %arg14[%get3A_495, %get3A_496] {strides = array<i32>} : memref<80x128xf32, #tpu.memory_space<vmem>>, vector<1x16xf32>,
        %get3A_498 = vector.shape_cast %get3A_497 : vector<1x16xf32> to vector<16xf32>
        %mul3A_499 = arith.mulf %add3A_406, %get3A_417 : vector<16xf32>
        %add3A_500 = arith.addf %mul3A_499, %get3A_498 : vector<16xf32>
        %swap3A_501 = arith.index_cast %scan3A_413 : i32 to index
        %swap3A_502 = arith.constant 112 : index
        %swap3A_503 = tpu.vector_load %arg15[%swap3A_501, %swap3A_502] {strides = array<i32>} : memref<80x128xf32, #tpu.memory_space<vmem>>, vector<1x16xf32>,
        %swap3A_504 = vector.shape_cast %swap3A_503 : vector<1x16xf32> to vector<16xf32>
        %swap3A_505 = vector.shape_cast %add3A_500 : vector<16xf32> to vector<1x16xf32>
        tpu.vector_store %arg15[%swap3A_501, %swap3A_502], %swap3A_505 {strides = array<i32>} : memref<80x128xf32, #tpu.memory_space<vmem>>, vector<1x16xf32>,
        %scan3A_506 = arith.constant 4 : i32
        %scan3A_507 = arith.addi %scan3A_124, %scan3A_506 : i32
        %get3A_508 = arith.index_cast %scan3A_507 : i32 to index
        %get3A_509 = arith.constant 0 : index
        %get3A_510 = tpu.vector_load %arg11[%get3A_508, %get3A_509] {strides = array<i32>} : memref<80x16xf32, #tpu.memory_space<vmem>>, vector<1x16xf32>,
        %get3A_511 = vector.shape_cast %get3A_510 : vector<1x16xf32> to vector<16xf32>
        %get3A_512 = arith.index_cast %scan3A_507 : i32 to index
        %get3A_513 = arith.constant 0 : index
        %get3A_514 = tpu.vector_load %arg14[%get3A_512, %get3A_513] {strides = array<i32>} : memref<80x128xf32, #tpu.memory_space<vmem>>, vector<1x16xf32>,
        %get3A_515 = vector.shape_cast %get3A_514 : vector<1x16xf32> to vector<16xf32>
        %mul3A_516 = arith.mulf %add3A_423, %get3A_511 : vector<16xf32>
        %add3A_517 = arith.addf %mul3A_516, %get3A_515 : vector<16xf32>
        %swap3A_518 = arith.index_cast %scan3A_507 : i32 to index
        %swap3A_519 = arith.constant 0 : index
        %swap3A_520 = tpu.vector_load %arg15[%swap3A_518, %swap3A_519] {strides = array<i32>} : memref<80x128xf32, #tpu.memory_space<vmem>>, vector<1x16xf32>,
        %swap3A_521 = vector.shape_cast %swap3A_520 : vector<1x16xf32> to vector<16xf32>
        %swap3A_522 = vector.shape_cast %add3A_517 : vector<16xf32> to vector<1x16xf32>
        tpu.vector_store %arg15[%swap3A_518, %swap3A_519], %swap3A_522 {strides = array<i32>} : memref<80x128xf32, #tpu.memory_space<vmem>>, vector<1x16xf32>,
        %get3A_523 = arith.index_cast %scan3A_507 : i32 to index
        %get3A_524 = arith.constant 16 : index
        %get3A_525 = tpu.vector_load %arg14[%get3A_523, %get3A_524] {strides = array<i32>} : memref<80x128xf32, #tpu.memory_space<vmem>>, vector<1x16xf32>,
        %get3A_526 = vector.shape_cast %get3A_525 : vector<1x16xf32> to vector<16xf32>
        %mul3A_527 = arith.mulf %add3A_434, %get3A_511 : vector<16xf32>
        %add3A_528 = arith.addf %mul3A_527, %get3A_526 : vector<16xf32>
        %swap3A_529 = arith.index_cast %scan3A_507 : i32 to index
        %swap3A_530 = arith.constant 16 : index
        %swap3A_531 = tpu.vector_load %arg15[%swap3A_529, %swap3A_530] {strides = array<i32>} : memref<80x128xf32, #tpu.memory_space<vmem>>, vector<1x16xf32>,
        %swap3A_532 = vector.shape_cast %swap3A_531 : vector<1x16xf32> to vector<16xf32>
        %swap3A_533 = vector.shape_cast %add3A_528 : vector<16xf32> to vector<1x16xf32>
        tpu.vector_store %arg15[%swap3A_529, %swap3A_530], %swap3A_533 {strides = array<i32>} : memref<80x128xf32, #tpu.memory_space<vmem>>, vector<1x16xf32>,
        %get3A_534 = arith.index_cast %scan3A_507 : i32 to index
        %get3A_535 = arith.constant 32 : index
        %get3A_536 = tpu.vector_load %arg14[%get3A_534, %get3A_535] {strides = array<i32>} : memref<80x128xf32, #tpu.memory_space<vmem>>, vector<1x16xf32>,
        %get3A_537 = vector.shape_cast %get3A_536 : vector<1x16xf32> to vector<16xf32>
        %mul3A_538 = arith.mulf %add3A_445, %get3A_511 : vector<16xf32>
        %add3A_539 = arith.addf %mul3A_538, %get3A_537 : vector<16xf32>
        %swap3A_540 = arith.index_cast %scan3A_507 : i32 to index
        %swap3A_541 = arith.constant 32 : index
        %swap3A_542 = tpu.vector_load %arg15[%swap3A_540, %swap3A_541] {strides = array<i32>} : memref<80x128xf32, #tpu.memory_space<vmem>>, vector<1x16xf32>,
        %swap3A_543 = vector.shape_cast %swap3A_542 : vector<1x16xf32> to vector<16xf32>
        %swap3A_544 = vector.shape_cast %add3A_539 : vector<16xf32> to vector<1x16xf32>
        tpu.vector_store %arg15[%swap3A_540, %swap3A_541], %swap3A_544 {strides = array<i32>} : memref<80x128xf32, #tpu.memory_space<vmem>>, vector<1x16xf32>,
        %get3A_545 = arith.index_cast %scan3A_507 : i32 to index
        %get3A_546 = arith.constant 48 : index
        %get3A_547 = tpu.vector_load %arg14[%get3A_545, %get3A_546] {strides = array<i32>} : memref<80x128xf32, #tpu.memory_space<vmem>>, vector<1x16xf32>,
        %get3A_548 = vector.shape_cast %get3A_547 : vector<1x16xf32> to vector<16xf32>
        %mul3A_549 = arith.mulf %add3A_456, %get3A_511 : vector<16xf32>
        %add3A_550 = arith.addf %mul3A_549, %get3A_548 : vector<16xf32>
        %swap3A_551 = arith.index_cast %scan3A_507 : i32 to index
        %swap3A_552 = arith.constant 48 : index
        %swap3A_553 = tpu.vector_load %arg15[%swap3A_551, %swap3A_552] {strides = array<i32>} : memref<80x128xf32, #tpu.memory_space<vmem>>, vector<1x16xf32>,
        %swap3A_554 = vector.shape_cast %swap3A_553 : vector<1x16xf32> to vector<16xf32>
        %swap3A_555 = vector.shape_cast %add3A_550 : vector<16xf32> to vector<1x16xf32>
        tpu.vector_store %arg15[%swap3A_551, %swap3A_552], %swap3A_555 {strides = array<i32>} : memref<80x128xf32, #tpu.memory_space<vmem>>, vector<1x16xf32>,
        %get3A_556 = arith.index_cast %scan3A_507 : i32 to index
        %get3A_557 = arith.constant 64 : index
        %get3A_558 = tpu.vector_load %arg14[%get3A_556, %get3A_557] {strides = array<i32>} : memref<80x128xf32, #tpu.memory_space<vmem>>, vector<1x16xf32>,
        %get3A_559 = vector.shape_cast %get3A_558 : vector<1x16xf32> to vector<16xf32>
        %mul3A_560 = arith.mulf %add3A_467, %get3A_511 : vector<16xf32>
        %add3A_561 = arith.addf %mul3A_560, %get3A_559 : vector<16xf32>
        %swap3A_562 = arith.index_cast %scan3A_507 : i32 to index
        %swap3A_563 = arith.constant 64 : index
        %swap3A_564 = tpu.vector_load %arg15[%swap3A_562, %swap3A_563] {strides = array<i32>} : memref<80x128xf32, #tpu.memory_space<vmem>>, vector<1x16xf32>,
        %swap3A_565 = vector.shape_cast %swap3A_564 : vector<1x16xf32> to vector<16xf32>
        %swap3A_566 = vector.shape_cast %add3A_561 : vector<16xf32> to vector<1x16xf32>
        tpu.vector_store %arg15[%swap3A_562, %swap3A_563], %swap3A_566 {strides = array<i32>} : memref<80x128xf32, #tpu.memory_space<vmem>>, vector<1x16xf32>,
        %get3A_567 = arith.index_cast %scan3A_507 : i32 to index
        %get3A_568 = arith.constant 80 : index
        %get3A_569 = tpu.vector_load %arg14[%get3A_567, %get3A_568] {strides = array<i32>} : memref<80x128xf32, #tpu.memory_space<vmem>>, vector<1x16xf32>,
        %get3A_570 = vector.shape_cast %get3A_569 : vector<1x16xf32> to vector<16xf32>
        %mul3A_571 = arith.mulf %add3A_478, %get3A_511 : vector<16xf32>
        %add3A_572 = arith.addf %mul3A_571, %get3A_570 : vector<16xf32>
        %swap3A_573 = arith.index_cast %scan3A_507 : i32 to index
        %swap3A_574 = arith.constant 80 : index
        %swap3A_575 = tpu.vector_load %arg15[%swap3A_573, %swap3A_574] {strides = array<i32>} : memref<80x128xf32, #tpu.memory_space<vmem>>, vector<1x16xf32>,
        %swap3A_576 = vector.shape_cast %swap3A_575 : vector<1x16xf32> to vector<16xf32>
        %swap3A_577 = vector.shape_cast %add3A_572 : vector<16xf32> to vector<1x16xf32>
        tpu.vector_store %arg15[%swap3A_573, %swap3A_574], %swap3A_577 {strides = array<i32>} : memref<80x128xf32, #tpu.memory_space<vmem>>, vector<1x16xf32>,
        %get3A_578 = arith.index_cast %scan3A_507 : i32 to index
        %get3A_579 = arith.constant 96 : index
        %get3A_580 = tpu.vector_load %arg14[%get3A_578, %get3A_579] {strides = array<i32>} : memref<80x128xf32, #tpu.memory_space<vmem>>, vector<1x16xf32>,
        %get3A_581 = vector.shape_cast %get3A_580 : vector<1x16xf32> to vector<16xf32>
        %mul3A_582 = arith.mulf %add3A_489, %get3A_511 : vector<16xf32>
        %add3A_583 = arith.addf %mul3A_582, %get3A_581 : vector<16xf32>
        %swap3A_584 = arith.index_cast %scan3A_507 : i32 to index
        %swap3A_585 = arith.constant 96 : index
        %swap3A_586 = tpu.vector_load %arg15[%swap3A_584, %swap3A_585] {strides = array<i32>} : memref<80x128xf32, #tpu.memory_space<vmem>>, vector<1x16xf32>,
        %swap3A_587 = vector.shape_cast %swap3A_586 : vector<1x16xf32> to vector<16xf32>
        %swap3A_588 = vector.shape_cast %add3A_583 : vector<16xf32> to vector<1x16xf32>
        tpu.vector_store %arg15[%swap3A_584, %swap3A_585], %swap3A_588 {strides = array<i32>} : memref<80x128xf32, #tpu.memory_space<vmem>>, vector<1x16xf32>,
        %get3A_589 = arith.index_cast %scan3A_507 : i32 to index
        %get3A_590 = arith.constant 112 : index
        %get3A_591 = tpu.vector_load %arg14[%get3A_589, %get3A_590] {strides = array<i32>} : memref<80x128xf32, #tpu.memory_space<vmem>>, vector<1x16xf32>,
        %get3A_592 = vector.shape_cast %get3A_591 : vector<1x16xf32> to vector<16xf32>
        %mul3A_593 = arith.mulf %add3A_500, %get3A_511 : vector<16xf32>
        %add3A_594 = arith.addf %mul3A_593, %get3A_592 : vector<16xf32>
        %swap3A_595 = arith.index_cast %scan3A_507 : i32 to index
        %swap3A_596 = arith.constant 112 : index
        %swap3A_597 = tpu.vector_load %arg15[%swap3A_595, %swap3A_596] {strides = array<i32>} : memref<80x128xf32, #tpu.memory_space<vmem>>, vector<1x16xf32>,
        %swap3A_598 = vector.shape_cast %swap3A_597 : vector<1x16xf32> to vector<16xf32>
        %swap3A_599 = vector.shape_cast %add3A_594 : vector<16xf32> to vector<1x16xf32>
        tpu.vector_store %arg15[%swap3A_595, %swap3A_596], %swap3A_599 {strides = array<i32>} : memref<80x128xf32, #tpu.memory_space<vmem>>, vector<1x16xf32>,
        %scan3A_600 = arith.constant 5 : i32
        %scan3A_601 = arith.addi %scan3A_124, %scan3A_600 : i32
        %get3A_602 = arith.index_cast %scan3A_601 : i32 to index
        %get3A_603 = arith.constant 0 : index
        %get3A_604 = tpu.vector_load %arg11[%get3A_602, %get3A_603] {strides = array<i32>} : memref<80x16xf32, #tpu.memory_space<vmem>>, vector<1x16xf32>,
        %get3A_605 = vector.shape_cast %get3A_604 : vector<1x16xf32> to vector<16xf32>
        %get3A_606 = arith.index_cast %scan3A_601 : i32 to index
        %get3A_607 = arith.constant 0 : index
        %get3A_608 = tpu.vector_load %arg14[%get3A_606, %get3A_607] {strides = array<i32>} : memref<80x128xf32, #tpu.memory_space<vmem>>, vector<1x16xf32>,
        %get3A_609 = vector.shape_cast %get3A_608 : vector<1x16xf32> to vector<16xf32>
        %mul3A_610 = arith.mulf %add3A_517, %get3A_605 : vector<16xf32>
        %add3A_611 = arith.addf %mul3A_610, %get3A_609 : vector<16xf32>
        %swap3A_612 = arith.index_cast %scan3A_601 : i32 to index
        %swap3A_613 = arith.constant 0 : index
        %swap3A_614 = tpu.vector_load %arg15[%swap3A_612, %swap3A_613] {strides = array<i32>} : memref<80x128xf32, #tpu.memory_space<vmem>>, vector<1x16xf32>,
        %swap3A_615 = vector.shape_cast %swap3A_614 : vector<1x16xf32> to vector<16xf32>
        %swap3A_616 = vector.shape_cast %add3A_611 : vector<16xf32> to vector<1x16xf32>
        tpu.vector_store %arg15[%swap3A_612, %swap3A_613], %swap3A_616 {strides = array<i32>} : memref<80x128xf32, #tpu.memory_space<vmem>>, vector<1x16xf32>,
        %get3A_617 = arith.index_cast %scan3A_601 : i32 to index
        %get3A_618 = arith.constant 16 : index
        %get3A_619 = tpu.vector_load %arg14[%get3A_617, %get3A_618] {strides = array<i32>} : memref<80x128xf32, #tpu.memory_space<vmem>>, vector<1x16xf32>,
        %get3A_620 = vector.shape_cast %get3A_619 : vector<1x16xf32> to vector<16xf32>
        %mul3A_621 = arith.mulf %add3A_528, %get3A_605 : vector<16xf32>
        %add3A_622 = arith.addf %mul3A_621, %get3A_620 : vector<16xf32>
        %swap3A_623 = arith.index_cast %scan3A_601 : i32 to index
        %swap3A_624 = arith.constant 16 : index
        %swap3A_625 = tpu.vector_load %arg15[%swap3A_623, %swap3A_624] {strides = array<i32>} : memref<80x128xf32, #tpu.memory_space<vmem>>, vector<1x16xf32>,
        %swap3A_626 = vector.shape_cast %swap3A_625 : vector<1x16xf32> to vector<16xf32>
        %swap3A_627 = vector.shape_cast %add3A_622 : vector<16xf32> to vector<1x16xf32>
        tpu.vector_store %arg15[%swap3A_623, %swap3A_624], %swap3A_627 {strides = array<i32>} : memref<80x128xf32, #tpu.memory_space<vmem>>, vector<1x16xf32>,
        %get3A_628 = arith.index_cast %scan3A_601 : i32 to index
        %get3A_629 = arith.constant 32 : index
        %get3A_630 = tpu.vector_load %arg14[%get3A_628, %get3A_629] {strides = array<i32>} : memref<80x128xf32, #tpu.memory_space<vmem>>, vector<1x16xf32>,
        %get3A_631 = vector.shape_cast %get3A_630 : vector<1x16xf32> to vector<16xf32>
        %mul3A_632 = arith.mulf %add3A_539, %get3A_605 : vector<16xf32>
        %add3A_633 = arith.addf %mul3A_632, %get3A_631 : vector<16xf32>
        %swap3A_634 = arith.index_cast %scan3A_601 : i32 to index
        %swap3A_635 = arith.constant 32 : index
        %swap3A_636 = tpu.vector_load %arg15[%swap3A_634, %swap3A_635] {strides = array<i32>} : memref<80x128xf32, #tpu.memory_space<vmem>>, vector<1x16xf32>,
        %swap3A_637 = vector.shape_cast %swap3A_636 : vector<1x16xf32> to vector<16xf32>
        %swap3A_638 = vector.shape_cast %add3A_633 : vector<16xf32> to vector<1x16xf32>
        tpu.vector_store %arg15[%swap3A_634, %swap3A_635], %swap3A_638 {strides = array<i32>} : memref<80x128xf32, #tpu.memory_space<vmem>>, vector<1x16xf32>,
        %get3A_639 = arith.index_cast %scan3A_601 : i32 to index
        %get3A_640 = arith.constant 48 : index
        %get3A_641 = tpu.vector_load %arg14[%get3A_639, %get3A_640] {strides = array<i32>} : memref<80x128xf32, #tpu.memory_space<vmem>>, vector<1x16xf32>,
        %get3A_642 = vector.shape_cast %get3A_641 : vector<1x16xf32> to vector<16xf32>
        %mul3A_643 = arith.mulf %add3A_550, %get3A_605 : vector<16xf32>
        %add3A_644 = arith.addf %mul3A_643, %get3A_642 : vector<16xf32>
        %swap3A_645 = arith.index_cast %scan3A_601 : i32 to index
        %swap3A_646 = arith.constant 48 : index
        %swap3A_647 = tpu.vector_load %arg15[%swap3A_645, %swap3A_646] {strides = array<i32>} : memref<80x128xf32, #tpu.memory_space<vmem>>, vector<1x16xf32>,
        %swap3A_648 = vector.shape_cast %swap3A_647 : vector<1x16xf32> to vector<16xf32>
        %swap3A_649 = vector.shape_cast %add3A_644 : vector<16xf32> to vector<1x16xf32>
        tpu.vector_store %arg15[%swap3A_645, %swap3A_646], %swap3A_649 {strides = array<i32>} : memref<80x128xf32, #tpu.memory_space<vmem>>, vector<1x16xf32>,
        %get3A_650 = arith.index_cast %scan3A_601 : i32 to index
        %get3A_651 = arith.constant 64 : index
        %get3A_652 = tpu.vector_load %arg14[%get3A_650, %get3A_651] {strides = array<i32>} : memref<80x128xf32, #tpu.memory_space<vmem>>, vector<1x16xf32>,
        %get3A_653 = vector.shape_cast %get3A_652 : vector<1x16xf32> to vector<16xf32>
        %mul3A_654 = arith.mulf %add3A_561, %get3A_605 : vector<16xf32>
        %add3A_655 = arith.addf %mul3A_654, %get3A_653 : vector<16xf32>
        %swap3A_656 = arith.index_cast %scan3A_601 : i32 to index
        %swap3A_657 = arith.constant 64 : index
        %swap3A_658 = tpu.vector_load %arg15[%swap3A_656, %swap3A_657] {strides = array<i32>} : memref<80x128xf32, #tpu.memory_space<vmem>>, vector<1x16xf32>,
        %swap3A_659 = vector.shape_cast %swap3A_658 : vector<1x16xf32> to vector<16xf32>
        %swap3A_660 = vector.shape_cast %add3A_655 : vector<16xf32> to vector<1x16xf32>
        tpu.vector_store %arg15[%swap3A_656, %swap3A_657], %swap3A_660 {strides = array<i32>} : memref<80x128xf32, #tpu.memory_space<vmem>>, vector<1x16xf32>,
        %get3A_661 = arith.index_cast %scan3A_601 : i32 to index
        %get3A_662 = arith.constant 80 : index
        %get3A_663 = tpu.vector_load %arg14[%get3A_661, %get3A_662] {strides = array<i32>} : memref<80x128xf32, #tpu.memory_space<vmem>>, vector<1x16xf32>,
        %get3A_664 = vector.shape_cast %get3A_663 : vector<1x16xf32> to vector<16xf32>
        %mul3A_665 = arith.mulf %add3A_572, %get3A_605 : vector<16xf32>
        %add3A_666 = arith.addf %mul3A_665, %get3A_664 : vector<16xf32>
        %swap3A_667 = arith.index_cast %scan3A_601 : i32 to index
        %swap3A_668 = arith.constant 80 : index
        %swap3A_669 = tpu.vector_load %arg15[%swap3A_667, %swap3A_668] {strides = array<i32>} : memref<80x128xf32, #tpu.memory_space<vmem>>, vector<1x16xf32>,
        %swap3A_670 = vector.shape_cast %swap3A_669 : vector<1x16xf32> to vector<16xf32>
        %swap3A_671 = vector.shape_cast %add3A_666 : vector<16xf32> to vector<1x16xf32>
        tpu.vector_store %arg15[%swap3A_667, %swap3A_668], %swap3A_671 {strides = array<i32>} : memref<80x128xf32, #tpu.memory_space<vmem>>, vector<1x16xf32>,
        %get3A_672 = arith.index_cast %scan3A_601 : i32 to index
        %get3A_673 = arith.constant 96 : index
        %get3A_674 = tpu.vector_load %arg14[%get3A_672, %get3A_673] {strides = array<i32>} : memref<80x128xf32, #tpu.memory_space<vmem>>, vector<1x16xf32>,
        %get3A_675 = vector.shape_cast %get3A_674 : vector<1x16xf32> to vector<16xf32>
        %mul3A_676 = arith.mulf %add3A_583, %get3A_605 : vector<16xf32>
        %add3A_677 = arith.addf %mul3A_676, %get3A_675 : vector<16xf32>
        %swap3A_678 = arith.index_cast %scan3A_601 : i32 to index
        %swap3A_679 = arith.constant 96 : index
        %swap3A_680 = tpu.vector_load %arg15[%swap3A_678, %swap3A_679] {strides = array<i32>} : memref<80x128xf32, #tpu.memory_space<vmem>>, vector<1x16xf32>,
        %swap3A_681 = vector.shape_cast %swap3A_680 : vector<1x16xf32> to vector<16xf32>
        %swap3A_682 = vector.shape_cast %add3A_677 : vector<16xf32> to vector<1x16xf32>
        tpu.vector_store %arg15[%swap3A_678, %swap3A_679], %swap3A_682 {strides = array<i32>} : memref<80x128xf32, #tpu.memory_space<vmem>>, vector<1x16xf32>,
        %get3A_683 = arith.index_cast %scan3A_601 : i32 to index
        %get3A_684 = arith.constant 112 : index
        %get3A_685 = tpu.vector_load %arg14[%get3A_683, %get3A_684] {strides = array<i32>} : memref<80x128xf32, #tpu.memory_space<vmem>>, vector<1x16xf32>,
        %get3A_686 = vector.shape_cast %get3A_685 : vector<1x16xf32> to vector<16xf32>
        %mul3A_687 = arith.mulf %add3A_594, %get3A_605 : vector<16xf32>
        %add3A_688 = arith.addf %mul3A_687, %get3A_686 : vector<16xf32>
        %swap3A_689 = arith.index_cast %scan3A_601 : i32 to index
        %swap3A_690 = arith.constant 112 : index
        %swap3A_691 = tpu.vector_load %arg15[%swap3A_689, %swap3A_690] {strides = array<i32>} : memref<80x128xf32, #tpu.memory_space<vmem>>, vector<1x16xf32>,
        %swap3A_692 = vector.shape_cast %swap3A_691 : vector<1x16xf32> to vector<16xf32>
        %swap3A_693 = vector.shape_cast %add3A_688 : vector<16xf32> to vector<1x16xf32>
        tpu.vector_store %arg15[%swap3A_689, %swap3A_690], %swap3A_693 {strides = array<i32>} : memref<80x128xf32, #tpu.memory_space<vmem>>, vector<1x16xf32>,
        %scan3A_694 = arith.constant 6 : i32
        %scan3A_695 = arith.addi %scan3A_124, %scan3A_694 : i32
        %get3A_696 = arith.index_cast %scan3A_695 : i32 to index
        %get3A_697 = arith.constant 0 : index
        %get3A_698 = tpu.vector_load %arg11[%get3A_696, %get3A_697] {strides = array<i32>} : memref<80x16xf32, #tpu.memory_space<vmem>>, vector<1x16xf32>,
        %get3A_699 = vector.shape_cast %get3A_698 : vector<1x16xf32> to vector<16xf32>
        %get3A_700 = arith.index_cast %scan3A_695 : i32 to index
        %get3A_701 = arith.constant 0 : index
        %get3A_702 = tpu.vector_load %arg14[%get3A_700, %get3A_701] {strides = array<i32>} : memref<80x128xf32, #tpu.memory_space<vmem>>, vector<1x16xf32>,
        %get3A_703 = vector.shape_cast %get3A_702 : vector<1x16xf32> to vector<16xf32>
        %mul3A_704 = arith.mulf %add3A_611, %get3A_699 : vector<16xf32>
        %add3A_705 = arith.addf %mul3A_704, %get3A_703 : vector<16xf32>
        %swap3A_706 = arith.index_cast %scan3A_695 : i32 to index
        %swap3A_707 = arith.constant 0 : index
        %swap3A_708 = tpu.vector_load %arg15[%swap3A_706, %swap3A_707] {strides = array<i32>} : memref<80x128xf32, #tpu.memory_space<vmem>>, vector<1x16xf32>,
        %swap3A_709 = vector.shape_cast %swap3A_708 : vector<1x16xf32> to vector<16xf32>
        %swap3A_710 = vector.shape_cast %add3A_705 : vector<16xf32> to vector<1x16xf32>
        tpu.vector_store %arg15[%swap3A_706, %swap3A_707], %swap3A_710 {strides = array<i32>} : memref<80x128xf32, #tpu.memory_space<vmem>>, vector<1x16xf32>,
        %get3A_711 = arith.index_cast %scan3A_695 : i32 to index
        %get3A_712 = arith.constant 16 : index
        %get3A_713 = tpu.vector_load %arg14[%get3A_711, %get3A_712] {strides = array<i32>} : memref<80x128xf32, #tpu.memory_space<vmem>>, vector<1x16xf32>,
        %get3A_714 = vector.shape_cast %get3A_713 : vector<1x16xf32> to vector<16xf32>
        %mul3A_715 = arith.mulf %add3A_622, %get3A_699 : vector<16xf32>
        %add3A_716 = arith.addf %mul3A_715, %get3A_714 : vector<16xf32>
        %swap3A_717 = arith.index_cast %scan3A_695 : i32 to index
        %swap3A_718 = arith.constant 16 : index
        %swap3A_719 = tpu.vector_load %arg15[%swap3A_717, %swap3A_718] {strides = array<i32>} : memref<80x128xf32, #tpu.memory_space<vmem>>, vector<1x16xf32>,
        %swap3A_720 = vector.shape_cast %swap3A_719 : vector<1x16xf32> to vector<16xf32>
        %swap3A_721 = vector.shape_cast %add3A_716 : vector<16xf32> to vector<1x16xf32>
        tpu.vector_store %arg15[%swap3A_717, %swap3A_718], %swap3A_721 {strides = array<i32>} : memref<80x128xf32, #tpu.memory_space<vmem>>, vector<1x16xf32>,
        %get3A_722 = arith.index_cast %scan3A_695 : i32 to index
        %get3A_723 = arith.constant 32 : index
        %get3A_724 = tpu.vector_load %arg14[%get3A_722, %get3A_723] {strides = array<i32>} : memref<80x128xf32, #tpu.memory_space<vmem>>, vector<1x16xf32>,
        %get3A_725 = vector.shape_cast %get3A_724 : vector<1x16xf32> to vector<16xf32>
        %mul3A_726 = arith.mulf %add3A_633, %get3A_699 : vector<16xf32>
        %add3A_727 = arith.addf %mul3A_726, %get3A_725 : vector<16xf32>
        %swap3A_728 = arith.index_cast %scan3A_695 : i32 to index
        %swap3A_729 = arith.constant 32 : index
        %swap3A_730 = tpu.vector_load %arg15[%swap3A_728, %swap3A_729] {strides = array<i32>} : memref<80x128xf32, #tpu.memory_space<vmem>>, vector<1x16xf32>,
        %swap3A_731 = vector.shape_cast %swap3A_730 : vector<1x16xf32> to vector<16xf32>
        %swap3A_732 = vector.shape_cast %add3A_727 : vector<16xf32> to vector<1x16xf32>
        tpu.vector_store %arg15[%swap3A_728, %swap3A_729], %swap3A_732 {strides = array<i32>} : memref<80x128xf32, #tpu.memory_space<vmem>>, vector<1x16xf32>,
        %get3A_733 = arith.index_cast %scan3A_695 : i32 to index
        %get3A_734 = arith.constant 48 : index
        %get3A_735 = tpu.vector_load %arg14[%get3A_733, %get3A_734] {strides = array<i32>} : memref<80x128xf32, #tpu.memory_space<vmem>>, vector<1x16xf32>,
        %get3A_736 = vector.shape_cast %get3A_735 : vector<1x16xf32> to vector<16xf32>
        %mul3A_737 = arith.mulf %add3A_644, %get3A_699 : vector<16xf32>
        %add3A_738 = arith.addf %mul3A_737, %get3A_736 : vector<16xf32>
        %swap3A_739 = arith.index_cast %scan3A_695 : i32 to index
        %swap3A_740 = arith.constant 48 : index
        %swap3A_741 = tpu.vector_load %arg15[%swap3A_739, %swap3A_740] {strides = array<i32>} : memref<80x128xf32, #tpu.memory_space<vmem>>, vector<1x16xf32>,
        %swap3A_742 = vector.shape_cast %swap3A_741 : vector<1x16xf32> to vector<16xf32>
        %swap3A_743 = vector.shape_cast %add3A_738 : vector<16xf32> to vector<1x16xf32>
        tpu.vector_store %arg15[%swap3A_739, %swap3A_740], %swap3A_743 {strides = array<i32>} : memref<80x128xf32, #tpu.memory_space<vmem>>, vector<1x16xf32>,
        %get3A_744 = arith.index_cast %scan3A_695 : i32 to index
        %get3A_745 = arith.constant 64 : index
        %get3A_746 = tpu.vector_load %arg14[%get3A_744, %get3A_745] {strides = array<i32>} : memref<80x128xf32, #tpu.memory_space<vmem>>, vector<1x16xf32>,
        %get3A_747 = vector.shape_cast %get3A_746 : vector<1x16xf32> to vector<16xf32>
        %mul3A_748 = arith.mulf %add3A_655, %get3A_699 : vector<16xf32>
        %add3A_749 = arith.addf %mul3A_748, %get3A_747 : vector<16xf32>
        %swap3A_750 = arith.index_cast %scan3A_695 : i32 to index
        %swap3A_751 = arith.constant 64 : index
        %swap3A_752 = tpu.vector_load %arg15[%swap3A_750, %swap3A_751] {strides = array<i32>} : memref<80x128xf32, #tpu.memory_space<vmem>>, vector<1x16xf32>,
        %swap3A_753 = vector.shape_cast %swap3A_752 : vector<1x16xf32> to vector<16xf32>
        %swap3A_754 = vector.shape_cast %add3A_749 : vector<16xf32> to vector<1x16xf32>
        tpu.vector_store %arg15[%swap3A_750, %swap3A_751], %swap3A_754 {strides = array<i32>} : memref<80x128xf32, #tpu.memory_space<vmem>>, vector<1x16xf32>,
        %get3A_755 = arith.index_cast %scan3A_695 : i32 to index
        %get3A_756 = arith.constant 80 : index
        %get3A_757 = tpu.vector_load %arg14[%get3A_755, %get3A_756] {strides = array<i32>} : memref<80x128xf32, #tpu.memory_space<vmem>>, vector<1x16xf32>,
        %get3A_758 = vector.shape_cast %get3A_757 : vector<1x16xf32> to vector<16xf32>
        %mul3A_759 = arith.mulf %add3A_666, %get3A_699 : vector<16xf32>
        %add3A_760 = arith.addf %mul3A_759, %get3A_758 : vector<16xf32>
        %swap3A_761 = arith.index_cast %scan3A_695 : i32 to index
        %swap3A_762 = arith.constant 80 : index
        %swap3A_763 = tpu.vector_load %arg15[%swap3A_761, %swap3A_762] {strides = array<i32>} : memref<80x128xf32, #tpu.memory_space<vmem>>, vector<1x16xf32>,
        %swap3A_764 = vector.shape_cast %swap3A_763 : vector<1x16xf32> to vector<16xf32>
        %swap3A_765 = vector.shape_cast %add3A_760 : vector<16xf32> to vector<1x16xf32>
        tpu.vector_store %arg15[%swap3A_761, %swap3A_762], %swap3A_765 {strides = array<i32>} : memref<80x128xf32, #tpu.memory_space<vmem>>, vector<1x16xf32>,
        %get3A_766 = arith.index_cast %scan3A_695 : i32 to index
        %get3A_767 = arith.constant 96 : index
        %get3A_768 = tpu.vector_load %arg14[%get3A_766, %get3A_767] {strides = array<i32>} : memref<80x128xf32, #tpu.memory_space<vmem>>, vector<1x16xf32>,
        %get3A_769 = vector.shape_cast %get3A_768 : vector<1x16xf32> to vector<16xf32>
        %mul3A_770 = arith.mulf %add3A_677, %get3A_699 : vector<16xf32>
        %add3A_771 = arith.addf %mul3A_770, %get3A_769 : vector<16xf32>
        %swap3A_772 = arith.index_cast %scan3A_695 : i32 to index
        %swap3A_773 = arith.constant 96 : index
        %swap3A_774 = tpu.vector_load %arg15[%swap3A_772, %swap3A_773] {strides = array<i32>} : memref<80x128xf32, #tpu.memory_space<vmem>>, vector<1x16xf32>,
        %swap3A_775 = vector.shape_cast %swap3A_774 : vector<1x16xf32> to vector<16xf32>
        %swap3A_776 = vector.shape_cast %add3A_771 : vector<16xf32> to vector<1x16xf32>
        tpu.vector_store %arg15[%swap3A_772, %swap3A_773], %swap3A_776 {strides = array<i32>} : memref<80x128xf32, #tpu.memory_space<vmem>>, vector<1x16xf32>,
        %get3A_777 = arith.index_cast %scan3A_695 : i32 to index
        %get3A_778 = arith.constant 112 : index
        %get3A_779 = tpu.vector_load %arg14[%get3A_777, %get3A_778] {strides = array<i32>} : memref<80x128xf32, #tpu.memory_space<vmem>>, vector<1x16xf32>,
        %get3A_780 = vector.shape_cast %get3A_779 : vector<1x16xf32> to vector<16xf32>
        %mul3A_781 = arith.mulf %add3A_688, %get3A_699 : vector<16xf32>
        %add3A_782 = arith.addf %mul3A_781, %get3A_780 : vector<16xf32>
        %swap3A_783 = arith.index_cast %scan3A_695 : i32 to index
        %swap3A_784 = arith.constant 112 : index
        %swap3A_785 = tpu.vector_load %arg15[%swap3A_783, %swap3A_784] {strides = array<i32>} : memref<80x128xf32, #tpu.memory_space<vmem>>, vector<1x16xf32>,
        %swap3A_786 = vector.shape_cast %swap3A_785 : vector<1x16xf32> to vector<16xf32>
        %swap3A_787 = vector.shape_cast %add3A_782 : vector<16xf32> to vector<1x16xf32>
        tpu.vector_store %arg15[%swap3A_783, %swap3A_784], %swap3A_787 {strides = array<i32>} : memref<80x128xf32, #tpu.memory_space<vmem>>, vector<1x16xf32>,
        %scan3A_788 = arith.constant 7 : i32
        %scan3A_789 = arith.addi %scan3A_124, %scan3A_788 : i32
        %get3A_790 = arith.index_cast %scan3A_789 : i32 to index
        %get3A_791 = arith.constant 0 : index
        %get3A_792 = tpu.vector_load %arg11[%get3A_790, %get3A_791] {strides = array<i32>} : memref<80x16xf32, #tpu.memory_space<vmem>>, vector<1x16xf32>,
        %get3A_793 = vector.shape_cast %get3A_792 : vector<1x16xf32> to vector<16xf32>
        %get3A_794 = arith.index_cast %scan3A_789 : i32 to index
        %get3A_795 = arith.constant 0 : index
        %get3A_796 = tpu.vector_load %arg14[%get3A_794, %get3A_795] {strides = array<i32>} : memref<80x128xf32, #tpu.memory_space<vmem>>, vector<1x16xf32>,
        %get3A_797 = vector.shape_cast %get3A_796 : vector<1x16xf32> to vector<16xf32>
        %mul3A_798 = arith.mulf %add3A_705, %get3A_793 : vector<16xf32>
        %add3A_799 = arith.addf %mul3A_798, %get3A_797 : vector<16xf32>
        %swap3A_800 = arith.index_cast %scan3A_789 : i32 to index
        %swap3A_801 = arith.constant 0 : index
        %swap3A_802 = tpu.vector_load %arg15[%swap3A_800, %swap3A_801] {strides = array<i32>} : memref<80x128xf32, #tpu.memory_space<vmem>>, vector<1x16xf32>,
        %swap3A_803 = vector.shape_cast %swap3A_802 : vector<1x16xf32> to vector<16xf32>
        %swap3A_804 = vector.shape_cast %add3A_799 : vector<16xf32> to vector<1x16xf32>
        tpu.vector_store %arg15[%swap3A_800, %swap3A_801], %swap3A_804 {strides = array<i32>} : memref<80x128xf32, #tpu.memory_space<vmem>>, vector<1x16xf32>,
        %get3A_805 = arith.index_cast %scan3A_789 : i32 to index
        %get3A_806 = arith.constant 16 : index
        %get3A_807 = tpu.vector_load %arg14[%get3A_805, %get3A_806] {strides = array<i32>} : memref<80x128xf32, #tpu.memory_space<vmem>>, vector<1x16xf32>,
        %get3A_808 = vector.shape_cast %get3A_807 : vector<1x16xf32> to vector<16xf32>
        %mul3A_809 = arith.mulf %add3A_716, %get3A_793 : vector<16xf32>
        %add3A_810 = arith.addf %mul3A_809, %get3A_808 : vector<16xf32>
        %swap3A_811 = arith.index_cast %scan3A_789 : i32 to index
        %swap3A_812 = arith.constant 16 : index
        %swap3A_813 = tpu.vector_load %arg15[%swap3A_811, %swap3A_812] {strides = array<i32>} : memref<80x128xf32, #tpu.memory_space<vmem>>, vector<1x16xf32>,
        %swap3A_814 = vector.shape_cast %swap3A_813 : vector<1x16xf32> to vector<16xf32>
        %swap3A_815 = vector.shape_cast %add3A_810 : vector<16xf32> to vector<1x16xf32>
        tpu.vector_store %arg15[%swap3A_811, %swap3A_812], %swap3A_815 {strides = array<i32>} : memref<80x128xf32, #tpu.memory_space<vmem>>, vector<1x16xf32>,
        %get3A_816 = arith.index_cast %scan3A_789 : i32 to index
        %get3A_817 = arith.constant 32 : index
        %get3A_818 = tpu.vector_load %arg14[%get3A_816, %get3A_817] {strides = array<i32>} : memref<80x128xf32, #tpu.memory_space<vmem>>, vector<1x16xf32>,
        %get3A_819 = vector.shape_cast %get3A_818 : vector<1x16xf32> to vector<16xf32>
        %mul3A_820 = arith.mulf %add3A_727, %get3A_793 : vector<16xf32>
        %add3A_821 = arith.addf %mul3A_820, %get3A_819 : vector<16xf32>
        %swap3A_822 = arith.index_cast %scan3A_789 : i32 to index
        %swap3A_823 = arith.constant 32 : index
        %swap3A_824 = tpu.vector_load %arg15[%swap3A_822, %swap3A_823] {strides = array<i32>} : memref<80x128xf32, #tpu.memory_space<vmem>>, vector<1x16xf32>,
        %swap3A_825 = vector.shape_cast %swap3A_824 : vector<1x16xf32> to vector<16xf32>
        %swap3A_826 = vector.shape_cast %add3A_821 : vector<16xf32> to vector<1x16xf32>
        tpu.vector_store %arg15[%swap3A_822, %swap3A_823], %swap3A_826 {strides = array<i32>} : memref<80x128xf32, #tpu.memory_space<vmem>>, vector<1x16xf32>,
        %get3A_827 = arith.index_cast %scan3A_789 : i32 to index
        %get3A_828 = arith.constant 48 : index
        %get3A_829 = tpu.vector_load %arg14[%get3A_827, %get3A_828] {strides = array<i32>} : memref<80x128xf32, #tpu.memory_space<vmem>>, vector<1x16xf32>,
        %get3A_830 = vector.shape_cast %get3A_829 : vector<1x16xf32> to vector<16xf32>
        %mul3A_831 = arith.mulf %add3A_738, %get3A_793 : vector<16xf32>
        %add3A_832 = arith.addf %mul3A_831, %get3A_830 : vector<16xf32>
        %swap3A_833 = arith.index_cast %scan3A_789 : i32 to index
        %swap3A_834 = arith.constant 48 : index
        %swap3A_835 = tpu.vector_load %arg15[%swap3A_833, %swap3A_834] {strides = array<i32>} : memref<80x128xf32, #tpu.memory_space<vmem>>, vector<1x16xf32>,
        %swap3A_836 = vector.shape_cast %swap3A_835 : vector<1x16xf32> to vector<16xf32>
        %swap3A_837 = vector.shape_cast %add3A_832 : vector<16xf32> to vector<1x16xf32>
        tpu.vector_store %arg15[%swap3A_833, %swap3A_834], %swap3A_837 {strides = array<i32>} : memref<80x128xf32, #tpu.memory_space<vmem>>, vector<1x16xf32>,
        %get3A_838 = arith.index_cast %scan3A_789 : i32 to index
        %get3A_839 = arith.constant 64 : index
        %get3A_840 = tpu.vector_load %arg14[%get3A_838, %get3A_839] {strides = array<i32>} : memref<80x128xf32, #tpu.memory_space<vmem>>, vector<1x16xf32>,
        %get3A_841 = vector.shape_cast %get3A_840 : vector<1x16xf32> to vector<16xf32>
        %mul3A_842 = arith.mulf %add3A_749, %get3A_793 : vector<16xf32>
        %add3A_843 = arith.addf %mul3A_842, %get3A_841 : vector<16xf32>
        %swap3A_844 = arith.index_cast %scan3A_789 : i32 to index
        %swap3A_845 = arith.constant 64 : index
        %swap3A_846 = tpu.vector_load %arg15[%swap3A_844, %swap3A_845] {strides = array<i32>} : memref<80x128xf32, #tpu.memory_space<vmem>>, vector<1x16xf32>,
        %swap3A_847 = vector.shape_cast %swap3A_846 : vector<1x16xf32> to vector<16xf32>
        %swap3A_848 = vector.shape_cast %add3A_843 : vector<16xf32> to vector<1x16xf32>
        tpu.vector_store %arg15[%swap3A_844, %swap3A_845], %swap3A_848 {strides = array<i32>} : memref<80x128xf32, #tpu.memory_space<vmem>>, vector<1x16xf32>,
        %get3A_849 = arith.index_cast %scan3A_789 : i32 to index
        %get3A_850 = arith.constant 80 : index
        %get3A_851 = tpu.vector_load %arg14[%get3A_849, %get3A_850] {strides = array<i32>} : memref<80x128xf32, #tpu.memory_space<vmem>>, vector<1x16xf32>,
        %get3A_852 = vector.shape_cast %get3A_851 : vector<1x16xf32> to vector<16xf32>
        %mul3A_853 = arith.mulf %add3A_760, %get3A_793 : vector<16xf32>
        %add3A_854 = arith.addf %mul3A_853, %get3A_852 : vector<16xf32>
        %swap3A_855 = arith.index_cast %scan3A_789 : i32 to index
        %swap3A_856 = arith.constant 80 : index
        %swap3A_857 = tpu.vector_load %arg15[%swap3A_855, %swap3A_856] {strides = array<i32>} : memref<80x128xf32, #tpu.memory_space<vmem>>, vector<1x16xf32>,
        %swap3A_858 = vector.shape_cast %swap3A_857 : vector<1x16xf32> to vector<16xf32>
        %swap3A_859 = vector.shape_cast %add3A_854 : vector<16xf32> to vector<1x16xf32>
        tpu.vector_store %arg15[%swap3A_855, %swap3A_856], %swap3A_859 {strides = array<i32>} : memref<80x128xf32, #tpu.memory_space<vmem>>, vector<1x16xf32>,
        %get3A_860 = arith.index_cast %scan3A_789 : i32 to index
        %get3A_861 = arith.constant 96 : index
        %get3A_862 = tpu.vector_load %arg14[%get3A_860, %get3A_861] {strides = array<i32>} : memref<80x128xf32, #tpu.memory_space<vmem>>, vector<1x16xf32>,
        %get3A_863 = vector.shape_cast %get3A_862 : vector<1x16xf32> to vector<16xf32>
        %mul3A_864 = arith.mulf %add3A_771, %get3A_793 : vector<16xf32>
        %add3A_865 = arith.addf %mul3A_864, %get3A_863 : vector<16xf32>
        %swap3A_866 = arith.index_cast %scan3A_789 : i32 to index
        %swap3A_867 = arith.constant 96 : index
        %swap3A_868 = tpu.vector_load %arg15[%swap3A_866, %swap3A_867] {strides = array<i32>} : memref<80x128xf32, #tpu.memory_space<vmem>>, vector<1x16xf32>,
        %swap3A_869 = vector.shape_cast %swap3A_868 : vector<1x16xf32> to vector<16xf32>
        %swap3A_870 = vector.shape_cast %add3A_865 : vector<16xf32> to vector<1x16xf32>
        tpu.vector_store %arg15[%swap3A_866, %swap3A_867], %swap3A_870 {strides = array<i32>} : memref<80x128xf32, #tpu.memory_space<vmem>>, vector<1x16xf32>,
        %get3A_871 = arith.index_cast %scan3A_789 : i32 to index
        %get3A_872 = arith.constant 112 : index
        %get3A_873 = tpu.vector_load %arg14[%get3A_871, %get3A_872] {strides = array<i32>} : memref<80x128xf32, #tpu.memory_space<vmem>>, vector<1x16xf32>,
        %get3A_874 = vector.shape_cast %get3A_873 : vector<1x16xf32> to vector<16xf32>
        %mul3A_875 = arith.mulf %add3A_782, %get3A_793 : vector<16xf32>
        %add3A_876 = arith.addf %mul3A_875, %get3A_874 : vector<16xf32>
        %swap3A_877 = arith.index_cast %scan3A_789 : i32 to index
        %swap3A_878 = arith.constant 112 : index
        %swap3A_879 = tpu.vector_load %arg15[%swap3A_877, %swap3A_878] {strides = array<i32>} : memref<80x128xf32, #tpu.memory_space<vmem>>, vector<1x16xf32>,
        %swap3A_880 = vector.shape_cast %swap3A_879 : vector<1x16xf32> to vector<16xf32>
        %swap3A_881 = vector.shape_cast %add3A_876 : vector<16xf32> to vector<1x16xf32>
        tpu.vector_store %arg15[%swap3A_877, %swap3A_878], %swap3A_881 {strides = array<i32>} : memref<80x128xf32, #tpu.memory_space<vmem>>, vector<1x16xf32>,
        scf.yield %add3A_799, %add3A_810, %add3A_821, %add3A_832, %add3A_843, %add3A_854, %add3A_865, %add3A_876 : vector<16xf32>, vector<16xf32>, vector<16xf32>, vector<16xf32>, vector<16xf32>, vector<16xf32>, vector<16xf32>, vector<16xf32>
      }
      %scan3A_113 = arith.constant 80 : i32
      %eq3A_114 = arith.constant 0 : i32
      %eq3A_115 = arith.cmpi eq, %arg0, %eq3A_114 : i32
      %convert_element_type3A_116 = arith.extui %eq3A_115 : i1 to i32
      %cond3A_117 = arith.constant 0 : i32
      %cond3A_118 = arith.cmpi ne, %convert_element_type3A_116, %cond3A_117 : i32
      scf.if %cond3A_118 {
        "tpu.region"() ({
          %run_scoped3A = tpu.sem_alloc : memref<!tpu.dma_semaphore, #tpu.memory_space<semaphore_mem>>
          %dma_start3A_124 = arith.constant 0 : i32
          %dma_start3A_125 = arith.constant 0 : i32
          %dma_start3A_126 = tpu.memref_slice %arg8[%dma_start3A_124, %dma_start3A_125] : memref<10160x128xf32, #tpu.memory_space<hbm>> -> memref<10160x128xf32, #tpu.memory_space<hbm>>
          tpu.enqueue_indirect_dma source(%arg15 : memref<80x128xf32, #tpu.memory_space<vmem>>) target(%dma_start3A_126 : memref<10160x128xf32, #tpu.memory_space<hbm>>) offsets(%arg12 : memref<80xi32, #tpu.memory_space<vmem>>) semaphore(%run_scoped3A : memref<!tpu.dma_semaphore, #tpu.memory_space<semaphore_mem>>)
          %dma_wait3A_127 = arith.constant 0 : i32
          %dma_wait3A_128 = arith.constant 0 : i32
          %dma_wait3A_129 = tpu.memref_slice %arg8[%dma_wait3A_127, %dma_wait3A_128] : memref<10160x128xf32, #tpu.memory_space<hbm>> -> memref<10160x128xf32, #tpu.memory_space<hbm>>
          tpu.wait_indirect_dma semaphore(%run_scoped3A : memref<!tpu.dma_semaphore, #tpu.memory_space<semaphore_mem>>) src(%arg15 : memref<80x128xf32, #tpu.memory_space<vmem>>) dst(%dma_wait3A_129 : memref<10160x128xf32, #tpu.memory_space<hbm>>)
          tpu.yield
        }) : () -> ()
      } else {
      }
      %eq3A_119 = arith.constant 1 : i32
      %eq3A_120 = arith.cmpi eq, %arg0, %eq3A_119 : i32
      %convert_element_type3A_121 = arith.extui %eq3A_120 : i1 to i32
      %cond3A_122 = arith.constant 0 : i32
      %cond3A_123 = arith.cmpi ne, %convert_element_type3A_121, %cond3A_122 : i32
      scf.if %cond3A_123 {
        "tpu.region"() ({
          %run_scoped3A = tpu.sem_alloc : memref<!tpu.dma_semaphore, #tpu.memory_space<semaphore_mem>>
          %dma_start3A_124 = arith.constant 0 : i32
          %dma_start3A_125 = arith.constant 0 : i32
          %dma_start3A_126 = tpu.memref_slice %arg9[%dma_start3A_124, %dma_start3A_125] : memref<10160x128xf32, #tpu.memory_space<hbm>> -> memref<10160x128xf32, #tpu.memory_space<hbm>>
          tpu.enqueue_indirect_dma source(%arg15 : memref<80x128xf32, #tpu.memory_space<vmem>>) target(%dma_start3A_126 : memref<10160x128xf32, #tpu.memory_space<hbm>>) offsets(%arg12 : memref<80xi32, #tpu.memory_space<vmem>>) semaphore(%run_scoped3A : memref<!tpu.dma_semaphore, #tpu.memory_space<semaphore_mem>>)
          %dma_wait3A_127 = arith.constant 0 : i32
          %dma_wait3A_128 = arith.constant 0 : i32
          %dma_wait3A_129 = tpu.memref_slice %arg9[%dma_wait3A_127, %dma_wait3A_128] : memref<10160x128xf32, #tpu.memory_space<hbm>> -> memref<10160x128xf32, #tpu.memory_space<hbm>>
          tpu.wait_indirect_dma semaphore(%run_scoped3A : memref<!tpu.dma_semaphore, #tpu.memory_space<semaphore_mem>>) src(%arg15 : memref<80x128xf32, #tpu.memory_space<vmem>>) dst(%dma_wait3A_129 : memref<10160x128xf32, #tpu.memory_space<hbm>>)
          tpu.yield
        }) : () -> ()
      } else {
      }
      scf.yield %scan3A_112#0, %scan3A_112#1, %scan3A_112#2, %scan3A_112#3, %scan3A_112#4, %scan3A_112#5, %scan3A_112#6, %scan3A_112#7 : vector<16xf32>, vector<16xf32>, vector<16xf32>, vector<16xf32>, vector<16xf32>, vector<16xf32>, vector<16xf32>, vector<16xf32>
    }
    %scan3A_32 = arith.constant 125 : i32
    %swap3A = arith.constant 0 : i32
    %swap3A_33 = arith.index_cast %swap3A : i32 to index
    %swap3A_34 = arith.constant 0 : index
    %swap3A_35 = tpu.vector_load %arg15[%swap3A_33, %swap3A_34] {strides = array<i32>} : memref<80x128xf32, #tpu.memory_space<vmem>>, vector<1x16xf32>,
    %swap3A_36 = vector.shape_cast %swap3A_35 : vector<1x16xf32> to vector<16xf32>
    %swap3A_37 = vector.shape_cast %scan3A_31#0 : vector<16xf32> to vector<1x16xf32>
    tpu.vector_store %arg15[%swap3A_33, %swap3A_34], %swap3A_37 {strides = array<i32>} : memref<80x128xf32, #tpu.memory_space<vmem>>, vector<1x16xf32>,
    %swap3A_38 = arith.constant 0 : i32
    %swap3A_39 = arith.index_cast %swap3A_38 : i32 to index
    %swap3A_40 = arith.constant 16 : index
    %swap3A_41 = tpu.vector_load %arg15[%swap3A_39, %swap3A_40] {strides = array<i32>} : memref<80x128xf32, #tpu.memory_space<vmem>>, vector<1x16xf32>,
    %swap3A_42 = vector.shape_cast %swap3A_41 : vector<1x16xf32> to vector<16xf32>
    %swap3A_43 = vector.shape_cast %scan3A_31#1 : vector<16xf32> to vector<1x16xf32>
    tpu.vector_store %arg15[%swap3A_39, %swap3A_40], %swap3A_43 {strides = array<i32>} : memref<80x128xf32, #tpu.memory_space<vmem>>, vector<1x16xf32>,
    %swap3A_44 = arith.constant 0 : i32
    %swap3A_45 = arith.index_cast %swap3A_44 : i32 to index
    %swap3A_46 = arith.constant 32 : index
    %swap3A_47 = tpu.vector_load %arg15[%swap3A_45, %swap3A_46] {strides = array<i32>} : memref<80x128xf32, #tpu.memory_space<vmem>>, vector<1x16xf32>,
    %swap3A_48 = vector.shape_cast %swap3A_47 : vector<1x16xf32> to vector<16xf32>
    %swap3A_49 = vector.shape_cast %scan3A_31#2 : vector<16xf32> to vector<1x16xf32>
    tpu.vector_store %arg15[%swap3A_45, %swap3A_46], %swap3A_49 {strides = array<i32>} : memref<80x128xf32, #tpu.memory_space<vmem>>, vector<1x16xf32>,
    %swap3A_50 = arith.constant 0 : i32
    %swap3A_51 = arith.index_cast %swap3A_50 : i32 to index
    %swap3A_52 = arith.constant 48 : index
    %swap3A_53 = tpu.vector_load %arg15[%swap3A_51, %swap3A_52] {strides = array<i32>} : memref<80x128xf32, #tpu.memory_space<vmem>>, vector<1x16xf32>,
    %swap3A_54 = vector.shape_cast %swap3A_53 : vector<1x16xf32> to vector<16xf32>
    %swap3A_55 = vector.shape_cast %scan3A_31#3 : vector<16xf32> to vector<1x16xf32>
    tpu.vector_store %arg15[%swap3A_51, %swap3A_52], %swap3A_55 {strides = array<i32>} : memref<80x128xf32, #tpu.memory_space<vmem>>, vector<1x16xf32>,
    %swap3A_56 = arith.constant 0 : i32
    %swap3A_57 = arith.index_cast %swap3A_56 : i32 to index
    %swap3A_58 = arith.constant 64 : index
    %swap3A_59 = tpu.vector_load %arg15[%swap3A_57, %swap3A_58] {strides = array<i32>} : memref<80x128xf32, #tpu.memory_space<vmem>>, vector<1x16xf32>,
    %swap3A_60 = vector.shape_cast %swap3A_59 : vector<1x16xf32> to vector<16xf32>
    %swap3A_61 = vector.shape_cast %scan3A_31#4 : vector<16xf32> to vector<1x16xf32>
    tpu.vector_store %arg15[%swap3A_57, %swap3A_58], %swap3A_61 {strides = array<i32>} : memref<80x128xf32, #tpu.memory_space<vmem>>, vector<1x16xf32>,
    %swap3A_62 = arith.constant 0 : i32
    %swap3A_63 = arith.index_cast %swap3A_62 : i32 to index
    %swap3A_64 = arith.constant 80 : index
    %swap3A_65 = tpu.vector_load %arg15[%swap3A_63, %swap3A_64] {strides = array<i32>} : memref<80x128xf32, #tpu.memory_space<vmem>>, vector<1x16xf32>,
    %swap3A_66 = vector.shape_cast %swap3A_65 : vector<1x16xf32> to vector<16xf32>
    %swap3A_67 = vector.shape_cast %scan3A_31#5 : vector<16xf32> to vector<1x16xf32>
    tpu.vector_store %arg15[%swap3A_63, %swap3A_64], %swap3A_67 {strides = array<i32>} : memref<80x128xf32, #tpu.memory_space<vmem>>, vector<1x16xf32>,
    %swap3A_68 = arith.constant 0 : i32
    %swap3A_69 = arith.index_cast %swap3A_68 : i32 to index
    %swap3A_70 = arith.constant 96 : index
    %swap3A_71 = tpu.vector_load %arg15[%swap3A_69, %swap3A_70] {strides = array<i32>} : memref<80x128xf32, #tpu.memory_space<vmem>>, vector<1x16xf32>,
    %swap3A_72 = vector.shape_cast %swap3A_71 : vector<1x16xf32> to vector<16xf32>
    %swap3A_73 = vector.shape_cast %scan3A_31#6 : vector<16xf32> to vector<1x16xf32>
    tpu.vector_store %arg15[%swap3A_69, %swap3A_70], %swap3A_73 {strides = array<i32>} : memref<80x128xf32, #tpu.memory_space<vmem>>, vector<1x16xf32>,
    %swap3A_74 = arith.constant 0 : i32
    %swap3A_75 = arith.index_cast %swap3A_74 : i32 to index
    %swap3A_76 = arith.constant 112 : index
    %swap3A_77 = tpu.vector_load %arg15[%swap3A_75, %swap3A_76] {strides = array<i32>} : memref<80x128xf32, #tpu.memory_space<vmem>>, vector<1x16xf32>,
    %swap3A_78 = vector.shape_cast %swap3A_77 : vector<1x16xf32> to vector<16xf32>
    %swap3A_79 = vector.shape_cast %scan3A_31#7 : vector<16xf32> to vector<1x16xf32>
    tpu.vector_store %arg15[%swap3A_75, %swap3A_76], %swap3A_79 {strides = array<i32>} : memref<80x128xf32, #tpu.memory_space<vmem>>, vector<1x16xf32>,
    %mul3A_80 = arith.constant 16 : i32
    %mul3A_81 = arith.muli %add3A, %mul3A_80 : i32
    "tpu.region"() ({
      %run_scoped3A = tpu.sem_alloc : memref<!tpu.dma_semaphore, #tpu.memory_space<semaphore_mem>>
      %dma_start3A = tpu.memref_slice %arg6[%mul3A_81] : memref<512xi32, #tpu.memory_space<hbm>> -> memref<16xi32, #tpu.memory_space<hbm>>
      %dma_start3A_92 = tpu.memref_slice %arg6[%mul3A_81] : memref<512xi32, #tpu.memory_space<hbm>> -> memref<16xi32, #tpu.memory_space<hbm>>
      tpu.enqueue_dma source(%dma_start3A_92 : memref<16xi32, #tpu.memory_space<hbm>>) target(%arg13 : memref<16xi32, #tpu.memory_space<vmem>>) target_semaphore(%run_scoped3A : memref<!tpu.dma_semaphore, #tpu.memory_space<semaphore_mem>>)
      %dma_wait3A = tpu.memref_slice %arg6[%mul3A_81] : memref<512xi32, #tpu.memory_space<hbm>> -> memref<16xi32, #tpu.memory_space<hbm>>
      %dma_wait3A_93 = tpu.memref_slice %arg6[%mul3A_81] : memref<512xi32, #tpu.memory_space<hbm>> -> memref<16xi32, #tpu.memory_space<hbm>>
      tpu.wait_dma2 semaphore(%run_scoped3A : memref<!tpu.dma_semaphore, #tpu.memory_space<semaphore_mem>>) src(%dma_wait3A_93 : memref<16xi32, #tpu.memory_space<hbm>>) dst(%arg13 : memref<16xi32, #tpu.memory_space<vmem>>)
      tpu.yield
    }) : () -> ()
    %eq3A_82 = arith.constant 0 : i32
    %eq3A_83 = arith.cmpi eq, %arg0, %eq3A_82 : i32
    %convert_element_type3A_84 = arith.extui %eq3A_83 : i1 to i32
    %cond3A_85 = arith.constant 0 : i32
    %cond3A_86 = arith.cmpi ne, %convert_element_type3A_84, %cond3A_85 : i32
    scf.if %cond3A_86 {
      "tpu.region"() ({
        %run_scoped3A = tpu.sem_alloc : memref<!tpu.dma_semaphore, #tpu.memory_space<semaphore_mem>>
        %dma_start3A = arith.constant 0 : i32
        %dma_start3A_92 = arith.constant 0 : i32
        %dma_start3A_93 = tpu.memref_slice %arg15[%dma_start3A, %dma_start3A_92] : memref<80x128xf32, #tpu.memory_space<vmem>> -> memref<16x128xf32, #tpu.memory_space<vmem>>
        %dma_start3A_94 = arith.constant 0 : i32
        %dma_start3A_95 = arith.constant 0 : i32
        %dma_start3A_96 = tpu.memref_slice %arg8[%dma_start3A_94, %dma_start3A_95] : memref<10160x128xf32, #tpu.memory_space<hbm>> -> memref<10160x128xf32, #tpu.memory_space<hbm>>
        tpu.enqueue_indirect_dma source(%dma_start3A_93 : memref<16x128xf32, #tpu.memory_space<vmem>>) target(%dma_start3A_96 : memref<10160x128xf32, #tpu.memory_space<hbm>>) offsets(%arg13 : memref<16xi32, #tpu.memory_space<vmem>>) semaphore(%run_scoped3A : memref<!tpu.dma_semaphore, #tpu.memory_space<semaphore_mem>>)
        %dma_wait3A = arith.constant 0 : i32
        %dma_wait3A_97 = arith.constant 0 : i32
        %dma_wait3A_98 = tpu.memref_slice %arg15[%dma_wait3A, %dma_wait3A_97] : memref<80x128xf32, #tpu.memory_space<vmem>> -> memref<16x128xf32, #tpu.memory_space<vmem>>
        %dma_wait3A_99 = arith.constant 0 : i32
        %dma_wait3A_100 = arith.constant 0 : i32
        %dma_wait3A_101 = tpu.memref_slice %arg8[%dma_wait3A_99, %dma_wait3A_100] : memref<10160x128xf32, #tpu.memory_space<hbm>> -> memref<10160x128xf32, #tpu.memory_space<hbm>>
        tpu.wait_indirect_dma semaphore(%run_scoped3A : memref<!tpu.dma_semaphore, #tpu.memory_space<semaphore_mem>>) src(%dma_wait3A_98 : memref<16x128xf32, #tpu.memory_space<vmem>>) dst(%dma_wait3A_101 : memref<10160x128xf32, #tpu.memory_space<hbm>>)
        tpu.yield
      }) : () -> ()
    } else {
    }
    %eq3A_87 = arith.constant 1 : i32
    %eq3A_88 = arith.cmpi eq, %arg0, %eq3A_87 : i32
    %convert_element_type3A_89 = arith.extui %eq3A_88 : i1 to i32
    %cond3A_90 = arith.constant 0 : i32
    %cond3A_91 = arith.cmpi ne, %convert_element_type3A_89, %cond3A_90 : i32
    scf.if %cond3A_91 {
      "tpu.region"() ({
        %run_scoped3A = tpu.sem_alloc : memref<!tpu.dma_semaphore, #tpu.memory_space<semaphore_mem>>
        %dma_start3A = arith.constant 0 : i32
        %dma_start3A_92 = arith.constant 0 : i32
        %dma_start3A_93 = tpu.memref_slice %arg15[%dma_start3A, %dma_start3A_92] : memref<80x128xf32, #tpu.memory_space<vmem>> -> memref<16x128xf32, #tpu.memory_space<vmem>>
        %dma_start3A_94 = arith.constant 0 : i32
        %dma_start3A_95 = arith.constant 0 : i32
        %dma_start3A_96 = tpu.memref_slice %arg9[%dma_start3A_94, %dma_start3A_95] : memref<10160x128xf32, #tpu.memory_space<hbm>> -> memref<10160x128xf32, #tpu.memory_space<hbm>>
        tpu.enqueue_indirect_dma source(%dma_start3A_93 : memref<16x128xf32, #tpu.memory_space<vmem>>) target(%dma_start3A_96 : memref<10160x128xf32, #tpu.memory_space<hbm>>) offsets(%arg13 : memref<16xi32, #tpu.memory_space<vmem>>) semaphore(%run_scoped3A : memref<!tpu.dma_semaphore, #tpu.memory_space<semaphore_mem>>)
        %dma_wait3A = arith.constant 0 : i32
        %dma_wait3A_97 = arith.constant 0 : i32
        %dma_wait3A_98 = tpu.memref_slice %arg15[%dma_wait3A, %dma_wait3A_97] : memref<80x128xf32, #tpu.memory_space<vmem>> -> memref<16x128xf32, #tpu.memory_space<vmem>>
        %dma_wait3A_99 = arith.constant 0 : i32
        %dma_wait3A_100 = arith.constant 0 : i32
        %dma_wait3A_101 = tpu.memref_slice %arg9[%dma_wait3A_99, %dma_wait3A_100] : memref<10160x128xf32, #tpu.memory_space<hbm>> -> memref<10160x128xf32, #tpu.memory_space<hbm>>
        tpu.wait_indirect_dma semaphore(%run_scoped3A : memref<!tpu.dma_semaphore, #tpu.memory_space<semaphore_mem>>) src(%dma_wait3A_98 : memref<16x128xf32, #tpu.memory_space<vmem>>) dst(%dma_wait3A_101 : memref<10160x128xf32, #tpu.memory_space<hbm>>)
        tpu.yield
      }) : () -> ()
    } else {
    }
    return
  }
}

#map = affine_map<(d0, d1) -> (0, 0)>
#map1 = affine_map<(d0, d1) -> (0)>
module attributes {stable_mosaic.version = 14 : i64} {
  func.func @_sc_agg_body(%arg0: i32, %arg1: i32, %arg2: memref<10000x128xf32, #tpu.memory_space<hbm>>, %arg3: memref<320000xi32, #tpu.memory_space<hbm>>, %arg4: memref<320000x16xf32, #tpu.memory_space<hbm>>, %arg5: memref<320000xi32, #tpu.memory_space<hbm>>, %arg6: memref<512xi32, #tpu.memory_space<hbm>>, %arg7: memref<10160x128xf32, #tpu.memory_space<hbm>>, %arg8: memref<10160x128xf32, #tpu.memory_space<hbm>>, %arg9: memref<10160x128xf32, #tpu.memory_space<hbm>>, %arg10: memref<80xi32, #tpu.memory_space<vmem>>, %arg11: memref<80x16xf32, #tpu.memory_space<vmem>>, %arg12: memref<80xi32, #tpu.memory_space<vmem>>, %arg13: memref<16xi32, #tpu.memory_space<vmem>>, %arg14: memref<80x128xf32, #tpu.memory_space<vmem>>, %arg15: memref<80x128xf32, #tpu.memory_space<vmem>>, %arg16: memref<!tpu.dma_semaphore, #tpu.memory_space<semaphore_mem>>) attributes {dimension_semantics = [#tpu.dimension_semantics<core_parallel>, #tpu.dimension_semantics<subcore_parallel>], iteration_bounds = array<i64: 2, 16>, scalar_prefetch = 0 : i64, scratch_operands = 7 : i64, tpu.core_type = #tpu.core_type<sc_vector_subcore>, window_params = [{transform_indices = #map}, {transform_indices = #map1}, {transform_indices = #map}, {transform_indices = #map1}, {transform_indices = #map1}, {transform_indices = #map}, {transform_indices = #map}, {transform_indices = #map}]} {
    %mul3A = arith.constant 16 : i32
    %mul3A_0 = arith.muli %arg0, %mul3A : i32
    %add3A = arith.addi %mul3A_0, %arg1 : i32
    %mul3A_1 = arith.constant 640 : i32
    %mul3A_2 = arith.muli %arg1, %mul3A_1 : i32
    %min3A = arith.constant 9520 : i32
    %min3A_3 = arith.minsi %mul3A_2, %min3A : i32
    %multiple_of3A = tpu.assume_multiple %min3A_3, 8 : i32
    %eq3A = arith.constant 0 : i32
    %eq3A_4 = arith.cmpi eq, %arg0, %eq3A : i32
    %convert_element_type3A = arith.extui %eq3A_4 : i1 to i32
    %cond3A = arith.constant 0 : i32
    %cond3A_5 = arith.cmpi ne, %convert_element_type3A, %cond3A : i32
    scf.if %cond3A_5 {
      "tpu.region"() ({
        %run_scoped3A = tpu.sem_alloc : memref<!tpu.dma_semaphore, #tpu.memory_space<semaphore_mem>>
        %dma_start3A = arith.constant 0 : i32
        %dma_start3A_92 = tpu.memref_slice %arg8[%multiple_of3A, %dma_start3A] : memref<10160x128xf32, #tpu.memory_space<hbm>> -> memref<640x128xf32, #tpu.memory_space<hbm>>
        %dma_start3A_93 = arith.constant 0 : i32
        %dma_start3A_94 = tpu.memref_slice %arg7[%multiple_of3A, %dma_start3A_93] : memref<10160x128xf32, #tpu.memory_space<hbm>> -> memref<640x128xf32, #tpu.memory_space<hbm>>
        tpu.enqueue_dma source(%dma_start3A_94 : memref<640x128xf32, #tpu.memory_space<hbm>>) target(%dma_start3A_92 : memref<640x128xf32, #tpu.memory_space<hbm>>) target_semaphore(%run_scoped3A : memref<!tpu.dma_semaphore, #tpu.memory_space<semaphore_mem>>)
        %dma_wait3A = arith.constant 0 : i32
        %dma_wait3A_95 = tpu.memref_slice %arg8[%multiple_of3A, %dma_wait3A] : memref<10160x128xf32, #tpu.memory_space<hbm>> -> memref<640x128xf32, #tpu.memory_space<hbm>>
        %dma_wait3A_96 = arith.constant 0 : i32
        %dma_wait3A_97 = tpu.memref_slice %arg7[%multiple_of3A, %dma_wait3A_96] : memref<10160x128xf32, #tpu.memory_space<hbm>> -> memref<640x128xf32, #tpu.memory_space<hbm>>
        tpu.wait_dma2 semaphore(%run_scoped3A : memref<!tpu.dma_semaphore, #tpu.memory_space<semaphore_mem>>) src(%dma_wait3A_97 : memref<640x128xf32, #tpu.memory_space<hbm>>) dst(%dma_wait3A_95 : memref<640x128xf32, #tpu.memory_space<hbm>>)
        tpu.yield
      }) : () -> ()
    } else {
    }
    %eq3A_6 = arith.constant 1 : i32
    %eq3A_7 = arith.cmpi eq, %arg0, %eq3A_6 : i32
    %convert_element_type3A_8 = arith.extui %eq3A_7 : i1 to i32
    %cond3A_9 = arith.constant 0 : i32
    %cond3A_10 = arith.cmpi ne, %convert_element_type3A_8, %cond3A_9 : i32
    scf.if %cond3A_10 {
      "tpu.region"() ({
        %run_scoped3A = tpu.sem_alloc : memref<!tpu.dma_semaphore, #tpu.memory_space<semaphore_mem>>
        %dma_start3A = arith.constant 0 : i32
        %dma_start3A_92 = tpu.memref_slice %arg9[%multiple_of3A, %dma_start3A] : memref<10160x128xf32, #tpu.memory_space<hbm>> -> memref<640x128xf32, #tpu.memory_space<hbm>>
        %dma_start3A_93 = arith.constant 0 : i32
        %dma_start3A_94 = tpu.memref_slice %arg7[%multiple_of3A, %dma_start3A_93] : memref<10160x128xf32, #tpu.memory_space<hbm>> -> memref<640x128xf32, #tpu.memory_space<hbm>>
        tpu.enqueue_dma source(%dma_start3A_94 : memref<640x128xf32, #tpu.memory_space<hbm>>) target(%dma_start3A_92 : memref<640x128xf32, #tpu.memory_space<hbm>>) target_semaphore(%run_scoped3A : memref<!tpu.dma_semaphore, #tpu.memory_space<semaphore_mem>>)
        %dma_wait3A = arith.constant 0 : i32
        %dma_wait3A_95 = tpu.memref_slice %arg9[%multiple_of3A, %dma_wait3A] : memref<10160x128xf32, #tpu.memory_space<hbm>> -> memref<640x128xf32, #tpu.memory_space<hbm>>
        %dma_wait3A_96 = arith.constant 0 : i32
        %dma_wait3A_97 = tpu.memref_slice %arg7[%multiple_of3A, %dma_wait3A_96] : memref<10160x128xf32, #tpu.memory_space<hbm>> -> memref<640x128xf32, #tpu.memory_space<hbm>>
        tpu.wait_dma2 semaphore(%run_scoped3A : memref<!tpu.dma_semaphore, #tpu.memory_space<semaphore_mem>>) src(%dma_wait3A_97 : memref<640x128xf32, #tpu.memory_space<hbm>>) dst(%dma_wait3A_95 : memref<640x128xf32, #tpu.memory_space<hbm>>)
        tpu.yield
      }) : () -> ()
    } else {
    }
    %barrier3A = arith.constant 0 : index
    tpu.barrier barrier_id(%barrier3A)
    %mul3A_11 = arith.constant 10000 : i32
    %mul3A_12 = arith.muli %add3A, %mul3A_11 : i32
    %broadcast_in_dim3A = arith.constant 0.000000e+00 : f32
    %broadcast_in_dim3A_13 = vector.broadcast %broadcast_in_dim3A : f32 to vector<16xf32>
    %broadcast_in_dim3A_14 = arith.constant 0.000000e+00 : f32
    %broadcast_in_dim3A_15 = vector.broadcast %broadcast_in_dim3A_14 : f32 to vector<16xf32>
    %broadcast_in_dim3A_16 = arith.constant 0.000000e+00 : f32
    %broadcast_in_dim3A_17 = vector.broadcast %broadcast_in_dim3A_16 : f32 to vector<16xf32>
    %broadcast_in_dim3A_18 = arith.constant 0.000000e+00 : f32
    %broadcast_in_dim3A_19 = vector.broadcast %broadcast_in_dim3A_18 : f32 to vector<16xf32>
    %broadcast_in_dim3A_20 = arith.constant 0.000000e+00 : f32
    %broadcast_in_dim3A_21 = vector.broadcast %broadcast_in_dim3A_20 : f32 to vector<16xf32>
    %broadcast_in_dim3A_22 = arith.constant 0.000000e+00 : f32
    %broadcast_in_dim3A_23 = vector.broadcast %broadcast_in_dim3A_22 : f32 to vector<16xf32>
    %broadcast_in_dim3A_24 = arith.constant 0.000000e+00 : f32
    %broadcast_in_dim3A_25 = vector.broadcast %broadcast_in_dim3A_24 : f32 to vector<16xf32>
    %broadcast_in_dim3A_26 = arith.constant 0.000000e+00 : f32
    %broadcast_in_dim3A_27 = vector.broadcast %broadcast_in_dim3A_26 : f32 to vector<16xf32>
    %scan3A = arith.constant 0 : i32
    %scan3A_28 = arith.constant 125 : i32
    %scan3A_29 = arith.addi %scan3A, %scan3A_28 : i32
    %scan3A_30 = arith.constant 1 : i32
    %scan3A_31:8 = scf.for %scan3A_92 = %scan3A to %scan3A_29 step %scan3A_30 iter_args(%scan3A_93 = %broadcast_in_dim3A_13, %scan3A_94 = %broadcast_in_dim3A_15, %scan3A_95 = %broadcast_in_dim3A_17, %scan3A_96 = %broadcast_in_dim3A_19, %scan3A_97 = %broadcast_in_dim3A_21, %scan3A_98 = %broadcast_in_dim3A_23, %scan3A_99 = %broadcast_in_dim3A_25, %scan3A_100 = %broadcast_in_dim3A_27) -> (vector<16xf32>, vector<16xf32>, vector<16xf32>, vector<16xf32>, vector<16xf32>, vector<16xf32>, vector<16xf32>, vector<16xf32>)  : i32 {
      %mul3A_101 = arith.constant 80 : i32
      %mul3A_102 = arith.muli %scan3A_92, %mul3A_101 : i32
      %add3A_103 = arith.addi %mul3A_12, %mul3A_102 : i32
      "tpu.region"() ({
        %run_scoped3A = tpu.sem_alloc : memref<!tpu.dma_semaphore, #tpu.memory_space<semaphore_mem>>
        %dma_start3A_124 = tpu.memref_slice %arg3[%add3A_103] : memref<320000xi32, #tpu.memory_space<hbm>> -> memref<80xi32, #tpu.memory_space<hbm>>
        %dma_start3A_125 = tpu.memref_slice %arg3[%add3A_103] : memref<320000xi32, #tpu.memory_space<hbm>> -> memref<80xi32, #tpu.memory_space<hbm>>
        tpu.enqueue_dma source(%dma_start3A_125 : memref<80xi32, #tpu.memory_space<hbm>>) target(%arg10 : memref<80xi32, #tpu.memory_space<vmem>>) target_semaphore(%run_scoped3A : memref<!tpu.dma_semaphore, #tpu.memory_space<semaphore_mem>>)
        %dma_wait3A_126 = tpu.memref_slice %arg3[%add3A_103] : memref<320000xi32, #tpu.memory_space<hbm>> -> memref<80xi32, #tpu.memory_space<hbm>>
        %dma_wait3A_127 = tpu.memref_slice %arg3[%add3A_103] : memref<320000xi32, #tpu.memory_space<hbm>> -> memref<80xi32, #tpu.memory_space<hbm>>
        tpu.wait_dma2 semaphore(%run_scoped3A : memref<!tpu.dma_semaphore, #tpu.memory_space<semaphore_mem>>) src(%dma_wait3A_127 : memref<80xi32, #tpu.memory_space<hbm>>) dst(%arg10 : memref<80xi32, #tpu.memory_space<vmem>>)
        tpu.yield
      }) : () -> ()
      "tpu.region"() ({
        %run_scoped3A = tpu.sem_alloc : memref<!tpu.dma_semaphore, #tpu.memory_space<semaphore_mem>>
        %dma_start3A_124 = arith.constant 0 : i32
        %dma_start3A_125 = tpu.memref_slice %arg4[%add3A_103, %dma_start3A_124] : memref<320000x16xf32, #tpu.memory_space<hbm>> -> memref<80x16xf32, #tpu.memory_space<hbm>>
        %dma_start3A_126 = arith.constant 0 : i32
        %dma_start3A_127 = tpu.memref_slice %arg4[%add3A_103, %dma_start3A_126] : memref<320000x16xf32, #tpu.memory_space<hbm>> -> memref<80x16xf32, #tpu.memory_space<hbm>>
        tpu.enqueue_dma source(%dma_start3A_127 : memref<80x16xf32, #tpu.memory_space<hbm>>) target(%arg11 : memref<80x16xf32, #tpu.memory_space<vmem>>) target_semaphore(%run_scoped3A : memref<!tpu.dma_semaphore, #tpu.memory_space<semaphore_mem>>)
        %dma_wait3A_128 = arith.constant 0 : i32
        %dma_wait3A_129 = tpu.memref_slice %arg4[%add3A_103, %dma_wait3A_128] : memref<320000x16xf32, #tpu.memory_space<hbm>> -> memref<80x16xf32, #tpu.memory_space<hbm>>
        %dma_wait3A_130 = arith.constant 0 : i32
        %dma_wait3A_131 = tpu.memref_slice %arg4[%add3A_103, %dma_wait3A_130] : memref<320000x16xf32, #tpu.memory_space<hbm>> -> memref<80x16xf32, #tpu.memory_space<hbm>>
        tpu.wait_dma2 semaphore(%run_scoped3A : memref<!tpu.dma_semaphore, #tpu.memory_space<semaphore_mem>>) src(%dma_wait3A_131 : memref<80x16xf32, #tpu.memory_space<hbm>>) dst(%arg11 : memref<80x16xf32, #tpu.memory_space<vmem>>)
        tpu.yield
      }) : () -> ()
      "tpu.region"() ({
        %run_scoped3A = tpu.sem_alloc : memref<!tpu.dma_semaphore, #tpu.memory_space<semaphore_mem>>
        %dma_start3A_124 = tpu.memref_slice %arg5[%add3A_103] : memref<320000xi32, #tpu.memory_space<hbm>> -> memref<80xi32, #tpu.memory_space<hbm>>
        %dma_start3A_125 = tpu.memref_slice %arg5[%add3A_103] : memref<320000xi32, #tpu.memory_space<hbm>> -> memref<80xi32, #tpu.memory_space<hbm>>
        tpu.enqueue_dma source(%dma_start3A_125 : memref<80xi32, #tpu.memory_space<hbm>>) target(%arg12 : memref<80xi32, #tpu.memory_space<vmem>>) target_semaphore(%run_scoped3A : memref<!tpu.dma_semaphore, #tpu.memory_space<semaphore_mem>>)
        %dma_wait3A_126 = tpu.memref_slice %arg5[%add3A_103] : memref<320000xi32, #tpu.memory_space<hbm>> -> memref<80xi32, #tpu.memory_space<hbm>>
        %dma_wait3A_127 = tpu.memref_slice %arg5[%add3A_103] : memref<320000xi32, #tpu.memory_space<hbm>> -> memref<80xi32, #tpu.memory_space<hbm>>
        tpu.wait_dma2 semaphore(%run_scoped3A : memref<!tpu.dma_semaphore, #tpu.memory_space<semaphore_mem>>) src(%dma_wait3A_127 : memref<80xi32, #tpu.memory_space<hbm>>) dst(%arg12 : memref<80xi32, #tpu.memory_space<vmem>>)
        tpu.yield
      }) : () -> ()
      %dma_start3A = arith.constant 0 : i32
      %dma_start3A_104 = arith.constant 0 : i32
      %dma_start3A_105 = tpu.memref_slice %arg2[%dma_start3A, %dma_start3A_104] : memref<10000x128xf32, #tpu.memory_space<hbm>> -> memref<10000x128xf32, #tpu.memory_space<hbm>>
      tpu.enqueue_indirect_dma source(%dma_start3A_105 : memref<10000x128xf32, #tpu.memory_space<hbm>>) target(%arg14 : memref<80x128xf32, #tpu.memory_space<vmem>>) offsets(%arg10 : memref<80xi32, #tpu.memory_space<vmem>>) semaphore(%arg16 : memref<!tpu.dma_semaphore, #tpu.memory_space<semaphore_mem>>)
      %dma_wait3A = arith.constant 0 : i32
      %dma_wait3A_106 = arith.constant 0 : i32
      %dma_wait3A_107 = tpu.memref_slice %arg2[%dma_wait3A, %dma_wait3A_106] : memref<10000x128xf32, #tpu.memory_space<hbm>> -> memref<10000x128xf32, #tpu.memory_space<hbm>>
      tpu.wait_indirect_dma semaphore(%arg16 : memref<!tpu.dma_semaphore, #tpu.memory_space<semaphore_mem>>) src(%dma_wait3A_107 : memref<10000x128xf32, #tpu.memory_space<hbm>>) dst(%arg14 : memref<80x128xf32, #tpu.memory_space<vmem>>)
      %scan3A_108 = arith.constant 0 : i32
      %scan3A_109 = arith.constant 80 : i32
      %scan3A_110 = arith.addi %scan3A_108, %scan3A_109 : i32
      %scan3A_111 = arith.constant 8 : i32
      %scan3A_112:8 = scf.for %scan3A_124 = %scan3A_108 to %scan3A_110 step %scan3A_111 iter_args(%scan3A_125 = %scan3A_93, %scan3A_126 = %scan3A_94, %scan3A_127 = %scan3A_95, %scan3A_128 = %scan3A_96, %scan3A_129 = %scan3A_97, %scan3A_130 = %scan3A_98, %scan3A_131 = %scan3A_99, %scan3A_132 = %scan3A_100) -> (vector<16xf32>, vector<16xf32>, vector<16xf32>, vector<16xf32>, vector<16xf32>, vector<16xf32>, vector<16xf32>, vector<16xf32>)  : i32 {
        %get3A = arith.index_cast %scan3A_124 : i32 to index
        %get3A_133 = arith.constant 0 : index
        %get3A_134 = tpu.vector_load %arg11[%get3A, %get3A_133] {strides = array<i32>} : memref<80x16xf32, #tpu.memory_space<vmem>>, vector<1x16xf32>,
        %get3A_135 = vector.shape_cast %get3A_134 : vector<1x16xf32> to vector<16xf32>
        %get3A_136 = arith.index_cast %scan3A_124 : i32 to index
        %get3A_137 = arith.constant 0 : index
        %get3A_138 = tpu.vector_load %arg14[%get3A_136, %get3A_137] {strides = array<i32>} : memref<80x128xf32, #tpu.memory_space<vmem>>, vector<1x16xf32>,
        %get3A_139 = vector.shape_cast %get3A_138 : vector<1x16xf32> to vector<16xf32>
        %mul3A_140 = arith.mulf %scan3A_125, %get3A_135 : vector<16xf32>
        %add3A_141 = arith.addf %mul3A_140, %get3A_139 : vector<16xf32>
        %swap3A_142 = arith.index_cast %scan3A_124 : i32 to index
        %swap3A_143 = arith.constant 0 : index
        %swap3A_144 = tpu.vector_load %arg15[%swap3A_142, %swap3A_143] {strides = array<i32>} : memref<80x128xf32, #tpu.memory_space<vmem>>, vector<1x16xf32>,
        %swap3A_145 = vector.shape_cast %swap3A_144 : vector<1x16xf32> to vector<16xf32>
        %swap3A_146 = vector.shape_cast %add3A_141 : vector<16xf32> to vector<1x16xf32>
        tpu.vector_store %arg15[%swap3A_142, %swap3A_143], %swap3A_146 {strides = array<i32>} : memref<80x128xf32, #tpu.memory_space<vmem>>, vector<1x16xf32>,
        %get3A_147 = arith.index_cast %scan3A_124 : i32 to index
        %get3A_148 = arith.constant 16 : index
        %get3A_149 = tpu.vector_load %arg14[%get3A_147, %get3A_148] {strides = array<i32>} : memref<80x128xf32, #tpu.memory_space<vmem>>, vector<1x16xf32>,
        %get3A_150 = vector.shape_cast %get3A_149 : vector<1x16xf32> to vector<16xf32>
        %mul3A_151 = arith.mulf %scan3A_126, %get3A_135 : vector<16xf32>
        %add3A_152 = arith.addf %mul3A_151, %get3A_150 : vector<16xf32>
        %swap3A_153 = arith.index_cast %scan3A_124 : i32 to index
        %swap3A_154 = arith.constant 16 : index
        %swap3A_155 = tpu.vector_load %arg15[%swap3A_153, %swap3A_154] {strides = array<i32>} : memref<80x128xf32, #tpu.memory_space<vmem>>, vector<1x16xf32>,
        %swap3A_156 = vector.shape_cast %swap3A_155 : vector<1x16xf32> to vector<16xf32>
        %swap3A_157 = vector.shape_cast %add3A_152 : vector<16xf32> to vector<1x16xf32>
        tpu.vector_store %arg15[%swap3A_153, %swap3A_154], %swap3A_157 {strides = array<i32>} : memref<80x128xf32, #tpu.memory_space<vmem>>, vector<1x16xf32>,
        %get3A_158 = arith.index_cast %scan3A_124 : i32 to index
        %get3A_159 = arith.constant 32 : index
        %get3A_160 = tpu.vector_load %arg14[%get3A_158, %get3A_159] {strides = array<i32>} : memref<80x128xf32, #tpu.memory_space<vmem>>, vector<1x16xf32>,
        %get3A_161 = vector.shape_cast %get3A_160 : vector<1x16xf32> to vector<16xf32>
        %mul3A_162 = arith.mulf %scan3A_127, %get3A_135 : vector<16xf32>
        %add3A_163 = arith.addf %mul3A_162, %get3A_161 : vector<16xf32>
        %swap3A_164 = arith.index_cast %scan3A_124 : i32 to index
        %swap3A_165 = arith.constant 32 : index
        %swap3A_166 = tpu.vector_load %arg15[%swap3A_164, %swap3A_165] {strides = array<i32>} : memref<80x128xf32, #tpu.memory_space<vmem>>, vector<1x16xf32>,
        %swap3A_167 = vector.shape_cast %swap3A_166 : vector<1x16xf32> to vector<16xf32>
        %swap3A_168 = vector.shape_cast %add3A_163 : vector<16xf32> to vector<1x16xf32>
        tpu.vector_store %arg15[%swap3A_164, %swap3A_165], %swap3A_168 {strides = array<i32>} : memref<80x128xf32, #tpu.memory_space<vmem>>, vector<1x16xf32>,
        %get3A_169 = arith.index_cast %scan3A_124 : i32 to index
        %get3A_170 = arith.constant 48 : index
        %get3A_171 = tpu.vector_load %arg14[%get3A_169, %get3A_170] {strides = array<i32>} : memref<80x128xf32, #tpu.memory_space<vmem>>, vector<1x16xf32>,
        %get3A_172 = vector.shape_cast %get3A_171 : vector<1x16xf32> to vector<16xf32>
        %mul3A_173 = arith.mulf %scan3A_128, %get3A_135 : vector<16xf32>
        %add3A_174 = arith.addf %mul3A_173, %get3A_172 : vector<16xf32>
        %swap3A_175 = arith.index_cast %scan3A_124 : i32 to index
        %swap3A_176 = arith.constant 48 : index
        %swap3A_177 = tpu.vector_load %arg15[%swap3A_175, %swap3A_176] {strides = array<i32>} : memref<80x128xf32, #tpu.memory_space<vmem>>, vector<1x16xf32>,
        %swap3A_178 = vector.shape_cast %swap3A_177 : vector<1x16xf32> to vector<16xf32>
        %swap3A_179 = vector.shape_cast %add3A_174 : vector<16xf32> to vector<1x16xf32>
        tpu.vector_store %arg15[%swap3A_175, %swap3A_176], %swap3A_179 {strides = array<i32>} : memref<80x128xf32, #tpu.memory_space<vmem>>, vector<1x16xf32>,
        %get3A_180 = arith.index_cast %scan3A_124 : i32 to index
        %get3A_181 = arith.constant 64 : index
        %get3A_182 = tpu.vector_load %arg14[%get3A_180, %get3A_181] {strides = array<i32>} : memref<80x128xf32, #tpu.memory_space<vmem>>, vector<1x16xf32>,
        %get3A_183 = vector.shape_cast %get3A_182 : vector<1x16xf32> to vector<16xf32>
        %mul3A_184 = arith.mulf %scan3A_129, %get3A_135 : vector<16xf32>
        %add3A_185 = arith.addf %mul3A_184, %get3A_183 : vector<16xf32>
        %swap3A_186 = arith.index_cast %scan3A_124 : i32 to index
        %swap3A_187 = arith.constant 64 : index
        %swap3A_188 = tpu.vector_load %arg15[%swap3A_186, %swap3A_187] {strides = array<i32>} : memref<80x128xf32, #tpu.memory_space<vmem>>, vector<1x16xf32>,
        %swap3A_189 = vector.shape_cast %swap3A_188 : vector<1x16xf32> to vector<16xf32>
        %swap3A_190 = vector.shape_cast %add3A_185 : vector<16xf32> to vector<1x16xf32>
        tpu.vector_store %arg15[%swap3A_186, %swap3A_187], %swap3A_190 {strides = array<i32>} : memref<80x128xf32, #tpu.memory_space<vmem>>, vector<1x16xf32>,
        %get3A_191 = arith.index_cast %scan3A_124 : i32 to index
        %get3A_192 = arith.constant 80 : index
        %get3A_193 = tpu.vector_load %arg14[%get3A_191, %get3A_192] {strides = array<i32>} : memref<80x128xf32, #tpu.memory_space<vmem>>, vector<1x16xf32>,
        %get3A_194 = vector.shape_cast %get3A_193 : vector<1x16xf32> to vector<16xf32>
        %mul3A_195 = arith.mulf %scan3A_130, %get3A_135 : vector<16xf32>
        %add3A_196 = arith.addf %mul3A_195, %get3A_194 : vector<16xf32>
        %swap3A_197 = arith.index_cast %scan3A_124 : i32 to index
        %swap3A_198 = arith.constant 80 : index
        %swap3A_199 = tpu.vector_load %arg15[%swap3A_197, %swap3A_198] {strides = array<i32>} : memref<80x128xf32, #tpu.memory_space<vmem>>, vector<1x16xf32>,
        %swap3A_200 = vector.shape_cast %swap3A_199 : vector<1x16xf32> to vector<16xf32>
        %swap3A_201 = vector.shape_cast %add3A_196 : vector<16xf32> to vector<1x16xf32>
        tpu.vector_store %arg15[%swap3A_197, %swap3A_198], %swap3A_201 {strides = array<i32>} : memref<80x128xf32, #tpu.memory_space<vmem>>, vector<1x16xf32>,
        %get3A_202 = arith.index_cast %scan3A_124 : i32 to index
        %get3A_203 = arith.constant 96 : index
        %get3A_204 = tpu.vector_load %arg14[%get3A_202, %get3A_203] {strides = array<i32>} : memref<80x128xf32, #tpu.memory_space<vmem>>, vector<1x16xf32>,
        %get3A_205 = vector.shape_cast %get3A_204 : vector<1x16xf32> to vector<16xf32>
        %mul3A_206 = arith.mulf %scan3A_131, %get3A_135 : vector<16xf32>
        %add3A_207 = arith.addf %mul3A_206, %get3A_205 : vector<16xf32>
        %swap3A_208 = arith.index_cast %scan3A_124 : i32 to index
        %swap3A_209 = arith.constant 96 : index
        %swap3A_210 = tpu.vector_load %arg15[%swap3A_208, %swap3A_209] {strides = array<i32>} : memref<80x128xf32, #tpu.memory_space<vmem>>, vector<1x16xf32>,
        %swap3A_211 = vector.shape_cast %swap3A_210 : vector<1x16xf32> to vector<16xf32>
        %swap3A_212 = vector.shape_cast %add3A_207 : vector<16xf32> to vector<1x16xf32>
        tpu.vector_store %arg15[%swap3A_208, %swap3A_209], %swap3A_212 {strides = array<i32>} : memref<80x128xf32, #tpu.memory_space<vmem>>, vector<1x16xf32>,
        %get3A_213 = arith.index_cast %scan3A_124 : i32 to index
        %get3A_214 = arith.constant 112 : index
        %get3A_215 = tpu.vector_load %arg14[%get3A_213, %get3A_214] {strides = array<i32>} : memref<80x128xf32, #tpu.memory_space<vmem>>, vector<1x16xf32>,
        %get3A_216 = vector.shape_cast %get3A_215 : vector<1x16xf32> to vector<16xf32>
        %mul3A_217 = arith.mulf %scan3A_132, %get3A_135 : vector<16xf32>
        %add3A_218 = arith.addf %mul3A_217, %get3A_216 : vector<16xf32>
        %swap3A_219 = arith.index_cast %scan3A_124 : i32 to index
        %swap3A_220 = arith.constant 112 : index
        %swap3A_221 = tpu.vector_load %arg15[%swap3A_219, %swap3A_220] {strides = array<i32>} : memref<80x128xf32, #tpu.memory_space<vmem>>, vector<1x16xf32>,
        %swap3A_222 = vector.shape_cast %swap3A_221 : vector<1x16xf32> to vector<16xf32>
        %swap3A_223 = vector.shape_cast %add3A_218 : vector<16xf32> to vector<1x16xf32>
        tpu.vector_store %arg15[%swap3A_219, %swap3A_220], %swap3A_223 {strides = array<i32>} : memref<80x128xf32, #tpu.memory_space<vmem>>, vector<1x16xf32>,
        %scan3A_224 = arith.constant 1 : i32
        %scan3A_225 = arith.addi %scan3A_124, %scan3A_224 : i32
        %get3A_226 = arith.index_cast %scan3A_225 : i32 to index
        %get3A_227 = arith.constant 0 : index
        %get3A_228 = tpu.vector_load %arg11[%get3A_226, %get3A_227] {strides = array<i32>} : memref<80x16xf32, #tpu.memory_space<vmem>>, vector<1x16xf32>,
        %get3A_229 = vector.shape_cast %get3A_228 : vector<1x16xf32> to vector<16xf32>
        %get3A_230 = arith.index_cast %scan3A_225 : i32 to index
        %get3A_231 = arith.constant 0 : index
        %get3A_232 = tpu.vector_load %arg14[%get3A_230, %get3A_231] {strides = array<i32>} : memref<80x128xf32, #tpu.memory_space<vmem>>, vector<1x16xf32>,
        %get3A_233 = vector.shape_cast %get3A_232 : vector<1x16xf32> to vector<16xf32>
        %mul3A_234 = arith.mulf %add3A_141, %get3A_229 : vector<16xf32>
        %add3A_235 = arith.addf %mul3A_234, %get3A_233 : vector<16xf32>
        %swap3A_236 = arith.index_cast %scan3A_225 : i32 to index
        %swap3A_237 = arith.constant 0 : index
        %swap3A_238 = tpu.vector_load %arg15[%swap3A_236, %swap3A_237] {strides = array<i32>} : memref<80x128xf32, #tpu.memory_space<vmem>>, vector<1x16xf32>,
        %swap3A_239 = vector.shape_cast %swap3A_238 : vector<1x16xf32> to vector<16xf32>
        %swap3A_240 = vector.shape_cast %add3A_235 : vector<16xf32> to vector<1x16xf32>
        tpu.vector_store %arg15[%swap3A_236, %swap3A_237], %swap3A_240 {strides = array<i32>} : memref<80x128xf32, #tpu.memory_space<vmem>>, vector<1x16xf32>,
        %get3A_241 = arith.index_cast %scan3A_225 : i32 to index
        %get3A_242 = arith.constant 16 : index
        %get3A_243 = tpu.vector_load %arg14[%get3A_241, %get3A_242] {strides = array<i32>} : memref<80x128xf32, #tpu.memory_space<vmem>>, vector<1x16xf32>,
        %get3A_244 = vector.shape_cast %get3A_243 : vector<1x16xf32> to vector<16xf32>
        %mul3A_245 = arith.mulf %add3A_152, %get3A_229 : vector<16xf32>
        %add3A_246 = arith.addf %mul3A_245, %get3A_244 : vector<16xf32>
        %swap3A_247 = arith.index_cast %scan3A_225 : i32 to index
        %swap3A_248 = arith.constant 16 : index
        %swap3A_249 = tpu.vector_load %arg15[%swap3A_247, %swap3A_248] {strides = array<i32>} : memref<80x128xf32, #tpu.memory_space<vmem>>, vector<1x16xf32>,
        %swap3A_250 = vector.shape_cast %swap3A_249 : vector<1x16xf32> to vector<16xf32>
        %swap3A_251 = vector.shape_cast %add3A_246 : vector<16xf32> to vector<1x16xf32>
        tpu.vector_store %arg15[%swap3A_247, %swap3A_248], %swap3A_251 {strides = array<i32>} : memref<80x128xf32, #tpu.memory_space<vmem>>, vector<1x16xf32>,
        %get3A_252 = arith.index_cast %scan3A_225 : i32 to index
        %get3A_253 = arith.constant 32 : index
        %get3A_254 = tpu.vector_load %arg14[%get3A_252, %get3A_253] {strides = array<i32>} : memref<80x128xf32, #tpu.memory_space<vmem>>, vector<1x16xf32>,
        %get3A_255 = vector.shape_cast %get3A_254 : vector<1x16xf32> to vector<16xf32>
        %mul3A_256 = arith.mulf %add3A_163, %get3A_229 : vector<16xf32>
        %add3A_257 = arith.addf %mul3A_256, %get3A_255 : vector<16xf32>
        %swap3A_258 = arith.index_cast %scan3A_225 : i32 to index
        %swap3A_259 = arith.constant 32 : index
        %swap3A_260 = tpu.vector_load %arg15[%swap3A_258, %swap3A_259] {strides = array<i32>} : memref<80x128xf32, #tpu.memory_space<vmem>>, vector<1x16xf32>,
        %swap3A_261 = vector.shape_cast %swap3A_260 : vector<1x16xf32> to vector<16xf32>
        %swap3A_262 = vector.shape_cast %add3A_257 : vector<16xf32> to vector<1x16xf32>
        tpu.vector_store %arg15[%swap3A_258, %swap3A_259], %swap3A_262 {strides = array<i32>} : memref<80x128xf32, #tpu.memory_space<vmem>>, vector<1x16xf32>,
        %get3A_263 = arith.index_cast %scan3A_225 : i32 to index
        %get3A_264 = arith.constant 48 : index
        %get3A_265 = tpu.vector_load %arg14[%get3A_263, %get3A_264] {strides = array<i32>} : memref<80x128xf32, #tpu.memory_space<vmem>>, vector<1x16xf32>,
        %get3A_266 = vector.shape_cast %get3A_265 : vector<1x16xf32> to vector<16xf32>
        %mul3A_267 = arith.mulf %add3A_174, %get3A_229 : vector<16xf32>
        %add3A_268 = arith.addf %mul3A_267, %get3A_266 : vector<16xf32>
        %swap3A_269 = arith.index_cast %scan3A_225 : i32 to index
        %swap3A_270 = arith.constant 48 : index
        %swap3A_271 = tpu.vector_load %arg15[%swap3A_269, %swap3A_270] {strides = array<i32>} : memref<80x128xf32, #tpu.memory_space<vmem>>, vector<1x16xf32>,
        %swap3A_272 = vector.shape_cast %swap3A_271 : vector<1x16xf32> to vector<16xf32>
        %swap3A_273 = vector.shape_cast %add3A_268 : vector<16xf32> to vector<1x16xf32>
        tpu.vector_store %arg15[%swap3A_269, %swap3A_270], %swap3A_273 {strides = array<i32>} : memref<80x128xf32, #tpu.memory_space<vmem>>, vector<1x16xf32>,
        %get3A_274 = arith.index_cast %scan3A_225 : i32 to index
        %get3A_275 = arith.constant 64 : index
        %get3A_276 = tpu.vector_load %arg14[%get3A_274, %get3A_275] {strides = array<i32>} : memref<80x128xf32, #tpu.memory_space<vmem>>, vector<1x16xf32>,
        %get3A_277 = vector.shape_cast %get3A_276 : vector<1x16xf32> to vector<16xf32>
        %mul3A_278 = arith.mulf %add3A_185, %get3A_229 : vector<16xf32>
        %add3A_279 = arith.addf %mul3A_278, %get3A_277 : vector<16xf32>
        %swap3A_280 = arith.index_cast %scan3A_225 : i32 to index
        %swap3A_281 = arith.constant 64 : index
        %swap3A_282 = tpu.vector_load %arg15[%swap3A_280, %swap3A_281] {strides = array<i32>} : memref<80x128xf32, #tpu.memory_space<vmem>>, vector<1x16xf32>,
        %swap3A_283 = vector.shape_cast %swap3A_282 : vector<1x16xf32> to vector<16xf32>
        %swap3A_284 = vector.shape_cast %add3A_279 : vector<16xf32> to vector<1x16xf32>
        tpu.vector_store %arg15[%swap3A_280, %swap3A_281], %swap3A_284 {strides = array<i32>} : memref<80x128xf32, #tpu.memory_space<vmem>>, vector<1x16xf32>,
        %get3A_285 = arith.index_cast %scan3A_225 : i32 to index
        %get3A_286 = arith.constant 80 : index
        %get3A_287 = tpu.vector_load %arg14[%get3A_285, %get3A_286] {strides = array<i32>} : memref<80x128xf32, #tpu.memory_space<vmem>>, vector<1x16xf32>,
        %get3A_288 = vector.shape_cast %get3A_287 : vector<1x16xf32> to vector<16xf32>
        %mul3A_289 = arith.mulf %add3A_196, %get3A_229 : vector<16xf32>
        %add3A_290 = arith.addf %mul3A_289, %get3A_288 : vector<16xf32>
        %swap3A_291 = arith.index_cast %scan3A_225 : i32 to index
        %swap3A_292 = arith.constant 80 : index
        %swap3A_293 = tpu.vector_load %arg15[%swap3A_291, %swap3A_292] {strides = array<i32>} : memref<80x128xf32, #tpu.memory_space<vmem>>, vector<1x16xf32>,
        %swap3A_294 = vector.shape_cast %swap3A_293 : vector<1x16xf32> to vector<16xf32>
        %swap3A_295 = vector.shape_cast %add3A_290 : vector<16xf32> to vector<1x16xf32>
        tpu.vector_store %arg15[%swap3A_291, %swap3A_292], %swap3A_295 {strides = array<i32>} : memref<80x128xf32, #tpu.memory_space<vmem>>, vector<1x16xf32>,
        %get3A_296 = arith.index_cast %scan3A_225 : i32 to index
        %get3A_297 = arith.constant 96 : index
        %get3A_298 = tpu.vector_load %arg14[%get3A_296, %get3A_297] {strides = array<i32>} : memref<80x128xf32, #tpu.memory_space<vmem>>, vector<1x16xf32>,
        %get3A_299 = vector.shape_cast %get3A_298 : vector<1x16xf32> to vector<16xf32>
        %mul3A_300 = arith.mulf %add3A_207, %get3A_229 : vector<16xf32>
        %add3A_301 = arith.addf %mul3A_300, %get3A_299 : vector<16xf32>
        %swap3A_302 = arith.index_cast %scan3A_225 : i32 to index
        %swap3A_303 = arith.constant 96 : index
        %swap3A_304 = tpu.vector_load %arg15[%swap3A_302, %swap3A_303] {strides = array<i32>} : memref<80x128xf32, #tpu.memory_space<vmem>>, vector<1x16xf32>,
        %swap3A_305 = vector.shape_cast %swap3A_304 : vector<1x16xf32> to vector<16xf32>
        %swap3A_306 = vector.shape_cast %add3A_301 : vector<16xf32> to vector<1x16xf32>
        tpu.vector_store %arg15[%swap3A_302, %swap3A_303], %swap3A_306 {strides = array<i32>} : memref<80x128xf32, #tpu.memory_space<vmem>>, vector<1x16xf32>,
        %get3A_307 = arith.index_cast %scan3A_225 : i32 to index
        %get3A_308 = arith.constant 112 : index
        %get3A_309 = tpu.vector_load %arg14[%get3A_307, %get3A_308] {strides = array<i32>} : memref<80x128xf32, #tpu.memory_space<vmem>>, vector<1x16xf32>,
        %get3A_310 = vector.shape_cast %get3A_309 : vector<1x16xf32> to vector<16xf32>
        %mul3A_311 = arith.mulf %add3A_218, %get3A_229 : vector<16xf32>
        %add3A_312 = arith.addf %mul3A_311, %get3A_310 : vector<16xf32>
        %swap3A_313 = arith.index_cast %scan3A_225 : i32 to index
        %swap3A_314 = arith.constant 112 : index
        %swap3A_315 = tpu.vector_load %arg15[%swap3A_313, %swap3A_314] {strides = array<i32>} : memref<80x128xf32, #tpu.memory_space<vmem>>, vector<1x16xf32>,
        %swap3A_316 = vector.shape_cast %swap3A_315 : vector<1x16xf32> to vector<16xf32>
        %swap3A_317 = vector.shape_cast %add3A_312 : vector<16xf32> to vector<1x16xf32>
        tpu.vector_store %arg15[%swap3A_313, %swap3A_314], %swap3A_317 {strides = array<i32>} : memref<80x128xf32, #tpu.memory_space<vmem>>, vector<1x16xf32>,
        %scan3A_318 = arith.constant 2 : i32
        %scan3A_319 = arith.addi %scan3A_124, %scan3A_318 : i32
        %get3A_320 = arith.index_cast %scan3A_319 : i32 to index
        %get3A_321 = arith.constant 0 : index
        %get3A_322 = tpu.vector_load %arg11[%get3A_320, %get3A_321] {strides = array<i32>} : memref<80x16xf32, #tpu.memory_space<vmem>>, vector<1x16xf32>,
        %get3A_323 = vector.shape_cast %get3A_322 : vector<1x16xf32> to vector<16xf32>
        %get3A_324 = arith.index_cast %scan3A_319 : i32 to index
        %get3A_325 = arith.constant 0 : index
        %get3A_326 = tpu.vector_load %arg14[%get3A_324, %get3A_325] {strides = array<i32>} : memref<80x128xf32, #tpu.memory_space<vmem>>, vector<1x16xf32>,
        %get3A_327 = vector.shape_cast %get3A_326 : vector<1x16xf32> to vector<16xf32>
        %mul3A_328 = arith.mulf %add3A_235, %get3A_323 : vector<16xf32>
        %add3A_329 = arith.addf %mul3A_328, %get3A_327 : vector<16xf32>
        %swap3A_330 = arith.index_cast %scan3A_319 : i32 to index
        %swap3A_331 = arith.constant 0 : index
        %swap3A_332 = tpu.vector_load %arg15[%swap3A_330, %swap3A_331] {strides = array<i32>} : memref<80x128xf32, #tpu.memory_space<vmem>>, vector<1x16xf32>,
        %swap3A_333 = vector.shape_cast %swap3A_332 : vector<1x16xf32> to vector<16xf32>
        %swap3A_334 = vector.shape_cast %add3A_329 : vector<16xf32> to vector<1x16xf32>
        tpu.vector_store %arg15[%swap3A_330, %swap3A_331], %swap3A_334 {strides = array<i32>} : memref<80x128xf32, #tpu.memory_space<vmem>>, vector<1x16xf32>,
        %get3A_335 = arith.index_cast %scan3A_319 : i32 to index
        %get3A_336 = arith.constant 16 : index
        %get3A_337 = tpu.vector_load %arg14[%get3A_335, %get3A_336] {strides = array<i32>} : memref<80x128xf32, #tpu.memory_space<vmem>>, vector<1x16xf32>,
        %get3A_338 = vector.shape_cast %get3A_337 : vector<1x16xf32> to vector<16xf32>
        %mul3A_339 = arith.mulf %add3A_246, %get3A_323 : vector<16xf32>
        %add3A_340 = arith.addf %mul3A_339, %get3A_338 : vector<16xf32>
        %swap3A_341 = arith.index_cast %scan3A_319 : i32 to index
        %swap3A_342 = arith.constant 16 : index
        %swap3A_343 = tpu.vector_load %arg15[%swap3A_341, %swap3A_342] {strides = array<i32>} : memref<80x128xf32, #tpu.memory_space<vmem>>, vector<1x16xf32>,
        %swap3A_344 = vector.shape_cast %swap3A_343 : vector<1x16xf32> to vector<16xf32>
        %swap3A_345 = vector.shape_cast %add3A_340 : vector<16xf32> to vector<1x16xf32>
        tpu.vector_store %arg15[%swap3A_341, %swap3A_342], %swap3A_345 {strides = array<i32>} : memref<80x128xf32, #tpu.memory_space<vmem>>, vector<1x16xf32>,
        %get3A_346 = arith.index_cast %scan3A_319 : i32 to index
        %get3A_347 = arith.constant 32 : index
        %get3A_348 = tpu.vector_load %arg14[%get3A_346, %get3A_347] {strides = array<i32>} : memref<80x128xf32, #tpu.memory_space<vmem>>, vector<1x16xf32>,
        %get3A_349 = vector.shape_cast %get3A_348 : vector<1x16xf32> to vector<16xf32>
        %mul3A_350 = arith.mulf %add3A_257, %get3A_323 : vector<16xf32>
        %add3A_351 = arith.addf %mul3A_350, %get3A_349 : vector<16xf32>
        %swap3A_352 = arith.index_cast %scan3A_319 : i32 to index
        %swap3A_353 = arith.constant 32 : index
        %swap3A_354 = tpu.vector_load %arg15[%swap3A_352, %swap3A_353] {strides = array<i32>} : memref<80x128xf32, #tpu.memory_space<vmem>>, vector<1x16xf32>,
        %swap3A_355 = vector.shape_cast %swap3A_354 : vector<1x16xf32> to vector<16xf32>
        %swap3A_356 = vector.shape_cast %add3A_351 : vector<16xf32> to vector<1x16xf32>
        tpu.vector_store %arg15[%swap3A_352, %swap3A_353], %swap3A_356 {strides = array<i32>} : memref<80x128xf32, #tpu.memory_space<vmem>>, vector<1x16xf32>,
        %get3A_357 = arith.index_cast %scan3A_319 : i32 to index
        %get3A_358 = arith.constant 48 : index
        %get3A_359 = tpu.vector_load %arg14[%get3A_357, %get3A_358] {strides = array<i32>} : memref<80x128xf32, #tpu.memory_space<vmem>>, vector<1x16xf32>,
        %get3A_360 = vector.shape_cast %get3A_359 : vector<1x16xf32> to vector<16xf32>
        %mul3A_361 = arith.mulf %add3A_268, %get3A_323 : vector<16xf32>
        %add3A_362 = arith.addf %mul3A_361, %get3A_360 : vector<16xf32>
        %swap3A_363 = arith.index_cast %scan3A_319 : i32 to index
        %swap3A_364 = arith.constant 48 : index
        %swap3A_365 = tpu.vector_load %arg15[%swap3A_363, %swap3A_364] {strides = array<i32>} : memref<80x128xf32, #tpu.memory_space<vmem>>, vector<1x16xf32>,
        %swap3A_366 = vector.shape_cast %swap3A_365 : vector<1x16xf32> to vector<16xf32>
        %swap3A_367 = vector.shape_cast %add3A_362 : vector<16xf32> to vector<1x16xf32>
        tpu.vector_store %arg15[%swap3A_363, %swap3A_364], %swap3A_367 {strides = array<i32>} : memref<80x128xf32, #tpu.memory_space<vmem>>, vector<1x16xf32>,
        %get3A_368 = arith.index_cast %scan3A_319 : i32 to index
        %get3A_369 = arith.constant 64 : index
        %get3A_370 = tpu.vector_load %arg14[%get3A_368, %get3A_369] {strides = array<i32>} : memref<80x128xf32, #tpu.memory_space<vmem>>, vector<1x16xf32>,
        %get3A_371 = vector.shape_cast %get3A_370 : vector<1x16xf32> to vector<16xf32>
        %mul3A_372 = arith.mulf %add3A_279, %get3A_323 : vector<16xf32>
        %add3A_373 = arith.addf %mul3A_372, %get3A_371 : vector<16xf32>
        %swap3A_374 = arith.index_cast %scan3A_319 : i32 to index
        %swap3A_375 = arith.constant 64 : index
        %swap3A_376 = tpu.vector_load %arg15[%swap3A_374, %swap3A_375] {strides = array<i32>} : memref<80x128xf32, #tpu.memory_space<vmem>>, vector<1x16xf32>,
        %swap3A_377 = vector.shape_cast %swap3A_376 : vector<1x16xf32> to vector<16xf32>
        %swap3A_378 = vector.shape_cast %add3A_373 : vector<16xf32> to vector<1x16xf32>
        tpu.vector_store %arg15[%swap3A_374, %swap3A_375], %swap3A_378 {strides = array<i32>} : memref<80x128xf32, #tpu.memory_space<vmem>>, vector<1x16xf32>,
        %get3A_379 = arith.index_cast %scan3A_319 : i32 to index
        %get3A_380 = arith.constant 80 : index
        %get3A_381 = tpu.vector_load %arg14[%get3A_379, %get3A_380] {strides = array<i32>} : memref<80x128xf32, #tpu.memory_space<vmem>>, vector<1x16xf32>,
        %get3A_382 = vector.shape_cast %get3A_381 : vector<1x16xf32> to vector<16xf32>
        %mul3A_383 = arith.mulf %add3A_290, %get3A_323 : vector<16xf32>
        %add3A_384 = arith.addf %mul3A_383, %get3A_382 : vector<16xf32>
        %swap3A_385 = arith.index_cast %scan3A_319 : i32 to index
        %swap3A_386 = arith.constant 80 : index
        %swap3A_387 = tpu.vector_load %arg15[%swap3A_385, %swap3A_386] {strides = array<i32>} : memref<80x128xf32, #tpu.memory_space<vmem>>, vector<1x16xf32>,
        %swap3A_388 = vector.shape_cast %swap3A_387 : vector<1x16xf32> to vector<16xf32>
        %swap3A_389 = vector.shape_cast %add3A_384 : vector<16xf32> to vector<1x16xf32>
        tpu.vector_store %arg15[%swap3A_385, %swap3A_386], %swap3A_389 {strides = array<i32>} : memref<80x128xf32, #tpu.memory_space<vmem>>, vector<1x16xf32>,
        %get3A_390 = arith.index_cast %scan3A_319 : i32 to index
        %get3A_391 = arith.constant 96 : index
        %get3A_392 = tpu.vector_load %arg14[%get3A_390, %get3A_391] {strides = array<i32>} : memref<80x128xf32, #tpu.memory_space<vmem>>, vector<1x16xf32>,
        %get3A_393 = vector.shape_cast %get3A_392 : vector<1x16xf32> to vector<16xf32>
        %mul3A_394 = arith.mulf %add3A_301, %get3A_323 : vector<16xf32>
        %add3A_395 = arith.addf %mul3A_394, %get3A_393 : vector<16xf32>
        %swap3A_396 = arith.index_cast %scan3A_319 : i32 to index
        %swap3A_397 = arith.constant 96 : index
        %swap3A_398 = tpu.vector_load %arg15[%swap3A_396, %swap3A_397] {strides = array<i32>} : memref<80x128xf32, #tpu.memory_space<vmem>>, vector<1x16xf32>,
        %swap3A_399 = vector.shape_cast %swap3A_398 : vector<1x16xf32> to vector<16xf32>
        %swap3A_400 = vector.shape_cast %add3A_395 : vector<16xf32> to vector<1x16xf32>
        tpu.vector_store %arg15[%swap3A_396, %swap3A_397], %swap3A_400 {strides = array<i32>} : memref<80x128xf32, #tpu.memory_space<vmem>>, vector<1x16xf32>,
        %get3A_401 = arith.index_cast %scan3A_319 : i32 to index
        %get3A_402 = arith.constant 112 : index
        %get3A_403 = tpu.vector_load %arg14[%get3A_401, %get3A_402] {strides = array<i32>} : memref<80x128xf32, #tpu.memory_space<vmem>>, vector<1x16xf32>,
        %get3A_404 = vector.shape_cast %get3A_403 : vector<1x16xf32> to vector<16xf32>
        %mul3A_405 = arith.mulf %add3A_312, %get3A_323 : vector<16xf32>
        %add3A_406 = arith.addf %mul3A_405, %get3A_404 : vector<16xf32>
        %swap3A_407 = arith.index_cast %scan3A_319 : i32 to index
        %swap3A_408 = arith.constant 112 : index
        %swap3A_409 = tpu.vector_load %arg15[%swap3A_407, %swap3A_408] {strides = array<i32>} : memref<80x128xf32, #tpu.memory_space<vmem>>, vector<1x16xf32>,
        %swap3A_410 = vector.shape_cast %swap3A_409 : vector<1x16xf32> to vector<16xf32>
        %swap3A_411 = vector.shape_cast %add3A_406 : vector<16xf32> to vector<1x16xf32>
        tpu.vector_store %arg15[%swap3A_407, %swap3A_408], %swap3A_411 {strides = array<i32>} : memref<80x128xf32, #tpu.memory_space<vmem>>, vector<1x16xf32>,
        %scan3A_412 = arith.constant 3 : i32
        %scan3A_413 = arith.addi %scan3A_124, %scan3A_412 : i32
        %get3A_414 = arith.index_cast %scan3A_413 : i32 to index
        %get3A_415 = arith.constant 0 : index
        %get3A_416 = tpu.vector_load %arg11[%get3A_414, %get3A_415] {strides = array<i32>} : memref<80x16xf32, #tpu.memory_space<vmem>>, vector<1x16xf32>,
        %get3A_417 = vector.shape_cast %get3A_416 : vector<1x16xf32> to vector<16xf32>
        %get3A_418 = arith.index_cast %scan3A_413 : i32 to index
        %get3A_419 = arith.constant 0 : index
        %get3A_420 = tpu.vector_load %arg14[%get3A_418, %get3A_419] {strides = array<i32>} : memref<80x128xf32, #tpu.memory_space<vmem>>, vector<1x16xf32>,
        %get3A_421 = vector.shape_cast %get3A_420 : vector<1x16xf32> to vector<16xf32>
        %mul3A_422 = arith.mulf %add3A_329, %get3A_417 : vector<16xf32>
        %add3A_423 = arith.addf %mul3A_422, %get3A_421 : vector<16xf32>
        %swap3A_424 = arith.index_cast %scan3A_413 : i32 to index
        %swap3A_425 = arith.constant 0 : index
        %swap3A_426 = tpu.vector_load %arg15[%swap3A_424, %swap3A_425] {strides = array<i32>} : memref<80x128xf32, #tpu.memory_space<vmem>>, vector<1x16xf32>,
        %swap3A_427 = vector.shape_cast %swap3A_426 : vector<1x16xf32> to vector<16xf32>
        %swap3A_428 = vector.shape_cast %add3A_423 : vector<16xf32> to vector<1x16xf32>
        tpu.vector_store %arg15[%swap3A_424, %swap3A_425], %swap3A_428 {strides = array<i32>} : memref<80x128xf32, #tpu.memory_space<vmem>>, vector<1x16xf32>,
        %get3A_429 = arith.index_cast %scan3A_413 : i32 to index
        %get3A_430 = arith.constant 16 : index
        %get3A_431 = tpu.vector_load %arg14[%get3A_429, %get3A_430] {strides = array<i32>} : memref<80x128xf32, #tpu.memory_space<vmem>>, vector<1x16xf32>,
        %get3A_432 = vector.shape_cast %get3A_431 : vector<1x16xf32> to vector<16xf32>
        %mul3A_433 = arith.mulf %add3A_340, %get3A_417 : vector<16xf32>
        %add3A_434 = arith.addf %mul3A_433, %get3A_432 : vector<16xf32>
        %swap3A_435 = arith.index_cast %scan3A_413 : i32 to index
        %swap3A_436 = arith.constant 16 : index
        %swap3A_437 = tpu.vector_load %arg15[%swap3A_435, %swap3A_436] {strides = array<i32>} : memref<80x128xf32, #tpu.memory_space<vmem>>, vector<1x16xf32>,
        %swap3A_438 = vector.shape_cast %swap3A_437 : vector<1x16xf32> to vector<16xf32>
        %swap3A_439 = vector.shape_cast %add3A_434 : vector<16xf32> to vector<1x16xf32>
        tpu.vector_store %arg15[%swap3A_435, %swap3A_436], %swap3A_439 {strides = array<i32>} : memref<80x128xf32, #tpu.memory_space<vmem>>, vector<1x16xf32>,
        %get3A_440 = arith.index_cast %scan3A_413 : i32 to index
        %get3A_441 = arith.constant 32 : index
        %get3A_442 = tpu.vector_load %arg14[%get3A_440, %get3A_441] {strides = array<i32>} : memref<80x128xf32, #tpu.memory_space<vmem>>, vector<1x16xf32>,
        %get3A_443 = vector.shape_cast %get3A_442 : vector<1x16xf32> to vector<16xf32>
        %mul3A_444 = arith.mulf %add3A_351, %get3A_417 : vector<16xf32>
        %add3A_445 = arith.addf %mul3A_444, %get3A_443 : vector<16xf32>
        %swap3A_446 = arith.index_cast %scan3A_413 : i32 to index
        %swap3A_447 = arith.constant 32 : index
        %swap3A_448 = tpu.vector_load %arg15[%swap3A_446, %swap3A_447] {strides = array<i32>} : memref<80x128xf32, #tpu.memory_space<vmem>>, vector<1x16xf32>,
        %swap3A_449 = vector.shape_cast %swap3A_448 : vector<1x16xf32> to vector<16xf32>
        %swap3A_450 = vector.shape_cast %add3A_445 : vector<16xf32> to vector<1x16xf32>
        tpu.vector_store %arg15[%swap3A_446, %swap3A_447], %swap3A_450 {strides = array<i32>} : memref<80x128xf32, #tpu.memory_space<vmem>>, vector<1x16xf32>,
        %get3A_451 = arith.index_cast %scan3A_413 : i32 to index
        %get3A_452 = arith.constant 48 : index
        %get3A_453 = tpu.vector_load %arg14[%get3A_451, %get3A_452] {strides = array<i32>} : memref<80x128xf32, #tpu.memory_space<vmem>>, vector<1x16xf32>,
        %get3A_454 = vector.shape_cast %get3A_453 : vector<1x16xf32> to vector<16xf32>
        %mul3A_455 = arith.mulf %add3A_362, %get3A_417 : vector<16xf32>
        %add3A_456 = arith.addf %mul3A_455, %get3A_454 : vector<16xf32>
        %swap3A_457 = arith.index_cast %scan3A_413 : i32 to index
        %swap3A_458 = arith.constant 48 : index
        %swap3A_459 = tpu.vector_load %arg15[%swap3A_457, %swap3A_458] {strides = array<i32>} : memref<80x128xf32, #tpu.memory_space<vmem>>, vector<1x16xf32>,
        %swap3A_460 = vector.shape_cast %swap3A_459 : vector<1x16xf32> to vector<16xf32>
        %swap3A_461 = vector.shape_cast %add3A_456 : vector<16xf32> to vector<1x16xf32>
        tpu.vector_store %arg15[%swap3A_457, %swap3A_458], %swap3A_461 {strides = array<i32>} : memref<80x128xf32, #tpu.memory_space<vmem>>, vector<1x16xf32>,
        %get3A_462 = arith.index_cast %scan3A_413 : i32 to index
        %get3A_463 = arith.constant 64 : index
        %get3A_464 = tpu.vector_load %arg14[%get3A_462, %get3A_463] {strides = array<i32>} : memref<80x128xf32, #tpu.memory_space<vmem>>, vector<1x16xf32>,
        %get3A_465 = vector.shape_cast %get3A_464 : vector<1x16xf32> to vector<16xf32>
        %mul3A_466 = arith.mulf %add3A_373, %get3A_417 : vector<16xf32>
        %add3A_467 = arith.addf %mul3A_466, %get3A_465 : vector<16xf32>
        %swap3A_468 = arith.index_cast %scan3A_413 : i32 to index
        %swap3A_469 = arith.constant 64 : index
        %swap3A_470 = tpu.vector_load %arg15[%swap3A_468, %swap3A_469] {strides = array<i32>} : memref<80x128xf32, #tpu.memory_space<vmem>>, vector<1x16xf32>,
        %swap3A_471 = vector.shape_cast %swap3A_470 : vector<1x16xf32> to vector<16xf32>
        %swap3A_472 = vector.shape_cast %add3A_467 : vector<16xf32> to vector<1x16xf32>
        tpu.vector_store %arg15[%swap3A_468, %swap3A_469], %swap3A_472 {strides = array<i32>} : memref<80x128xf32, #tpu.memory_space<vmem>>, vector<1x16xf32>,
        %get3A_473 = arith.index_cast %scan3A_413 : i32 to index
        %get3A_474 = arith.constant 80 : index
        %get3A_475 = tpu.vector_load %arg14[%get3A_473, %get3A_474] {strides = array<i32>} : memref<80x128xf32, #tpu.memory_space<vmem>>, vector<1x16xf32>,
        %get3A_476 = vector.shape_cast %get3A_475 : vector<1x16xf32> to vector<16xf32>
        %mul3A_477 = arith.mulf %add3A_384, %get3A_417 : vector<16xf32>
        %add3A_478 = arith.addf %mul3A_477, %get3A_476 : vector<16xf32>
        %swap3A_479 = arith.index_cast %scan3A_413 : i32 to index
        %swap3A_480 = arith.constant 80 : index
        %swap3A_481 = tpu.vector_load %arg15[%swap3A_479, %swap3A_480] {strides = array<i32>} : memref<80x128xf32, #tpu.memory_space<vmem>>, vector<1x16xf32>,
        %swap3A_482 = vector.shape_cast %swap3A_481 : vector<1x16xf32> to vector<16xf32>
        %swap3A_483 = vector.shape_cast %add3A_478 : vector<16xf32> to vector<1x16xf32>
        tpu.vector_store %arg15[%swap3A_479, %swap3A_480], %swap3A_483 {strides = array<i32>} : memref<80x128xf32, #tpu.memory_space<vmem>>, vector<1x16xf32>,
        %get3A_484 = arith.index_cast %scan3A_413 : i32 to index
        %get3A_485 = arith.constant 96 : index
        %get3A_486 = tpu.vector_load %arg14[%get3A_484, %get3A_485] {strides = array<i32>} : memref<80x128xf32, #tpu.memory_space<vmem>>, vector<1x16xf32>,
        %get3A_487 = vector.shape_cast %get3A_486 : vector<1x16xf32> to vector<16xf32>
        %mul3A_488 = arith.mulf %add3A_395, %get3A_417 : vector<16xf32>
        %add3A_489 = arith.addf %mul3A_488, %get3A_487 : vector<16xf32>
        %swap3A_490 = arith.index_cast %scan3A_413 : i32 to index
        %swap3A_491 = arith.constant 96 : index
        %swap3A_492 = tpu.vector_load %arg15[%swap3A_490, %swap3A_491] {strides = array<i32>} : memref<80x128xf32, #tpu.memory_space<vmem>>, vector<1x16xf32>,
        %swap3A_493 = vector.shape_cast %swap3A_492 : vector<1x16xf32> to vector<16xf32>
        %swap3A_494 = vector.shape_cast %add3A_489 : vector<16xf32> to vector<1x16xf32>
        tpu.vector_store %arg15[%swap3A_490, %swap3A_491], %swap3A_494 {strides = array<i32>} : memref<80x128xf32, #tpu.memory_space<vmem>>, vector<1x16xf32>,
        %get3A_495 = arith.index_cast %scan3A_413 : i32 to index
        %get3A_496 = arith.constant 112 : index
        %get3A_497 = tpu.vector_load %arg14[%get3A_495, %get3A_496] {strides = array<i32>} : memref<80x128xf32, #tpu.memory_space<vmem>>, vector<1x16xf32>,
        %get3A_498 = vector.shape_cast %get3A_497 : vector<1x16xf32> to vector<16xf32>
        %mul3A_499 = arith.mulf %add3A_406, %get3A_417 : vector<16xf32>
        %add3A_500 = arith.addf %mul3A_499, %get3A_498 : vector<16xf32>
        %swap3A_501 = arith.index_cast %scan3A_413 : i32 to index
        %swap3A_502 = arith.constant 112 : index
        %swap3A_503 = tpu.vector_load %arg15[%swap3A_501, %swap3A_502] {strides = array<i32>} : memref<80x128xf32, #tpu.memory_space<vmem>>, vector<1x16xf32>,
        %swap3A_504 = vector.shape_cast %swap3A_503 : vector<1x16xf32> to vector<16xf32>
        %swap3A_505 = vector.shape_cast %add3A_500 : vector<16xf32> to vector<1x16xf32>
        tpu.vector_store %arg15[%swap3A_501, %swap3A_502], %swap3A_505 {strides = array<i32>} : memref<80x128xf32, #tpu.memory_space<vmem>>, vector<1x16xf32>,
        %scan3A_506 = arith.constant 4 : i32
        %scan3A_507 = arith.addi %scan3A_124, %scan3A_506 : i32
        %get3A_508 = arith.index_cast %scan3A_507 : i32 to index
        %get3A_509 = arith.constant 0 : index
        %get3A_510 = tpu.vector_load %arg11[%get3A_508, %get3A_509] {strides = array<i32>} : memref<80x16xf32, #tpu.memory_space<vmem>>, vector<1x16xf32>,
        %get3A_511 = vector.shape_cast %get3A_510 : vector<1x16xf32> to vector<16xf32>
        %get3A_512 = arith.index_cast %scan3A_507 : i32 to index
        %get3A_513 = arith.constant 0 : index
        %get3A_514 = tpu.vector_load %arg14[%get3A_512, %get3A_513] {strides = array<i32>} : memref<80x128xf32, #tpu.memory_space<vmem>>, vector<1x16xf32>,
        %get3A_515 = vector.shape_cast %get3A_514 : vector<1x16xf32> to vector<16xf32>
        %mul3A_516 = arith.mulf %add3A_423, %get3A_511 : vector<16xf32>
        %add3A_517 = arith.addf %mul3A_516, %get3A_515 : vector<16xf32>
        %swap3A_518 = arith.index_cast %scan3A_507 : i32 to index
        %swap3A_519 = arith.constant 0 : index
        %swap3A_520 = tpu.vector_load %arg15[%swap3A_518, %swap3A_519] {strides = array<i32>} : memref<80x128xf32, #tpu.memory_space<vmem>>, vector<1x16xf32>,
        %swap3A_521 = vector.shape_cast %swap3A_520 : vector<1x16xf32> to vector<16xf32>
        %swap3A_522 = vector.shape_cast %add3A_517 : vector<16xf32> to vector<1x16xf32>
        tpu.vector_store %arg15[%swap3A_518, %swap3A_519], %swap3A_522 {strides = array<i32>} : memref<80x128xf32, #tpu.memory_space<vmem>>, vector<1x16xf32>,
        %get3A_523 = arith.index_cast %scan3A_507 : i32 to index
        %get3A_524 = arith.constant 16 : index
        %get3A_525 = tpu.vector_load %arg14[%get3A_523, %get3A_524] {strides = array<i32>} : memref<80x128xf32, #tpu.memory_space<vmem>>, vector<1x16xf32>,
        %get3A_526 = vector.shape_cast %get3A_525 : vector<1x16xf32> to vector<16xf32>
        %mul3A_527 = arith.mulf %add3A_434, %get3A_511 : vector<16xf32>
        %add3A_528 = arith.addf %mul3A_527, %get3A_526 : vector<16xf32>
        %swap3A_529 = arith.index_cast %scan3A_507 : i32 to index
        %swap3A_530 = arith.constant 16 : index
        %swap3A_531 = tpu.vector_load %arg15[%swap3A_529, %swap3A_530] {strides = array<i32>} : memref<80x128xf32, #tpu.memory_space<vmem>>, vector<1x16xf32>,
        %swap3A_532 = vector.shape_cast %swap3A_531 : vector<1x16xf32> to vector<16xf32>
        %swap3A_533 = vector.shape_cast %add3A_528 : vector<16xf32> to vector<1x16xf32>
        tpu.vector_store %arg15[%swap3A_529, %swap3A_530], %swap3A_533 {strides = array<i32>} : memref<80x128xf32, #tpu.memory_space<vmem>>, vector<1x16xf32>,
        %get3A_534 = arith.index_cast %scan3A_507 : i32 to index
        %get3A_535 = arith.constant 32 : index
        %get3A_536 = tpu.vector_load %arg14[%get3A_534, %get3A_535] {strides = array<i32>} : memref<80x128xf32, #tpu.memory_space<vmem>>, vector<1x16xf32>,
        %get3A_537 = vector.shape_cast %get3A_536 : vector<1x16xf32> to vector<16xf32>
        %mul3A_538 = arith.mulf %add3A_445, %get3A_511 : vector<16xf32>
        %add3A_539 = arith.addf %mul3A_538, %get3A_537 : vector<16xf32>
        %swap3A_540 = arith.index_cast %scan3A_507 : i32 to index
        %swap3A_541 = arith.constant 32 : index
        %swap3A_542 = tpu.vector_load %arg15[%swap3A_540, %swap3A_541] {strides = array<i32>} : memref<80x128xf32, #tpu.memory_space<vmem>>, vector<1x16xf32>,
        %swap3A_543 = vector.shape_cast %swap3A_542 : vector<1x16xf32> to vector<16xf32>
        %swap3A_544 = vector.shape_cast %add3A_539 : vector<16xf32> to vector<1x16xf32>
        tpu.vector_store %arg15[%swap3A_540, %swap3A_541], %swap3A_544 {strides = array<i32>} : memref<80x128xf32, #tpu.memory_space<vmem>>, vector<1x16xf32>,
        %get3A_545 = arith.index_cast %scan3A_507 : i32 to index
        %get3A_546 = arith.constant 48 : index
        %get3A_547 = tpu.vector_load %arg14[%get3A_545, %get3A_546] {strides = array<i32>} : memref<80x128xf32, #tpu.memory_space<vmem>>, vector<1x16xf32>,
        %get3A_548 = vector.shape_cast %get3A_547 : vector<1x16xf32> to vector<16xf32>
        %mul3A_549 = arith.mulf %add3A_456, %get3A_511 : vector<16xf32>
        %add3A_550 = arith.addf %mul3A_549, %get3A_548 : vector<16xf32>
        %swap3A_551 = arith.index_cast %scan3A_507 : i32 to index
        %swap3A_552 = arith.constant 48 : index
        %swap3A_553 = tpu.vector_load %arg15[%swap3A_551, %swap3A_552] {strides = array<i32>} : memref<80x128xf32, #tpu.memory_space<vmem>>, vector<1x16xf32>,
        %swap3A_554 = vector.shape_cast %swap3A_553 : vector<1x16xf32> to vector<16xf32>
        %swap3A_555 = vector.shape_cast %add3A_550 : vector<16xf32> to vector<1x16xf32>
        tpu.vector_store %arg15[%swap3A_551, %swap3A_552], %swap3A_555 {strides = array<i32>} : memref<80x128xf32, #tpu.memory_space<vmem>>, vector<1x16xf32>,
        %get3A_556 = arith.index_cast %scan3A_507 : i32 to index
        %get3A_557 = arith.constant 64 : index
        %get3A_558 = tpu.vector_load %arg14[%get3A_556, %get3A_557] {strides = array<i32>} : memref<80x128xf32, #tpu.memory_space<vmem>>, vector<1x16xf32>,
        %get3A_559 = vector.shape_cast %get3A_558 : vector<1x16xf32> to vector<16xf32>
        %mul3A_560 = arith.mulf %add3A_467, %get3A_511 : vector<16xf32>
        %add3A_561 = arith.addf %mul3A_560, %get3A_559 : vector<16xf32>
        %swap3A_562 = arith.index_cast %scan3A_507 : i32 to index
        %swap3A_563 = arith.constant 64 : index
        %swap3A_564 = tpu.vector_load %arg15[%swap3A_562, %swap3A_563] {strides = array<i32>} : memref<80x128xf32, #tpu.memory_space<vmem>>, vector<1x16xf32>,
        %swap3A_565 = vector.shape_cast %swap3A_564 : vector<1x16xf32> to vector<16xf32>
        %swap3A_566 = vector.shape_cast %add3A_561 : vector<16xf32> to vector<1x16xf32>
        tpu.vector_store %arg15[%swap3A_562, %swap3A_563], %swap3A_566 {strides = array<i32>} : memref<80x128xf32, #tpu.memory_space<vmem>>, vector<1x16xf32>,
        %get3A_567 = arith.index_cast %scan3A_507 : i32 to index
        %get3A_568 = arith.constant 80 : index
        %get3A_569 = tpu.vector_load %arg14[%get3A_567, %get3A_568] {strides = array<i32>} : memref<80x128xf32, #tpu.memory_space<vmem>>, vector<1x16xf32>,
        %get3A_570 = vector.shape_cast %get3A_569 : vector<1x16xf32> to vector<16xf32>
        %mul3A_571 = arith.mulf %add3A_478, %get3A_511 : vector<16xf32>
        %add3A_572 = arith.addf %mul3A_571, %get3A_570 : vector<16xf32>
        %swap3A_573 = arith.index_cast %scan3A_507 : i32 to index
        %swap3A_574 = arith.constant 80 : index
        %swap3A_575 = tpu.vector_load %arg15[%swap3A_573, %swap3A_574] {strides = array<i32>} : memref<80x128xf32, #tpu.memory_space<vmem>>, vector<1x16xf32>,
        %swap3A_576 = vector.shape_cast %swap3A_575 : vector<1x16xf32> to vector<16xf32>
        %swap3A_577 = vector.shape_cast %add3A_572 : vector<16xf32> to vector<1x16xf32>
        tpu.vector_store %arg15[%swap3A_573, %swap3A_574], %swap3A_577 {strides = array<i32>} : memref<80x128xf32, #tpu.memory_space<vmem>>, vector<1x16xf32>,
        %get3A_578 = arith.index_cast %scan3A_507 : i32 to index
        %get3A_579 = arith.constant 96 : index
        %get3A_580 = tpu.vector_load %arg14[%get3A_578, %get3A_579] {strides = array<i32>} : memref<80x128xf32, #tpu.memory_space<vmem>>, vector<1x16xf32>,
        %get3A_581 = vector.shape_cast %get3A_580 : vector<1x16xf32> to vector<16xf32>
        %mul3A_582 = arith.mulf %add3A_489, %get3A_511 : vector<16xf32>
        %add3A_583 = arith.addf %mul3A_582, %get3A_581 : vector<16xf32>
        %swap3A_584 = arith.index_cast %scan3A_507 : i32 to index
        %swap3A_585 = arith.constant 96 : index
        %swap3A_586 = tpu.vector_load %arg15[%swap3A_584, %swap3A_585] {strides = array<i32>} : memref<80x128xf32, #tpu.memory_space<vmem>>, vector<1x16xf32>,
        %swap3A_587 = vector.shape_cast %swap3A_586 : vector<1x16xf32> to vector<16xf32>
        %swap3A_588 = vector.shape_cast %add3A_583 : vector<16xf32> to vector<1x16xf32>
        tpu.vector_store %arg15[%swap3A_584, %swap3A_585], %swap3A_588 {strides = array<i32>} : memref<80x128xf32, #tpu.memory_space<vmem>>, vector<1x16xf32>,
        %get3A_589 = arith.index_cast %scan3A_507 : i32 to index
        %get3A_590 = arith.constant 112 : index
        %get3A_591 = tpu.vector_load %arg14[%get3A_589, %get3A_590] {strides = array<i32>} : memref<80x128xf32, #tpu.memory_space<vmem>>, vector<1x16xf32>,
        %get3A_592 = vector.shape_cast %get3A_591 : vector<1x16xf32> to vector<16xf32>
        %mul3A_593 = arith.mulf %add3A_500, %get3A_511 : vector<16xf32>
        %add3A_594 = arith.addf %mul3A_593, %get3A_592 : vector<16xf32>
        %swap3A_595 = arith.index_cast %scan3A_507 : i32 to index
        %swap3A_596 = arith.constant 112 : index
        %swap3A_597 = tpu.vector_load %arg15[%swap3A_595, %swap3A_596] {strides = array<i32>} : memref<80x128xf32, #tpu.memory_space<vmem>>, vector<1x16xf32>,
        %swap3A_598 = vector.shape_cast %swap3A_597 : vector<1x16xf32> to vector<16xf32>
        %swap3A_599 = vector.shape_cast %add3A_594 : vector<16xf32> to vector<1x16xf32>
        tpu.vector_store %arg15[%swap3A_595, %swap3A_596], %swap3A_599 {strides = array<i32>} : memref<80x128xf32, #tpu.memory_space<vmem>>, vector<1x16xf32>,
        %scan3A_600 = arith.constant 5 : i32
        %scan3A_601 = arith.addi %scan3A_124, %scan3A_600 : i32
        %get3A_602 = arith.index_cast %scan3A_601 : i32 to index
        %get3A_603 = arith.constant 0 : index
        %get3A_604 = tpu.vector_load %arg11[%get3A_602, %get3A_603] {strides = array<i32>} : memref<80x16xf32, #tpu.memory_space<vmem>>, vector<1x16xf32>,
        %get3A_605 = vector.shape_cast %get3A_604 : vector<1x16xf32> to vector<16xf32>
        %get3A_606 = arith.index_cast %scan3A_601 : i32 to index
        %get3A_607 = arith.constant 0 : index
        %get3A_608 = tpu.vector_load %arg14[%get3A_606, %get3A_607] {strides = array<i32>} : memref<80x128xf32, #tpu.memory_space<vmem>>, vector<1x16xf32>,
        %get3A_609 = vector.shape_cast %get3A_608 : vector<1x16xf32> to vector<16xf32>
        %mul3A_610 = arith.mulf %add3A_517, %get3A_605 : vector<16xf32>
        %add3A_611 = arith.addf %mul3A_610, %get3A_609 : vector<16xf32>
        %swap3A_612 = arith.index_cast %scan3A_601 : i32 to index
        %swap3A_613 = arith.constant 0 : index
        %swap3A_614 = tpu.vector_load %arg15[%swap3A_612, %swap3A_613] {strides = array<i32>} : memref<80x128xf32, #tpu.memory_space<vmem>>, vector<1x16xf32>,
        %swap3A_615 = vector.shape_cast %swap3A_614 : vector<1x16xf32> to vector<16xf32>
        %swap3A_616 = vector.shape_cast %add3A_611 : vector<16xf32> to vector<1x16xf32>
        tpu.vector_store %arg15[%swap3A_612, %swap3A_613], %swap3A_616 {strides = array<i32>} : memref<80x128xf32, #tpu.memory_space<vmem>>, vector<1x16xf32>,
        %get3A_617 = arith.index_cast %scan3A_601 : i32 to index
        %get3A_618 = arith.constant 16 : index
        %get3A_619 = tpu.vector_load %arg14[%get3A_617, %get3A_618] {strides = array<i32>} : memref<80x128xf32, #tpu.memory_space<vmem>>, vector<1x16xf32>,
        %get3A_620 = vector.shape_cast %get3A_619 : vector<1x16xf32> to vector<16xf32>
        %mul3A_621 = arith.mulf %add3A_528, %get3A_605 : vector<16xf32>
        %add3A_622 = arith.addf %mul3A_621, %get3A_620 : vector<16xf32>
        %swap3A_623 = arith.index_cast %scan3A_601 : i32 to index
        %swap3A_624 = arith.constant 16 : index
        %swap3A_625 = tpu.vector_load %arg15[%swap3A_623, %swap3A_624] {strides = array<i32>} : memref<80x128xf32, #tpu.memory_space<vmem>>, vector<1x16xf32>,
        %swap3A_626 = vector.shape_cast %swap3A_625 : vector<1x16xf32> to vector<16xf32>
        %swap3A_627 = vector.shape_cast %add3A_622 : vector<16xf32> to vector<1x16xf32>
        tpu.vector_store %arg15[%swap3A_623, %swap3A_624], %swap3A_627 {strides = array<i32>} : memref<80x128xf32, #tpu.memory_space<vmem>>, vector<1x16xf32>,
        %get3A_628 = arith.index_cast %scan3A_601 : i32 to index
        %get3A_629 = arith.constant 32 : index
        %get3A_630 = tpu.vector_load %arg14[%get3A_628, %get3A_629] {strides = array<i32>} : memref<80x128xf32, #tpu.memory_space<vmem>>, vector<1x16xf32>,
        %get3A_631 = vector.shape_cast %get3A_630 : vector<1x16xf32> to vector<16xf32>
        %mul3A_632 = arith.mulf %add3A_539, %get3A_605 : vector<16xf32>
        %add3A_633 = arith.addf %mul3A_632, %get3A_631 : vector<16xf32>
        %swap3A_634 = arith.index_cast %scan3A_601 : i32 to index
        %swap3A_635 = arith.constant 32 : index
        %swap3A_636 = tpu.vector_load %arg15[%swap3A_634, %swap3A_635] {strides = array<i32>} : memref<80x128xf32, #tpu.memory_space<vmem>>, vector<1x16xf32>,
        %swap3A_637 = vector.shape_cast %swap3A_636 : vector<1x16xf32> to vector<16xf32>
        %swap3A_638 = vector.shape_cast %add3A_633 : vector<16xf32> to vector<1x16xf32>
        tpu.vector_store %arg15[%swap3A_634, %swap3A_635], %swap3A_638 {strides = array<i32>} : memref<80x128xf32, #tpu.memory_space<vmem>>, vector<1x16xf32>,
        %get3A_639 = arith.index_cast %scan3A_601 : i32 to index
        %get3A_640 = arith.constant 48 : index
        %get3A_641 = tpu.vector_load %arg14[%get3A_639, %get3A_640] {strides = array<i32>} : memref<80x128xf32, #tpu.memory_space<vmem>>, vector<1x16xf32>,
        %get3A_642 = vector.shape_cast %get3A_641 : vector<1x16xf32> to vector<16xf32>
        %mul3A_643 = arith.mulf %add3A_550, %get3A_605 : vector<16xf32>
        %add3A_644 = arith.addf %mul3A_643, %get3A_642 : vector<16xf32>
        %swap3A_645 = arith.index_cast %scan3A_601 : i32 to index
        %swap3A_646 = arith.constant 48 : index
        %swap3A_647 = tpu.vector_load %arg15[%swap3A_645, %swap3A_646] {strides = array<i32>} : memref<80x128xf32, #tpu.memory_space<vmem>>, vector<1x16xf32>,
        %swap3A_648 = vector.shape_cast %swap3A_647 : vector<1x16xf32> to vector<16xf32>
        %swap3A_649 = vector.shape_cast %add3A_644 : vector<16xf32> to vector<1x16xf32>
        tpu.vector_store %arg15[%swap3A_645, %swap3A_646], %swap3A_649 {strides = array<i32>} : memref<80x128xf32, #tpu.memory_space<vmem>>, vector<1x16xf32>,
        %get3A_650 = arith.index_cast %scan3A_601 : i32 to index
        %get3A_651 = arith.constant 64 : index
        %get3A_652 = tpu.vector_load %arg14[%get3A_650, %get3A_651] {strides = array<i32>} : memref<80x128xf32, #tpu.memory_space<vmem>>, vector<1x16xf32>,
        %get3A_653 = vector.shape_cast %get3A_652 : vector<1x16xf32> to vector<16xf32>
        %mul3A_654 = arith.mulf %add3A_561, %get3A_605 : vector<16xf32>
        %add3A_655 = arith.addf %mul3A_654, %get3A_653 : vector<16xf32>
        %swap3A_656 = arith.index_cast %scan3A_601 : i32 to index
        %swap3A_657 = arith.constant 64 : index
        %swap3A_658 = tpu.vector_load %arg15[%swap3A_656, %swap3A_657] {strides = array<i32>} : memref<80x128xf32, #tpu.memory_space<vmem>>, vector<1x16xf32>,
        %swap3A_659 = vector.shape_cast %swap3A_658 : vector<1x16xf32> to vector<16xf32>
        %swap3A_660 = vector.shape_cast %add3A_655 : vector<16xf32> to vector<1x16xf32>
        tpu.vector_store %arg15[%swap3A_656, %swap3A_657], %swap3A_660 {strides = array<i32>} : memref<80x128xf32, #tpu.memory_space<vmem>>, vector<1x16xf32>,
        %get3A_661 = arith.index_cast %scan3A_601 : i32 to index
        %get3A_662 = arith.constant 80 : index
        %get3A_663 = tpu.vector_load %arg14[%get3A_661, %get3A_662] {strides = array<i32>} : memref<80x128xf32, #tpu.memory_space<vmem>>, vector<1x16xf32>,
        %get3A_664 = vector.shape_cast %get3A_663 : vector<1x16xf32> to vector<16xf32>
        %mul3A_665 = arith.mulf %add3A_572, %get3A_605 : vector<16xf32>
        %add3A_666 = arith.addf %mul3A_665, %get3A_664 : vector<16xf32>
        %swap3A_667 = arith.index_cast %scan3A_601 : i32 to index
        %swap3A_668 = arith.constant 80 : index
        %swap3A_669 = tpu.vector_load %arg15[%swap3A_667, %swap3A_668] {strides = array<i32>} : memref<80x128xf32, #tpu.memory_space<vmem>>, vector<1x16xf32>,
        %swap3A_670 = vector.shape_cast %swap3A_669 : vector<1x16xf32> to vector<16xf32>
        %swap3A_671 = vector.shape_cast %add3A_666 : vector<16xf32> to vector<1x16xf32>
        tpu.vector_store %arg15[%swap3A_667, %swap3A_668], %swap3A_671 {strides = array<i32>} : memref<80x128xf32, #tpu.memory_space<vmem>>, vector<1x16xf32>,
        %get3A_672 = arith.index_cast %scan3A_601 : i32 to index
        %get3A_673 = arith.constant 96 : index
        %get3A_674 = tpu.vector_load %arg14[%get3A_672, %get3A_673] {strides = array<i32>} : memref<80x128xf32, #tpu.memory_space<vmem>>, vector<1x16xf32>,
        %get3A_675 = vector.shape_cast %get3A_674 : vector<1x16xf32> to vector<16xf32>
        %mul3A_676 = arith.mulf %add3A_583, %get3A_605 : vector<16xf32>
        %add3A_677 = arith.addf %mul3A_676, %get3A_675 : vector<16xf32>
        %swap3A_678 = arith.index_cast %scan3A_601 : i32 to index
        %swap3A_679 = arith.constant 96 : index
        %swap3A_680 = tpu.vector_load %arg15[%swap3A_678, %swap3A_679] {strides = array<i32>} : memref<80x128xf32, #tpu.memory_space<vmem>>, vector<1x16xf32>,
        %swap3A_681 = vector.shape_cast %swap3A_680 : vector<1x16xf32> to vector<16xf32>
        %swap3A_682 = vector.shape_cast %add3A_677 : vector<16xf32> to vector<1x16xf32>
        tpu.vector_store %arg15[%swap3A_678, %swap3A_679], %swap3A_682 {strides = array<i32>} : memref<80x128xf32, #tpu.memory_space<vmem>>, vector<1x16xf32>,
        %get3A_683 = arith.index_cast %scan3A_601 : i32 to index
        %get3A_684 = arith.constant 112 : index
        %get3A_685 = tpu.vector_load %arg14[%get3A_683, %get3A_684] {strides = array<i32>} : memref<80x128xf32, #tpu.memory_space<vmem>>, vector<1x16xf32>,
        %get3A_686 = vector.shape_cast %get3A_685 : vector<1x16xf32> to vector<16xf32>
        %mul3A_687 = arith.mulf %add3A_594, %get3A_605 : vector<16xf32>
        %add3A_688 = arith.addf %mul3A_687, %get3A_686 : vector<16xf32>
        %swap3A_689 = arith.index_cast %scan3A_601 : i32 to index
        %swap3A_690 = arith.constant 112 : index
        %swap3A_691 = tpu.vector_load %arg15[%swap3A_689, %swap3A_690] {strides = array<i32>} : memref<80x128xf32, #tpu.memory_space<vmem>>, vector<1x16xf32>,
        %swap3A_692 = vector.shape_cast %swap3A_691 : vector<1x16xf32> to vector<16xf32>
        %swap3A_693 = vector.shape_cast %add3A_688 : vector<16xf32> to vector<1x16xf32>
        tpu.vector_store %arg15[%swap3A_689, %swap3A_690], %swap3A_693 {strides = array<i32>} : memref<80x128xf32, #tpu.memory_space<vmem>>, vector<1x16xf32>,
        %scan3A_694 = arith.constant 6 : i32
        %scan3A_695 = arith.addi %scan3A_124, %scan3A_694 : i32
        %get3A_696 = arith.index_cast %scan3A_695 : i32 to index
        %get3A_697 = arith.constant 0 : index
        %get3A_698 = tpu.vector_load %arg11[%get3A_696, %get3A_697] {strides = array<i32>} : memref<80x16xf32, #tpu.memory_space<vmem>>, vector<1x16xf32>,
        %get3A_699 = vector.shape_cast %get3A_698 : vector<1x16xf32> to vector<16xf32>
        %get3A_700 = arith.index_cast %scan3A_695 : i32 to index
        %get3A_701 = arith.constant 0 : index
        %get3A_702 = tpu.vector_load %arg14[%get3A_700, %get3A_701] {strides = array<i32>} : memref<80x128xf32, #tpu.memory_space<vmem>>, vector<1x16xf32>,
        %get3A_703 = vector.shape_cast %get3A_702 : vector<1x16xf32> to vector<16xf32>
        %mul3A_704 = arith.mulf %add3A_611, %get3A_699 : vector<16xf32>
        %add3A_705 = arith.addf %mul3A_704, %get3A_703 : vector<16xf32>
        %swap3A_706 = arith.index_cast %scan3A_695 : i32 to index
        %swap3A_707 = arith.constant 0 : index
        %swap3A_708 = tpu.vector_load %arg15[%swap3A_706, %swap3A_707] {strides = array<i32>} : memref<80x128xf32, #tpu.memory_space<vmem>>, vector<1x16xf32>,
        %swap3A_709 = vector.shape_cast %swap3A_708 : vector<1x16xf32> to vector<16xf32>
        %swap3A_710 = vector.shape_cast %add3A_705 : vector<16xf32> to vector<1x16xf32>
        tpu.vector_store %arg15[%swap3A_706, %swap3A_707], %swap3A_710 {strides = array<i32>} : memref<80x128xf32, #tpu.memory_space<vmem>>, vector<1x16xf32>,
        %get3A_711 = arith.index_cast %scan3A_695 : i32 to index
        %get3A_712 = arith.constant 16 : index
        %get3A_713 = tpu.vector_load %arg14[%get3A_711, %get3A_712] {strides = array<i32>} : memref<80x128xf32, #tpu.memory_space<vmem>>, vector<1x16xf32>,
        %get3A_714 = vector.shape_cast %get3A_713 : vector<1x16xf32> to vector<16xf32>
        %mul3A_715 = arith.mulf %add3A_622, %get3A_699 : vector<16xf32>
        %add3A_716 = arith.addf %mul3A_715, %get3A_714 : vector<16xf32>
        %swap3A_717 = arith.index_cast %scan3A_695 : i32 to index
        %swap3A_718 = arith.constant 16 : index
        %swap3A_719 = tpu.vector_load %arg15[%swap3A_717, %swap3A_718] {strides = array<i32>} : memref<80x128xf32, #tpu.memory_space<vmem>>, vector<1x16xf32>,
        %swap3A_720 = vector.shape_cast %swap3A_719 : vector<1x16xf32> to vector<16xf32>
        %swap3A_721 = vector.shape_cast %add3A_716 : vector<16xf32> to vector<1x16xf32>
        tpu.vector_store %arg15[%swap3A_717, %swap3A_718], %swap3A_721 {strides = array<i32>} : memref<80x128xf32, #tpu.memory_space<vmem>>, vector<1x16xf32>,
        %get3A_722 = arith.index_cast %scan3A_695 : i32 to index
        %get3A_723 = arith.constant 32 : index
        %get3A_724 = tpu.vector_load %arg14[%get3A_722, %get3A_723] {strides = array<i32>} : memref<80x128xf32, #tpu.memory_space<vmem>>, vector<1x16xf32>,
        %get3A_725 = vector.shape_cast %get3A_724 : vector<1x16xf32> to vector<16xf32>
        %mul3A_726 = arith.mulf %add3A_633, %get3A_699 : vector<16xf32>
        %add3A_727 = arith.addf %mul3A_726, %get3A_725 : vector<16xf32>
        %swap3A_728 = arith.index_cast %scan3A_695 : i32 to index
        %swap3A_729 = arith.constant 32 : index
        %swap3A_730 = tpu.vector_load %arg15[%swap3A_728, %swap3A_729] {strides = array<i32>} : memref<80x128xf32, #tpu.memory_space<vmem>>, vector<1x16xf32>,
        %swap3A_731 = vector.shape_cast %swap3A_730 : vector<1x16xf32> to vector<16xf32>
        %swap3A_732 = vector.shape_cast %add3A_727 : vector<16xf32> to vector<1x16xf32>
        tpu.vector_store %arg15[%swap3A_728, %swap3A_729], %swap3A_732 {strides = array<i32>} : memref<80x128xf32, #tpu.memory_space<vmem>>, vector<1x16xf32>,
        %get3A_733 = arith.index_cast %scan3A_695 : i32 to index
        %get3A_734 = arith.constant 48 : index
        %get3A_735 = tpu.vector_load %arg14[%get3A_733, %get3A_734] {strides = array<i32>} : memref<80x128xf32, #tpu.memory_space<vmem>>, vector<1x16xf32>,
        %get3A_736 = vector.shape_cast %get3A_735 : vector<1x16xf32> to vector<16xf32>
        %mul3A_737 = arith.mulf %add3A_644, %get3A_699 : vector<16xf32>
        %add3A_738 = arith.addf %mul3A_737, %get3A_736 : vector<16xf32>
        %swap3A_739 = arith.index_cast %scan3A_695 : i32 to index
        %swap3A_740 = arith.constant 48 : index
        %swap3A_741 = tpu.vector_load %arg15[%swap3A_739, %swap3A_740] {strides = array<i32>} : memref<80x128xf32, #tpu.memory_space<vmem>>, vector<1x16xf32>,
        %swap3A_742 = vector.shape_cast %swap3A_741 : vector<1x16xf32> to vector<16xf32>
        %swap3A_743 = vector.shape_cast %add3A_738 : vector<16xf32> to vector<1x16xf32>
        tpu.vector_store %arg15[%swap3A_739, %swap3A_740], %swap3A_743 {strides = array<i32>} : memref<80x128xf32, #tpu.memory_space<vmem>>, vector<1x16xf32>,
        %get3A_744 = arith.index_cast %scan3A_695 : i32 to index
        %get3A_745 = arith.constant 64 : index
        %get3A_746 = tpu.vector_load %arg14[%get3A_744, %get3A_745] {strides = array<i32>} : memref<80x128xf32, #tpu.memory_space<vmem>>, vector<1x16xf32>,
        %get3A_747 = vector.shape_cast %get3A_746 : vector<1x16xf32> to vector<16xf32>
        %mul3A_748 = arith.mulf %add3A_655, %get3A_699 : vector<16xf32>
        %add3A_749 = arith.addf %mul3A_748, %get3A_747 : vector<16xf32>
        %swap3A_750 = arith.index_cast %scan3A_695 : i32 to index
        %swap3A_751 = arith.constant 64 : index
        %swap3A_752 = tpu.vector_load %arg15[%swap3A_750, %swap3A_751] {strides = array<i32>} : memref<80x128xf32, #tpu.memory_space<vmem>>, vector<1x16xf32>,
        %swap3A_753 = vector.shape_cast %swap3A_752 : vector<1x16xf32> to vector<16xf32>
        %swap3A_754 = vector.shape_cast %add3A_749 : vector<16xf32> to vector<1x16xf32>
        tpu.vector_store %arg15[%swap3A_750, %swap3A_751], %swap3A_754 {strides = array<i32>} : memref<80x128xf32, #tpu.memory_space<vmem>>, vector<1x16xf32>,
        %get3A_755 = arith.index_cast %scan3A_695 : i32 to index
        %get3A_756 = arith.constant 80 : index
        %get3A_757 = tpu.vector_load %arg14[%get3A_755, %get3A_756] {strides = array<i32>} : memref<80x128xf32, #tpu.memory_space<vmem>>, vector<1x16xf32>,
        %get3A_758 = vector.shape_cast %get3A_757 : vector<1x16xf32> to vector<16xf32>
        %mul3A_759 = arith.mulf %add3A_666, %get3A_699 : vector<16xf32>
        %add3A_760 = arith.addf %mul3A_759, %get3A_758 : vector<16xf32>
        %swap3A_761 = arith.index_cast %scan3A_695 : i32 to index
        %swap3A_762 = arith.constant 80 : index
        %swap3A_763 = tpu.vector_load %arg15[%swap3A_761, %swap3A_762] {strides = array<i32>} : memref<80x128xf32, #tpu.memory_space<vmem>>, vector<1x16xf32>,
        %swap3A_764 = vector.shape_cast %swap3A_763 : vector<1x16xf32> to vector<16xf32>
        %swap3A_765 = vector.shape_cast %add3A_760 : vector<16xf32> to vector<1x16xf32>
        tpu.vector_store %arg15[%swap3A_761, %swap3A_762], %swap3A_765 {strides = array<i32>} : memref<80x128xf32, #tpu.memory_space<vmem>>, vector<1x16xf32>,
        %get3A_766 = arith.index_cast %scan3A_695 : i32 to index
        %get3A_767 = arith.constant 96 : index
        %get3A_768 = tpu.vector_load %arg14[%get3A_766, %get3A_767] {strides = array<i32>} : memref<80x128xf32, #tpu.memory_space<vmem>>, vector<1x16xf32>,
        %get3A_769 = vector.shape_cast %get3A_768 : vector<1x16xf32> to vector<16xf32>
        %mul3A_770 = arith.mulf %add3A_677, %get3A_699 : vector<16xf32>
        %add3A_771 = arith.addf %mul3A_770, %get3A_769 : vector<16xf32>
        %swap3A_772 = arith.index_cast %scan3A_695 : i32 to index
        %swap3A_773 = arith.constant 96 : index
        %swap3A_774 = tpu.vector_load %arg15[%swap3A_772, %swap3A_773] {strides = array<i32>} : memref<80x128xf32, #tpu.memory_space<vmem>>, vector<1x16xf32>,
        %swap3A_775 = vector.shape_cast %swap3A_774 : vector<1x16xf32> to vector<16xf32>
        %swap3A_776 = vector.shape_cast %add3A_771 : vector<16xf32> to vector<1x16xf32>
        tpu.vector_store %arg15[%swap3A_772, %swap3A_773], %swap3A_776 {strides = array<i32>} : memref<80x128xf32, #tpu.memory_space<vmem>>, vector<1x16xf32>,
        %get3A_777 = arith.index_cast %scan3A_695 : i32 to index
        %get3A_778 = arith.constant 112 : index
        %get3A_779 = tpu.vector_load %arg14[%get3A_777, %get3A_778] {strides = array<i32>} : memref<80x128xf32, #tpu.memory_space<vmem>>, vector<1x16xf32>,
        %get3A_780 = vector.shape_cast %get3A_779 : vector<1x16xf32> to vector<16xf32>
        %mul3A_781 = arith.mulf %add3A_688, %get3A_699 : vector<16xf32>
        %add3A_782 = arith.addf %mul3A_781, %get3A_780 : vector<16xf32>
        %swap3A_783 = arith.index_cast %scan3A_695 : i32 to index
        %swap3A_784 = arith.constant 112 : index
        %swap3A_785 = tpu.vector_load %arg15[%swap3A_783, %swap3A_784] {strides = array<i32>} : memref<80x128xf32, #tpu.memory_space<vmem>>, vector<1x16xf32>,
        %swap3A_786 = vector.shape_cast %swap3A_785 : vector<1x16xf32> to vector<16xf32>
        %swap3A_787 = vector.shape_cast %add3A_782 : vector<16xf32> to vector<1x16xf32>
        tpu.vector_store %arg15[%swap3A_783, %swap3A_784], %swap3A_787 {strides = array<i32>} : memref<80x128xf32, #tpu.memory_space<vmem>>, vector<1x16xf32>,
        %scan3A_788 = arith.constant 7 : i32
        %scan3A_789 = arith.addi %scan3A_124, %scan3A_788 : i32
        %get3A_790 = arith.index_cast %scan3A_789 : i32 to index
        %get3A_791 = arith.constant 0 : index
        %get3A_792 = tpu.vector_load %arg11[%get3A_790, %get3A_791] {strides = array<i32>} : memref<80x16xf32, #tpu.memory_space<vmem>>, vector<1x16xf32>,
        %get3A_793 = vector.shape_cast %get3A_792 : vector<1x16xf32> to vector<16xf32>
        %get3A_794 = arith.index_cast %scan3A_789 : i32 to index
        %get3A_795 = arith.constant 0 : index
        %get3A_796 = tpu.vector_load %arg14[%get3A_794, %get3A_795] {strides = array<i32>} : memref<80x128xf32, #tpu.memory_space<vmem>>, vector<1x16xf32>,
        %get3A_797 = vector.shape_cast %get3A_796 : vector<1x16xf32> to vector<16xf32>
        %mul3A_798 = arith.mulf %add3A_705, %get3A_793 : vector<16xf32>
        %add3A_799 = arith.addf %mul3A_798, %get3A_797 : vector<16xf32>
        %swap3A_800 = arith.index_cast %scan3A_789 : i32 to index
        %swap3A_801 = arith.constant 0 : index
        %swap3A_802 = tpu.vector_load %arg15[%swap3A_800, %swap3A_801] {strides = array<i32>} : memref<80x128xf32, #tpu.memory_space<vmem>>, vector<1x16xf32>,
        %swap3A_803 = vector.shape_cast %swap3A_802 : vector<1x16xf32> to vector<16xf32>
        %swap3A_804 = vector.shape_cast %add3A_799 : vector<16xf32> to vector<1x16xf32>
        tpu.vector_store %arg15[%swap3A_800, %swap3A_801], %swap3A_804 {strides = array<i32>} : memref<80x128xf32, #tpu.memory_space<vmem>>, vector<1x16xf32>,
        %get3A_805 = arith.index_cast %scan3A_789 : i32 to index
        %get3A_806 = arith.constant 16 : index
        %get3A_807 = tpu.vector_load %arg14[%get3A_805, %get3A_806] {strides = array<i32>} : memref<80x128xf32, #tpu.memory_space<vmem>>, vector<1x16xf32>,
        %get3A_808 = vector.shape_cast %get3A_807 : vector<1x16xf32> to vector<16xf32>
        %mul3A_809 = arith.mulf %add3A_716, %get3A_793 : vector<16xf32>
        %add3A_810 = arith.addf %mul3A_809, %get3A_808 : vector<16xf32>
        %swap3A_811 = arith.index_cast %scan3A_789 : i32 to index
        %swap3A_812 = arith.constant 16 : index
        %swap3A_813 = tpu.vector_load %arg15[%swap3A_811, %swap3A_812] {strides = array<i32>} : memref<80x128xf32, #tpu.memory_space<vmem>>, vector<1x16xf32>,
        %swap3A_814 = vector.shape_cast %swap3A_813 : vector<1x16xf32> to vector<16xf32>
        %swap3A_815 = vector.shape_cast %add3A_810 : vector<16xf32> to vector<1x16xf32>
        tpu.vector_store %arg15[%swap3A_811, %swap3A_812], %swap3A_815 {strides = array<i32>} : memref<80x128xf32, #tpu.memory_space<vmem>>, vector<1x16xf32>,
        %get3A_816 = arith.index_cast %scan3A_789 : i32 to index
        %get3A_817 = arith.constant 32 : index
        %get3A_818 = tpu.vector_load %arg14[%get3A_816, %get3A_817] {strides = array<i32>} : memref<80x128xf32, #tpu.memory_space<vmem>>, vector<1x16xf32>,
        %get3A_819 = vector.shape_cast %get3A_818 : vector<1x16xf32> to vector<16xf32>
        %mul3A_820 = arith.mulf %add3A_727, %get3A_793 : vector<16xf32>
        %add3A_821 = arith.addf %mul3A_820, %get3A_819 : vector<16xf32>
        %swap3A_822 = arith.index_cast %scan3A_789 : i32 to index
        %swap3A_823 = arith.constant 32 : index
        %swap3A_824 = tpu.vector_load %arg15[%swap3A_822, %swap3A_823] {strides = array<i32>} : memref<80x128xf32, #tpu.memory_space<vmem>>, vector<1x16xf32>,
        %swap3A_825 = vector.shape_cast %swap3A_824 : vector<1x16xf32> to vector<16xf32>
        %swap3A_826 = vector.shape_cast %add3A_821 : vector<16xf32> to vector<1x16xf32>
        tpu.vector_store %arg15[%swap3A_822, %swap3A_823], %swap3A_826 {strides = array<i32>} : memref<80x128xf32, #tpu.memory_space<vmem>>, vector<1x16xf32>,
        %get3A_827 = arith.index_cast %scan3A_789 : i32 to index
        %get3A_828 = arith.constant 48 : index
        %get3A_829 = tpu.vector_load %arg14[%get3A_827, %get3A_828] {strides = array<i32>} : memref<80x128xf32, #tpu.memory_space<vmem>>, vector<1x16xf32>,
        %get3A_830 = vector.shape_cast %get3A_829 : vector<1x16xf32> to vector<16xf32>
        %mul3A_831 = arith.mulf %add3A_738, %get3A_793 : vector<16xf32>
        %add3A_832 = arith.addf %mul3A_831, %get3A_830 : vector<16xf32>
        %swap3A_833 = arith.index_cast %scan3A_789 : i32 to index
        %swap3A_834 = arith.constant 48 : index
        %swap3A_835 = tpu.vector_load %arg15[%swap3A_833, %swap3A_834] {strides = array<i32>} : memref<80x128xf32, #tpu.memory_space<vmem>>, vector<1x16xf32>,
        %swap3A_836 = vector.shape_cast %swap3A_835 : vector<1x16xf32> to vector<16xf32>
        %swap3A_837 = vector.shape_cast %add3A_832 : vector<16xf32> to vector<1x16xf32>
        tpu.vector_store %arg15[%swap3A_833, %swap3A_834], %swap3A_837 {strides = array<i32>} : memref<80x128xf32, #tpu.memory_space<vmem>>, vector<1x16xf32>,
        %get3A_838 = arith.index_cast %scan3A_789 : i32 to index
        %get3A_839 = arith.constant 64 : index
        %get3A_840 = tpu.vector_load %arg14[%get3A_838, %get3A_839] {strides = array<i32>} : memref<80x128xf32, #tpu.memory_space<vmem>>, vector<1x16xf32>,
        %get3A_841 = vector.shape_cast %get3A_840 : vector<1x16xf32> to vector<16xf32>
        %mul3A_842 = arith.mulf %add3A_749, %get3A_793 : vector<16xf32>
        %add3A_843 = arith.addf %mul3A_842, %get3A_841 : vector<16xf32>
        %swap3A_844 = arith.index_cast %scan3A_789 : i32 to index
        %swap3A_845 = arith.constant 64 : index
        %swap3A_846 = tpu.vector_load %arg15[%swap3A_844, %swap3A_845] {strides = array<i32>} : memref<80x128xf32, #tpu.memory_space<vmem>>, vector<1x16xf32>,
        %swap3A_847 = vector.shape_cast %swap3A_846 : vector<1x16xf32> to vector<16xf32>
        %swap3A_848 = vector.shape_cast %add3A_843 : vector<16xf32> to vector<1x16xf32>
        tpu.vector_store %arg15[%swap3A_844, %swap3A_845], %swap3A_848 {strides = array<i32>} : memref<80x128xf32, #tpu.memory_space<vmem>>, vector<1x16xf32>,
        %get3A_849 = arith.index_cast %scan3A_789 : i32 to index
        %get3A_850 = arith.constant 80 : index
        %get3A_851 = tpu.vector_load %arg14[%get3A_849, %get3A_850] {strides = array<i32>} : memref<80x128xf32, #tpu.memory_space<vmem>>, vector<1x16xf32>,
        %get3A_852 = vector.shape_cast %get3A_851 : vector<1x16xf32> to vector<16xf32>
        %mul3A_853 = arith.mulf %add3A_760, %get3A_793 : vector<16xf32>
        %add3A_854 = arith.addf %mul3A_853, %get3A_852 : vector<16xf32>
        %swap3A_855 = arith.index_cast %scan3A_789 : i32 to index
        %swap3A_856 = arith.constant 80 : index
        %swap3A_857 = tpu.vector_load %arg15[%swap3A_855, %swap3A_856] {strides = array<i32>} : memref<80x128xf32, #tpu.memory_space<vmem>>, vector<1x16xf32>,
        %swap3A_858 = vector.shape_cast %swap3A_857 : vector<1x16xf32> to vector<16xf32>
        %swap3A_859 = vector.shape_cast %add3A_854 : vector<16xf32> to vector<1x16xf32>
        tpu.vector_store %arg15[%swap3A_855, %swap3A_856], %swap3A_859 {strides = array<i32>} : memref<80x128xf32, #tpu.memory_space<vmem>>, vector<1x16xf32>,
        %get3A_860 = arith.index_cast %scan3A_789 : i32 to index
        %get3A_861 = arith.constant 96 : index
        %get3A_862 = tpu.vector_load %arg14[%get3A_860, %get3A_861] {strides = array<i32>} : memref<80x128xf32, #tpu.memory_space<vmem>>, vector<1x16xf32>,
        %get3A_863 = vector.shape_cast %get3A_862 : vector<1x16xf32> to vector<16xf32>
        %mul3A_864 = arith.mulf %add3A_771, %get3A_793 : vector<16xf32>
        %add3A_865 = arith.addf %mul3A_864, %get3A_863 : vector<16xf32>
        %swap3A_866 = arith.index_cast %scan3A_789 : i32 to index
        %swap3A_867 = arith.constant 96 : index
        %swap3A_868 = tpu.vector_load %arg15[%swap3A_866, %swap3A_867] {strides = array<i32>} : memref<80x128xf32, #tpu.memory_space<vmem>>, vector<1x16xf32>,
        %swap3A_869 = vector.shape_cast %swap3A_868 : vector<1x16xf32> to vector<16xf32>
        %swap3A_870 = vector.shape_cast %add3A_865 : vector<16xf32> to vector<1x16xf32>
        tpu.vector_store %arg15[%swap3A_866, %swap3A_867], %swap3A_870 {strides = array<i32>} : memref<80x128xf32, #tpu.memory_space<vmem>>, vector<1x16xf32>,
        %get3A_871 = arith.index_cast %scan3A_789 : i32 to index
        %get3A_872 = arith.constant 112 : index
        %get3A_873 = tpu.vector_load %arg14[%get3A_871, %get3A_872] {strides = array<i32>} : memref<80x128xf32, #tpu.memory_space<vmem>>, vector<1x16xf32>,
        %get3A_874 = vector.shape_cast %get3A_873 : vector<1x16xf32> to vector<16xf32>
        %mul3A_875 = arith.mulf %add3A_782, %get3A_793 : vector<16xf32>
        %add3A_876 = arith.addf %mul3A_875, %get3A_874 : vector<16xf32>
        %swap3A_877 = arith.index_cast %scan3A_789 : i32 to index
        %swap3A_878 = arith.constant 112 : index
        %swap3A_879 = tpu.vector_load %arg15[%swap3A_877, %swap3A_878] {strides = array<i32>} : memref<80x128xf32, #tpu.memory_space<vmem>>, vector<1x16xf32>,
        %swap3A_880 = vector.shape_cast %swap3A_879 : vector<1x16xf32> to vector<16xf32>
        %swap3A_881 = vector.shape_cast %add3A_876 : vector<16xf32> to vector<1x16xf32>
        tpu.vector_store %arg15[%swap3A_877, %swap3A_878], %swap3A_881 {strides = array<i32>} : memref<80x128xf32, #tpu.memory_space<vmem>>, vector<1x16xf32>,
        scf.yield %add3A_799, %add3A_810, %add3A_821, %add3A_832, %add3A_843, %add3A_854, %add3A_865, %add3A_876 : vector<16xf32>, vector<16xf32>, vector<16xf32>, vector<16xf32>, vector<16xf32>, vector<16xf32>, vector<16xf32>, vector<16xf32>
      }
      %scan3A_113 = arith.constant 80 : i32
      %eq3A_114 = arith.constant 0 : i32
      %eq3A_115 = arith.cmpi eq, %arg0, %eq3A_114 : i32
      %convert_element_type3A_116 = arith.extui %eq3A_115 : i1 to i32
      %cond3A_117 = arith.constant 0 : i32
      %cond3A_118 = arith.cmpi ne, %convert_element_type3A_116, %cond3A_117 : i32
      scf.if %cond3A_118 {
        "tpu.region"() ({
          %run_scoped3A = tpu.sem_alloc : memref<!tpu.dma_semaphore, #tpu.memory_space<semaphore_mem>>
          %dma_start3A_124 = arith.constant 0 : i32
          %dma_start3A_125 = arith.constant 0 : i32
          %dma_start3A_126 = tpu.memref_slice %arg8[%dma_start3A_124, %dma_start3A_125] : memref<10160x128xf32, #tpu.memory_space<hbm>> -> memref<10160x128xf32, #tpu.memory_space<hbm>>
          tpu.enqueue_indirect_dma source(%arg15 : memref<80x128xf32, #tpu.memory_space<vmem>>) target(%dma_start3A_126 : memref<10160x128xf32, #tpu.memory_space<hbm>>) offsets(%arg12 : memref<80xi32, #tpu.memory_space<vmem>>) semaphore(%run_scoped3A : memref<!tpu.dma_semaphore, #tpu.memory_space<semaphore_mem>>)
          %dma_wait3A_127 = arith.constant 0 : i32
          %dma_wait3A_128 = arith.constant 0 : i32
          %dma_wait3A_129 = tpu.memref_slice %arg8[%dma_wait3A_127, %dma_wait3A_128] : memref<10160x128xf32, #tpu.memory_space<hbm>> -> memref<10160x128xf32, #tpu.memory_space<hbm>>
          tpu.wait_indirect_dma semaphore(%run_scoped3A : memref<!tpu.dma_semaphore, #tpu.memory_space<semaphore_mem>>) src(%arg15 : memref<80x128xf32, #tpu.memory_space<vmem>>) dst(%dma_wait3A_129 : memref<10160x128xf32, #tpu.memory_space<hbm>>)
          tpu.yield
        }) : () -> ()
      } else {
      }
      %eq3A_119 = arith.constant 1 : i32
      %eq3A_120 = arith.cmpi eq, %arg0, %eq3A_119 : i32
      %convert_element_type3A_121 = arith.extui %eq3A_120 : i1 to i32
      %cond3A_122 = arith.constant 0 : i32
      %cond3A_123 = arith.cmpi ne, %convert_element_type3A_121, %cond3A_122 : i32
      scf.if %cond3A_123 {
        "tpu.region"() ({
          %run_scoped3A = tpu.sem_alloc : memref<!tpu.dma_semaphore, #tpu.memory_space<semaphore_mem>>
          %dma_start3A_124 = arith.constant 0 : i32
          %dma_start3A_125 = arith.constant 0 : i32
          %dma_start3A_126 = tpu.memref_slice %arg9[%dma_start3A_124, %dma_start3A_125] : memref<10160x128xf32, #tpu.memory_space<hbm>> -> memref<10160x128xf32, #tpu.memory_space<hbm>>
          tpu.enqueue_indirect_dma source(%arg15 : memref<80x128xf32, #tpu.memory_space<vmem>>) target(%dma_start3A_126 : memref<10160x128xf32, #tpu.memory_space<hbm>>) offsets(%arg12 : memref<80xi32, #tpu.memory_space<vmem>>) semaphore(%run_scoped3A : memref<!tpu.dma_semaphore, #tpu.memory_space<semaphore_mem>>)
          %dma_wait3A_127 = arith.constant 0 : i32
          %dma_wait3A_128 = arith.constant 0 : i32
          %dma_wait3A_129 = tpu.memref_slice %arg9[%dma_wait3A_127, %dma_wait3A_128] : memref<10160x128xf32, #tpu.memory_space<hbm>> -> memref<10160x128xf32, #tpu.memory_space<hbm>>
          tpu.wait_indirect_dma semaphore(%run_scoped3A : memref<!tpu.dma_semaphore, #tpu.memory_space<semaphore_mem>>) src(%arg15 : memref<80x128xf32, #tpu.memory_space<vmem>>) dst(%dma_wait3A_129 : memref<10160x128xf32, #tpu.memory_space<hbm>>)
          tpu.yield
        }) : () -> ()
      } else {
      }
      scf.yield %scan3A_112#0, %scan3A_112#1, %scan3A_112#2, %scan3A_112#3, %scan3A_112#4, %scan3A_112#5, %scan3A_112#6, %scan3A_112#7 : vector<16xf32>, vector<16xf32>, vector<16xf32>, vector<16xf32>, vector<16xf32>, vector<16xf32>, vector<16xf32>, vector<16xf32>
    }
    %scan3A_32 = arith.constant 125 : i32
    %swap3A = arith.constant 0 : i32
    %swap3A_33 = arith.index_cast %swap3A : i32 to index
    %swap3A_34 = arith.constant 0 : index
    %swap3A_35 = tpu.vector_load %arg15[%swap3A_33, %swap3A_34] {strides = array<i32>} : memref<80x128xf32, #tpu.memory_space<vmem>>, vector<1x16xf32>,
    %swap3A_36 = vector.shape_cast %swap3A_35 : vector<1x16xf32> to vector<16xf32>
    %swap3A_37 = vector.shape_cast %scan3A_31#0 : vector<16xf32> to vector<1x16xf32>
    tpu.vector_store %arg15[%swap3A_33, %swap3A_34], %swap3A_37 {strides = array<i32>} : memref<80x128xf32, #tpu.memory_space<vmem>>, vector<1x16xf32>,
    %swap3A_38 = arith.constant 0 : i32
    %swap3A_39 = arith.index_cast %swap3A_38 : i32 to index
    %swap3A_40 = arith.constant 16 : index
    %swap3A_41 = tpu.vector_load %arg15[%swap3A_39, %swap3A_40] {strides = array<i32>} : memref<80x128xf32, #tpu.memory_space<vmem>>, vector<1x16xf32>,
    %swap3A_42 = vector.shape_cast %swap3A_41 : vector<1x16xf32> to vector<16xf32>
    %swap3A_43 = vector.shape_cast %scan3A_31#1 : vector<16xf32> to vector<1x16xf32>
    tpu.vector_store %arg15[%swap3A_39, %swap3A_40], %swap3A_43 {strides = array<i32>} : memref<80x128xf32, #tpu.memory_space<vmem>>, vector<1x16xf32>,
    %swap3A_44 = arith.constant 0 : i32
    %swap3A_45 = arith.index_cast %swap3A_44 : i32 to index
    %swap3A_46 = arith.constant 32 : index
    %swap3A_47 = tpu.vector_load %arg15[%swap3A_45, %swap3A_46] {strides = array<i32>} : memref<80x128xf32, #tpu.memory_space<vmem>>, vector<1x16xf32>,
    %swap3A_48 = vector.shape_cast %swap3A_47 : vector<1x16xf32> to vector<16xf32>
    %swap3A_49 = vector.shape_cast %scan3A_31#2 : vector<16xf32> to vector<1x16xf32>
    tpu.vector_store %arg15[%swap3A_45, %swap3A_46], %swap3A_49 {strides = array<i32>} : memref<80x128xf32, #tpu.memory_space<vmem>>, vector<1x16xf32>,
    %swap3A_50 = arith.constant 0 : i32
    %swap3A_51 = arith.index_cast %swap3A_50 : i32 to index
    %swap3A_52 = arith.constant 48 : index
    %swap3A_53 = tpu.vector_load %arg15[%swap3A_51, %swap3A_52] {strides = array<i32>} : memref<80x128xf32, #tpu.memory_space<vmem>>, vector<1x16xf32>,
    %swap3A_54 = vector.shape_cast %swap3A_53 : vector<1x16xf32> to vector<16xf32>
    %swap3A_55 = vector.shape_cast %scan3A_31#3 : vector<16xf32> to vector<1x16xf32>
    tpu.vector_store %arg15[%swap3A_51, %swap3A_52], %swap3A_55 {strides = array<i32>} : memref<80x128xf32, #tpu.memory_space<vmem>>, vector<1x16xf32>,
    %swap3A_56 = arith.constant 0 : i32
    %swap3A_57 = arith.index_cast %swap3A_56 : i32 to index
    %swap3A_58 = arith.constant 64 : index
    %swap3A_59 = tpu.vector_load %arg15[%swap3A_57, %swap3A_58] {strides = array<i32>} : memref<80x128xf32, #tpu.memory_space<vmem>>, vector<1x16xf32>,
    %swap3A_60 = vector.shape_cast %swap3A_59 : vector<1x16xf32> to vector<16xf32>
    %swap3A_61 = vector.shape_cast %scan3A_31#4 : vector<16xf32> to vector<1x16xf32>
    tpu.vector_store %arg15[%swap3A_57, %swap3A_58], %swap3A_61 {strides = array<i32>} : memref<80x128xf32, #tpu.memory_space<vmem>>, vector<1x16xf32>,
    %swap3A_62 = arith.constant 0 : i32
    %swap3A_63 = arith.index_cast %swap3A_62 : i32 to index
    %swap3A_64 = arith.constant 80 : index
    %swap3A_65 = tpu.vector_load %arg15[%swap3A_63, %swap3A_64] {strides = array<i32>} : memref<80x128xf32, #tpu.memory_space<vmem>>, vector<1x16xf32>,
    %swap3A_66 = vector.shape_cast %swap3A_65 : vector<1x16xf32> to vector<16xf32>
    %swap3A_67 = vector.shape_cast %scan3A_31#5 : vector<16xf32> to vector<1x16xf32>
    tpu.vector_store %arg15[%swap3A_63, %swap3A_64], %swap3A_67 {strides = array<i32>} : memref<80x128xf32, #tpu.memory_space<vmem>>, vector<1x16xf32>,
    %swap3A_68 = arith.constant 0 : i32
    %swap3A_69 = arith.index_cast %swap3A_68 : i32 to index
    %swap3A_70 = arith.constant 96 : index
    %swap3A_71 = tpu.vector_load %arg15[%swap3A_69, %swap3A_70] {strides = array<i32>} : memref<80x128xf32, #tpu.memory_space<vmem>>, vector<1x16xf32>,
    %swap3A_72 = vector.shape_cast %swap3A_71 : vector<1x16xf32> to vector<16xf32>
    %swap3A_73 = vector.shape_cast %scan3A_31#6 : vector<16xf32> to vector<1x16xf32>
    tpu.vector_store %arg15[%swap3A_69, %swap3A_70], %swap3A_73 {strides = array<i32>} : memref<80x128xf32, #tpu.memory_space<vmem>>, vector<1x16xf32>,
    %swap3A_74 = arith.constant 0 : i32
    %swap3A_75 = arith.index_cast %swap3A_74 : i32 to index
    %swap3A_76 = arith.constant 112 : index
    %swap3A_77 = tpu.vector_load %arg15[%swap3A_75, %swap3A_76] {strides = array<i32>} : memref<80x128xf32, #tpu.memory_space<vmem>>, vector<1x16xf32>,
    %swap3A_78 = vector.shape_cast %swap3A_77 : vector<1x16xf32> to vector<16xf32>
    %swap3A_79 = vector.shape_cast %scan3A_31#7 : vector<16xf32> to vector<1x16xf32>
    tpu.vector_store %arg15[%swap3A_75, %swap3A_76], %swap3A_79 {strides = array<i32>} : memref<80x128xf32, #tpu.memory_space<vmem>>, vector<1x16xf32>,
    %mul3A_80 = arith.constant 16 : i32
    %mul3A_81 = arith.muli %add3A, %mul3A_80 : i32
    "tpu.region"() ({
      %run_scoped3A = tpu.sem_alloc : memref<!tpu.dma_semaphore, #tpu.memory_space<semaphore_mem>>
      %dma_start3A = tpu.memref_slice %arg6[%mul3A_81] : memref<512xi32, #tpu.memory_space<hbm>> -> memref<16xi32, #tpu.memory_space<hbm>>
      %dma_start3A_92 = tpu.memref_slice %arg6[%mul3A_81] : memref<512xi32, #tpu.memory_space<hbm>> -> memref<16xi32, #tpu.memory_space<hbm>>
      tpu.enqueue_dma source(%dma_start3A_92 : memref<16xi32, #tpu.memory_space<hbm>>) target(%arg13 : memref<16xi32, #tpu.memory_space<vmem>>) target_semaphore(%run_scoped3A : memref<!tpu.dma_semaphore, #tpu.memory_space<semaphore_mem>>)
      %dma_wait3A = tpu.memref_slice %arg6[%mul3A_81] : memref<512xi32, #tpu.memory_space<hbm>> -> memref<16xi32, #tpu.memory_space<hbm>>
      %dma_wait3A_93 = tpu.memref_slice %arg6[%mul3A_81] : memref<512xi32, #tpu.memory_space<hbm>> -> memref<16xi32, #tpu.memory_space<hbm>>
      tpu.wait_dma2 semaphore(%run_scoped3A : memref<!tpu.dma_semaphore, #tpu.memory_space<semaphore_mem>>) src(%dma_wait3A_93 : memref<16xi32, #tpu.memory_space<hbm>>) dst(%arg13 : memref<16xi32, #tpu.memory_space<vmem>>)
      tpu.yield
    }) : () -> ()
    %eq3A_82 = arith.constant 0 : i32
    %eq3A_83 = arith.cmpi eq, %arg0, %eq3A_82 : i32
    %convert_element_type3A_84 = arith.extui %eq3A_83 : i1 to i32
    %cond3A_85 = arith.constant 0 : i32
    %cond3A_86 = arith.cmpi ne, %convert_element_type3A_84, %cond3A_85 : i32
    scf.if %cond3A_86 {
      "tpu.region"() ({
        %run_scoped3A = tpu.sem_alloc : memref<!tpu.dma_semaphore, #tpu.memory_space<semaphore_mem>>
        %dma_start3A = arith.constant 0 : i32
        %dma_start3A_92 = arith.constant 0 : i32
        %dma_start3A_93 = tpu.memref_slice %arg15[%dma_start3A, %dma_start3A_92] : memref<80x128xf32, #tpu.memory_space<vmem>> -> memref<16x128xf32, #tpu.memory_space<vmem>>
        %dma_start3A_94 = arith.constant 0 : i32
        %dma_start3A_95 = arith.constant 0 : i32
        %dma_start3A_96 = tpu.memref_slice %arg8[%dma_start3A_94, %dma_start3A_95] : memref<10160x128xf32, #tpu.memory_space<hbm>> -> memref<10160x128xf32, #tpu.memory_space<hbm>>
        tpu.enqueue_indirect_dma source(%dma_start3A_93 : memref<16x128xf32, #tpu.memory_space<vmem>>) target(%dma_start3A_96 : memref<10160x128xf32, #tpu.memory_space<hbm>>) offsets(%arg13 : memref<16xi32, #tpu.memory_space<vmem>>) semaphore(%run_scoped3A : memref<!tpu.dma_semaphore, #tpu.memory_space<semaphore_mem>>)
        %dma_wait3A = arith.constant 0 : i32
        %dma_wait3A_97 = arith.constant 0 : i32
        %dma_wait3A_98 = tpu.memref_slice %arg15[%dma_wait3A, %dma_wait3A_97] : memref<80x128xf32, #tpu.memory_space<vmem>> -> memref<16x128xf32, #tpu.memory_space<vmem>>
        %dma_wait3A_99 = arith.constant 0 : i32
        %dma_wait3A_100 = arith.constant 0 : i32
        %dma_wait3A_101 = tpu.memref_slice %arg8[%dma_wait3A_99, %dma_wait3A_100] : memref<10160x128xf32, #tpu.memory_space<hbm>> -> memref<10160x128xf32, #tpu.memory_space<hbm>>
        tpu.wait_indirect_dma semaphore(%run_scoped3A : memref<!tpu.dma_semaphore, #tpu.memory_space<semaphore_mem>>) src(%dma_wait3A_98 : memref<16x128xf32, #tpu.memory_space<vmem>>) dst(%dma_wait3A_101 : memref<10160x128xf32, #tpu.memory_space<hbm>>)
        tpu.yield
      }) : () -> ()
    } else {
    }
    %eq3A_87 = arith.constant 1 : i32
    %eq3A_88 = arith.cmpi eq, %arg0, %eq3A_87 : i32
    %convert_element_type3A_89 = arith.extui %eq3A_88 : i1 to i32
    %cond3A_90 = arith.constant 0 : i32
    %cond3A_91 = arith.cmpi ne, %convert_element_type3A_89, %cond3A_90 : i32
    scf.if %cond3A_91 {
      "tpu.region"() ({
        %run_scoped3A = tpu.sem_alloc : memref<!tpu.dma_semaphore, #tpu.memory_space<semaphore_mem>>
        %dma_start3A = arith.constant 0 : i32
        %dma_start3A_92 = arith.constant 0 : i32
        %dma_start3A_93 = tpu.memref_slice %arg15[%dma_start3A, %dma_start3A_92] : memref<80x128xf32, #tpu.memory_space<vmem>> -> memref<16x128xf32, #tpu.memory_space<vmem>>
        %dma_start3A_94 = arith.constant 0 : i32
        %dma_start3A_95 = arith.constant 0 : i32
        %dma_start3A_96 = tpu.memref_slice %arg9[%dma_start3A_94, %dma_start3A_95] : memref<10160x128xf32, #tpu.memory_space<hbm>> -> memref<10160x128xf32, #tpu.memory_space<hbm>>
        tpu.enqueue_indirect_dma source(%dma_start3A_93 : memref<16x128xf32, #tpu.memory_space<vmem>>) target(%dma_start3A_96 : memref<10160x128xf32, #tpu.memory_space<hbm>>) offsets(%arg13 : memref<16xi32, #tpu.memory_space<vmem>>) semaphore(%run_scoped3A : memref<!tpu.dma_semaphore, #tpu.memory_space<semaphore_mem>>)
        %dma_wait3A = arith.constant 0 : i32
        %dma_wait3A_97 = arith.constant 0 : i32
        %dma_wait3A_98 = tpu.memref_slice %arg15[%dma_wait3A, %dma_wait3A_97] : memref<80x128xf32, #tpu.memory_space<vmem>> -> memref<16x128xf32, #tpu.memory_space<vmem>>
        %dma_wait3A_99 = arith.constant 0 : i32
        %dma_wait3A_100 = arith.constant 0 : i32
        %dma_wait3A_101 = tpu.memref_slice %arg9[%dma_wait3A_99, %dma_wait3A_100] : memref<10160x128xf32, #tpu.memory_space<hbm>> -> memref<10160x128xf32, #tpu.memory_space<hbm>>
        tpu.wait_indirect_dma semaphore(%run_scoped3A : memref<!tpu.dma_semaphore, #tpu.memory_space<semaphore_mem>>) src(%dma_wait3A_98 : memref<16x128xf32, #tpu.memory_space<vmem>>) dst(%dma_wait3A_101 : memref<10160x128xf32, #tpu.memory_space<hbm>>)
        tpu.yield
      }) : () -> ()
    } else {
    }
    return
  }
}

module attributes {stable_mosaic.version = 14 : i64} {
  func.func @_emb_body(%arg0: i32, %arg1: memref<2000x1xi32, #tpu.memory_space<vmem>>, %arg2: memref<32x128xf32, #tpu.memory_space<vmem>>, %arg3: memref<2000x128xf32, #tpu.memory_space<vmem>>) attributes {dimension_semantics = [#tpu.dimension_semantics<arbitrary>], iteration_bounds = array<i64: 5>, scalar_prefetch = 0 : i64, scratch_operands = 0 : i64, tpu.core_type = #tpu.core_type<tc>, window_params = [{transform_indices = @transform_0, window_bounds = array<i64: 2000, 1>}, {pipeline_mode = #tpu.pipeline_mode<synchronous>, transform_indices = @transform_1, window_bounds = array<i64: 32, 128>}, {transform_indices = @transform_2, window_bounds = array<i64: 2000, 128>}]} {
    %get3A = arith.constant 0 : index
    %get3A_0 = arith.constant 0 : index
    %get3A_1 = vector.load %arg1[%get3A, %get3A_0] : memref<2000x1xi32, #tpu.memory_space<vmem>>, vector<2000x1xi32>
    %iota3A = tpu.iota {dimensions = array<i32: 1>} : vector<2000x32xi32>
    %eq3A = vector.broadcast %get3A_1 : vector<2000x1xi32> to vector<2000x32xi32>
    %eq3A_2 = arith.cmpi eq, %eq3A, %iota3A : vector<2000x32xi32>
    %convert_element_type3A = arith.extui %eq3A_2 : vector<2000x32xi1> to vector<2000x32xi32>
    %convert_element_type3A_3 = arith.sitofp %convert_element_type3A : vector<2000x32xi32> to vector<2000x32xf32>
    %get3A_4 = arith.constant 0 : index
    %get3A_5 = arith.constant 0 : index
    %get3A_6 = vector.load %arg2[%get3A_4, %get3A_5] : memref<32x128xf32, #tpu.memory_space<vmem>>, vector<32x128xf32>
    %dot_general3A = arith.constant dense<0.000000e+00> : vector<2000x128xf32>
    %dot_general3A_7 = tpu.matmul %convert_element_type3A_3, %get3A_6, %dot_general3A {dimension_numbers = #tpu.dot_dimension_numbers<[1], [0], [0], [1], [0, 0, 1, 1], [], []>, precision = #tpu.contract_precision<fp32>, transpose_lhs_hint = false} : vector<2000x32xf32>, vector<32x128xf32>, vector<2000x128xf32> -> vector<2000x128xf32>
    %swap3A = arith.constant 0 : index
    %swap3A_8 = arith.constant 0 : index
    %swap3A_9 = vector.load %arg3[%swap3A, %swap3A_8] : memref<2000x128xf32, #tpu.memory_space<vmem>>, vector<2000x128xf32>
    tpu.vector_store %arg3[%swap3A, %swap3A_8], %dot_general3A_7 {strides = array<i32>} : memref<2000x128xf32, #tpu.memory_space<vmem>>, vector<2000x128xf32>,
    return
  }
  func.func @transform_0(%arg0: i32) -> (i32, i32) {
    %c0_i32 = arith.constant 0 : i32
    %c0_i32_0 = arith.constant 0 : i32
    return %arg0, %c0_i32 : i32, i32
  }
  func.func @transform_1(%arg0: i32) -> (i32, i32) {
    %c0_i32 = arith.constant 0 : i32
    %c0_i32_0 = arith.constant 0 : i32
    %c0_i32_1 = arith.constant 0 : i32
    return %c0_i32, %c0_i32_0 : i32, i32
  }
  func.func @transform_2(%arg0: i32) -> (i32, i32) {
    %c0_i32 = arith.constant 0 : i32
    %c0_i32_0 = arith.constant 0 : i32
    return %arg0, %c0_i32 : i32, i32
  }
}

module attributes {stable_mosaic.version = 14 : i64} {
  func.func @_enc_body(%arg0: i32, %arg1: memref<2000x128xf32, #tpu.memory_space<vmem>>, %arg2: memref<128x128xf32, #tpu.memory_space<vmem>>, %arg3: memref<1x128xf32, #tpu.memory_space<vmem>>, %arg4: memref<2000x128xf32, #tpu.memory_space<vmem>>, %arg5: memref<2000x128xf32, #tpu.memory_space<vmem>>) attributes {dimension_semantics = [#tpu.dimension_semantics<arbitrary>], iteration_bounds = array<i64: 5>, scalar_prefetch = 0 : i64, scratch_operands = 0 : i64, tpu.core_type = #tpu.core_type<tc>, window_params = [{transform_indices = @transform_0, window_bounds = array<i64: 2000, 128>}, {pipeline_mode = #tpu.pipeline_mode<synchronous>, transform_indices = @transform_1, window_bounds = array<i64: 128, 128>}, {pipeline_mode = #tpu.pipeline_mode<synchronous>, transform_indices = @transform_2, window_bounds = array<i64: 1, 128>}, {transform_indices = @transform_3, window_bounds = array<i64: 2000, 128>}, {transform_indices = @transform_4, window_bounds = array<i64: 2000, 128>}]} {
    %get3A = arith.constant 0 : index
    %get3A_0 = arith.constant 0 : index
    %get3A_1 = vector.load %arg1[%get3A, %get3A_0] : memref<2000x128xf32, #tpu.memory_space<vmem>>, vector<2000x128xf32>
    %get3A_2 = arith.constant 0 : index
    %get3A_3 = arith.constant 0 : index
    %get3A_4 = vector.load %arg2[%get3A_2, %get3A_3] : memref<128x128xf32, #tpu.memory_space<vmem>>, vector<128x128xf32>
    %dot_general3A = arith.constant dense<0.000000e+00> : vector<2000x128xf32>
    %dot_general3A_5 = tpu.matmul %get3A_1, %get3A_4, %dot_general3A {dimension_numbers = #tpu.dot_dimension_numbers<[1], [0], [0], [1], [0, 0, 1, 1], [], []>, transpose_lhs_hint = false} : vector<2000x128xf32>, vector<128x128xf32>, vector<2000x128xf32> -> vector<2000x128xf32>
    %get3A_6 = arith.constant 0 : index
    %get3A_7 = arith.constant 0 : index
    %get3A_8 = vector.load %arg3[%get3A_6, %get3A_7] : memref<1x128xf32, #tpu.memory_space<vmem>>, vector<1x128xf32>
    %add3A = vector.broadcast %get3A_8 : vector<1x128xf32> to vector<2000x128xf32>
    %add3A_9 = arith.addf %dot_general3A_5, %add3A : vector<2000x128xf32>
    %get3A_10 = arith.constant 0 : index
    %get3A_11 = arith.constant 0 : index
    %get3A_12 = vector.load %arg4[%get3A_10, %get3A_11] : memref<2000x128xf32, #tpu.memory_space<vmem>>, vector<2000x128xf32>
    %add3A_13 = arith.addf %add3A_9, %get3A_12 : vector<2000x128xf32>
    %swap3A = arith.constant 0 : index
    %swap3A_14 = arith.constant 0 : index
    %swap3A_15 = vector.load %arg5[%swap3A, %swap3A_14] : memref<2000x128xf32, #tpu.memory_space<vmem>>, vector<2000x128xf32>
    tpu.vector_store %arg5[%swap3A, %swap3A_14], %add3A_13 {strides = array<i32>} : memref<2000x128xf32, #tpu.memory_space<vmem>>, vector<2000x128xf32>,
    return
  }
  func.func @transform_0(%arg0: i32) -> (i32, i32) {
    %c0_i32 = arith.constant 0 : i32
    %c0_i32_0 = arith.constant 0 : i32
    return %arg0, %c0_i32 : i32, i32
  }
  func.func @transform_1(%arg0: i32) -> (i32, i32) {
    %c0_i32 = arith.constant 0 : i32
    %c0_i32_0 = arith.constant 0 : i32
    %c0_i32_1 = arith.constant 0 : i32
    return %c0_i32, %c0_i32_0 : i32, i32
  }
  func.func @transform_2(%arg0: i32) -> (i32, i32) {
    %c0_i32 = arith.constant 0 : i32
    %c0_i32_0 = arith.constant 0 : i32
    %c0_i32_1 = arith.constant 0 : i32
    return %c0_i32, %c0_i32_0 : i32, i32
  }
  func.func @transform_3(%arg0: i32) -> (i32, i32) {
    %c0_i32 = arith.constant 0 : i32
    %c0_i32_0 = arith.constant 0 : i32
    return %arg0, %c0_i32 : i32, i32
  }
  func.func @transform_4(%arg0: i32) -> (i32, i32) {
    %c0_i32 = arith.constant 0 : i32
    %c0_i32_0 = arith.constant 0 : i32
    return %arg0, %c0_i32 : i32, i32
  }
}

module attributes {stable_mosaic.version = 14 : i64} {
  func.func @_mlp_body(%arg0: i32, %arg1: memref<2000x128xf32, #tpu.memory_space<vmem>>, %arg2: memref<2000x128xf32, #tpu.memory_space<vmem>>, %arg3: memref<2000x128xf32, #tpu.memory_space<vmem>>, %arg4: memref<2000x64xf32, #tpu.memory_space<vmem>>, %arg5: memref<64x128xf32, #tpu.memory_space<vmem>>, %arg6: memref<128x128xf32, #tpu.memory_space<vmem>>, %arg7: memref<1x128xf32, #tpu.memory_space<vmem>>, %arg8: memref<128x128xf32, #tpu.memory_space<vmem>>, %arg9: memref<1x128xf32, #tpu.memory_space<vmem>>, %arg10: memref<128x128xf32, #tpu.memory_space<vmem>>, %arg11: memref<1x128xf32, #tpu.memory_space<vmem>>, %arg12: memref<2000x128xf32, #tpu.memory_space<vmem>>, %arg13: memref<8x128xf32, #tpu.memory_space<vmem>>) attributes {dimension_semantics = [#tpu.dimension_semantics<arbitrary>], iteration_bounds = array<i64: 5>, scalar_prefetch = 0 : i64, scratch_operands = 0 : i64, tpu.core_type = #tpu.core_type<tc>, window_params = [{transform_indices = @transform_0, window_bounds = array<i64: 2000, 128>}, {transform_indices = @transform_1, window_bounds = array<i64: 2000, 128>}, {transform_indices = @transform_2, window_bounds = array<i64: 2000, 128>}, {transform_indices = @transform_3, window_bounds = array<i64: 2000, 64>}, {pipeline_mode = #tpu.pipeline_mode<synchronous>, transform_indices = @transform_4, window_bounds = array<i64: 64, 128>}, {pipeline_mode = #tpu.pipeline_mode<synchronous>, transform_indices = @transform_5, window_bounds = array<i64: 128, 128>}, {pipeline_mode = #tpu.pipeline_mode<synchronous>, transform_indices = @transform_6, window_bounds = array<i64: 1, 128>}, {pipeline_mode = #tpu.pipeline_mode<synchronous>, transform_indices = @transform_7, window_bounds = array<i64: 128, 128>}, {pipeline_mode = #tpu.pipeline_mode<synchronous>, transform_indices = @transform_8, window_bounds = array<i64: 1, 128>}, {pipeline_mode = #tpu.pipeline_mode<synchronous>, transform_indices = @transform_9, window_bounds = array<i64: 128, 128>}, {pipeline_mode = #tpu.pipeline_mode<synchronous>, transform_indices = @transform_10, window_bounds = array<i64: 1, 128>}, {transform_indices = @transform_11, window_bounds = array<i64: 2000, 128>}, {pipeline_mode = #tpu.pipeline_mode<synchronous>, transform_indices = @transform_12, window_bounds = array<i64: 8, 128>}]} {
    %get3A = arith.constant 0 : index
    %get3A_0 = arith.constant 0 : index
    %get3A_1 = vector.load %arg1[%get3A, %get3A_0] : memref<2000x128xf32, #tpu.memory_space<vmem>>, vector<2000x128xf32>
    %get3A_2 = arith.constant 0 : index
    %get3A_3 = arith.constant 0 : index
    %get3A_4 = vector.load %arg2[%get3A_2, %get3A_3] : memref<2000x128xf32, #tpu.memory_space<vmem>>, vector<2000x128xf32>
    %get3A_5 = arith.constant 0 : index
    %get3A_6 = arith.constant 0 : index
    %get3A_7 = vector.load %arg3[%get3A_5, %get3A_6] : memref<2000x128xf32, #tpu.memory_space<vmem>>, vector<2000x128xf32>
    %add3A = arith.addf %get3A_4, %get3A_7 : vector<2000x128xf32>
    %add3A_8 = arith.addf %get3A_1, %add3A : vector<2000x128xf32>
    %get3A_9 = arith.constant 0 : index
    %get3A_10 = arith.constant 0 : index
    %get3A_11 = vector.load %arg4[%get3A_9, %get3A_10] : memref<2000x64xf32, #tpu.memory_space<vmem>>, vector<2000x64xf32>
    %get3A_12 = arith.constant 0 : index
    %get3A_13 = arith.constant 0 : index
    %get3A_14 = vector.load %arg5[%get3A_12, %get3A_13] : memref<64x128xf32, #tpu.memory_space<vmem>>, vector<64x128xf32>
    %dot_general3A = arith.constant dense<0.000000e+00> : vector<2000x128xf32>
    %dot_general3A_15 = tpu.matmul %get3A_11, %get3A_14, %dot_general3A {dimension_numbers = #tpu.dot_dimension_numbers<[1], [0], [0], [1], [0, 0, 1, 1], [], []>, precision = #tpu.contract_precision<fp32>, transpose_lhs_hint = false} : vector<2000x64xf32>, vector<64x128xf32>, vector<2000x128xf32> -> vector<2000x128xf32>
    %add3A_16 = arith.addf %add3A_8, %dot_general3A_15 : vector<2000x128xf32>
    %get3A_17 = arith.constant 0 : index
    %get3A_18 = arith.constant 0 : index
    %get3A_19 = vector.load %arg6[%get3A_17, %get3A_18] : memref<128x128xf32, #tpu.memory_space<vmem>>, vector<128x128xf32>
    %dot_general3A_20 = arith.constant dense<0.000000e+00> : vector<2000x128xf32>
    %dot_general3A_21 = tpu.matmul %add3A_16, %get3A_19, %dot_general3A_20 {dimension_numbers = #tpu.dot_dimension_numbers<[1], [0], [0], [1], [0, 0, 1, 1], [], []>, transpose_lhs_hint = false} : vector<2000x128xf32>, vector<128x128xf32>, vector<2000x128xf32> -> vector<2000x128xf32>
    %get3A_22 = arith.constant 0 : index
    %get3A_23 = arith.constant 0 : index
    %get3A_24 = vector.load %arg7[%get3A_22, %get3A_23] : memref<1x128xf32, #tpu.memory_space<vmem>>, vector<1x128xf32>
    %add3A_25 = vector.broadcast %get3A_24 : vector<1x128xf32> to vector<2000x128xf32>
    %add3A_26 = arith.addf %dot_general3A_21, %add3A_25 : vector<2000x128xf32>
    %max3A = arith.constant 0.000000e+00 : f32
    %max3A_27 = vector.broadcast %max3A : f32 to vector<2000x128xf32>
    %max3A_28 = arith.maximumf %add3A_26, %max3A_27 : vector<2000x128xf32>
    %get3A_29 = arith.constant 0 : index
    %get3A_30 = arith.constant 0 : index
    %get3A_31 = vector.load %arg8[%get3A_29, %get3A_30] : memref<128x128xf32, #tpu.memory_space<vmem>>, vector<128x128xf32>
    %dot_general3A_32 = arith.constant dense<0.000000e+00> : vector<2000x128xf32>
    %dot_general3A_33 = tpu.matmul %max3A_28, %get3A_31, %dot_general3A_32 {dimension_numbers = #tpu.dot_dimension_numbers<[1], [0], [0], [1], [0, 0, 1, 1], [], []>, transpose_lhs_hint = false} : vector<2000x128xf32>, vector<128x128xf32>, vector<2000x128xf32> -> vector<2000x128xf32>
    %get3A_34 = arith.constant 0 : index
    %get3A_35 = arith.constant 0 : index
    %get3A_36 = vector.load %arg9[%get3A_34, %get3A_35] : memref<1x128xf32, #tpu.memory_space<vmem>>, vector<1x128xf32>
    %add3A_37 = vector.broadcast %get3A_36 : vector<1x128xf32> to vector<2000x128xf32>
    %add3A_38 = arith.addf %dot_general3A_33, %add3A_37 : vector<2000x128xf32>
    %max3A_39 = arith.constant 0.000000e+00 : f32
    %max3A_40 = vector.broadcast %max3A_39 : f32 to vector<2000x128xf32>
    %max3A_41 = arith.maximumf %add3A_38, %max3A_40 : vector<2000x128xf32>
    %get3A_42 = arith.constant 0 : index
    %get3A_43 = arith.constant 0 : index
    %get3A_44 = vector.load %arg10[%get3A_42, %get3A_43] : memref<128x128xf32, #tpu.memory_space<vmem>>, vector<128x128xf32>
    %dot_general3A_45 = arith.constant dense<0.000000e+00> : vector<2000x128xf32>
    %dot_general3A_46 = tpu.matmul %max3A_41, %get3A_44, %dot_general3A_45 {dimension_numbers = #tpu.dot_dimension_numbers<[1], [0], [0], [1], [0, 0, 1, 1], [], []>, transpose_lhs_hint = false} : vector<2000x128xf32>, vector<128x128xf32>, vector<2000x128xf32> -> vector<2000x128xf32>
    %get3A_47 = arith.constant 0 : index
    %get3A_48 = arith.constant 0 : index
    %get3A_49 = vector.load %arg11[%get3A_47, %get3A_48] : memref<1x128xf32, #tpu.memory_space<vmem>>, vector<1x128xf32>
    %add3A_50 = vector.broadcast %get3A_49 : vector<1x128xf32> to vector<2000x128xf32>
    %add3A_51 = arith.addf %dot_general3A_46, %add3A_50 : vector<2000x128xf32>
    %max3A_52 = arith.constant 0.000000e+00 : f32
    %max3A_53 = vector.broadcast %max3A_52 : f32 to vector<2000x128xf32>
    %max3A_54 = arith.maximumf %add3A_51, %max3A_53 : vector<2000x128xf32>
    %swap3A = arith.constant 0 : index
    %swap3A_55 = arith.constant 0 : index
    %swap3A_56 = vector.load %arg12[%swap3A, %swap3A_55] : memref<2000x128xf32, #tpu.memory_space<vmem>>, vector<2000x128xf32>
    tpu.vector_store %arg12[%swap3A, %swap3A_55], %max3A_54 {strides = array<i32>} : memref<2000x128xf32, #tpu.memory_space<vmem>>, vector<2000x128xf32>,
    %broadcast_in_dim3A = arith.constant 0.000000e+00 : f32
    %broadcast_in_dim3A_57 = vector.broadcast %broadcast_in_dim3A : f32 to vector<8x128xf32>
    %scan3A = arith.constant 0 : i32
    %scan3A_58 = arith.constant 250 : i32
    %scan3A_59 = arith.addi %scan3A, %scan3A_58 : i32
    %scan3A_60 = arith.constant 1 : i32
    %scan3A_61 = scf.for %scan3A_69 = %scan3A to %scan3A_59 step %scan3A_60 iter_args(%scan3A_70 = %broadcast_in_dim3A_57) -> (vector<8x128xf32>)  : i32 {
      %mul3A = arith.constant 8 : i32
      %mul3A_71 = arith.muli %scan3A_69, %mul3A : i32
      %get3A_72 = arith.index_cast %mul3A_71 : i32 to index
      %get3A_73 = arith.constant 0 : index
      %get3A_74 = vector.load %arg12[%get3A_72, %get3A_73] : memref<2000x128xf32, #tpu.memory_space<vmem>>, vector<8x128xf32>
      %add3A_75 = arith.addf %scan3A_70, %get3A_74 : vector<8x128xf32>
      scf.yield %add3A_75 : vector<8x128xf32>
    }
    %scan3A_62 = arith.constant 250 : i32
    %eq3A = arith.constant 0 : i32
    %eq3A_63 = arith.cmpi eq, %arg0, %eq3A : i32
    %convert_element_type3A = arith.extui %eq3A_63 : i1 to i32
    %cond3A = arith.constant 0 : i32
    %cond3A_64 = arith.cmpi ne, %convert_element_type3A, %cond3A : i32
    scf.if %cond3A_64 {
      %swap3A_69 = arith.constant 0 : index
      %swap3A_70 = arith.constant 0 : index
      %swap3A_71 = vector.load %arg13[%swap3A_69, %swap3A_70] : memref<8x128xf32, #tpu.memory_space<vmem>>, vector<8x128xf32>
      tpu.vector_store %arg13[%swap3A_69, %swap3A_70], %scan3A_61 {strides = array<i32>} : memref<8x128xf32, #tpu.memory_space<vmem>>, vector<8x128xf32>,
    } else {
    }
    %ne3A = arith.constant 0 : i32
    %ne3A_65 = arith.cmpi ne, %arg0, %ne3A : i32
    %convert_element_type3A_66 = arith.extui %ne3A_65 : i1 to i32
    %cond3A_67 = arith.constant 0 : i32
    %cond3A_68 = arith.cmpi ne, %convert_element_type3A_66, %cond3A_67 : i32
    scf.if %cond3A_68 {
      %get3A_69 = arith.constant 0 : index
      %get3A_70 = arith.constant 0 : index
      %get3A_71 = vector.load %arg13[%get3A_69, %get3A_70] : memref<8x128xf32, #tpu.memory_space<vmem>>, vector<8x128xf32>
      %add3A_72 = arith.addf %get3A_71, %scan3A_61 : vector<8x128xf32>
      %swap3A_73 = arith.constant 0 : index
      %swap3A_74 = arith.constant 0 : index
      %swap3A_75 = vector.load %arg13[%swap3A_73, %swap3A_74] : memref<8x128xf32, #tpu.memory_space<vmem>>, vector<8x128xf32>
      tpu.vector_store %arg13[%swap3A_73, %swap3A_74], %add3A_72 {strides = array<i32>} : memref<8x128xf32, #tpu.memory_space<vmem>>, vector<8x128xf32>,
    } else {
    }
    return
  }
  func.func @transform_0(%arg0: i32) -> (i32, i32) {
    %c0_i32 = arith.constant 0 : i32
    %c0_i32_0 = arith.constant 0 : i32
    return %arg0, %c0_i32 : i32, i32
  }
  func.func @transform_1(%arg0: i32) -> (i32, i32) {
    %c0_i32 = arith.constant 0 : i32
    %c0_i32_0 = arith.constant 0 : i32
    return %arg0, %c0_i32 : i32, i32
  }
  func.func @transform_2(%arg0: i32) -> (i32, i32) {
    %c0_i32 = arith.constant 0 : i32
    %c0_i32_0 = arith.constant 0 : i32
    return %arg0, %c0_i32 : i32, i32
  }
  func.func @transform_3(%arg0: i32) -> (i32, i32) {
    %c0_i32 = arith.constant 0 : i32
    %c0_i32_0 = arith.constant 0 : i32
    return %arg0, %c0_i32 : i32, i32
  }
  func.func @transform_4(%arg0: i32) -> (i32, i32) {
    %c0_i32 = arith.constant 0 : i32
    %c0_i32_0 = arith.constant 0 : i32
    %c0_i32_1 = arith.constant 0 : i32
    return %c0_i32, %c0_i32_0 : i32, i32
  }
  func.func @transform_5(%arg0: i32) -> (i32, i32) {
    %c0_i32 = arith.constant 0 : i32
    %c0_i32_0 = arith.constant 0 : i32
    %c0_i32_1 = arith.constant 0 : i32
    return %c0_i32, %c0_i32_0 : i32, i32
  }
  func.func @transform_6(%arg0: i32) -> (i32, i32) {
    %c0_i32 = arith.constant 0 : i32
    %c0_i32_0 = arith.constant 0 : i32
    %c0_i32_1 = arith.constant 0 : i32
    return %c0_i32, %c0_i32_0 : i32, i32
  }
  func.func @transform_7(%arg0: i32) -> (i32, i32) {
    %c0_i32 = arith.constant 0 : i32
    %c0_i32_0 = arith.constant 0 : i32
    %c0_i32_1 = arith.constant 0 : i32
    return %c0_i32, %c0_i32_0 : i32, i32
  }
  func.func @transform_8(%arg0: i32) -> (i32, i32) {
    %c0_i32 = arith.constant 0 : i32
    %c0_i32_0 = arith.constant 0 : i32
    %c0_i32_1 = arith.constant 0 : i32
    return %c0_i32, %c0_i32_0 : i32, i32
  }
  func.func @transform_9(%arg0: i32) -> (i32, i32) {
    %c0_i32 = arith.constant 0 : i32
    %c0_i32_0 = arith.constant 0 : i32
    %c0_i32_1 = arith.constant 0 : i32
    return %c0_i32, %c0_i32_0 : i32, i32
  }
  func.func @transform_10(%arg0: i32) -> (i32, i32) {
    %c0_i32 = arith.constant 0 : i32
    %c0_i32_0 = arith.constant 0 : i32
    %c0_i32_1 = arith.constant 0 : i32
    return %c0_i32, %c0_i32_0 : i32, i32
  }
  func.func @transform_11(%arg0: i32) -> (i32, i32) {
    %c0_i32 = arith.constant 0 : i32
    %c0_i32_0 = arith.constant 0 : i32
    return %arg0, %c0_i32 : i32, i32
  }
  func.func @transform_12(%arg0: i32) -> (i32, i32) {
    %c0_i32 = arith.constant 0 : i32
    %c0_i32_0 = arith.constant 0 : i32
    %c0_i32_1 = arith.constant 0 : i32
    return %c0_i32, %c0_i32_0 : i32, i32
  }
}

module attributes {stable_mosaic.version = 14 : i64} {
  func.func @_var_body(%arg0: i32, %arg1: memref<2000x128xf32, #tpu.memory_space<vmem>>, %arg2: memref<8x128xf32, #tpu.memory_space<vmem>>, %arg3: memref<8x128xf32, #tpu.memory_space<vmem>>) attributes {dimension_semantics = [#tpu.dimension_semantics<arbitrary>], iteration_bounds = array<i64: 5>, scalar_prefetch = 0 : i64, scratch_operands = 0 : i64, tpu.core_type = #tpu.core_type<tc>, window_params = [{transform_indices = @transform_0, window_bounds = array<i64: 2000, 128>}, {pipeline_mode = #tpu.pipeline_mode<synchronous>, transform_indices = @transform_1, window_bounds = array<i64: 8, 128>}, {pipeline_mode = #tpu.pipeline_mode<synchronous>, transform_indices = @transform_2, window_bounds = array<i64: 8, 128>}]} {
    %get3A = arith.constant 0 : index
    %get3A_0 = arith.constant 0 : index
    %get3A_1 = vector.load %arg2[%get3A, %get3A_0] : memref<8x128xf32, #tpu.memory_space<vmem>>, vector<8x128xf32>
    %slice3A = vector.extract_strided_slice %get3A_1 {offsets = [0, 0], sizes = [4, 128], strides = [1, 1]} : vector<8x128xf32> to vector<4x128xf32>
    %slice3A_2 = vector.extract_strided_slice %get3A_1 {offsets = [4, 0], sizes = [4, 128], strides = [1, 1]} : vector<8x128xf32> to vector<4x128xf32>
    %add3A = arith.addf %slice3A, %slice3A_2 : vector<4x128xf32>
    %slice3A_3 = vector.extract_strided_slice %add3A {offsets = [0, 0], sizes = [2, 128], strides = [1, 1]} : vector<4x128xf32> to vector<2x128xf32>
    %slice3A_4 = vector.extract_strided_slice %add3A {offsets = [2, 0], sizes = [2, 128], strides = [1, 1]} : vector<4x128xf32> to vector<2x128xf32>
    %add3A_5 = arith.addf %slice3A_3, %slice3A_4 : vector<2x128xf32>
    %slice3A_6 = vector.extract_strided_slice %add3A_5 {offsets = [0, 0], sizes = [1, 128], strides = [1, 1]} : vector<2x128xf32> to vector<1x128xf32>
    %slice3A_7 = vector.extract_strided_slice %add3A_5 {offsets = [1, 0], sizes = [1, 128], strides = [1, 1]} : vector<2x128xf32> to vector<1x128xf32>
    %add3A_8 = arith.addf %slice3A_6, %slice3A_7 : vector<1x128xf32>
    %div3A = arith.constant 1.000000e+04 : f32
    %div3A_9 = vector.broadcast %div3A : f32 to vector<1x128xf32>
    %div3A_10 = arith.divf %add3A_8, %div3A_9 : vector<1x128xf32>
    %broadcast_in_dim3A = arith.constant 0.000000e+00 : f32
    %broadcast_in_dim3A_11 = vector.broadcast %broadcast_in_dim3A : f32 to vector<8x128xf32>
    %scan3A = arith.constant 0 : i32
    %scan3A_12 = arith.constant 250 : i32
    %scan3A_13 = arith.addi %scan3A, %scan3A_12 : i32
    %scan3A_14 = arith.constant 1 : i32
    %scan3A_15 = scf.for %scan3A_23 = %scan3A to %scan3A_13 step %scan3A_14 iter_args(%scan3A_24 = %broadcast_in_dim3A_11) -> (vector<8x128xf32>)  : i32 {
      %mul3A = arith.constant 8 : i32
      %mul3A_25 = arith.muli %scan3A_23, %mul3A : i32
      %get3A_26 = arith.index_cast %mul3A_25 : i32 to index
      %get3A_27 = arith.constant 0 : index
      %get3A_28 = vector.load %arg1[%get3A_26, %get3A_27] : memref<2000x128xf32, #tpu.memory_space<vmem>>, vector<8x128xf32>
      %sub3A = vector.broadcast %div3A_10 : vector<1x128xf32> to vector<8x128xf32>
      %sub3A_29 = arith.subf %get3A_28, %sub3A : vector<8x128xf32>
      %mul3A_30 = arith.mulf %sub3A_29, %sub3A_29 : vector<8x128xf32>
      %add3A_31 = arith.addf %scan3A_24, %mul3A_30 : vector<8x128xf32>
      scf.yield %add3A_31 : vector<8x128xf32>
    }
    %scan3A_16 = arith.constant 250 : i32
    %eq3A = arith.constant 0 : i32
    %eq3A_17 = arith.cmpi eq, %arg0, %eq3A : i32
    %convert_element_type3A = arith.extui %eq3A_17 : i1 to i32
    %cond3A = arith.constant 0 : i32
    %cond3A_18 = arith.cmpi ne, %convert_element_type3A, %cond3A : i32
    scf.if %cond3A_18 {
      %swap3A = arith.constant 0 : index
      %swap3A_23 = arith.constant 0 : index
      %swap3A_24 = vector.load %arg3[%swap3A, %swap3A_23] : memref<8x128xf32, #tpu.memory_space<vmem>>, vector<8x128xf32>
      tpu.vector_store %arg3[%swap3A, %swap3A_23], %scan3A_15 {strides = array<i32>} : memref<8x128xf32, #tpu.memory_space<vmem>>, vector<8x128xf32>,
    } else {
    }
    %ne3A = arith.constant 0 : i32
    %ne3A_19 = arith.cmpi ne, %arg0, %ne3A : i32
    %convert_element_type3A_20 = arith.extui %ne3A_19 : i1 to i32
    %cond3A_21 = arith.constant 0 : i32
    %cond3A_22 = arith.cmpi ne, %convert_element_type3A_20, %cond3A_21 : i32
    scf.if %cond3A_22 {
      %get3A_23 = arith.constant 0 : index
      %get3A_24 = arith.constant 0 : index
      %get3A_25 = vector.load %arg3[%get3A_23, %get3A_24] : memref<8x128xf32, #tpu.memory_space<vmem>>, vector<8x128xf32>
      %add3A_26 = arith.addf %get3A_25, %scan3A_15 : vector<8x128xf32>
      %swap3A = arith.constant 0 : index
      %swap3A_27 = arith.constant 0 : index
      %swap3A_28 = vector.load %arg3[%swap3A, %swap3A_27] : memref<8x128xf32, #tpu.memory_space<vmem>>, vector<8x128xf32>
      tpu.vector_store %arg3[%swap3A, %swap3A_27], %add3A_26 {strides = array<i32>} : memref<8x128xf32, #tpu.memory_space<vmem>>, vector<8x128xf32>,
    } else {
    }
    return
  }
  func.func @transform_0(%arg0: i32) -> (i32, i32) {
    %c0_i32 = arith.constant 0 : i32
    %c0_i32_0 = arith.constant 0 : i32
    return %arg0, %c0_i32 : i32, i32
  }
  func.func @transform_1(%arg0: i32) -> (i32, i32) {
    %c0_i32 = arith.constant 0 : i32
    %c0_i32_0 = arith.constant 0 : i32
    %c0_i32_1 = arith.constant 0 : i32
    return %c0_i32, %c0_i32_0 : i32, i32
  }
  func.func @transform_2(%arg0: i32) -> (i32, i32) {
    %c0_i32 = arith.constant 0 : i32
    %c0_i32_0 = arith.constant 0 : i32
    %c0_i32_1 = arith.constant 0 : i32
    return %c0_i32, %c0_i32_0 : i32, i32
  }
}

module attributes {stable_mosaic.version = 14 : i64} {
  func.func @_bn_body(%arg0: i32, %arg1: memref<2000x128xf32, #tpu.memory_space<vmem>>, %arg2: memref<8x128xf32, #tpu.memory_space<vmem>>, %arg3: memref<8x128xf32, #tpu.memory_space<vmem>>, %arg4: memref<1x128xf32, #tpu.memory_space<vmem>>, %arg5: memref<1x128xf32, #tpu.memory_space<vmem>>, %arg6: memref<2000x128xf32, #tpu.memory_space<vmem>>) attributes {dimension_semantics = [#tpu.dimension_semantics<arbitrary>], iteration_bounds = array<i64: 5>, scalar_prefetch = 0 : i64, scratch_operands = 0 : i64, tpu.core_type = #tpu.core_type<tc>, window_params = [{transform_indices = @transform_0, window_bounds = array<i64: 2000, 128>}, {pipeline_mode = #tpu.pipeline_mode<synchronous>, transform_indices = @transform_1, window_bounds = array<i64: 8, 128>}, {pipeline_mode = #tpu.pipeline_mode<synchronous>, transform_indices = @transform_2, window_bounds = array<i64: 8, 128>}, {pipeline_mode = #tpu.pipeline_mode<synchronous>, transform_indices = @transform_3, window_bounds = array<i64: 1, 128>}, {pipeline_mode = #tpu.pipeline_mode<synchronous>, transform_indices = @transform_4, window_bounds = array<i64: 1, 128>}, {transform_indices = @transform_5, window_bounds = array<i64: 2000, 128>}]} {
    %get3A = arith.constant 0 : index
    %get3A_0 = arith.constant 0 : index
    %get3A_1 = vector.load %arg2[%get3A, %get3A_0] : memref<8x128xf32, #tpu.memory_space<vmem>>, vector<8x128xf32>
    %slice3A = vector.extract_strided_slice %get3A_1 {offsets = [0, 0], sizes = [4, 128], strides = [1, 1]} : vector<8x128xf32> to vector<4x128xf32>
    %slice3A_2 = vector.extract_strided_slice %get3A_1 {offsets = [4, 0], sizes = [4, 128], strides = [1, 1]} : vector<8x128xf32> to vector<4x128xf32>
    %add3A = arith.addf %slice3A, %slice3A_2 : vector<4x128xf32>
    %slice3A_3 = vector.extract_strided_slice %add3A {offsets = [0, 0], sizes = [2, 128], strides = [1, 1]} : vector<4x128xf32> to vector<2x128xf32>
    %slice3A_4 = vector.extract_strided_slice %add3A {offsets = [2, 0], sizes = [2, 128], strides = [1, 1]} : vector<4x128xf32> to vector<2x128xf32>
    %add3A_5 = arith.addf %slice3A_3, %slice3A_4 : vector<2x128xf32>
    %slice3A_6 = vector.extract_strided_slice %add3A_5 {offsets = [0, 0], sizes = [1, 128], strides = [1, 1]} : vector<2x128xf32> to vector<1x128xf32>
    %slice3A_7 = vector.extract_strided_slice %add3A_5 {offsets = [1, 0], sizes = [1, 128], strides = [1, 1]} : vector<2x128xf32> to vector<1x128xf32>
    %add3A_8 = arith.addf %slice3A_6, %slice3A_7 : vector<1x128xf32>
    %div3A = arith.constant 1.000000e+04 : f32
    %div3A_9 = vector.broadcast %div3A : f32 to vector<1x128xf32>
    %div3A_10 = arith.divf %add3A_8, %div3A_9 : vector<1x128xf32>
    %get3A_11 = arith.constant 0 : index
    %get3A_12 = arith.constant 0 : index
    %get3A_13 = vector.load %arg3[%get3A_11, %get3A_12] : memref<8x128xf32, #tpu.memory_space<vmem>>, vector<8x128xf32>
    %slice3A_14 = vector.extract_strided_slice %get3A_13 {offsets = [0, 0], sizes = [4, 128], strides = [1, 1]} : vector<8x128xf32> to vector<4x128xf32>
    %slice3A_15 = vector.extract_strided_slice %get3A_13 {offsets = [4, 0], sizes = [4, 128], strides = [1, 1]} : vector<8x128xf32> to vector<4x128xf32>
    %add3A_16 = arith.addf %slice3A_14, %slice3A_15 : vector<4x128xf32>
    %slice3A_17 = vector.extract_strided_slice %add3A_16 {offsets = [0, 0], sizes = [2, 128], strides = [1, 1]} : vector<4x128xf32> to vector<2x128xf32>
    %slice3A_18 = vector.extract_strided_slice %add3A_16 {offsets = [2, 0], sizes = [2, 128], strides = [1, 1]} : vector<4x128xf32> to vector<2x128xf32>
    %add3A_19 = arith.addf %slice3A_17, %slice3A_18 : vector<2x128xf32>
    %slice3A_20 = vector.extract_strided_slice %add3A_19 {offsets = [0, 0], sizes = [1, 128], strides = [1, 1]} : vector<2x128xf32> to vector<1x128xf32>
    %slice3A_21 = vector.extract_strided_slice %add3A_19 {offsets = [1, 0], sizes = [1, 128], strides = [1, 1]} : vector<2x128xf32> to vector<1x128xf32>
    %add3A_22 = arith.addf %slice3A_20, %slice3A_21 : vector<1x128xf32>
    %div3A_23 = arith.constant 1.000000e+04 : f32
    %div3A_24 = vector.broadcast %div3A_23 : f32 to vector<1x128xf32>
    %div3A_25 = arith.divf %add3A_22, %div3A_24 : vector<1x128xf32>
    %get3A_26 = arith.constant 0 : index
    %get3A_27 = arith.constant 0 : index
    %get3A_28 = vector.load %arg4[%get3A_26, %get3A_27] : memref<1x128xf32, #tpu.memory_space<vmem>>, vector<1x128xf32>
    %add3A_29 = arith.constant 9.99999974E-6 : f32
    %add3A_30 = vector.broadcast %add3A_29 : f32 to vector<1x128xf32>
    %add3A_31 = arith.addf %div3A_25, %add3A_30 : vector<1x128xf32>
    %rsqrt3A = math.rsqrt %add3A_31 : vector<1x128xf32>
    %mul3A = arith.mulf %get3A_28, %rsqrt3A : vector<1x128xf32>
    %get3A_32 = arith.constant 0 : index
    %get3A_33 = arith.constant 0 : index
    %get3A_34 = vector.load %arg1[%get3A_32, %get3A_33] : memref<2000x128xf32, #tpu.memory_space<vmem>>, vector<2000x128xf32>
    %sub3A = vector.broadcast %div3A_10 : vector<1x128xf32> to vector<2000x128xf32>
    %sub3A_35 = arith.subf %get3A_34, %sub3A : vector<2000x128xf32>
    %mul3A_36 = vector.broadcast %mul3A : vector<1x128xf32> to vector<2000x128xf32>
    %mul3A_37 = arith.mulf %sub3A_35, %mul3A_36 : vector<2000x128xf32>
    %get3A_38 = arith.constant 0 : index
    %get3A_39 = arith.constant 0 : index
    %get3A_40 = vector.load %arg5[%get3A_38, %get3A_39] : memref<1x128xf32, #tpu.memory_space<vmem>>, vector<1x128xf32>
    %add3A_41 = vector.broadcast %get3A_40 : vector<1x128xf32> to vector<2000x128xf32>
    %add3A_42 = arith.addf %mul3A_37, %add3A_41 : vector<2000x128xf32>
    %max3A = arith.constant 0.000000e+00 : f32
    %max3A_43 = vector.broadcast %max3A : f32 to vector<2000x128xf32>
    %max3A_44 = arith.maximumf %add3A_42, %max3A_43 : vector<2000x128xf32>
    %swap3A = arith.constant 0 : index
    %swap3A_45 = arith.constant 0 : index
    %swap3A_46 = vector.load %arg6[%swap3A, %swap3A_45] : memref<2000x128xf32, #tpu.memory_space<vmem>>, vector<2000x128xf32>
    tpu.vector_store %arg6[%swap3A, %swap3A_45], %max3A_44 {strides = array<i32>} : memref<2000x128xf32, #tpu.memory_space<vmem>>, vector<2000x128xf32>,
    return
  }
  func.func @transform_0(%arg0: i32) -> (i32, i32) {
    %c0_i32 = arith.constant 0 : i32
    %c0_i32_0 = arith.constant 0 : i32
    return %arg0, %c0_i32 : i32, i32
  }
  func.func @transform_1(%arg0: i32) -> (i32, i32) {
    %c0_i32 = arith.constant 0 : i32
    %c0_i32_0 = arith.constant 0 : i32
    %c0_i32_1 = arith.constant 0 : i32
    return %c0_i32, %c0_i32_0 : i32, i32
  }
  func.func @transform_2(%arg0: i32) -> (i32, i32) {
    %c0_i32 = arith.constant 0 : i32
    %c0_i32_0 = arith.constant 0 : i32
    %c0_i32_1 = arith.constant 0 : i32
    return %c0_i32, %c0_i32_0 : i32, i32
  }
  func.func @transform_3(%arg0: i32) -> (i32, i32) {
    %c0_i32 = arith.constant 0 : i32
    %c0_i32_0 = arith.constant 0 : i32
    %c0_i32_1 = arith.constant 0 : i32
    return %c0_i32, %c0_i32_0 : i32, i32
  }
  func.func @transform_4(%arg0: i32) -> (i32, i32) {
    %c0_i32 = arith.constant 0 : i32
    %c0_i32_0 = arith.constant 0 : i32
    %c0_i32_1 = arith.constant 0 : i32
    return %c0_i32, %c0_i32_0 : i32, i32
  }
  func.func @transform_5(%arg0: i32) -> (i32, i32) {
    %c0_i32 = arith.constant 0 : i32
    %c0_i32_0 = arith.constant 0 : i32
    return %arg0, %c0_i32 : i32, i32
  }
}

module attributes {stable_mosaic.version = 14 : i64} {
  func.func @_bn_body(%arg0: i32, %arg1: memref<2000x128xf32, #tpu.memory_space<vmem>>, %arg2: memref<8x128xf32, #tpu.memory_space<vmem>>, %arg3: memref<8x128xf32, #tpu.memory_space<vmem>>, %arg4: memref<1x128xf32, #tpu.memory_space<vmem>>, %arg5: memref<1x128xf32, #tpu.memory_space<vmem>>, %arg6: memref<2000x128xf32, #tpu.memory_space<vmem>>) attributes {dimension_semantics = [#tpu.dimension_semantics<arbitrary>], iteration_bounds = array<i64: 5>, scalar_prefetch = 0 : i64, scratch_operands = 0 : i64, tpu.core_type = #tpu.core_type<tc>, window_params = [{transform_indices = @transform_0, window_bounds = array<i64: 2000, 128>}, {pipeline_mode = #tpu.pipeline_mode<synchronous>, transform_indices = @transform_1, window_bounds = array<i64: 8, 128>}, {pipeline_mode = #tpu.pipeline_mode<synchronous>, transform_indices = @transform_2, window_bounds = array<i64: 8, 128>}, {pipeline_mode = #tpu.pipeline_mode<synchronous>, transform_indices = @transform_3, window_bounds = array<i64: 1, 128>}, {pipeline_mode = #tpu.pipeline_mode<synchronous>, transform_indices = @transform_4, window_bounds = array<i64: 1, 128>}, {transform_indices = @transform_5, window_bounds = array<i64: 2000, 128>}]} {
    %get3A = arith.constant 0 : index
    %get3A_0 = arith.constant 0 : index
    %get3A_1 = vector.load %arg2[%get3A, %get3A_0] : memref<8x128xf32, #tpu.memory_space<vmem>>, vector<8x128xf32>
    %slice3A = vector.extract_strided_slice %get3A_1 {offsets = [0, 0], sizes = [4, 128], strides = [1, 1]} : vector<8x128xf32> to vector<4x128xf32>
    %slice3A_2 = vector.extract_strided_slice %get3A_1 {offsets = [4, 0], sizes = [4, 128], strides = [1, 1]} : vector<8x128xf32> to vector<4x128xf32>
    %add3A = arith.addf %slice3A, %slice3A_2 : vector<4x128xf32>
    %slice3A_3 = vector.extract_strided_slice %add3A {offsets = [0, 0], sizes = [2, 128], strides = [1, 1]} : vector<4x128xf32> to vector<2x128xf32>
    %slice3A_4 = vector.extract_strided_slice %add3A {offsets = [2, 0], sizes = [2, 128], strides = [1, 1]} : vector<4x128xf32> to vector<2x128xf32>
    %add3A_5 = arith.addf %slice3A_3, %slice3A_4 : vector<2x128xf32>
    %slice3A_6 = vector.extract_strided_slice %add3A_5 {offsets = [0, 0], sizes = [1, 128], strides = [1, 1]} : vector<2x128xf32> to vector<1x128xf32>
    %slice3A_7 = vector.extract_strided_slice %add3A_5 {offsets = [1, 0], sizes = [1, 128], strides = [1, 1]} : vector<2x128xf32> to vector<1x128xf32>
    %add3A_8 = arith.addf %slice3A_6, %slice3A_7 : vector<1x128xf32>
    %div3A = arith.constant 1.000000e+04 : f32
    %div3A_9 = vector.broadcast %div3A : f32 to vector<1x128xf32>
    %div3A_10 = arith.divf %add3A_8, %div3A_9 : vector<1x128xf32>
    %get3A_11 = arith.constant 0 : index
    %get3A_12 = arith.constant 0 : index
    %get3A_13 = vector.load %arg3[%get3A_11, %get3A_12] : memref<8x128xf32, #tpu.memory_space<vmem>>, vector<8x128xf32>
    %slice3A_14 = vector.extract_strided_slice %get3A_13 {offsets = [0, 0], sizes = [4, 128], strides = [1, 1]} : vector<8x128xf32> to vector<4x128xf32>
    %slice3A_15 = vector.extract_strided_slice %get3A_13 {offsets = [4, 0], sizes = [4, 128], strides = [1, 1]} : vector<8x128xf32> to vector<4x128xf32>
    %add3A_16 = arith.addf %slice3A_14, %slice3A_15 : vector<4x128xf32>
    %slice3A_17 = vector.extract_strided_slice %add3A_16 {offsets = [0, 0], sizes = [2, 128], strides = [1, 1]} : vector<4x128xf32> to vector<2x128xf32>
    %slice3A_18 = vector.extract_strided_slice %add3A_16 {offsets = [2, 0], sizes = [2, 128], strides = [1, 1]} : vector<4x128xf32> to vector<2x128xf32>
    %add3A_19 = arith.addf %slice3A_17, %slice3A_18 : vector<2x128xf32>
    %slice3A_20 = vector.extract_strided_slice %add3A_19 {offsets = [0, 0], sizes = [1, 128], strides = [1, 1]} : vector<2x128xf32> to vector<1x128xf32>
    %slice3A_21 = vector.extract_strided_slice %add3A_19 {offsets = [1, 0], sizes = [1, 128], strides = [1, 1]} : vector<2x128xf32> to vector<1x128xf32>
    %add3A_22 = arith.addf %slice3A_20, %slice3A_21 : vector<1x128xf32>
    %div3A_23 = arith.constant 1.000000e+04 : f32
    %div3A_24 = vector.broadcast %div3A_23 : f32 to vector<1x128xf32>
    %div3A_25 = arith.divf %add3A_22, %div3A_24 : vector<1x128xf32>
    %get3A_26 = arith.constant 0 : index
    %get3A_27 = arith.constant 0 : index
    %get3A_28 = vector.load %arg4[%get3A_26, %get3A_27] : memref<1x128xf32, #tpu.memory_space<vmem>>, vector<1x128xf32>
    %add3A_29 = arith.constant 9.99999974E-6 : f32
    %add3A_30 = vector.broadcast %add3A_29 : f32 to vector<1x128xf32>
    %add3A_31 = arith.addf %div3A_25, %add3A_30 : vector<1x128xf32>
    %rsqrt3A = math.rsqrt %add3A_31 : vector<1x128xf32>
    %mul3A = arith.mulf %get3A_28, %rsqrt3A : vector<1x128xf32>
    %get3A_32 = arith.constant 0 : index
    %get3A_33 = arith.constant 0 : index
    %get3A_34 = vector.load %arg1[%get3A_32, %get3A_33] : memref<2000x128xf32, #tpu.memory_space<vmem>>, vector<2000x128xf32>
    %sub3A = vector.broadcast %div3A_10 : vector<1x128xf32> to vector<2000x128xf32>
    %sub3A_35 = arith.subf %get3A_34, %sub3A : vector<2000x128xf32>
    %mul3A_36 = vector.broadcast %mul3A : vector<1x128xf32> to vector<2000x128xf32>
    %mul3A_37 = arith.mulf %sub3A_35, %mul3A_36 : vector<2000x128xf32>
    %get3A_38 = arith.constant 0 : index
    %get3A_39 = arith.constant 0 : index
    %get3A_40 = vector.load %arg5[%get3A_38, %get3A_39] : memref<1x128xf32, #tpu.memory_space<vmem>>, vector<1x128xf32>
    %add3A_41 = vector.broadcast %get3A_40 : vector<1x128xf32> to vector<2000x128xf32>
    %add3A_42 = arith.addf %mul3A_37, %add3A_41 : vector<2000x128xf32>
    %swap3A = arith.constant 0 : index
    %swap3A_43 = arith.constant 0 : index
    %swap3A_44 = vector.load %arg6[%swap3A, %swap3A_43] : memref<2000x128xf32, #tpu.memory_space<vmem>>, vector<2000x128xf32>
    tpu.vector_store %arg6[%swap3A, %swap3A_43], %add3A_42 {strides = array<i32>} : memref<2000x128xf32, #tpu.memory_space<vmem>>, vector<2000x128xf32>,
    return
  }
  func.func @transform_0(%arg0: i32) -> (i32, i32) {
    %c0_i32 = arith.constant 0 : i32
    %c0_i32_0 = arith.constant 0 : i32
    return %arg0, %c0_i32 : i32, i32
  }
  func.func @transform_1(%arg0: i32) -> (i32, i32) {
    %c0_i32 = arith.constant 0 : i32
    %c0_i32_0 = arith.constant 0 : i32
    %c0_i32_1 = arith.constant 0 : i32
    return %c0_i32, %c0_i32_0 : i32, i32
  }
  func.func @transform_2(%arg0: i32) -> (i32, i32) {
    %c0_i32 = arith.constant 0 : i32
    %c0_i32_0 = arith.constant 0 : i32
    %c0_i32_1 = arith.constant 0 : i32
    return %c0_i32, %c0_i32_0 : i32, i32
  }
  func.func @transform_3(%arg0: i32) -> (i32, i32) {
    %c0_i32 = arith.constant 0 : i32
    %c0_i32_0 = arith.constant 0 : i32
    %c0_i32_1 = arith.constant 0 : i32
    return %c0_i32, %c0_i32_0 : i32, i32
  }
  func.func @transform_4(%arg0: i32) -> (i32, i32) {
    %c0_i32 = arith.constant 0 : i32
    %c0_i32_0 = arith.constant 0 : i32
    %c0_i32_1 = arith.constant 0 : i32
    return %c0_i32, %c0_i32_0 : i32, i32
  }
  func.func @transform_5(%arg0: i32) -> (i32, i32) {
    %c0_i32 = arith.constant 0 : i32
    %c0_i32_0 = arith.constant 0 : i32
    return %arg0, %c0_i32 : i32, i32
  }
}

</mosaic_0001>

<sc_bundles>
// kernel: gather_offload_async_start.1
scs
__scs_entry_jumppad:
0x0: {  	(pc) =	sbr.rel $0x88, $3  }
0x1: {  	(tag) =	ssettag $0x0;
	lr =	simm.s32 $0x1  }
0x2: {  	[smem:$0x3F93] =	sst lr;
	_ =	strace $0xD0000000  }
0x3: {  	_ = 	snop  }
0x4: {  	_ = 	snop  }
0x5: {  	_ = 	snop  }
0x6: {  	_ = 	snop  }
0x7: {  	_ = 	snop  }
__scs_overlays_trampoline_lowered:
0x8: {  	[smem:$0x3FA2] =	sst s0  }
0x9: {  	[smem:$0x3FA3] =	sst s1  }
0xa: {  	[smem:$0x3FA4] =	sst s2  }
0xb: {  	[smem:$0x3FA5] =	sst s3  }
0xc: {  	[smem:$0x3FA6] =	sst s4  }
0xd: {  	[smem:$0x3FA7] =	sst s5  }
0xe: {  	[smem:$0x3FA8] =	sst s6  }
0xf: {  	[smem:$0x3FA9] =	sst s7  }
0x10: {  	[smem:$0x3FAA] =	sst s8  }
0x11: {  	[smem:$0x3FAB] =	sst s9;
	s0 =	simm.s32 @!p0 $0x0  }
0x12: {  	s1 =	sld [smem:$0x3F91];
	s0 =	simm.s32 @p0 $0x1  }
0x13: {  	[smem:$0x3FAC] =	sst s0;
	s0 =	simm.s32 @!p1 $0x0  }
0x14: {  	s2 =	sld [smem:$0x3F90];
	s0 =	simm.s32 @p1 $0x1  }
0x15: {  	[smem:$0x3FAD] =	sst s0;
	s0 =	simm.s32 @!p2 $0x0  }
0x16: {  	s3 =	sld [smem:$0x3FDB];
	s0 =	simm.s32 @p2 $0x1  }
0x17: {  	s4 =	simm.s32 $0x1BF5;
	[smem:$0x3FAF] =	sst s0  }
0x18: {  	s0 =	sld [smem:$0x3F92];
	_ =	swait.ge [sflag:s4], $0x0  }
0x19: {  	s7 =	sld [smem:$0x3F93]  }
0x1a: {  	s8 =	sadd.s32 $0xFFFFE003, lr  }
0x1b: {  	s9 =	sadd.s32 $0xFFFFFEF7, lr;
	s5 =	simm.s32 $0xFFFFFFFF;
	p2 =	slt.u32 s8, $0xFFFFF086  }
0x1c: {  	p1 =	slt.u32 s9, $0xF7A;
	s5 =	simm.s32 @!p2 $0x0  }
0x1d: {  	s5 =	simm.s32 @p1 $0x1;
	p0 =	seq.s32 s7, s2  }
0x1e: {  	s7 =	smul.u32 @!p0 $0xF7A, s2;
	p2 =	seq.s32 @!p0 s5, $0x0  }
0x1f: {  	s9 =	smul.u32 $0xF7A, s1;
	s8 =	simm.s32 @!p0 $0x1BF5;
	p2 =	por !p2, p0  }
0x20: {  	[sflag:s8] =	ssyncset.s32 @!p0 $0xFFFFF086;
	s6 =	sadd.s32 @!p0 s3, s7;
	s7 =	simm.s32 @!p0 $0x108  }
0x21: {  	s3 =	sadd.s32 s3, s9;
	s6 =	sadd.s32 @!p0 $0x88, s6;
	s7 =	simm.s32 @p2 $0x1082  }
0x22: {  	[simem:s7], [sflag:s8] =	dma.local @!p0 [hbm:s6], $0xF7A  }
0x23: {  	s9 =	sor.u32 $0xD0000000, s2;
	s6 =	simm.s32 $0x108;
	_ =	swait.ge @!p0 [sflag:s8], $0x0  }
0x24: {  	s3 =	sadd.s32 $0x88, s3;
	s6 =	simm.s32 @!p1 $0x1082;
	[sflag:s4] =	ssyncset.s32 $0xFFFFF086  }
0x25: {  	[simem:s6], [sflag:s4] =	dma.local [hbm:s3], $0xF7A  }
0x26: {  	[smem:$0x3F93] =	sst s1;
	(tag) =	ssettag s2;
	_ =	strace s9  }
0x27: {  	s1 =	sld [smem:$0x3FA3]  }
0x28: {  	s2 =	sld [smem:$0x3FA4]  }
0x29: {  	s4 =	sld [smem:$0x3FA6]  }
0x2a: {  	p0 =	seq.s32 s5, $0x0;
	s5 =	sld [smem:$0x3FA7]  }
0x2b: {  	s6 =	sld [smem:$0x3FA8]  }
0x2c: {  	s7 =	sld [smem:$0x3FA9]  }
0x2d: {  	s3 =	simm.s32 $0x108;
	s8 =	sld [smem:$0x3FAA]  }
0x2e: {  	s3 =	simm.s32 @!p0 $0x1082;
	s9 =	sld [smem:$0x3FAB]  }
0x2f: {  	lr =	sadd.s32 s0, s3;
	s0 =	sld [smem:$0x3FA2]  }
0x30: {  	s3 =	sld [smem:$0x3FA5]  }
0x31: {  	[smem:$0x3FAE] =	sst s10  }
0x32: {  	s10 =	sld [smem:$0x3FAC];
	_ =	sdelay $0x3  }
0x33: {  	p0 =	seq.s32 s10, $0x1;
	s10 =	sld [smem:$0x3FAE];
	_ =	sdelay $0x3  }
0x34: {  	[smem:$0x3FAE] =	sst s10  }
0x35: {  	s10 =	sld [smem:$0x3FAD];
	_ =	sdelay $0x3  }
0x36: {  	p1 =	seq.s32 s10, $0x1;
	s10 =	sld [smem:$0x3FAE];
	_ =	sdelay $0x3  }
0x37: {  	[smem:$0x3FAE] =	sst s10  }
0x38: {  	s10 =	sld [smem:$0x3FAF]  }
0x39: {  	_ = 	snop;
	(pc) =	sbr.ind lr, $3  }
0x3a: {  	_ = 	snop  }
0x3b: {  	_ = 	snop  }
0x3c: {  	p2 =	seq.s32 s10, $0x1;
	s10 =	sld [smem:$0x3FAE]  }
0x3d: {  	_ =	shalt  }
0x3e: {  	_ =	shalt  }
0x3f: {  	_ =	shalt  }
0x40: {  	_ =	shalt  }
0x41: {  	_ =	shalt  }
0x42: {  	_ =	shalt  }
0x43: {  	_ =	shalt  }
0x44: {  	_ =	shalt  }
0x45: {  	_ =	shalt  }
0x46: {  	_ =	shalt  }
0x47: {  	_ =	shalt  }
0x48: {  	_ =	shalt  }
0x49: {  	_ =	shalt  }
0x4a: {  	_ =	shalt  }
0x4b: {  	_ =	shalt  }
0x4c: {  	_ =	shalt  }
0x4d: {  	_ =	shalt  }
0x4e: {  	_ =	shalt  }
0x4f: {  	_ =	shalt  }
0x50: {  	_ =	shalt  }
0x51: {  	_ =	shalt  }
0x52: {  	_ =	shalt  }
0x53: {  	_ =	shalt  }
0x54: {  	_ =	shalt  }
0x55: {  	_ =	shalt  }
0x56: {  	_ =	shalt  }
0x57: {  	_ =	shalt  }
0x58: {  	_ =	shalt  }
0x59: {  	_ =	shalt  }
0x5a: {  	_ =	shalt  }
0x5b: {  	_ =	shalt  }
0x5c: {  	_ =	shalt  }
0x5d: {  	_ =	shalt  }
0x5e: {  	_ =	shalt  }
0x5f: {  	_ =	shalt  }
0x60: {  	_ =	shalt  }
0x61: {  	_ =	shalt  }
0x62: {  	_ =	shalt  }
0x63: {  	_ =	shalt  }
0x64: {  	_ =	shalt  }
0x65: {  	_ =	shalt  }
0x66: {  	_ =	shalt  }
0x67: {  	_ =	shalt  }
0x68: {  	_ =	shalt  }
0x69: {  	_ =	shalt  }
0x6a: {  	_ =	shalt  }
0x6b: {  	_ =	shalt  }
0x6c: {  	_ =	shalt  }
0x6d: {  	_ =	shalt  }
0x6e: {  	_ =	shalt  }
0x6f: {  	_ =	shalt  }
0x70: {  	_ =	shalt  }
0x71: {  	_ =	shalt  }
0x72: {  	_ =	shalt  }
0x73: {  	_ =	shalt  }
0x74: {  	_ =	shalt  }
0x75: {  	_ =	shalt  }
0x76: {  	_ =	shalt  }
0x77: {  	_ =	shalt  }
0x78: {  	_ =	shalt  }
0x79: {  	_ =	shalt  }
0x7a: {  	_ =	shalt  }
0x7b: {  	_ =	shalt  }
0x7c: {  	_ =	shalt  }
0x7d: {  	_ =	shalt  }
0x7e: {  	_ =	shalt  }
0x7f: {  	_ =	shalt  }
0x80: {  	_ =	shalt  }
0x81: {  	_ =	shalt  }
0x82: {  	_ =	shalt  }
0x83: {  	_ =	shalt  }
0x84: {  	_ =	shalt  }
0x85: {  	_ =	shalt  }
0x86: {  	_ =	shalt  }
0x87: {  	_ =	shalt  }
.Lfunc_end0:
.L_simem_size_0:
called_computation.1_lowered:
.L_overlay_start_0:
0x88: {  	s2 =	sld [smem:$0x3FD9]  }
0x89: {  	s3 =	sld [smem:$0x3FFE];
	_ =	sdelay $0x1  }
0x8a: {  	s1 =	srdreg.scid  }
0x8b: {  	s0 =	sand.u32 $0x1, s1  }
0x8c: {  	s16 =	sshll.u32 s0, $0xA;
	s2 =	sadd.s32 s3, s2  }
0x8d: {  	s2 =	sadd.s32 s2, s16  }
0x8e: {  	[smem:$0x3FBA] =	sst s2  }
0x8f: {  	_ = 	snop  }
0x90: {  	(tm) =	ssettm $0x1  }
0x91: {  	s17 =	sld [smem:$0x3FFB];
	_ =	sdelay $0x3  }
0x92: {  	_ =	strace s17  }
0x93: {  	s2 =	sld [smem:$0x3FFC];
	_ =	sdelay $0x3  }
0x94: {  	_ =	strace s2  }
0x95: {  	s2 =	sld [smem:$0x3FFD];
	_ =	sdelay $0x3  }
0x96: {  	_ =	strace s2  }
0x97: {  	_ =	strace $0x8FFFFFFF  }
0x98: {  	s18 =	sld [smem:$0x3FDB];
	_ =	sdelay $0x1  }
0x99: {  	s19 =	simm.s32 $_scs_section_size  }
0x9a: {  	s4 =	simm.s32 $_size__tile_overlayer_lowered;
	s5 =	simm.s32 $_tile_overlayer_lowered  }
0x9b: {  	s22 =	simm.s32 $0x1BFF;
	s21 =	sshll.u32 s5, $0x1;
	s2 =	sadd.s32 s19, s18  }
0x9c: {  	s6 =	simm.s32 $0x0;
	s20 =	sshll.u32 s4, $0x1;
	s4 =	sadd.s32 s21, s2  }
0x9d: {  	[timem:s6], [sflag:s22] =	dma.local [hbm:s4], s20  }
0x9e: {  	_ =	swait.ge [sflag:s22], s20  }
0x9f: {  	s3 =	ssub.s32 $0x0, s20;
	[sflag:s22] =	ssyncset.done $0x0  }
0xa0: {  	[sflag:s22] =	ssyncadd.s32 s3;
	_ =	sdelay $0x1  }
0xa1: {  	s23 =	simm.s32 $0x1B8B  }
0xa2: {  	_ =	swait.ge [sflag:s23], $0x1  }
0xa3: {  	[sflag:s23] =	ssyncset.done $0x0  }
0xa4: {  	s25 =	simm.s32 $0x1B8E;
	s24 =	sld [smem:$0x3FFE];
	[sflag:s23] =	ssyncadd.s32 $0xFFFFFFFF  }
0xa5: {  	s26 =	simm.s32 $execute0_lowered;
	[smem:$0x3FD2] =	sst s25  }
0xa6: {  	s4 =	sshll.u32 s26, $0x1;
	_ =	strace $0x80000046;
	[dreg:$0x1] =	wrdreg $0xFFFFFFFF  }
0xa7: {  	s28 =	simm.s32 $_size_execute0_lowered;
	s2 =	sadd.s32 s2, s4;
	[dreg:$0x0] =	wrdreg $0x0  }
0xa8: {  	s4 =	sshll.u32 s28, $0x1;
	[dreg:$0x2] =	wrdreg s2  }
0xa9: {  	[dreg:$0x3] =	wrdreg s4  }
0xaa: {  	[dreg:$0x4] =	wrdreg $0xC0  }
0xab: {  	_ =	task [dreg:s6], $0x5FFFF  }
0xac: {  	[dreg:$0x1] =	wrdreg $0xFFFFFFFF  }
0xad: {  	[dreg:$0x0] =	wrdreg $0x60  }
0xae: {  	[dreg:$0x2] =	wrdreg s24  }
0xaf: {  	[dreg:$0x3] =	wrdreg $0xA  }
0xb0: {  	_ =	task.clear_ibuf [dreg:s6], $0x4FFFF;
	_ =	strace $0x90000046  }
0xb1: {  	s29 =	simm.s32 $0xA;
	_ =	strace $0x80000048  }
0xb2: {  	_ =	swait.ge [sflag:s29], $0x1  }
0xb3: {  	[sflag:s29] =	ssyncadd.s32 $0xFFFFFFFF  }
0xb4: {  	_ =	strace $0x90000048  }
0xb5: {  	_ =	sfence  }
0xb6: {  	s30 =	sld [smem:$0x0];
	_ =	sdelay $0x2  }
0xb7: {  	s31 =	sshll.u32 s1, $0xD;
	s1 =	sshrl.u32 s1, $0x2  }
0xb8: {  	s3 =	sand.u32 $0x4000, s31;
	s1 =	sadd.s32 s1, s30  }
0xb9: {  	s0 =	sor.u32 s3, s0;
	s1 =	sshll.u32 s1, $0x11  }
0xba: {  	s0 =	sor.u32 s1, s0  }
0xbb: {  	s0 =	sadd.s32 $0x8F2B, s0  }
0xbc: {  	[sflag:s0] =	ssyncadd.remote.s32 $0x1  }
0xbd: {  	_ =	sfence.sel $0xFFFF  }
0xbe: {  	[dreg:$0x0] =	wrdreg $0xFFFFFFFF;
	(pc) =	sbr.abs _section_cstart, $3  }
0xbf: {  	[dreg:$0x1] =	wrdreg $0xFFFFFFFF  }
0xc0: {  	_ =	task.clear_ibuf [dreg:s6], $0x2FFFF;
	_ =	strace $0x9FFFFFFF  }
0xc1: {  	(tm) =	ssettm $0x7FFFFFFF  }
tec
execute0_lowered:
.L_overlay_start_1:
0x0: {  	(tag) =	ssettag $0x1  }
0x1: {  	s8 =	rddreg [dreg:$0x0]  }
0x2: {  	s0 =	rddreg [dreg:$0x1];
	_ =	strace $0x80000047;
	s1 =	stileid.u32  }
0x3: {  	s3 =	srdreg.scid;
	s4 =	simm.s32 $0x1;
	s7 =	simm.s32 $0x1  }
0x4: {  	s9 =	simm.s32 $0x1;
	s10 =	simm.s32 $0x3;
	s13 =	simm.s32 $0x0  }
0x5: {  	s12 =	simm.s32 $0x0;
	s5 =	sand.u32 $0x1, s3;
	s6 =	sshll.u32 s1, $0x1  }
0x6: {  	s2 =	sadd.s32 $0xF000, s8;
	s3 =	sadd.s32 $0x22C00, s8;
	s5 =	sor.u32 s6, s5  }
.Ltmp0:
0x7: {  	[sflag:s4] =	ssyncpa.u1 $0x0;
	p0 =	slt.u32 s5, $0x9;
	(pc) =	sbr.rel .LBB2_1-.Ltmp0, $4  }
0x8: {  	s6 =	simm.s32 $0x2;
	s7 =	simm.s32 @!p0 $0x0;
	p0 =	sne.s32 s5, $0x8  }
0x9: {  	[sflag:s6] =	ssyncpa.u1 $0x0;
	s5 =	smul.u32 $0x1F40, s5;
	s9 =	simm.s32 @!p0 $0x0  }
0xa: {  	s8 =	sadd.s32 $0x2CA00, s8;
	[sflag:s10] =	ssyncpa.u1 $0x0;
	s7 =	sadd.s32 s9, s7  }
0xb: {  	vm0 =	vmmov $0xffff;
	s10 =	simm.s32 $0x0;
	s11 =	smov.u32 s5;
	s9 =	sadd.s32 $0x1, s7  }
.LBB2_4:
0xc: {  	v2 =	vnsel vm1, $0x0, v2  }
0xd: {  	vm1 =	vgt.s32 v0, $0x0;
	v2 =	vmin.u32 v2, $0x4E1FF  }
0xe: {  	v0 =	vnsel vm1, $0x0, v0  }
0xf: {  	v0 =	vmin.u32 v0, $0x4E1FF  }
0x10: {  	[tilespmem:s18], [sflag:$0x1] =	stream.indirect_vreg.gather [hbm4b:s2+s10], $0x1, v1, vm0, $0x4038;
	[tilespmem:$0x7D00] =	vst v63  }
0x11: {  	(ifvalue) =	ssetifvalue $0x7FFFFFFF  }
0x12: {  	[tilespmem:s15], [sflag:$0x1] =	stream.indirect_vreg.gather [hbm4b:s2+s10], $0x1, v2, vm0, $0x4038;
	[tilespmem:$0x7D00] =	vst v63  }
0x13: {  	s29 =	sadd.s32 $0x10, s15;
	(ifvalue) =	ssetifvalue $0x7FFFFFFF  }
0x14: {  	[tilespmem:s29], [sflag:$0x1] =	stream.indirect_vreg.gather [hbm4b:s2+s10], $0x1, v0, vm0, $0x4038;
	[tilespmem:$0x7D00] =	vst v63  }
0x15: {  	_ =	swait.ge [sflag:s4], $0x1F40  }
0x16: {  	s30 =	sshrl.u32 s13, $0x3;
	[sflag:s4] =	ssyncset.done $0x0  }
0x17: {  	s31 =	sand.u32 $0x7, s13;
	s15 =	sadd.s32 s8, s30;
	[sflag:s4] =	ssyncadd.s32 $0xFFFFE0C0  }
0x18: {  	[hbm4b:s15+s31] =	stream.linear.scatter [tilespmem:s14], [sflag:$0x3], $0x1F40, $0x38;
	[tilespmem:$0x7D00] =	vst v63  }
.LBB2_5:
0x19: {  	s15 =	sadd.s32 $0x3E800, s11  }
0x1a: {  	p1 =	sgt.s32 s15, $0x4E1FF  }
0x1b: {  	s15 =	smov.u32 @p1 s5;
	p1 =	sne.s32 s12, s9  }
.Ltmp1:
0x1c: {  	p0 =	slt.u32 s12, $0x2;
	(pc) =	sbr.rel @!p1 .LBB2_6-.Ltmp1, $4  }
0x1d: {  	s14 =	simm.s32 @!p0 $0x3  }
0x1e: {  	_ =	swait.ge @!p0 [sflag:s14], $0x1F40  }
0x1f: {  	s16 =	sadd.s32 $0x1, s12;
	s13 =	smov.u32 s11;
	[sflag:s14] =	ssyncset.done @!p0 $0x0  }
0x20: {  	s12 =	smov.u32 s16;
	s11 =	smov.u32 s15;
	[sflag:s14] =	ssyncadd.s32 @!p0 $0xFFFFE0C0  }
.LBB2_1:
0x21: {  	p0 =	sge.u32 s12, s7  }
0x22: {  	s14 =	sxor.u32 @!p0 $0x1, s12  }
0x23: {  	s14 =	smul.u32 @!p0 $0x7D00, s14  }
0x24: {  	s31 =	sadd.s32 $0xFFFFFFFF, s12;
	s15 =	sshrl.u32 @!p0 s11, $0x3  }
0x25: {  	s16 =	sand.u32 @!p0 $0x7, s11;
	s15 =	sadd.s32 @!p0 s3, s15;
	s14 =	sshra.s32 @!p0 s14, $0x2  }
0x26: {  	[tilespmem:s14], [sflag:$0x2] =	stream.linear.gather @!p0 [hbm4b:s15+s16], $0x1F40, $0x38;
	[tilespmem:$0x7D00] =	vst v63  }
0x27: {  	p0 =	sge.u32 s31, s7  }
.Ltmp2:
0x28: {  	_ = 	snop;
	(pc) =	sbr.rel @p0 .LBB2_5-.Ltmp2, $1  }
0x29: {  	_ =	sdelay $0x3  }
0x2a: {  	s14 =	sand.u32 $0x1, s12  }
0x2b: {  	_ =	swait.ge [sflag:s6], $0x1F40;
	p0 =	seq.s32 s14, $0x1;
	s14 =	simm.s32 $0x1F40  }
0x2c: {  	[sflag:s6] =	ssyncset.done $0x0;
	s14 =	simm.s32 @!p0 $0x0  }
0x2d: {  	[sflag:s6] =	ssyncadd.s32 $0xFFFFE0C0;
	(ifvalue) =	ssetifvalue $0x7FFFFFFF;
	v0 =	vld.msk [tilespmem:s14+$0x0 ss:$0x1], $0xffff;
	_ =	sdelay $0x4  }
0x2e: {  	s15 =	sadd.s32 $0x10, s14;
	vm1 =	vgt.s32 v0, $0x0  }
0x2f: {  	v2 =	vld.msk [tilespmem:s15+$0x0 ss:$0x1], $0xffff;
	v1 =	vnsel vm1, $0x0, v0  }
0x30: {  	v1 =	vmin.u32 v1, $0x4E1FF;
	_ =	sdelay $0x2  }
0x31: {  	s17 =	simm.s32 $0x20;
	s14 =	sadd.s32 $0x3E80, s14;
	s16 =	sadd.s32 $0x10, s15  }
0x32: {  	s15 =	sadd.s32 $0x10, s14;
	s18 =	smov.u32 s14;
	v0 =	vld.msk [tilespmem:s16+$0x0 ss:$0x1], $0xffff;
	vm1 =	vgt.s32 v2, $0x0;
	(ifvalue) =	ssetifvalue $0x7FFFFFFF  }
.LBB2_3:
0x33: {  	[tilespmem:s18], [sflag:$0x1] =	stream.indirect_vreg.gather [hbm4b:s2+s10], $0x1, v1, vm0, $0x4038;
	[tilespmem:$0x7D00] =	vst v63  }
0x34: {  	s17 =	sadd.s32 $0x10, s17  }
0x35: {  	v2 =	vnsel vm1, $0x0, v2;
	p0 =	slt.u32 s17, $0x1F30  }
.Ltmp3:
0x36: {  	s18 =	smov.u32 s15;
	v1 =	vmin.u32 v2, $0x4E1FF;
	(pc) =	sbr.rel @p0 .LBB2_3-.Ltmp3, $3  }
0x37: {  	_ =	sdelay $0x1  }
0x38: {  	s16 =	sadd.s32 $0x10, s16  }
0x39: {  	vm1 =	vgt.s32 v0, $0x0;
	s15 =	sadd.s32 $0x10, s15;
	v2 =	vmov v0;
	(ifvalue) =	ssetifvalue $0x7FFFFFFF;
	v0 =	vld.msk [tilespmem:s16+$0x0 ss:$0x1], $0xffff  }
.Ltmp4:
0x3a: {  	_ = 	snop;
	(pc) =	sbr.rel .LBB2_4-.Ltmp4, $1  }
0x3b: {  	_ =	sdelay $0x3  }
.LBB2_6:
0x3c: {  	_ =	sfence.sel $0x180000  }
0x3d: {  	s2 =	simm.s32 $0x2;
	[bflag:$0x0] =	sbarrier.arrive $0xFFFF  }
0x3e: {  	s30 =	simm.s32 $0x3;
	[sflag:s2] =	ssyncpa.u1 $0x1  }
0x3f: {  	s31 =	simm.s32 $0x1;
	[sflag:s30] =	ssyncpa.u1 $0x1  }
0x40: {  	[sflag:s31] =	ssyncpa.u1 $0x1  }
0x41: {  	p0 =	sne.s32 s1, $0x0;
	_ =	strace $0x90000047  }
0x42: {  	s0 =	sadd.s32 @!p0 $0x100000, s0;
	[bflag:$0x2] =	sbarrier.arrive $0xFFFF  }
0x43: {  	[sflag:s0] =	ssyncadd.tile.s32 @!p0 $0x1;
	_ =	shalt  }
.Lfunc_end2:
_tile_overlayer_lowered:
.L_overlay_start_2:
0x44: {  	(tag) =	ssettag $0x2  }
0x45: {  	s0 =	rddreg [dreg:$0x0];
	s2 =	stileid.u32  }
0x46: {  	s1 =	rddreg [dreg:$0x1];
	p0 =	sne.s32 s2, $0x0  }
0x47: {  	s3 =	rddreg [dreg:$0x2];
	[bflag:$0x3] =	sbarrier.arrive $0xFFFF;
	s2 =	simm.s32 @!p0 $0x1C01  }
0x48: {  	[timem:s3], [sflag:s2] =	dma.local @!p0 [hbm:s0], s1  }
0x49: {  	s0 =	simm.s32 @!p0 $0x1  }
0x4a: {  	_ =	swait.ge @!p0 [sflag:s0], s1  }
0x4b: {  	s1 =	ssub.s32 @!p0 $0x0, s1;
	[sflag:s0] =	ssyncset.done @!p0 $0x0  }
0x4c: {  	[sflag:s0] =	ssyncadd.s32 @!p0 s1  }
0x4d: {  	[bflag:$0x3] =	sbarrier.arrive $0xFFFF  }
0x4e: {  	_ =	shalt  }

// kernel: gather_offload_async_start
scs
__scs_entry_jumppad:
0x0: {  	(pc) =	sbr.rel $0x88, $3  }
0x1: {  	(tag) =	ssettag $0x0;
	lr =	simm.s32 $0x1  }
0x2: {  	[smem:$0x3F93] =	sst lr;
	_ =	strace $0xD0000000  }
0x3: {  	_ = 	snop  }
0x4: {  	_ = 	snop  }
0x5: {  	_ = 	snop  }
0x6: {  	_ = 	snop  }
0x7: {  	_ = 	snop  }
__scs_overlays_trampoline_lowered:
0x8: {  	[smem:$0x3FA2] =	sst s0  }
0x9: {  	[smem:$0x3FA3] =	sst s1  }
0xa: {  	[smem:$0x3FA4] =	sst s2  }
0xb: {  	[smem:$0x3FA5] =	sst s3  }
0xc: {  	[smem:$0x3FA6] =	sst s4  }
0xd: {  	[smem:$0x3FA7] =	sst s5  }
0xe: {  	[smem:$0x3FA8] =	sst s6  }
0xf: {  	[smem:$0x3FA9] =	sst s7  }
0x10: {  	[smem:$0x3FAA] =	sst s8  }
0x11: {  	[smem:$0x3FAB] =	sst s9;
	s0 =	simm.s32 @!p0 $0x0  }
0x12: {  	s1 =	sld [smem:$0x3F91];
	s0 =	simm.s32 @p0 $0x1  }
0x13: {  	[smem:$0x3FAC] =	sst s0;
	s0 =	simm.s32 @!p1 $0x0  }
0x14: {  	s2 =	sld [smem:$0x3F90];
	s0 =	simm.s32 @p1 $0x1  }
0x15: {  	[smem:$0x3FAD] =	sst s0;
	s0 =	simm.s32 @!p2 $0x0  }
0x16: {  	s3 =	sld [smem:$0x3FDB];
	s0 =	simm.s32 @p2 $0x1  }
0x17: {  	s4 =	simm.s32 $0x1BF5;
	[smem:$0x3FAF] =	sst s0  }
0x18: {  	s0 =	sld [smem:$0x3F92];
	_ =	swait.ge [sflag:s4], $0x0  }
0x19: {  	s7 =	sld [smem:$0x3F93]  }
0x1a: {  	s8 =	sadd.s32 $0xFFFFE003, lr  }
0x1b: {  	s9 =	sadd.s32 $0xFFFFFEF7, lr;
	s5 =	simm.s32 $0xFFFFFFFF;
	p2 =	slt.u32 s8, $0xFFFFF086  }
0x1c: {  	p1 =	slt.u32 s9, $0xF7A;
	s5 =	simm.s32 @!p2 $0x0  }
0x1d: {  	s5 =	simm.s32 @p1 $0x1;
	p0 =	seq.s32 s7, s2  }
0x1e: {  	s7 =	smul.u32 @!p0 $0xF7A, s2;
	p2 =	seq.s32 @!p0 s5, $0x0  }
0x1f: {  	s9 =	smul.u32 $0xF7A, s1;
	s8 =	simm.s32 @!p0 $0x1BF5;
	p2 =	por !p2, p0  }
0x20: {  	[sflag:s8] =	ssyncset.s32 @!p0 $0xFFFFF086;
	s6 =	sadd.s32 @!p0 s3, s7;
	s7 =	simm.s32 @!p0 $0x108  }
0x21: {  	s3 =	sadd.s32 s3, s9;
	s6 =	sadd.s32 @!p0 $0x88, s6;
	s7 =	simm.s32 @p2 $0x1082  }
0x22: {  	[simem:s7], [sflag:s8] =	dma.local @!p0 [hbm:s6], $0xF7A  }
0x23: {  	s9 =	sor.u32 $0xD0000000, s2;
	s6 =	simm.s32 $0x108;
	_ =	swait.ge @!p0 [sflag:s8], $0x0  }
0x24: {  	s3 =	sadd.s32 $0x88, s3;
	s6 =	simm.s32 @!p1 $0x1082;
	[sflag:s4] =	ssyncset.s32 $0xFFFFF086  }
0x25: {  	[simem:s6], [sflag:s4] =	dma.local [hbm:s3], $0xF7A  }
0x26: {  	[smem:$0x3F93] =	sst s1;
	(tag) =	ssettag s2;
	_ =	strace s9  }
0x27: {  	s1 =	sld [smem:$0x3FA3]  }
0x28: {  	s2 =	sld [smem:$0x3FA4]  }
0x29: {  	s4 =	sld [smem:$0x3FA6]  }
0x2a: {  	p0 =	seq.s32 s5, $0x0;
	s5 =	sld [smem:$0x3FA7]  }
0x2b: {  	s6 =	sld [smem:$0x3FA8]  }
0x2c: {  	s7 =	sld [smem:$0x3FA9]  }
0x2d: {  	s3 =	simm.s32 $0x108;
	s8 =	sld [smem:$0x3FAA]  }
0x2e: {  	s3 =	simm.s32 @!p0 $0x1082;
	s9 =	sld [smem:$0x3FAB]  }
0x2f: {  	lr =	sadd.s32 s0, s3;
	s0 =	sld [smem:$0x3FA2]  }
0x30: {  	s3 =	sld [smem:$0x3FA5]  }
0x31: {  	[smem:$0x3FAE] =	sst s10  }
0x32: {  	s10 =	sld [smem:$0x3FAC];
	_ =	sdelay $0x3  }
0x33: {  	p0 =	seq.s32 s10, $0x1;
	s10 =	sld [smem:$0x3FAE];
	_ =	sdelay $0x3  }
0x34: {  	[smem:$0x3FAE] =	sst s10  }
0x35: {  	s10 =	sld [smem:$0x3FAD];
	_ =	sdelay $0x3  }
0x36: {  	p1 =	seq.s32 s10, $0x1;
	s10 =	sld [smem:$0x3FAE];
	_ =	sdelay $0x3  }
0x37: {  	[smem:$0x3FAE] =	sst s10  }
0x38: {  	s10 =	sld [smem:$0x3FAF]  }
0x39: {  	_ = 	snop;
	(pc) =	sbr.ind lr, $3  }
0x3a: {  	_ = 	snop  }
0x3b: {  	_ = 	snop  }
0x3c: {  	p2 =	seq.s32 s10, $0x1;
	s10 =	sld [smem:$0x3FAE]  }
0x3d: {  	_ =	shalt  }
0x3e: {  	_ =	shalt  }
0x3f: {  	_ =	shalt  }
0x40: {  	_ =	shalt  }
0x41: {  	_ =	shalt  }
0x42: {  	_ =	shalt  }
0x43: {  	_ =	shalt  }
0x44: {  	_ =	shalt  }
0x45: {  	_ =	shalt  }
0x46: {  	_ =	shalt  }
0x47: {  	_ =	shalt  }
0x48: {  	_ =	shalt  }
0x49: {  	_ =	shalt  }
0x4a: {  	_ =	shalt  }
0x4b: {  	_ =	shalt  }
0x4c: {  	_ =	shalt  }
0x4d: {  	_ =	shalt  }
0x4e: {  	_ =	shalt  }
0x4f: {  	_ =	shalt  }
0x50: {  	_ =	shalt  }
0x51: {  	_ =	shalt  }
0x52: {  	_ =	shalt  }
0x53: {  	_ =	shalt  }
0x54: {  	_ =	shalt  }
0x55: {  	_ =	shalt  }
0x56: {  	_ =	shalt  }
0x57: {  	_ =	shalt  }
0x58: {  	_ =	shalt  }
0x59: {  	_ =	shalt  }
0x5a: {  	_ =	shalt  }
0x5b: {  	_ =	shalt  }
0x5c: {  	_ =	shalt  }
0x5d: {  	_ =	shalt  }
0x5e: {  	_ =	shalt  }
0x5f: {  	_ =	shalt  }
0x60: {  	_ =	shalt  }
0x61: {  	_ =	shalt  }
0x62: {  	_ =	shalt  }
0x63: {  	_ =	shalt  }
0x64: {  	_ =	shalt  }
0x65: {  	_ =	shalt  }
0x66: {  	_ =	shalt  }
0x67: {  	_ =	shalt  }
0x68: {  	_ =	shalt  }
0x69: {  	_ =	shalt  }
0x6a: {  	_ =	shalt  }
0x6b: {  	_ =	shalt  }
0x6c: {  	_ =	shalt  }
0x6d: {  	_ =	shalt  }
0x6e: {  	_ =	shalt  }
0x6f: {  	_ =	shalt  }
0x70: {  	_ =	shalt  }
0x71: {  	_ =	shalt  }
0x72: {  	_ =	shalt  }
0x73: {  	_ =	shalt  }
0x74: {  	_ =	shalt  }
0x75: {  	_ =	shalt  }
0x76: {  	_ =	shalt  }
0x77: {  	_ =	shalt  }
0x78: {  	_ =	shalt  }
0x79: {  	_ =	shalt  }
0x7a: {  	_ =	shalt  }
0x7b: {  	_ =	shalt  }
0x7c: {  	_ =	shalt  }
0x7d: {  	_ =	shalt  }
0x7e: {  	_ =	shalt  }
0x7f: {  	_ =	shalt  }
0x80: {  	_ =	shalt  }
0x81: {  	_ =	shalt  }
0x82: {  	_ =	shalt  }
0x83: {  	_ =	shalt  }
0x84: {  	_ =	shalt  }
0x85: {  	_ =	shalt  }
0x86: {  	_ =	shalt  }
0x87: {  	_ =	shalt  }
.Lfunc_end0:
.L_simem_size_0:
called_computation_lowered:
.L_overlay_start_0:
0x88: {  	s2 =	sld [smem:$0x3FD9]  }
0x89: {  	s3 =	sld [smem:$0x3FFE];
	_ =	sdelay $0x1  }
0x8a: {  	s1 =	srdreg.scid  }
0x8b: {  	s0 =	sand.u32 $0x1, s1  }
0x8c: {  	s17 =	sshll.u32 s0, $0xA;
	s2 =	sadd.s32 s3, s2  }
0x8d: {  	s2 =	sadd.s32 s2, s17  }
0x8e: {  	[smem:$0x3FBA] =	sst s2  }
0x8f: {  	_ = 	snop  }
0x90: {  	(tm) =	ssettm $0x1  }
0x91: {  	s18 =	sld [smem:$0x3FFB];
	_ =	sdelay $0x3  }
0x92: {  	_ =	strace s18  }
0x93: {  	s2 =	sld [smem:$0x3FFC];
	_ =	sdelay $0x3  }
0x94: {  	_ =	strace s2  }
0x95: {  	s2 =	sld [smem:$0x3FFD];
	_ =	sdelay $0x3  }
0x96: {  	_ =	strace s2  }
0x97: {  	_ =	strace $0x8FFFFFFF  }
0x98: {  	s19 =	sld [smem:$0x3FDB];
	_ =	sdelay $0x1  }
0x99: {  	s20 =	simm.s32 $_scs_section_size  }
0x9a: {  	s4 =	simm.s32 $_size__tile_overlayer_lowered;
	s5 =	simm.s32 $_tile_overlayer_lowered  }
0x9b: {  	s6 =	simm.s32 $0x1BFF;
	s21 =	sshll.u32 s5, $0x1;
	s3 =	sadd.s32 s20, s19  }
0x9c: {  	s22 =	simm.s32 $0x0;
	s4 =	sshll.u32 s4, $0x1;
	s5 =	sadd.s32 s21, s3  }
0x9d: {  	[timem:s22], [sflag:s6] =	dma.local [hbm:s5], s4  }
0x9e: {  	_ =	swait.ge [sflag:s6], s4  }
0x9f: {  	s4 =	ssub.s32 $0x0, s4;
	[sflag:s6] =	ssyncset.done $0x0  }
0xa0: {  	[sflag:s6] =	ssyncadd.s32 s4;
	_ =	sdelay $0x1  }
0xa1: {  	s23 =	simm.s32 $0x1B8B  }
0xa2: {  	_ =	swait.ge [sflag:s23], $0x1  }
0xa3: {  	[sflag:s23] =	ssyncset.done $0x0  }
0xa4: {  	[sflag:s23] =	ssyncadd.s32 $0xFFFFFFFF  }
0xa5: {  	s4 =	sld [smem:$0x0]  }
0xa6: {  	s5 =	sand.u32 $0xFFFFFFFE, s1  }
0xa7: {  	p0 =	sne.s32 s1, s5  }
0xa8: {  	s5 =	sshll.u32 @p0 s5, $0xE  }
0xa9: {  	s5 =	sadd.s32 @p0 $0x11B8D, s5;
	s6 =	sshll.u32 @p0 s4, $0x11  }
0xaa: {  	s5 =	sor.u32 @p0 s6, s5  }
0xab: {  	[sflag:s5] =	ssyncadd.remote.s32 @p0 $0x1;
	_ =	sdelay $0x1  }
0xac: {  	s5 =	simm.s32 @p0 $0x1B8D  }
0xad: {  	_ =	swait.eq @p0 [sflag:s5], $0x1  }
0xae: {  	[sflag:s5] =	ssyncadd.s32 @p0 $0xFFFFFFFF  }
0xaf: {  	s6 =	sshll.u32 @!p0 s1, $0xE  }
0xb0: {  	s6 =	sor.u32 @!p0 $0x4000, s6;
	s5 =	simm.s32 @!p0 $0x1B8D  }
0xb1: {  	s4 =	sshll.u32 @!p0 s4, $0x11;
	s6 =	sadd.s32 @!p0 $0x11B8D, s6;
	_ =	swait.eq @!p0 [sflag:s5], $0x1  }
0xb2: {  	s4 =	sor.u32 @!p0 s4, s6;
	[sflag:s5] =	ssyncadd.s32 @!p0 $0xFFFFFFFF  }
0xb3: {  	s25 =	simm.s32 $0x1B8E;
	s24 =	sld [smem:$0x3FFE];
	[sflag:s4] =	ssyncadd.remote.s32 @!p0 $0x1  }
0xb4: {  	s26 =	simm.s32 $execute0_lowered;
	[smem:$0x3FD2] =	sst s25  }
0xb5: {  	s5 =	sshll.u32 s26, $0x1;
	_ =	strace $0x80000049;
	[dreg:$0x1] =	wrdreg $0xFFFFFFFF  }
0xb6: {  	s28 =	simm.s32 $_size_execute0_lowered;
	s3 =	sadd.s32 s3, s5;
	[dreg:$0x0] =	wrdreg $0x0  }
0xb7: {  	s5 =	sshll.u32 s28, $0x1;
	[dreg:$0x2] =	wrdreg s3  }
0xb8: {  	[dreg:$0x3] =	wrdreg s5  }
0xb9: {  	[dreg:$0x4] =	wrdreg $0xC0  }
0xba: {  	_ =	task [dreg:s22], $0x5FFFF  }
0xbb: {  	[dreg:$0x1] =	wrdreg $0xFFFFFFFF  }
0xbc: {  	[dreg:$0x0] =	wrdreg $0x60  }
0xbd: {  	[dreg:$0x2] =	wrdreg s24  }
0xbe: {  	[dreg:$0x3] =	wrdreg $0x9  }
0xbf: {  	_ =	task.clear_ibuf [dreg:s22], $0x4FFFF;
	_ =	strace $0x90000049  }
0xc0: {  	s29 =	simm.s32 $0x9;
	_ =	strace $0x8000004B  }
0xc1: {  	_ =	swait.ge [sflag:s29], $0x1  }
0xc2: {  	[sflag:s29] =	ssyncadd.s32 $0xFFFFFFFF  }
0xc3: {  	_ =	strace $0x9000004B  }
0xc4: {  	_ =	sfence  }
0xc5: {  	s30 =	sld [smem:$0x0];
	_ =	sdelay $0x2  }
0xc6: {  	s31 =	sshll.u32 s1, $0xD;
	s1 =	sshrl.u32 s1, $0x2  }
0xc7: {  	s4 =	sand.u32 $0x4000, s31;
	s1 =	sadd.s32 s1, s30  }
0xc8: {  	s0 =	sor.u32 s4, s0;
	s1 =	sshll.u32 s1, $0x11  }
0xc9: {  	s0 =	sor.u32 s1, s0  }
0xca: {  	s0 =	sadd.s32 $0x8F2B, s0  }
0xcb: {  	[sflag:s0] =	ssyncadd.remote.s32 $0x1  }
0xcc: {  	_ =	sfence.sel $0xFFFF  }
0xcd: {  	[dreg:$0x0] =	wrdreg $0xFFFFFFFF;
	(pc) =	sbr.abs _section_cstart, $3  }
0xce: {  	[dreg:$0x1] =	wrdreg $0xFFFFFFFF  }
0xcf: {  	_ =	task.clear_ibuf [dreg:s22], $0x2FFFF;
	_ =	strace $0x9FFFFFFF  }
0xd0: {  	(tm) =	ssettm $0x7FFFFFFF  }
0xd1: {  	_ =	shalt  }
tec
execute0_lowered:
.L_overlay_start_1:
0x0: {  	(tag) =	ssettag $0x1  }
0x1: {  	s8 =	rddreg [dreg:$0x0]  }
0x2: {  	s0 =	rddreg [dreg:$0x1];
	_ =	strace $0x8000004A;
	s1 =	stileid.u32  }
0x3: {  	s3 =	srdreg.scid;
	s4 =	simm.s32 $0x1;
	s7 =	simm.s32 $0x1  }
0x4: {  	s9 =	simm.s32 $0x1;
	s10 =	simm.s32 $0x3;
	s13 =	simm.s32 $0x0  }
0x5: {  	s12 =	simm.s32 $0x0;
	s5 =	sand.u32 $0x1, s3;
	s6 =	sshll.u32 s1, $0x1  }
0x6: {  	s2 =	sadd.s32 $0x5200, s8;
	s3 =	sadd.s32 $0x22C00, s8;
	s5 =	sor.u32 s6, s5  }
.Ltmp0:
0x7: {  	[sflag:s4] =	ssyncpa.u1 $0x0;
	p0 =	slt.u32 s5, $0x9;
	(pc) =	sbr.rel .LBB2_1-.Ltmp0, $4  }
0x8: {  	s6 =	simm.s32 $0x2;
	s7 =	simm.s32 @!p0 $0x0;
	p0 =	sne.s32 s5, $0x8  }
0x9: {  	[sflag:s6] =	ssyncpa.u1 $0x0;
	s5 =	smul.u32 $0x1F40, s5;
	s9 =	simm.s32 @!p0 $0x0  }
0xa: {  	s8 =	sadd.s32 $0x36800, s8;
	[sflag:s10] =	ssyncpa.u1 $0x0;
	s7 =	sadd.s32 s9, s7  }
0xb: {  	vm0 =	vmmov $0xffff;
	s10 =	simm.s32 $0x0;
	s11 =	smov.u32 s5;
	s9 =	sadd.s32 $0x1, s7  }
.LBB2_4:
0xc: {  	v2 =	vnsel vm1, $0x0, v2  }
0xd: {  	vm1 =	vgt.s32 v0, $0x0;
	v2 =	vmin.u32 v2, $0x4E1FF  }
0xe: {  	v0 =	vnsel vm1, $0x0, v0  }
0xf: {  	v0 =	vmin.u32 v0, $0x4E1FF  }
0x10: {  	[tilespmem:s18], [sflag:$0x1] =	stream.indirect_vreg.gather [hbm4b:s2+s10], $0x1, v1, vm0, $0x4038;
	[tilespmem:$0x7D00] =	vst v63  }
0x11: {  	(ifvalue) =	ssetifvalue $0x7FFFFFFF  }
0x12: {  	[tilespmem:s15], [sflag:$0x1] =	stream.indirect_vreg.gather [hbm4b:s2+s10], $0x1, v2, vm0, $0x4038;
	[tilespmem:$0x7D00] =	vst v63  }
0x13: {  	s29 =	sadd.s32 $0x10, s15;
	(ifvalue) =	ssetifvalue $0x7FFFFFFF  }
0x14: {  	[tilespmem:s29], [sflag:$0x1] =	stream.indirect_vreg.gather [hbm4b:s2+s10], $0x1, v0, vm0, $0x4038;
	[tilespmem:$0x7D00] =	vst v63  }
0x15: {  	_ =	swait.ge [sflag:s4], $0x1F40  }
0x16: {  	s30 =	sshrl.u32 s13, $0x3;
	[sflag:s4] =	ssyncset.done $0x0  }
0x17: {  	s31 =	sand.u32 $0x7, s13;
	s15 =	sadd.s32 s8, s30;
	[sflag:s4] =	ssyncadd.s32 $0xFFFFE0C0  }
0x18: {  	[hbm4b:s15+s31] =	stream.linear.scatter [tilespmem:s14], [sflag:$0x3], $0x1F40, $0x38;
	[tilespmem:$0x7D00] =	vst v63  }
.LBB2_5:
0x19: {  	s15 =	sadd.s32 $0x3E800, s11  }
0x1a: {  	p1 =	sgt.s32 s15, $0x4E1FF  }
0x1b: {  	s15 =	smov.u32 @p1 s5;
	p1 =	sne.s32 s12, s9  }
.Ltmp1:
0x1c: {  	p0 =	slt.u32 s12, $0x2;
	(pc) =	sbr.rel @!p1 .LBB2_6-.Ltmp1, $4  }
0x1d: {  	s14 =	simm.s32 @!p0 $0x3  }
0x1e: {  	_ =	swait.ge @!p0 [sflag:s14], $0x1F40  }
0x1f: {  	s16 =	sadd.s32 $0x1, s12;
	s13 =	smov.u32 s11;
	[sflag:s14] =	ssyncset.done @!p0 $0x0  }
0x20: {  	s12 =	smov.u32 s16;
	s11 =	smov.u32 s15;
	[sflag:s14] =	ssyncadd.s32 @!p0 $0xFFFFE0C0  }
.LBB2_1:
0x21: {  	p0 =	sge.u32 s12, s7  }
0x22: {  	s14 =	sxor.u32 @!p0 $0x1, s12  }
0x23: {  	s14 =	smul.u32 @!p0 $0x7D00, s14  }
0x24: {  	s31 =	sadd.s32 $0xFFFFFFFF, s12;
	s15 =	sshrl.u32 @!p0 s11, $0x3  }
0x25: {  	s16 =	sand.u32 @!p0 $0x7, s11;
	s15 =	sadd.s32 @!p0 s3, s15;
	s14 =	sshra.s32 @!p0 s14, $0x2  }
0x26: {  	[tilespmem:s14], [sflag:$0x2] =	stream.linear.gather @!p0 [hbm4b:s15+s16], $0x1F40, $0x38;
	[tilespmem:$0x7D00] =	vst v63  }
0x27: {  	p0 =	sge.u32 s31, s7  }
.Ltmp2:
0x28: {  	_ = 	snop;
	(pc) =	sbr.rel @p0 .LBB2_5-.Ltmp2, $1  }
0x29: {  	_ =	sdelay $0x3  }
0x2a: {  	s14 =	sand.u32 $0x1, s12  }
0x2b: {  	_ =	swait.ge [sflag:s6], $0x1F40;
	p0 =	seq.s32 s14, $0x1;
	s14 =	simm.s32 $0x1F40  }
0x2c: {  	[sflag:s6] =	ssyncset.done $0x0;
	s14 =	simm.s32 @!p0 $0x0  }
0x2d: {  	[sflag:s6] =	ssyncadd.s32 $0xFFFFE0C0;
	(ifvalue) =	ssetifvalue $0x7FFFFFFF;
	v0 =	vld.msk [tilespmem:s14+$0x0 ss:$0x1], $0xffff;
	_ =	sdelay $0x4  }
0x2e: {  	s15 =	sadd.s32 $0x10, s14;
	vm1 =	vgt.s32 v0, $0x0  }
0x2f: {  	v2 =	vld.msk [tilespmem:s15+$0x0 ss:$0x1], $0xffff;
	v1 =	vnsel vm1, $0x0, v0  }
0x30: {  	v1 =	vmin.u32 v1, $0x4E1FF;
	_ =	sdelay $0x2  }
0x31: {  	s17 =	simm.s32 $0x20;
	s14 =	sadd.s32 $0x3E80, s14;
	s16 =	sadd.s32 $0x10, s15  }
0x32: {  	s15 =	sadd.s32 $0x10, s14;
	s18 =	smov.u32 s14;
	v0 =	vld.msk [tilespmem:s16+$0x0 ss:$0x1], $0xffff;
	vm1 =	vgt.s32 v2, $0x0;
	(ifvalue) =	ssetifvalue $0x7FFFFFFF  }
.LBB2_3:
0x33: {  	[tilespmem:s18], [sflag:$0x1] =	stream.indirect_vreg.gather [hbm4b:s2+s10], $0x1, v1, vm0, $0x4038;
	[tilespmem:$0x7D00] =	vst v63  }
0x34: {  	s17 =	sadd.s32 $0x10, s17  }
0x35: {  	v2 =	vnsel vm1, $0x0, v2;
	p0 =	slt.u32 s17, $0x1F30  }
.Ltmp3:
0x36: {  	s18 =	smov.u32 s15;
	v1 =	vmin.u32 v2, $0x4E1FF;
	(pc) =	sbr.rel @p0 .LBB2_3-.Ltmp3, $3  }
0x37: {  	_ =	sdelay $0x1  }
0x38: {  	s16 =	sadd.s32 $0x10, s16  }
0x39: {  	vm1 =	vgt.s32 v0, $0x0;
	s15 =	sadd.s32 $0x10, s15;
	v2 =	vmov v0;
	(ifvalue) =	ssetifvalue $0x7FFFFFFF;
	v0 =	vld.msk [tilespmem:s16+$0x0 ss:$0x1], $0xffff  }
.Ltmp4:
0x3a: {  	_ = 	snop;
	(pc) =	sbr.rel .LBB2_4-.Ltmp4, $1  }
0x3b: {  	_ =	sdelay $0x3  }
.LBB2_6:
0x3c: {  	_ =	sfence.sel $0x180000  }
0x3d: {  	s2 =	simm.s32 $0x2;
	[bflag:$0x0] =	sbarrier.arrive $0xFFFF  }
0x3e: {  	s30 =	simm.s32 $0x3;
	[sflag:s2] =	ssyncpa.u1 $0x1  }
0x3f: {  	s31 =	simm.s32 $0x1;
	[sflag:s30] =	ssyncpa.u1 $0x1  }
0x40: {  	[sflag:s31] =	ssyncpa.u1 $0x1  }
0x41: {  	p0 =	sne.s32 s1, $0x0;
	_ =	strace $0x9000004A  }
0x42: {  	s0 =	sadd.s32 @!p0 $0x100000, s0;
	[bflag:$0x2] =	sbarrier.arrive $0xFFFF  }
0x43: {  	[sflag:s0] =	ssyncadd.tile.s32 @!p0 $0x1;
	_ =	shalt  }
.Lfunc_end2:
_tile_overlayer_lowered:
.L_overlay_start_2:
0x44: {  	(tag) =	ssettag $0x2  }
0x45: {  	s0 =	rddreg [dreg:$0x0];
	s2 =	stileid.u32  }
0x46: {  	s1 =	rddreg [dreg:$0x1];
	p0 =	sne.s32 s2, $0x0  }
0x47: {  	s3 =	rddreg [dreg:$0x2];
	[bflag:$0x3] =	sbarrier.arrive $0xFFFF;
	s2 =	simm.s32 @!p0 $0x1C01  }
0x48: {  	[timem:s3], [sflag:s2] =	dma.local @!p0 [hbm:s0], s1  }
0x49: {  	s0 =	simm.s32 @!p0 $0x1  }
0x4a: {  	_ =	swait.ge @!p0 [sflag:s0], s1  }
0x4b: {  	s1 =	ssub.s32 @!p0 $0x0, s1;
	[sflag:s0] =	ssyncset.done @!p0 $0x0  }
0x4c: {  	[sflag:s0] =	ssyncadd.s32 @!p0 s1  }
0x4d: {  	[bflag:$0x3] =	sbarrier.arrive $0xFFFF  }
0x4e: {  	_ =	shalt  }

// kernel: kernel.16.cloned.1.call-start
scs
__scs_entry_jumppad:
0x0: {  	(pc) =	sbr.rel $0x88, $3  }
0x1: {  	(tag) =	ssettag $0x0;
	lr =	simm.s32 $0x1  }
0x2: {  	[smem:$0x3F93] =	sst lr;
	_ =	strace $0xD0000000  }
0x3: {  	_ = 	snop  }
0x4: {  	_ = 	snop  }
0x5: {  	_ = 	snop  }
0x6: {  	_ = 	snop  }
0x7: {  	_ = 	snop  }
__scs_overlays_trampoline_lowered:
0x8: {  	[smem:$0x3FA2] =	sst s0  }
0x9: {  	[smem:$0x3FA3] =	sst s1  }
0xa: {  	[smem:$0x3FA4] =	sst s2  }
0xb: {  	[smem:$0x3FA5] =	sst s3  }
0xc: {  	[smem:$0x3FA6] =	sst s4  }
0xd: {  	[smem:$0x3FA7] =	sst s5  }
0xe: {  	[smem:$0x3FA8] =	sst s6  }
0xf: {  	[smem:$0x3FA9] =	sst s7  }
0x10: {  	[smem:$0x3FAA] =	sst s8  }
0x11: {  	[smem:$0x3FAB] =	sst s9;
	s0 =	simm.s32 @!p0 $0x0  }
0x12: {  	s1 =	sld [smem:$0x3F91];
	s0 =	simm.s32 @p0 $0x1  }
0x13: {  	[smem:$0x3FAC] =	sst s0;
	s0 =	simm.s32 @!p1 $0x0  }
0x14: {  	s2 =	sld [smem:$0x3F90];
	s0 =	simm.s32 @p1 $0x1  }
0x15: {  	[smem:$0x3FAD] =	sst s0;
	s0 =	simm.s32 @!p2 $0x0  }
0x16: {  	s3 =	sld [smem:$0x3FDB];
	s0 =	simm.s32 @p2 $0x1  }
0x17: {  	s4 =	simm.s32 $0x1BF5;
	[smem:$0x3FAF] =	sst s0  }
0x18: {  	s0 =	sld [smem:$0x3F92];
	_ =	swait.ge [sflag:s4], $0x0  }
0x19: {  	s7 =	sld [smem:$0x3F93]  }
0x1a: {  	s8 =	sadd.s32 $0xFFFFE003, lr  }
0x1b: {  	s9 =	sadd.s32 $0xFFFFFEF7, lr;
	s5 =	simm.s32 $0xFFFFFFFF;
	p2 =	slt.u32 s8, $0xFFFFF086  }
0x1c: {  	p1 =	slt.u32 s9, $0xF7A;
	s5 =	simm.s32 @!p2 $0x0  }
0x1d: {  	s5 =	simm.s32 @p1 $0x1;
	p0 =	seq.s32 s7, s2  }
0x1e: {  	s7 =	smul.u32 @!p0 $0xF7A, s2;
	p2 =	seq.s32 @!p0 s5, $0x0  }
0x1f: {  	s9 =	smul.u32 $0xF7A, s1;
	s8 =	simm.s32 @!p0 $0x1BF5;
	p2 =	por !p2, p0  }
0x20: {  	[sflag:s8] =	ssyncset.s32 @!p0 $0xFFFFF086;
	s6 =	sadd.s32 @!p0 s3, s7;
	s7 =	simm.s32 @!p0 $0x108  }
0x21: {  	s3 =	sadd.s32 s3, s9;
	s6 =	sadd.s32 @!p0 $0x88, s6;
	s7 =	simm.s32 @p2 $0x1082  }
0x22: {  	[simem:s7], [sflag:s8] =	dma.local @!p0 [hbm:s6], $0xF7A  }
0x23: {  	s9 =	sor.u32 $0xD0000000, s2;
	s6 =	simm.s32 $0x108;
	_ =	swait.ge @!p0 [sflag:s8], $0x0  }
0x24: {  	s3 =	sadd.s32 $0x88, s3;
	s6 =	simm.s32 @!p1 $0x1082;
	[sflag:s4] =	ssyncset.s32 $0xFFFFF086  }
0x25: {  	[simem:s6], [sflag:s4] =	dma.local [hbm:s3], $0xF7A  }
0x26: {  	[smem:$0x3F93] =	sst s1;
	(tag) =	ssettag s2;
	_ =	strace s9  }
0x27: {  	s1 =	sld [smem:$0x3FA3]  }
0x28: {  	s2 =	sld [smem:$0x3FA4]  }
0x29: {  	s4 =	sld [smem:$0x3FA6]  }
0x2a: {  	p0 =	seq.s32 s5, $0x0;
	s5 =	sld [smem:$0x3FA7]  }
0x2b: {  	s6 =	sld [smem:$0x3FA8]  }
0x2c: {  	s7 =	sld [smem:$0x3FA9]  }
0x2d: {  	s3 =	simm.s32 $0x108;
	s8 =	sld [smem:$0x3FAA]  }
0x2e: {  	s3 =	simm.s32 @!p0 $0x1082;
	s9 =	sld [smem:$0x3FAB]  }
0x2f: {  	lr =	sadd.s32 s0, s3;
	s0 =	sld [smem:$0x3FA2]  }
0x30: {  	s3 =	sld [smem:$0x3FA5]  }
0x31: {  	[smem:$0x3FAE] =	sst s10  }
0x32: {  	s10 =	sld [smem:$0x3FAC];
	_ =	sdelay $0x3  }
0x33: {  	p0 =	seq.s32 s10, $0x1;
	s10 =	sld [smem:$0x3FAE];
	_ =	sdelay $0x3  }
0x34: {  	[smem:$0x3FAE] =	sst s10  }
0x35: {  	s10 =	sld [smem:$0x3FAD];
	_ =	sdelay $0x3  }
0x36: {  	p1 =	seq.s32 s10, $0x1;
	s10 =	sld [smem:$0x3FAE];
	_ =	sdelay $0x3  }
0x37: {  	[smem:$0x3FAE] =	sst s10  }
0x38: {  	s10 =	sld [smem:$0x3FAF]  }
0x39: {  	_ = 	snop;
	(pc) =	sbr.ind lr, $3  }
0x3a: {  	_ = 	snop  }
0x3b: {  	_ = 	snop  }
0x3c: {  	p2 =	seq.s32 s10, $0x1;
	s10 =	sld [smem:$0x3FAE]  }
0x3d: {  	_ =	shalt  }
0x3e: {  	_ =	shalt  }
0x3f: {  	_ =	shalt  }
0x40: {  	_ =	shalt  }
0x41: {  	_ =	shalt  }
0x42: {  	_ =	shalt  }
0x43: {  	_ =	shalt  }
0x44: {  	_ =	shalt  }
0x45: {  	_ =	shalt  }
0x46: {  	_ =	shalt  }
0x47: {  	_ =	shalt  }
0x48: {  	_ =	shalt  }
0x49: {  	_ =	shalt  }
0x4a: {  	_ =	shalt  }
0x4b: {  	_ =	shalt  }
0x4c: {  	_ =	shalt  }
0x4d: {  	_ =	shalt  }
0x4e: {  	_ =	shalt  }
0x4f: {  	_ =	shalt  }
0x50: {  	_ =	shalt  }
0x51: {  	_ =	shalt  }
0x52: {  	_ =	shalt  }
0x53: {  	_ =	shalt  }
0x54: {  	_ =	shalt  }
0x55: {  	_ =	shalt  }
0x56: {  	_ =	shalt  }
0x57: {  	_ =	shalt  }
0x58: {  	_ =	shalt  }
0x59: {  	_ =	shalt  }
0x5a: {  	_ =	shalt  }
0x5b: {  	_ =	shalt  }
0x5c: {  	_ =	shalt  }
0x5d: {  	_ =	shalt  }
0x5e: {  	_ =	shalt  }
0x5f: {  	_ =	shalt  }
0x60: {  	_ =	shalt  }
0x61: {  	_ =	shalt  }
0x62: {  	_ =	shalt  }
0x63: {  	_ =	shalt  }
0x64: {  	_ =	shalt  }
0x65: {  	_ =	shalt  }
0x66: {  	_ =	shalt  }
0x67: {  	_ =	shalt  }
0x68: {  	_ =	shalt  }
0x69: {  	_ =	shalt  }
0x6a: {  	_ =	shalt  }
0x6b: {  	_ =	shalt  }
0x6c: {  	_ =	shalt  }
0x6d: {  	_ =	shalt  }
0x6e: {  	_ =	shalt  }
0x6f: {  	_ =	shalt  }
0x70: {  	_ =	shalt  }
0x71: {  	_ =	shalt  }
0x72: {  	_ =	shalt  }
0x73: {  	_ =	shalt  }
0x74: {  	_ =	shalt  }
0x75: {  	_ =	shalt  }
0x76: {  	_ =	shalt  }
0x77: {  	_ =	shalt  }
0x78: {  	_ =	shalt  }
0x79: {  	_ =	shalt  }
0x7a: {  	_ =	shalt  }
0x7b: {  	_ =	shalt  }
0x7c: {  	_ =	shalt  }
0x7d: {  	_ =	shalt  }
0x7e: {  	_ =	shalt  }
0x7f: {  	_ =	shalt  }
0x80: {  	_ =	shalt  }
0x81: {  	_ =	shalt  }
0x82: {  	_ =	shalt  }
0x83: {  	_ =	shalt  }
0x84: {  	_ =	shalt  }
0x85: {  	_ =	shalt  }
0x86: {  	_ =	shalt  }
0x87: {  	_ =	shalt  }
.Lfunc_end0:
.L_simem_size_0:
called_computation.2_lowered:
.L_overlay_start_0:
0x88: {  	s2 =	sld [smem:$0x3FD9]  }
0x89: {  	s3 =	sld [smem:$0x3FFE];
	_ =	sdelay $0x1  }
0x8a: {  	s1 =	srdreg.scid  }
0x8b: {  	s0 =	sand.u32 $0x1, s1  }
0x8c: {  	s17 =	sshll.u32 s0, $0xA;
	s2 =	sadd.s32 s3, s2  }
0x8d: {  	s2 =	sadd.s32 s2, s17  }
0x8e: {  	[smem:$0x3FBA] =	sst s2  }
0x8f: {  	_ = 	snop  }
0x90: {  	s2 =	sld [smem:$0x3FD0];
	(tm) =	ssettm $0x1  }
0x91: {  	s18 =	sld [smem:$0x3FFB];
	_ =	sdelay $0x3  }
0x92: {  	_ =	strace s18  }
0x93: {  	s3 =	sld [smem:$0x3FFC];
	_ =	sdelay $0x3  }
0x94: {  	_ =	strace s3  }
0x95: {  	s3 =	sld [smem:$0x3FFD];
	_ =	sdelay $0x3  }
0x96: {  	_ =	strace s3  }
0x97: {  	_ =	strace $0x8FFFFFFF  }
0x98: {  	s19 =	sld [smem:$0x3FDB];
	_ =	sdelay $0x1  }
0x99: {  	s4 =	simm.s32 $_scs_section_size  }
0x9a: {  	s5 =	simm.s32 $_size__tile_overlayer_lowered;
	s6 =	simm.s32 $_tile_overlayer_lowered  }
0x9b: {  	s22 =	simm.s32 $0x1BFF;
	s21 =	sshll.u32 s6, $0x1;
	s3 =	sadd.s32 s4, s19  }
0x9c: {  	s7 =	simm.s32 $0x0;
	s20 =	sshll.u32 s5, $0x1;
	s5 =	sadd.s32 s21, s3  }
0x9d: {  	[timem:s7], [sflag:s22] =	dma.local [hbm:s5], s20  }
0x9e: {  	_ =	swait.ge [sflag:s22], s20  }
0x9f: {  	s4 =	ssub.s32 $0x0, s20;
	[sflag:s22] =	ssyncset.done $0x0  }
0xa0: {  	[sflag:s22] =	ssyncadd.s32 s4;
	_ =	sdelay $0x1  }
0xa1: {  	s23 =	simm.s32 $0x1B8B  }
0xa2: {  	_ =	swait.ge [sflag:s23], $0x1  }
0xa3: {  	[sflag:s23] =	ssyncset.done $0x0  }
0xa4: {  	s25 =	simm.s32 $0x1B8E;
	s24 =	sld [smem:$0x3FFE];
	[sflag:s23] =	ssyncadd.s32 $0xFFFFFFFF  }
0xa5: {  	s26 =	simm.s32 $execute0_lowered;
	[smem:$0x3FD2] =	sst s25  }
0xa6: {  	s5 =	sshll.u32 s26, $0x1;
	_ =	strace $0x8000004C;
	[dreg:$0x1] =	wrdreg $0xFFFFFFFF  }
0xa7: {  	s28 =	simm.s32 $_size_execute0_lowered;
	s3 =	sadd.s32 s3, s5;
	[dreg:$0x0] =	wrdreg $0x0  }
0xa8: {  	s5 =	sshll.u32 s28, $0x1;
	[dreg:$0x2] =	wrdreg s3  }
0xa9: {  	[dreg:$0x3] =	wrdreg s5  }
0xaa: {  	[dreg:$0x4] =	wrdreg $0xC0  }
0xab: {  	_ =	task [dreg:s7], $0x5FFFF  }
0xac: {  	[dreg:$0x1] =	wrdreg $0xFFFFFFFF  }
0xad: {  	[dreg:$0x0] =	wrdreg $0x60  }
0xae: {  	[dreg:$0x2] =	wrdreg s2  }
0xaf: {  	[dreg:$0x3] =	wrdreg s24  }
0xb0: {  	[dreg:$0x4] =	wrdreg $0x9  }
0xb1: {  	_ =	task.clear_ibuf [dreg:s7], $0x5FFFF;
	_ =	strace $0x9000004C  }
0xb2: {  	s29 =	simm.s32 $0x9;
	_ =	strace $0x8000004E  }
0xb3: {  	_ =	swait.ge [sflag:s29], $0x1  }
0xb4: {  	[sflag:s29] =	ssyncadd.s32 $0xFFFFFFFF  }
0xb5: {  	_ =	strace $0x9000004E  }
0xb6: {  	_ =	sfence  }
0xb7: {  	s30 =	sld [smem:$0x0];
	_ =	sdelay $0x2  }
0xb8: {  	s31 =	sshll.u32 s1, $0xD;
	s1 =	sshrl.u32 s1, $0x2  }
0xb9: {  	s3 =	sand.u32 $0x4000, s31;
	s1 =	sadd.s32 s1, s30  }
0xba: {  	s0 =	sor.u32 s3, s0;
	s1 =	sshll.u32 s1, $0x11  }
0xbb: {  	s0 =	sor.u32 s1, s0  }
0xbc: {  	s0 =	sadd.s32 $0x8F2B, s0  }
0xbd: {  	[sflag:s0] =	ssyncadd.remote.s32 $0x1  }
0xbe: {  	_ =	sfence.sel $0xFFFF  }
0xbf: {  	[dreg:$0x0] =	wrdreg $0xFFFFFFFF;
	(pc) =	sbr.abs _section_cstart, $3  }
0xc0: {  	[dreg:$0x1] =	wrdreg $0xFFFFFFFF  }
0xc1: {  	_ =	task.clear_ibuf [dreg:s7], $0x2FFFF;
	_ =	strace $0x9FFFFFFF  }
0xc2: {  	(tm) =	ssettm $0x7FFFFFFF  }
0xc3: {  	_ =	shalt  }
tec
execute0_lowered:
.L_overlay_start_1:
0x0: {  	(tag) =	ssettag $0x1  }
0x1: {  	s1 =	rddreg [dreg:$0x0]  }
0x2: {  	s0 =	rddreg [dreg:$0x1];
	s3 =	simm.s32 $0x0;
	s4 =	srdreg.scid  }
0x3: {  	s2 =	stileid.u32;
	s16 =	simm.s32 $0x2;
	s17 =	simm.s32 $0x3  }
0x4: {  	s18 =	simm.s32 $0x80;
	s19 =	simm.s32 $0x2880;
	s20 =	simm.s32 $0x50  }
0x5: {  	s21 =	simm.s32 $0x2980;
	s22 =	simm.s32 $0x1;
	s24 =	simm.s32 $0x10  }
0x6: {  	s25 =	simm.s32 $0x5180;
	s26 =	simm.s32 $0x0;
	[smem:$0x7FF] =	sst s3  }
0x7: {  	s23 =	sand.u32 $0x1, s4;
	s7 =	smul.u32 $0x280, s2;
	s4 =	sadd.s32 $0x5200, s0  }
0x8: {  	s5 =	sadd.s32 $0x36800, s0;
	s6 =	sadd.s32 $0xF000, s0;
	s15 =	sshll.u32 s2, $0x6  }
0x9: {  	_ =	strace $0x8000004D;
	s8 =	sshll.u32 s23, $0x4;
	s9 =	ssub.s32 $0x2, s23  }
0xa: {  	p0 =	seq.s32 s23, $0x0;
	s15 =	sor.u32 $0x1C02, s15;
	s10 =	sor.u32 s2, s8  }
0xb: {  	s7 =	smin.u32 s7, $0x2530;
	s13 =	sshrl.u32 s9, $0x1;
	s8 =	sshll.u32 s10, $0x1  }
0xc: {  	s14 =	sshll.u32 s7, $0x4;
	s7 =	sadd.s32 $0x540400, s0;
	s31 =	ssub.s32 s9, s13  }
0xd: {  	s12 =	sadd.s32 s8, s0;
	s11 =	sadd.s32 s14, s0;
	s8 =	sadd.s32 $0x568000, s0  }
0xe: {  	s10 =	smul.u32 $0x2710, s10;
	s9 =	sadd.s32 $0x518800, s11;
	s11 =	smov.u32 s8  }
0xf: {  	s13 =	smax.u32 s31, $0x1;
	s12 =	sadd.s32 $0x5000, s12;
	s11 =	smov.u32 @p0 s7  }
0x10: {  	p0 =	sne.s32 s23, $0x0;
	s23 =	simm.s32 $0x2900;
	s14 =	sadd.s32 s11, s14  }
.LBB2_1:
0x11: {  	[hbm:s14], [sflag:s15] =	dma.local [hbm:s9], $0x2800  }
0x12: {  	_ =	swait.ge [sflag:s16], $0x2800  }
0x13: {  	v0 =	vimm.f32 $0.0e+00;
	v1 =	vimm.f32 $0.0e+00;
	[sflag:s16] =	ssyncset.done $0x0  }
0x14: {  	v2 =	vimm.f32 $0.0e+00;
	v3 =	vimm.f32 $0.0e+00;
	v4 =	vimm.f32 $0.0e+00;
	[sflag:s16] =	ssyncadd.s32 $0xFFFFD800  }
0x15: {  	v5 =	vimm.f32 $0.0e+00;
	v6 =	vimm.f32 $0.0e+00;
	v7 =	vimm.f32 $0.0e+00;
	s28 =	simm.s32 $0x0;
	[bflag:$0x0] =	sbarrier.arrive $0xFFFF  }
.LBB2_2:
0x16: {  	s0 =	smul.u32 $0x50, s28;
	_ =	sdelay $0x1  }
0x17: {  	s0 =	sadd.s32 s10, s0  }
0x18: {  	s29 =	sshrl.u32 s0, $0x3  }
0x19: {  	s30 =	sadd.s32 s4, s29  }
0x1a: {  	[tilespmem:s3], [sflag:$0x3] =	stream.linear.gather [hbm4b:s30+s3], $0x50, $0x38;
	[tilespmem:$0x7980] =	vst v63  }
0x1b: {  	_ =	swait.ge [sflag:s17], $0x50  }
0x1c: {  	s0 =	sshll.u32 s0, $0x4;
	[sflag:s17] =	ssyncset.done $0x0  }
0x1d: {  	s0 =	sadd.s32 s5, s0;
	[sflag:s17] =	ssyncadd.s32 $0xFFFFFFB0  }
0x1e: {  	[tilespmem:s18], [sflag:$0x3] =	stream.linear.gather [hbm4b:s0+s3], $0x2800, $0x38;
	[tilespmem:$0x7980] =	vst v63  }
0x1f: {  	_ =	swait.ge [sflag:s17], $0x2800  }
0x20: {  	[sflag:s17] =	ssyncset.done $0x0  }
0x21: {  	s0 =	sadd.s32 s6, s29;
	[sflag:s17] =	ssyncadd.s32 $0xFFFFD800  }
0x22: {  	[tilespmem:s19], [sflag:$0x3] =	stream.linear.gather [hbm4b:s0+s3], $0x50, $0x38;
	[tilespmem:$0x7980] =	vst v63  }
0x23: {  	_ =	swait.ge [sflag:s17], $0x50  }
0x24: {  	[sflag:s17] =	ssyncset.done $0x0  }
0x25: {  	[sflag:s17] =	ssyncadd.s32 $0xFFFFFFB0  }
0x26: {  	[tilespmem:s21], [sflag:$0x1] =	stream.indirect.gather [hbm4b:s1+s20], $0x80, s3, s20, $0xb8;
	[tilespmem:$0x7980] =	vst v63  }
0x27: {  	_ =	swait.ge [sflag:s22], $0x2800  }
0x28: {  	s31 =	simm.s32 $0x5380;
	s30 =	simm.s32 $0x2B80;
	[sflag:s22] =	ssyncset.done $0x0  }
0x29: {  	s29 =	simm.s32 $0xFFFFFFF8;
	s0 =	simm.s32 $0x280;
	[sflag:s22] =	ssyncadd.s32 $0xFFFFD800  }
.LBB2_3:
0x2a: {  	v8 =	vld [tilespmem:s0+$0xFFFFFE00];
	_ =	sdelay $0x1  }
0x2b: {  	v9 =	vld [tilespmem:s30+$0xFFFFFE00];
	_ =	sdelay $0x2  }
0x2c: {  	v7 =	vmul.f32 v8, v7;
	_ =	sdelay $0x1  }
0x2d: {  	v7 =	vadd.f32 v9, v7;
	_ =	sdelay $0x1  }
0x2e: {  	[tilespmem:s31+$0xFFFFFE00] =	vst v7  }
0x2f: {  	v53 =	vld [tilespmem:s30+$0xFFFFFE10];
	_ =	sdelay $0x2  }
0x30: {  	v6 =	vmul.f32 v8, v6;
	_ =	sdelay $0x1  }
0x31: {  	v6 =	vadd.f32 v53, v6;
	_ =	sdelay $0x1  }
0x32: {  	[tilespmem:s31+$0xFFFFFE10] =	vst v6  }
0x33: {  	v54 =	vld [tilespmem:s30+$0xFFFFFE20];
	_ =	sdelay $0x2  }
0x34: {  	v5 =	vmul.f32 v8, v5;
	_ =	sdelay $0x1  }
0x35: {  	v5 =	vadd.f32 v54, v5;
	_ =	sdelay $0x1  }
0x36: {  	[tilespmem:s31+$0xFFFFFE20] =	vst v5  }
0x37: {  	v55 =	vld [tilespmem:s30+$0xFFFFFE30];
	_ =	sdelay $0x2  }
0x38: {  	v4 =	vmul.f32 v8, v4;
	_ =	sdelay $0x1  }
0x39: {  	v4 =	vadd.f32 v55, v4;
	_ =	sdelay $0x1  }
0x3a: {  	[tilespmem:s31+$0xFFFFFE30] =	vst v4  }
0x3b: {  	v56 =	vld [tilespmem:s30+$0xFFFFFE40];
	_ =	sdelay $0x2  }
0x3c: {  	v3 =	vmul.f32 v8, v3;
	_ =	sdelay $0x1  }
0x3d: {  	v3 =	vadd.f32 v56, v3;
	_ =	sdelay $0x1  }
0x3e: {  	[tilespmem:s31+$0xFFFFFE40] =	vst v3  }
0x3f: {  	v57 =	vld [tilespmem:s30+$0xFFFFFE50];
	_ =	sdelay $0x2  }
0x40: {  	v2 =	vmul.f32 v8, v2;
	_ =	sdelay $0x1  }
0x41: {  	v2 =	vadd.f32 v57, v2;
	_ =	sdelay $0x1  }
0x42: {  	[tilespmem:s31+$0xFFFFFE50] =	vst v2  }
0x43: {  	v58 =	vld [tilespmem:s30+$0xFFFFFE60];
	_ =	sdelay $0x2  }
0x44: {  	v1 =	vmul.f32 v8, v1;
	_ =	sdelay $0x1  }
0x45: {  	v1 =	vadd.f32 v58, v1;
	_ =	sdelay $0x1  }
0x46: {  	[tilespmem:s31+$0xFFFFFE60] =	vst v1  }
0x47: {  	v59 =	vld [tilespmem:s30+$0xFFFFFE70];
	_ =	sdelay $0x2  }
0x48: {  	v0 =	vmul.f32 v8, v0;
	_ =	sdelay $0x1  }
0x49: {  	v0 =	vadd.f32 v59, v0;
	_ =	sdelay $0x1  }
0x4a: {  	[tilespmem:s31+$0xFFFFFE70] =	vst v0  }
0x4b: {  	v8 =	vld [tilespmem:s0+$0xFFFFFE80];
	_ =	sdelay $0x1  }
0x4c: {  	v60 =	vld [tilespmem:s30+$0xFFFFFE80];
	_ =	sdelay $0x2  }
0x4d: {  	v7 =	vmul.f32 v8, v7;
	_ =	sdelay $0x1  }
0x4e: {  	v7 =	vadd.f32 v60, v7;
	_ =	sdelay $0x1  }
0x4f: {  	[tilespmem:s31+$0xFFFFFE80] =	vst v7  }
0x50: {  	v61 =	vld [tilespmem:s30+$0xFFFFFE90];
	_ =	sdelay $0x2  }
0x51: {  	v6 =	vmul.f32 v8, v6;
	_ =	sdelay $0x1  }
0x52: {  	v6 =	vadd.f32 v61, v6;
	_ =	sdelay $0x1  }
0x53: {  	[tilespmem:s31+$0xFFFFFE90] =	vst v6  }
0x54: {  	v62 =	vld [tilespmem:s30+$0xFFFFFEA0];
	_ =	sdelay $0x2  }
0x55: {  	v5 =	vmul.f32 v8, v5;
	_ =	sdelay $0x1  }
0x56: {  	v5 =	vadd.f32 v62, v5;
	_ =	sdelay $0x1  }
0x57: {  	[tilespmem:s31+$0xFFFFFEA0] =	vst v5  }
0x58: {  	v63 =	vld [tilespmem:s30+$0xFFFFFEB0];
	_ =	sdelay $0x2  }
0x59: {  	v4 =	vmul.f32 v8, v4;
	_ =	sdelay $0x1  }
0x5a: {  	v4 =	vadd.f32 v63, v4;
	_ =	sdelay $0x1  }
0x5b: {  	[tilespmem:s31+$0xFFFFFEB0] =	vst v4  }
0x5c: {  	v12 =	vld [tilespmem:s30+$0xFFFFFEC0];
	_ =	sdelay $0x2  }
0x5d: {  	v3 =	vmul.f32 v8, v3;
	_ =	sdelay $0x1  }
0x5e: {  	v3 =	vadd.f32 v12, v3;
	_ =	sdelay $0x1  }
0x5f: {  	[tilespmem:s31+$0xFFFFFEC0] =	vst v3  }
0x60: {  	v13 =	vld [tilespmem:s30+$0xFFFFFED0];
	_ =	sdelay $0x2  }
0x61: {  	v2 =	vmul.f32 v8, v2;
	_ =	sdelay $0x1  }
0x62: {  	v2 =	vadd.f32 v13, v2;
	_ =	sdelay $0x1  }
0x63: {  	[tilespmem:s31+$0xFFFFFED0] =	vst v2  }
0x64: {  	v14 =	vld [tilespmem:s30+$0xFFFFFEE0];
	_ =	sdelay $0x2  }
0x65: {  	v1 =	vmul.f32 v8, v1;
	_ =	sdelay $0x1  }
0x66: {  	v1 =	vadd.f32 v14, v1;
	_ =	sdelay $0x1  }
0x67: {  	[tilespmem:s31+$0xFFFFFEE0] =	vst v1  }
0x68: {  	v15 =	vld [tilespmem:s30+$0xFFFFFEF0];
	_ =	sdelay $0x2  }
0x69: {  	v0 =	vmul.f32 v8, v0;
	_ =	sdelay $0x1  }
0x6a: {  	v0 =	vadd.f32 v15, v0;
	_ =	sdelay $0x1  }
0x6b: {  	[tilespmem:s31+$0xFFFFFEF0] =	vst v0  }
0x6c: {  	v8 =	vld [tilespmem:s0+$0xFFFFFF00];
	_ =	sdelay $0x1  }
0x6d: {  	v16 =	vld [tilespmem:s30+$0xFFFFFF00];
	_ =	sdelay $0x2  }
0x6e: {  	v7 =	vmul.f32 v8, v7;
	_ =	sdelay $0x1  }
0x6f: {  	v7 =	vadd.f32 v16, v7;
	_ =	sdelay $0x1  }
0x70: {  	[tilespmem:s31+$0xFFFFFF00] =	vst v7  }
0x71: {  	v17 =	vld [tilespmem:s30+$0xFFFFFF10];
	_ =	sdelay $0x2  }
0x72: {  	v6 =	vmul.f32 v8, v6;
	_ =	sdelay $0x1  }
0x73: {  	v6 =	vadd.f32 v17, v6;
	_ =	sdelay $0x1  }
0x74: {  	[tilespmem:s31+$0xFFFFFF10] =	vst v6  }
0x75: {  	v18 =	vld [tilespmem:s30+$0xFFFFFF20];
	_ =	sdelay $0x2  }
0x76: {  	v5 =	vmul.f32 v8, v5;
	_ =	sdelay $0x1  }
0x77: {  	v5 =	vadd.f32 v18, v5;
	_ =	sdelay $0x1  }
0x78: {  	[tilespmem:s31+$0xFFFFFF20] =	vst v5  }
0x79: {  	v19 =	vld [tilespmem:s30+$0xFFFFFF30];
	_ =	sdelay $0x2  }
0x7a: {  	v4 =	vmul.f32 v8, v4;
	_ =	sdelay $0x1  }
0x7b: {  	v4 =	vadd.f32 v19, v4;
	_ =	sdelay $0x1  }
0x7c: {  	[tilespmem:s31+$0xFFFFFF30] =	vst v4  }
0x7d: {  	v20 =	vld [tilespmem:s30+$0xFFFFFF40];
	_ =	sdelay $0x2  }
0x7e: {  	v3 =	vmul.f32 v8, v3;
	_ =	sdelay $0x1  }
0x7f: {  	v3 =	vadd.f32 v20, v3;
	_ =	sdelay $0x1  }
0x80: {  	[tilespmem:s31+$0xFFFFFF40] =	vst v3  }
0x81: {  	v21 =	vld [tilespmem:s30+$0xFFFFFF50];
	_ =	sdelay $0x2  }
0x82: {  	v2 =	vmul.f32 v8, v2;
	_ =	sdelay $0x1  }
0x83: {  	v2 =	vadd.f32 v21, v2;
	_ =	sdelay $0x1  }
0x84: {  	[tilespmem:s31+$0xFFFFFF50] =	vst v2  }
0x85: {  	v22 =	vld [tilespmem:s30+$0xFFFFFF60];
	_ =	sdelay $0x2  }
0x86: {  	v1 =	vmul.f32 v8, v1;
	_ =	sdelay $0x1  }
0x87: {  	v1 =	vadd.f32 v22, v1;
	_ =	sdelay $0x1  }
0x88: {  	[tilespmem:s31+$0xFFFFFF60] =	vst v1  }
0x89: {  	v23 =	vld [tilespmem:s30+$0xFFFFFF70];
	_ =	sdelay $0x2  }
0x8a: {  	v0 =	vmul.f32 v8, v0;
	_ =	sdelay $0x1  }
0x8b: {  	v0 =	vadd.f32 v23, v0;
	_ =	sdelay $0x1  }
0x8c: {  	[tilespmem:s31+$0xFFFFFF70] =	vst v0  }
0x8d: {  	v8 =	vld [tilespmem:s0+$0xFFFFFF80];
	_ =	sdelay $0x1  }
0x8e: {  	v24 =	vld [tilespmem:s30+$0xFFFFFF80];
	_ =	sdelay $0x2  }
0x8f: {  	v7 =	vmul.f32 v8, v7;
	_ =	sdelay $0x1  }
0x90: {  	v7 =	vadd.f32 v24, v7;
	_ =	sdelay $0x1  }
0x91: {  	[tilespmem:s31+$0xFFFFFF80] =	vst v7  }
0x92: {  	v25 =	vld [tilespmem:s30+$0xFFFFFF90];
	_ =	sdelay $0x2  }
0x93: {  	v6 =	vmul.f32 v8, v6;
	_ =	sdelay $0x1  }
0x94: {  	v6 =	vadd.f32 v25, v6;
	_ =	sdelay $0x1  }
0x95: {  	[tilespmem:s31+$0xFFFFFF90] =	vst v6  }
0x96: {  	v26 =	vld [tilespmem:s30+$0xFFFFFFA0];
	_ =	sdelay $0x2  }
0x97: {  	v5 =	vmul.f32 v8, v5;
	_ =	sdelay $0x1  }
0x98: {  	v5 =	vadd.f32 v26, v5;
	_ =	sdelay $0x1  }
0x99: {  	[tilespmem:s31+$0xFFFFFFA0] =	vst v5  }
0x9a: {  	v27 =	vld [tilespmem:s30+$0xFFFFFFB0];
	_ =	sdelay $0x2  }
0x9b: {  	v4 =	vmul.f32 v8, v4;
	_ =	sdelay $0x1  }
0x9c: {  	v4 =	vadd.f32 v27, v4;
	_ =	sdelay $0x1  }
0x9d: {  	[tilespmem:s31+$0xFFFFFFB0] =	vst v4  }
0x9e: {  	v28 =	vld [tilespmem:s30+$0xFFFFFFC0];
	_ =	sdelay $0x2  }
0x9f: {  	v3 =	vmul.f32 v8, v3;
	_ =	sdelay $0x1  }
0xa0: {  	v3 =	vadd.f32 v28, v3;
	_ =	sdelay $0x1  }
0xa1: {  	[tilespmem:s31+$0xFFFFFFC0] =	vst v3  }
0xa2: {  	v29 =	vld [tilespmem:s30+$0xFFFFFFD0];
	_ =	sdelay $0x2  }
0xa3: {  	v2 =	vmul.f32 v8, v2;
	_ =	sdelay $0x1  }
0xa4: {  	v2 =	vadd.f32 v29, v2;
	_ =	sdelay $0x1  }
0xa5: {  	[tilespmem:s31+$0xFFFFFFD0] =	vst v2  }
0xa6: {  	v30 =	vld [tilespmem:s30+$0xFFFFFFE0];
	_ =	sdelay $0x2  }
0xa7: {  	v1 =	vmul.f32 v8, v1;
	_ =	sdelay $0x1  }
0xa8: {  	v1 =	vadd.f32 v30, v1;
	_ =	sdelay $0x1  }
0xa9: {  	[tilespmem:s31+$0xFFFFFFE0] =	vst v1  }
0xaa: {  	v31 =	vld [tilespmem:s30+$0xFFFFFFF0];
	_ =	sdelay $0x2  }
0xab: {  	v0 =	vmul.f32 v8, v0;
	_ =	sdelay $0x1  }
0xac: {  	v0 =	vadd.f32 v31, v0;
	_ =	sdelay $0x1  }
0xad: {  	[tilespmem:s31+$0xFFFFFFF0] =	vst v0  }
0xae: {  	v8 =	vld [tilespmem:s0+$0x0];
	_ =	sdelay $0x1  }
0xaf: {  	v32 =	vld [tilespmem:s30+$0x0];
	_ =	sdelay $0x2  }
0xb0: {  	v7 =	vmul.f32 v8, v7;
	_ =	sdelay $0x1  }
0xb1: {  	v7 =	vadd.f32 v32, v7;
	_ =	sdelay $0x1  }
0xb2: {  	[tilespmem:s31+$0x0] =	vst v7  }
0xb3: {  	v33 =	vld [tilespmem:s30+$0x10];
	_ =	sdelay $0x2  }
0xb4: {  	v6 =	vmul.f32 v8, v6;
	_ =	sdelay $0x1  }
0xb5: {  	v6 =	vadd.f32 v33, v6;
	_ =	sdelay $0x1  }
0xb6: {  	[tilespmem:s31+$0x10] =	vst v6  }
0xb7: {  	v34 =	vld [tilespmem:s30+$0x20];
	_ =	sdelay $0x2  }
0xb8: {  	v5 =	vmul.f32 v8, v5;
	_ =	sdelay $0x1  }
0xb9: {  	v5 =	vadd.f32 v34, v5;
	_ =	sdelay $0x1  }
0xba: {  	[tilespmem:s31+$0x20] =	vst v5  }
0xbb: {  	v35 =	vld [tilespmem:s30+$0x30];
	_ =	sdelay $0x2  }
0xbc: {  	v4 =	vmul.f32 v8, v4;
	_ =	sdelay $0x1  }
0xbd: {  	v4 =	vadd.f32 v35, v4;
	_ =	sdelay $0x1  }
0xbe: {  	[tilespmem:s31+$0x30] =	vst v4  }
0xbf: {  	v36 =	vld [tilespmem:s30+$0x40];
	_ =	sdelay $0x2  }
0xc0: {  	v3 =	vmul.f32 v8, v3;
	_ =	sdelay $0x1  }
0xc1: {  	v3 =	vadd.f32 v36, v3;
	_ =	sdelay $0x1  }
0xc2: {  	[tilespmem:s31+$0x40] =	vst v3  }
0xc3: {  	v37 =	vld [tilespmem:s30+$0x50];
	_ =	sdelay $0x2  }
0xc4: {  	v2 =	vmul.f32 v8, v2;
	_ =	sdelay $0x1  }
0xc5: {  	v2 =	vadd.f32 v37, v2;
	_ =	sdelay $0x1  }
0xc6: {  	[tilespmem:s31+$0x50] =	vst v2  }
0xc7: {  	v38 =	vld [tilespmem:s30+$0x60];
	_ =	sdelay $0x2  }
0xc8: {  	v1 =	vmul.f32 v8, v1;
	_ =	sdelay $0x1  }
0xc9: {  	v1 =	vadd.f32 v38, v1;
	_ =	sdelay $0x1  }
0xca: {  	[tilespmem:s31+$0x60] =	vst v1  }
0xcb: {  	v39 =	vld [tilespmem:s30+$0x70];
	_ =	sdelay $0x2  }
0xcc: {  	v0 =	vmul.f32 v8, v0;
	_ =	sdelay $0x1  }
0xcd: {  	v0 =	vadd.f32 v39, v0;
	_ =	sdelay $0x1  }
0xce: {  	[tilespmem:s31+$0x70] =	vst v0  }
0xcf: {  	v8 =	vld [tilespmem:s0+$0x80];
	_ =	sdelay $0x1  }
0xd0: {  	v40 =	vld [tilespmem:s30+$0x80];
	_ =	sdelay $0x2  }
0xd1: {  	v7 =	vmul.f32 v8, v7;
	_ =	sdelay $0x1  }
0xd2: {  	v7 =	vadd.f32 v40, v7;
	_ =	sdelay $0x1  }
0xd3: {  	[tilespmem:s31+$0x80] =	vst v7  }
0xd4: {  	v41 =	vld [tilespmem:s30+$0x90];
	_ =	sdelay $0x2  }
0xd5: {  	v6 =	vmul.f32 v8, v6;
	_ =	sdelay $0x1  }
0xd6: {  	v6 =	vadd.f32 v41, v6;
	_ =	sdelay $0x1  }
0xd7: {  	[tilespmem:s31+$0x90] =	vst v6  }
0xd8: {  	v42 =	vld [tilespmem:s30+$0xA0];
	_ =	sdelay $0x2  }
0xd9: {  	v5 =	vmul.f32 v8, v5;
	_ =	sdelay $0x1  }
0xda: {  	v5 =	vadd.f32 v42, v5;
	_ =	sdelay $0x1  }
0xdb: {  	[tilespmem:s31+$0xA0] =	vst v5  }
0xdc: {  	v43 =	vld [tilespmem:s30+$0xB0];
	_ =	sdelay $0x2  }
0xdd: {  	v4 =	vmul.f32 v8, v4;
	_ =	sdelay $0x1  }
0xde: {  	v4 =	vadd.f32 v43, v4;
	_ =	sdelay $0x1  }
0xdf: {  	[tilespmem:s31+$0xB0] =	vst v4  }
0xe0: {  	v44 =	vld [tilespmem:s30+$0xC0];
	_ =	sdelay $0x2  }
0xe1: {  	v3 =	vmul.f32 v8, v3;
	_ =	sdelay $0x1  }
0xe2: {  	v3 =	vadd.f32 v44, v3;
	_ =	sdelay $0x1  }
0xe3: {  	[tilespmem:s31+$0xC0] =	vst v3  }
0xe4: {  	v45 =	vld [tilespmem:s30+$0xD0];
	_ =	sdelay $0x2  }
0xe5: {  	v2 =	vmul.f32 v8, v2;
	_ =	sdelay $0x1  }
0xe6: {  	v2 =	vadd.f32 v45, v2;
	_ =	sdelay $0x1  }
0xe7: {  	[tilespmem:s31+$0xD0] =	vst v2  }
0xe8: {  	v46 =	vld [tilespmem:s30+$0xE0];
	_ =	sdelay $0x2  }
0xe9: {  	v1 =	vmul.f32 v8, v1;
	_ =	sdelay $0x1  }
0xea: {  	v1 =	vadd.f32 v46, v1;
	_ =	sdelay $0x1  }
0xeb: {  	[tilespmem:s31+$0xE0] =	vst v1  }
0xec: {  	v47 =	vld [tilespmem:s30+$0xF0];
	_ =	sdelay $0x2  }
0xed: {  	v0 =	vmul.f32 v8, v0;
	_ =	sdelay $0x1  }
0xee: {  	v0 =	vadd.f32 v47, v0;
	_ =	sdelay $0x1  }
0xef: {  	[tilespmem:s31+$0xF0] =	vst v0  }
0xf0: {  	v8 =	vld [tilespmem:s0+$0x100];
	_ =	sdelay $0x1  }
0xf1: {  	v48 =	vld [tilespmem:s30+$0x100];
	_ =	sdelay $0x2  }
0xf2: {  	v7 =	vmul.f32 v8, v7;
	_ =	sdelay $0x1  }
0xf3: {  	v7 =	vadd.f32 v48, v7;
	_ =	sdelay $0x1  }
0xf4: {  	[tilespmem:s31+$0x100] =	vst v7  }
0xf5: {  	v49 =	vld [tilespmem:s30+$0x110];
	_ =	sdelay $0x2  }
0xf6: {  	v6 =	vmul.f32 v8, v6;
	_ =	sdelay $0x1  }
0xf7: {  	v6 =	vadd.f32 v49, v6;
	_ =	sdelay $0x1  }
0xf8: {  	[tilespmem:s31+$0x110] =	vst v6  }
0xf9: {  	v50 =	vld [tilespmem:s30+$0x120];
	_ =	sdelay $0x2  }
0xfa: {  	v5 =	vmul.f32 v8, v5;
	_ =	sdelay $0x1  }
0xfb: {  	v5 =	vadd.f32 v50, v5;
	_ =	sdelay $0x1  }
0xfc: {  	[tilespmem:s31+$0x120] =	vst v5  }
0xfd: {  	v51 =	vld [tilespmem:s30+$0x130];
	_ =	sdelay $0x2  }
0xfe: {  	v4 =	vmul.f32 v8, v4;
	_ =	sdelay $0x1  }
0xff: {  	v4 =	vadd.f32 v51, v4;
	_ =	sdelay $0x1  }
0x100: {  	[tilespmem:s31+$0x130] =	vst v4  }
0x101: {  	v52 =	vld [tilespmem:s30+$0x140];
	_ =	sdelay $0x2  }
0x102: {  	v3 =	vmul.f32 v8, v3;
	_ =	sdelay $0x1  }
0x103: {  	v3 =	vadd.f32 v52, v3;
	_ =	sdelay $0x1  }
0x104: {  	[tilespmem:s31+$0x140] =	vst v3  }
0x105: {  	v53 =	vld [tilespmem:s30+$0x150];
	_ =	sdelay $0x2  }
0x106: {  	v2 =	vmul.f32 v8, v2;
	_ =	sdelay $0x1  }
0x107: {  	v2 =	vadd.f32 v53, v2;
	_ =	sdelay $0x1  }
0x108: {  	[tilespmem:s31+$0x150] =	vst v2  }
0x109: {  	v54 =	vld [tilespmem:s30+$0x160];
	_ =	sdelay $0x2  }
0x10a: {  	v1 =	vmul.f32 v8, v1;
	_ =	sdelay $0x1  }
0x10b: {  	v1 =	vadd.f32 v54, v1;
	_ =	sdelay $0x1  }
0x10c: {  	[tilespmem:s31+$0x160] =	vst v1  }
0x10d: {  	v55 =	vld [tilespmem:s30+$0x170];
	_ =	sdelay $0x2  }
0x10e: {  	v0 =	vmul.f32 v8, v0;
	_ =	sdelay $0x1  }
0x10f: {  	v0 =	vadd.f32 v55, v0;
	_ =	sdelay $0x1  }
0x110: {  	[tilespmem:s31+$0x170] =	vst v0  }
0x111: {  	v8 =	vld [tilespmem:s0+$0x180];
	_ =	sdelay $0x1  }
0x112: {  	v56 =	vld [tilespmem:s30+$0x180];
	_ =	sdelay $0x2  }
0x113: {  	v7 =	vmul.f32 v8, v7;
	_ =	sdelay $0x1  }
0x114: {  	v7 =	vadd.f32 v56, v7;
	_ =	sdelay $0x1  }
0x115: {  	[tilespmem:s31+$0x180] =	vst v7  }
0x116: {  	v57 =	vld [tilespmem:s30+$0x190];
	_ =	sdelay $0x2  }
0x117: {  	v6 =	vmul.f32 v8, v6;
	_ =	sdelay $0x1  }
0x118: {  	v6 =	vadd.f32 v57, v6;
	_ =	sdelay $0x1  }
0x119: {  	[tilespmem:s31+$0x190] =	vst v6  }
0x11a: {  	v58 =	vld [tilespmem:s30+$0x1A0];
	_ =	sdelay $0x2  }
0x11b: {  	v5 =	vmul.f32 v8, v5;
	_ =	sdelay $0x1  }
0x11c: {  	v5 =	vadd.f32 v58, v5;
	_ =	sdelay $0x1  }
0x11d: {  	[tilespmem:s31+$0x1A0] =	vst v5  }
0x11e: {  	v59 =	vld [tilespmem:s30+$0x1B0];
	_ =	sdelay $0x2  }
0x11f: {  	v4 =	vmul.f32 v8, v4;
	_ =	sdelay $0x1  }
0x120: {  	v4 =	vadd.f32 v59, v4;
	_ =	sdelay $0x1  }
0x121: {  	[tilespmem:s31+$0x1B0] =	vst v4  }
0x122: {  	v60 =	vld [tilespmem:s30+$0x1C0];
	_ =	sdelay $0x2  }
0x123: {  	v3 =	vmul.f32 v8, v3;
	_ =	sdelay $0x1  }
0x124: {  	v3 =	vadd.f32 v60, v3;
	_ =	sdelay $0x1  }
0x125: {  	[tilespmem:s31+$0x1C0] =	vst v3  }
0x126: {  	v61 =	vld [tilespmem:s30+$0x1D0];
	_ =	sdelay $0x2  }
0x127: {  	v2 =	vmul.f32 v8, v2;
	_ =	sdelay $0x1  }
0x128: {  	v2 =	vadd.f32 v61, v2;
	_ =	sdelay $0x1  }
0x129: {  	[tilespmem:s31+$0x1D0] =	vst v2  }
0x12a: {  	v62 =	vld [tilespmem:s30+$0x1E0];
	_ =	sdelay $0x2  }
0x12b: {  	v1 =	vmul.f32 v8, v1;
	_ =	sdelay $0x1  }
0x12c: {  	v1 =	vadd.f32 v62, v1;
	_ =	sdelay $0x1  }
0x12d: {  	[tilespmem:s31+$0x1E0] =	vst v1  }
0x12e: {  	v63 =	vld [tilespmem:s30+$0x1F0]  }
0x12f: {  	s29 =	sadd.s32 $0x8, s29  }
0x130: {  	p1 =	slt.u32 s29, $0x48  }
.Ltmp0:
0x131: {  	v0 =	vmul.f32 v8, v0;
	(pc) =	sbr.rel @p1 .LBB2_3-.Ltmp0, $3  }
0x132: {  	_ = 	snop  }
0x133: {  	v0 =	vadd.f32 v63, v0;
	_ =	sdelay $0x1  }
0x134: {  	s0 =	sadd.s32 $0x400, s0;
	s30 =	sadd.s32 $0x400, s30;
	[tilespmem:s31+$0x1F0] =	vst v0;
	s31 =	sadd.s32 $0x400, s31  }
0x135: {  	s0 =	simm.s32 @p0 $0x50;
	s29 =	simm.s32 @p0 $0x2880;
	s30 =	simm.s32 @p0 $0x5180  }
0x136: {  	[hbm4b:s8+s0] =	stream.indirect.scatter @p0 [tilespmem:s30], [sflag:$0x2], $0x80, s29, s0, $0xb8;
	[tilespmem:$0x7980] =	vst v63  }
0x137: {  	s0 =	simm.s32 @p0 $0x2  }
0x138: {  	s28 =	sadd.s32 $0x1, s28;
	_ =	swait.ge @p0 [sflag:s0], $0x2800  }
0x139: {  	s29 =	simm.s32 @!p0 $0x2880;
	s30 =	simm.s32 @!p0 $0x5180;
	[sflag:s0] =	ssyncset.done @p0 $0x0  }
0x13a: {  	p1 =	sne.s32 s28, $0x7D;
	[sflag:s0] =	ssyncadd.s32 @p0 $0xFFFFD800;
	s0 =	simm.s32 @!p0 $0x50  }
0x13b: {  	[hbm4b:s7+s0] =	stream.indirect.scatter @!p0 [tilespmem:s30], [sflag:$0x3], $0x80, s29, s0, $0xb8;
	[tilespmem:$0x7980] =	vst v63  }
.Ltmp1:
0x13c: {  	_ = 	snop;
	(pc) =	sbr.rel @p1 .LBB2_2-.Ltmp1, $4  }
0x13d: {  	s0 =	simm.s32 @!p0 $0x3  }
0x13e: {  	_ =	swait.ge @!p0 [sflag:s0], $0x2800  }
0x13f: {  	[sflag:s0] =	ssyncset.done @!p0 $0x0  }
0x140: {  	[sflag:s0] =	ssyncadd.s32 @!p0 $0xFFFFD800  }
0x141: {  	[tilespmem:$0x5180] =	vst v7  }
0x142: {  	[tilespmem:$0x5190] =	vst v6  }
0x143: {  	[tilespmem:$0x51A0] =	vst v5  }
0x144: {  	[tilespmem:$0x51B0] =	vst v4  }
0x145: {  	[tilespmem:$0x51C0] =	vst v3  }
0x146: {  	[tilespmem:$0x51D0] =	vst v2  }
0x147: {  	[tilespmem:$0x51E0] =	vst v1  }
0x148: {  	[tilespmem:$0x51F0] =	vst v0  }
0x149: {  	[tilespmem:s23], [sflag:$0x2] =	stream.linear.gather [hbm4b:s12+s3], $0x10, $0x38;
	[tilespmem:$0x7980] =	vst v63  }
0x14a: {  	s26 =	sadd.s32 $0x1, s26;
	_ =	swait.ge [sflag:s16], $0x10  }
0x14b: {  	p1 =	sne.s32 s26, s13;
	[sflag:s16] =	ssyncset.done $0x0  }
.Ltmp2:
0x14c: {  	[sflag:s16] =	ssyncadd.s32 $0xFFFFFFF0;
	(pc) =	sbr.rel @p1 .LBB2_1-.Ltmp2, $4  }
0x14d: {  	[hbm4b:s11+s24] =	stream.indirect.scatter [tilespmem:s25], [sflag:$0x2], $0x80, s23, s24, $0xb8;
	[tilespmem:$0x7980] =	vst v63  }
0x14e: {  	_ =	swait.ge [sflag:s16], $0x800  }
0x14f: {  	[sflag:s16] =	ssyncset.done $0x0  }
0x150: {  	[sflag:s16] =	ssyncadd.s32 $0xFFFFF800  }
0x151: {  	_ =	sfence.sel $0x180000  }
0x152: {  	[bflag:$0x0] =	sbarrier.arrive $0xFFFF  }
0x153: {  	_ =	strace $0x9000004D  }
0x154: {  	[bflag:$0x2] =	sbarrier.arrive $0xFFFF  }
0x155: {  	p0 =	sne.s32 s2, $0x0;
	s0 =	rddreg [dreg:$0x2]  }
0x156: {  	s0 =	sadd.s32 @!p0 $0x100000, s0  }
0x157: {  	[sflag:s0] =	ssyncadd.tile.s32 @!p0 $0x1;
	_ =	shalt  }
.Lfunc_end2:
_tile_overlayer_lowered:
.L_overlay_start_2:
0x158: {  	(tag) =	ssettag $0x2  }
0x159: {  	s0 =	rddreg [dreg:$0x0];
	s2 =	stileid.u32  }
0x15a: {  	s1 =	rddreg [dreg:$0x1];
	p0 =	sne.s32 s2, $0x0  }
0x15b: {  	s3 =	rddreg [dreg:$0x2];
	[bflag:$0x3] =	sbarrier.arrive $0xFFFF;
	s2 =	simm.s32 @!p0 $0x1C02  }
0x15c: {  	[timem:s3], [sflag:s2] =	dma.local @!p0 [hbm:s0], s1  }
0x15d: {  	s0 =	simm.s32 @!p0 $0x2  }
0x15e: {  	_ =	swait.ge @!p0 [sflag:s0], s1  }
0x15f: {  	s1 =	ssub.s32 @!p0 $0x0, s1;
	[sflag:s0] =	ssyncset.done @!p0 $0x0  }
0x160: {  	[sflag:s0] =	ssyncadd.s32 @!p0 s1  }
0x161: {  	[bflag:$0x3] =	sbarrier.arrive $0xFFFF  }
0x162: {  	_ =	shalt  }

// kernel: kernel.19.cloned.1.call-start
scs
__scs_entry_jumppad:
0x0: {  	(pc) =	sbr.rel $0x88, $3  }
0x1: {  	(tag) =	ssettag $0x0;
	lr =	simm.s32 $0x1  }
0x2: {  	[smem:$0x3F93] =	sst lr;
	_ =	strace $0xD0000000  }
0x3: {  	_ = 	snop  }
0x4: {  	_ = 	snop  }
0x5: {  	_ = 	snop  }
0x6: {  	_ = 	snop  }
0x7: {  	_ = 	snop  }
__scs_overlays_trampoline_lowered:
0x8: {  	[smem:$0x3FA2] =	sst s0  }
0x9: {  	[smem:$0x3FA3] =	sst s1  }
0xa: {  	[smem:$0x3FA4] =	sst s2  }
0xb: {  	[smem:$0x3FA5] =	sst s3  }
0xc: {  	[smem:$0x3FA6] =	sst s4  }
0xd: {  	[smem:$0x3FA7] =	sst s5  }
0xe: {  	[smem:$0x3FA8] =	sst s6  }
0xf: {  	[smem:$0x3FA9] =	sst s7  }
0x10: {  	[smem:$0x3FAA] =	sst s8  }
0x11: {  	[smem:$0x3FAB] =	sst s9;
	s0 =	simm.s32 @!p0 $0x0  }
0x12: {  	s1 =	sld [smem:$0x3F91];
	s0 =	simm.s32 @p0 $0x1  }
0x13: {  	[smem:$0x3FAC] =	sst s0;
	s0 =	simm.s32 @!p1 $0x0  }
0x14: {  	s2 =	sld [smem:$0x3F90];
	s0 =	simm.s32 @p1 $0x1  }
0x15: {  	[smem:$0x3FAD] =	sst s0;
	s0 =	simm.s32 @!p2 $0x0  }
0x16: {  	s3 =	sld [smem:$0x3FDB];
	s0 =	simm.s32 @p2 $0x1  }
0x17: {  	s4 =	simm.s32 $0x1BF5;
	[smem:$0x3FAF] =	sst s0  }
0x18: {  	s0 =	sld [smem:$0x3F92];
	_ =	swait.ge [sflag:s4], $0x0  }
0x19: {  	s7 =	sld [smem:$0x3F93]  }
0x1a: {  	s8 =	sadd.s32 $0xFFFFE003, lr  }
0x1b: {  	s9 =	sadd.s32 $0xFFFFFEF7, lr;
	s5 =	simm.s32 $0xFFFFFFFF;
	p2 =	slt.u32 s8, $0xFFFFF086  }
0x1c: {  	p1 =	slt.u32 s9, $0xF7A;
	s5 =	simm.s32 @!p2 $0x0  }
0x1d: {  	s5 =	simm.s32 @p1 $0x1;
	p0 =	seq.s32 s7, s2  }
0x1e: {  	s7 =	smul.u32 @!p0 $0xF7A, s2;
	p2 =	seq.s32 @!p0 s5, $0x0  }
0x1f: {  	s9 =	smul.u32 $0xF7A, s1;
	s8 =	simm.s32 @!p0 $0x1BF5;
	p2 =	por !p2, p0  }
0x20: {  	[sflag:s8] =	ssyncset.s32 @!p0 $0xFFFFF086;
	s6 =	sadd.s32 @!p0 s3, s7;
	s7 =	simm.s32 @!p0 $0x108  }
0x21: {  	s3 =	sadd.s32 s3, s9;
	s6 =	sadd.s32 @!p0 $0x88, s6;
	s7 =	simm.s32 @p2 $0x1082  }
0x22: {  	[simem:s7], [sflag:s8] =	dma.local @!p0 [hbm:s6], $0xF7A  }
0x23: {  	s9 =	sor.u32 $0xD0000000, s2;
	s6 =	simm.s32 $0x108;
	_ =	swait.ge @!p0 [sflag:s8], $0x0  }
0x24: {  	s3 =	sadd.s32 $0x88, s3;
	s6 =	simm.s32 @!p1 $0x1082;
	[sflag:s4] =	ssyncset.s32 $0xFFFFF086  }
0x25: {  	[simem:s6], [sflag:s4] =	dma.local [hbm:s3], $0xF7A  }
0x26: {  	[smem:$0x3F93] =	sst s1;
	(tag) =	ssettag s2;
	_ =	strace s9  }
0x27: {  	s1 =	sld [smem:$0x3FA3]  }
0x28: {  	s2 =	sld [smem:$0x3FA4]  }
0x29: {  	s4 =	sld [smem:$0x3FA6]  }
0x2a: {  	p0 =	seq.s32 s5, $0x0;
	s5 =	sld [smem:$0x3FA7]  }
0x2b: {  	s6 =	sld [smem:$0x3FA8]  }
0x2c: {  	s7 =	sld [smem:$0x3FA9]  }
0x2d: {  	s3 =	simm.s32 $0x108;
	s8 =	sld [smem:$0x3FAA]  }
0x2e: {  	s3 =	simm.s32 @!p0 $0x1082;
	s9 =	sld [smem:$0x3FAB]  }
0x2f: {  	lr =	sadd.s32 s0, s3;
	s0 =	sld [smem:$0x3FA2]  }
0x30: {  	s3 =	sld [smem:$0x3FA5]  }
0x31: {  	[smem:$0x3FAE] =	sst s10  }
0x32: {  	s10 =	sld [smem:$0x3FAC];
	_ =	sdelay $0x3  }
0x33: {  	p0 =	seq.s32 s10, $0x1;
	s10 =	sld [smem:$0x3FAE];
	_ =	sdelay $0x3  }
0x34: {  	[smem:$0x3FAE] =	sst s10  }
0x35: {  	s10 =	sld [smem:$0x3FAD];
	_ =	sdelay $0x3  }
0x36: {  	p1 =	seq.s32 s10, $0x1;
	s10 =	sld [smem:$0x3FAE];
	_ =	sdelay $0x3  }
0x37: {  	[smem:$0x3FAE] =	sst s10  }
0x38: {  	s10 =	sld [smem:$0x3FAF]  }
0x39: {  	_ = 	snop;
	(pc) =	sbr.ind lr, $3  }
0x3a: {  	_ = 	snop  }
0x3b: {  	_ = 	snop  }
0x3c: {  	p2 =	seq.s32 s10, $0x1;
	s10 =	sld [smem:$0x3FAE]  }
0x3d: {  	_ =	shalt  }
0x3e: {  	_ =	shalt  }
0x3f: {  	_ =	shalt  }
0x40: {  	_ =	shalt  }
0x41: {  	_ =	shalt  }
0x42: {  	_ =	shalt  }
0x43: {  	_ =	shalt  }
0x44: {  	_ =	shalt  }
0x45: {  	_ =	shalt  }
0x46: {  	_ =	shalt  }
0x47: {  	_ =	shalt  }
0x48: {  	_ =	shalt  }
0x49: {  	_ =	shalt  }
0x4a: {  	_ =	shalt  }
0x4b: {  	_ =	shalt  }
0x4c: {  	_ =	shalt  }
0x4d: {  	_ =	shalt  }
0x4e: {  	_ =	shalt  }
0x4f: {  	_ =	shalt  }
0x50: {  	_ =	shalt  }
0x51: {  	_ =	shalt  }
0x52: {  	_ =	shalt  }
0x53: {  	_ =	shalt  }
0x54: {  	_ =	shalt  }
0x55: {  	_ =	shalt  }
0x56: {  	_ =	shalt  }
0x57: {  	_ =	shalt  }
0x58: {  	_ =	shalt  }
0x59: {  	_ =	shalt  }
0x5a: {  	_ =	shalt  }
0x5b: {  	_ =	shalt  }
0x5c: {  	_ =	shalt  }
0x5d: {  	_ =	shalt  }
0x5e: {  	_ =	shalt  }
0x5f: {  	_ =	shalt  }
0x60: {  	_ =	shalt  }
0x61: {  	_ =	shalt  }
0x62: {  	_ =	shalt  }
0x63: {  	_ =	shalt  }
0x64: {  	_ =	shalt  }
0x65: {  	_ =	shalt  }
0x66: {  	_ =	shalt  }
0x67: {  	_ =	shalt  }
0x68: {  	_ =	shalt  }
0x69: {  	_ =	shalt  }
0x6a: {  	_ =	shalt  }
0x6b: {  	_ =	shalt  }
0x6c: {  	_ =	shalt  }
0x6d: {  	_ =	shalt  }
0x6e: {  	_ =	shalt  }
0x6f: {  	_ =	shalt  }
0x70: {  	_ =	shalt  }
0x71: {  	_ =	shalt  }
0x72: {  	_ =	shalt  }
0x73: {  	_ =	shalt  }
0x74: {  	_ =	shalt  }
0x75: {  	_ =	shalt  }
0x76: {  	_ =	shalt  }
0x77: {  	_ =	shalt  }
0x78: {  	_ =	shalt  }
0x79: {  	_ =	shalt  }
0x7a: {  	_ =	shalt  }
0x7b: {  	_ =	shalt  }
0x7c: {  	_ =	shalt  }
0x7d: {  	_ =	shalt  }
0x7e: {  	_ =	shalt  }
0x7f: {  	_ =	shalt  }
0x80: {  	_ =	shalt  }
0x81: {  	_ =	shalt  }
0x82: {  	_ =	shalt  }
0x83: {  	_ =	shalt  }
0x84: {  	_ =	shalt  }
0x85: {  	_ =	shalt  }
0x86: {  	_ =	shalt  }
0x87: {  	_ =	shalt  }
.Lfunc_end0:
.L_simem_size_0:
called_computation.3_lowered:
.L_overlay_start_0:
0x88: {  	s2 =	sld [smem:$0x3FD9]  }
0x89: {  	s3 =	sld [smem:$0x3FFE];
	_ =	sdelay $0x1  }
0x8a: {  	s1 =	srdreg.scid  }
0x8b: {  	s0 =	sand.u32 $0x1, s1  }
0x8c: {  	s17 =	sshll.u32 s0, $0xA;
	s2 =	sadd.s32 s3, s2  }
0x8d: {  	s2 =	sadd.s32 s2, s17  }
0x8e: {  	[smem:$0x3FBA] =	sst s2  }
0x8f: {  	_ = 	snop  }
0x90: {  	s2 =	sld [smem:$0x3FD0];
	(tm) =	ssettm $0x1  }
0x91: {  	s18 =	sld [smem:$0x3FFB];
	_ =	sdelay $0x3  }
0x92: {  	_ =	strace s18  }
0x93: {  	s3 =	sld [smem:$0x3FFC];
	_ =	sdelay $0x3  }
0x94: {  	_ =	strace s3  }
0x95: {  	s3 =	sld [smem:$0x3FFD];
	_ =	sdelay $0x3  }
0x96: {  	_ =	strace s3  }
0x97: {  	_ =	strace $0x8FFFFFFF  }
0x98: {  	s19 =	sld [smem:$0x3FDB];
	_ =	sdelay $0x1  }
0x99: {  	s4 =	simm.s32 $_scs_section_size  }
0x9a: {  	s5 =	simm.s32 $_size__tile_overlayer_lowered;
	s6 =	simm.s32 $_tile_overlayer_lowered  }
0x9b: {  	s22 =	simm.s32 $0x1BFF;
	s21 =	sshll.u32 s6, $0x1;
	s3 =	sadd.s32 s4, s19  }
0x9c: {  	s7 =	simm.s32 $0x0;
	s20 =	sshll.u32 s5, $0x1;
	s5 =	sadd.s32 s21, s3  }
0x9d: {  	[timem:s7], [sflag:s22] =	dma.local [hbm:s5], s20  }
0x9e: {  	_ =	swait.ge [sflag:s22], s20  }
0x9f: {  	s4 =	ssub.s32 $0x0, s20;
	[sflag:s22] =	ssyncset.done $0x0  }
0xa0: {  	[sflag:s22] =	ssyncadd.s32 s4;
	_ =	sdelay $0x1  }
0xa1: {  	s23 =	simm.s32 $0x1B8B  }
0xa2: {  	_ =	swait.ge [sflag:s23], $0x1  }
0xa3: {  	[sflag:s23] =	ssyncset.done $0x0  }
0xa4: {  	s25 =	simm.s32 $0x1B8E;
	s24 =	sld [smem:$0x3FFE];
	[sflag:s23] =	ssyncadd.s32 $0xFFFFFFFF  }
0xa5: {  	s26 =	simm.s32 $execute0_lowered;
	[smem:$0x3FD2] =	sst s25  }
0xa6: {  	s5 =	sshll.u32 s26, $0x1;
	_ =	strace $0x8000004F;
	[dreg:$0x1] =	wrdreg $0xFFFFFFFF  }
0xa7: {  	s28 =	simm.s32 $_size_execute0_lowered;
	s3 =	sadd.s32 s3, s5;
	[dreg:$0x0] =	wrdreg $0x0  }
0xa8: {  	s5 =	sshll.u32 s28, $0x1;
	[dreg:$0x2] =	wrdreg s3  }
0xa9: {  	[dreg:$0x3] =	wrdreg s5  }
0xaa: {  	[dreg:$0x4] =	wrdreg $0xC0  }
0xab: {  	_ =	task [dreg:s7], $0x5FFFF  }
0xac: {  	[dreg:$0x1] =	wrdreg $0xFFFFFFFF  }
0xad: {  	[dreg:$0x0] =	wrdreg $0x60  }
0xae: {  	[dreg:$0x2] =	wrdreg s2  }
0xaf: {  	[dreg:$0x3] =	wrdreg s24  }
0xb0: {  	[dreg:$0x4] =	wrdreg $0x9  }
0xb1: {  	_ =	task.clear_ibuf [dreg:s7], $0x5FFFF;
	_ =	strace $0x9000004F  }
0xb2: {  	s29 =	simm.s32 $0x9;
	_ =	strace $0x80000051  }
0xb3: {  	_ =	swait.ge [sflag:s29], $0x1  }
0xb4: {  	[sflag:s29] =	ssyncadd.s32 $0xFFFFFFFF  }
0xb5: {  	_ =	strace $0x90000051  }
0xb6: {  	_ =	sfence  }
0xb7: {  	s30 =	sld [smem:$0x0];
	_ =	sdelay $0x2  }
0xb8: {  	s31 =	sshll.u32 s1, $0xD;
	s1 =	sshrl.u32 s1, $0x2  }
0xb9: {  	s3 =	sand.u32 $0x4000, s31;
	s1 =	sadd.s32 s1, s30  }
0xba: {  	s0 =	sor.u32 s3, s0;
	s1 =	sshll.u32 s1, $0x11  }
0xbb: {  	s0 =	sor.u32 s1, s0  }
0xbc: {  	s0 =	sadd.s32 $0x8F2B, s0  }
0xbd: {  	[sflag:s0] =	ssyncadd.remote.s32 $0x1  }
0xbe: {  	_ =	sfence.sel $0xFFFF  }
0xbf: {  	[dreg:$0x0] =	wrdreg $0xFFFFFFFF;
	(pc) =	sbr.abs _section_cstart, $3  }
0xc0: {  	[dreg:$0x1] =	wrdreg $0xFFFFFFFF  }
0xc1: {  	_ =	task.clear_ibuf [dreg:s7], $0x2FFFF;
	_ =	strace $0x9FFFFFFF  }
0xc2: {  	(tm) =	ssettm $0x7FFFFFFF  }
0xc3: {  	_ =	shalt  }
tec
execute0_lowered:
.L_overlay_start_1:
0x0: {  	(tag) =	ssettag $0x1  }
0x1: {  	s1 =	rddreg [dreg:$0x0]  }
0x2: {  	s0 =	rddreg [dreg:$0x1];
	s3 =	simm.s32 $0x0;
	s4 =	srdreg.scid  }
0x3: {  	s2 =	stileid.u32;
	s16 =	simm.s32 $0x2;
	s17 =	simm.s32 $0x3  }
0x4: {  	s18 =	simm.s32 $0x80;
	s19 =	simm.s32 $0x2880;
	s20 =	simm.s32 $0x50  }
0x5: {  	s21 =	simm.s32 $0x2980;
	s22 =	simm.s32 $0x1;
	s24 =	simm.s32 $0x10  }
0x6: {  	s25 =	simm.s32 $0x5180;
	s26 =	simm.s32 $0x0;
	[smem:$0x7FF] =	sst s3  }
0x7: {  	s23 =	sand.u32 $0x1, s4;
	s7 =	smul.u32 $0x280, s2;
	s4 =	sadd.s32 $0x5200, s0  }
0x8: {  	s5 =	sadd.s32 $0x36800, s0;
	s6 =	sadd.s32 $0xF000, s0;
	s15 =	sshll.u32 s2, $0x6  }
0x9: {  	_ =	strace $0x80000050;
	s8 =	sshll.u32 s23, $0x4;
	s9 =	ssub.s32 $0x2, s23  }
0xa: {  	p0 =	seq.s32 s23, $0x0;
	s15 =	sor.u32 $0x1C02, s15;
	s10 =	sor.u32 s2, s8  }
0xb: {  	s7 =	smin.u32 s7, $0x2530;
	s13 =	sshrl.u32 s9, $0x1;
	s8 =	sshll.u32 s10, $0x1  }
0xc: {  	s14 =	sshll.u32 s7, $0x4;
	s7 =	sadd.s32 $0x540400, s0;
	s31 =	ssub.s32 s9, s13  }
0xd: {  	s12 =	sadd.s32 s8, s0;
	s11 =	sadd.s32 s14, s0;
	s8 =	sadd.s32 $0x568000, s0  }
0xe: {  	s10 =	smul.u32 $0x2710, s10;
	s9 =	sadd.s32 $0x518800, s11;
	s11 =	smov.u32 s8  }
0xf: {  	s13 =	smax.u32 s31, $0x1;
	s12 =	sadd.s32 $0x5000, s12;
	s11 =	smov.u32 @p0 s7  }
0x10: {  	p0 =	sne.s32 s23, $0x0;
	s23 =	simm.s32 $0x2900;
	s14 =	sadd.s32 s11, s14  }
.LBB2_1:
0x11: {  	[hbm:s14], [sflag:s15] =	dma.local [hbm:s9], $0x2800  }
0x12: {  	_ =	swait.ge [sflag:s16], $0x2800  }
0x13: {  	v0 =	vimm.f32 $0.0e+00;
	v1 =	vimm.f32 $0.0e+00;
	[sflag:s16] =	ssyncset.done $0x0  }
0x14: {  	v2 =	vimm.f32 $0.0e+00;
	v3 =	vimm.f32 $0.0e+00;
	v4 =	vimm.f32 $0.0e+00;
	[sflag:s16] =	ssyncadd.s32 $0xFFFFD800  }
0x15: {  	v5 =	vimm.f32 $0.0e+00;
	v6 =	vimm.f32 $0.0e+00;
	v7 =	vimm.f32 $0.0e+00;
	s28 =	simm.s32 $0x0;
	[bflag:$0x0] =	sbarrier.arrive $0xFFFF  }
.LBB2_2:
0x16: {  	s0 =	smul.u32 $0x50, s28;
	_ =	sdelay $0x1  }
0x17: {  	s0 =	sadd.s32 s10, s0  }
0x18: {  	s29 =	sshrl.u32 s0, $0x3  }
0x19: {  	s30 =	sadd.s32 s4, s29  }
0x1a: {  	[tilespmem:s3], [sflag:$0x3] =	stream.linear.gather [hbm4b:s30+s3], $0x50, $0x38;
	[tilespmem:$0x7980] =	vst v63  }
0x1b: {  	_ =	swait.ge [sflag:s17], $0x50  }
0x1c: {  	s0 =	sshll.u32 s0, $0x4;
	[sflag:s17] =	ssyncset.done $0x0  }
0x1d: {  	s0 =	sadd.s32 s5, s0;
	[sflag:s17] =	ssyncadd.s32 $0xFFFFFFB0  }
0x1e: {  	[tilespmem:s18], [sflag:$0x3] =	stream.linear.gather [hbm4b:s0+s3], $0x2800, $0x38;
	[tilespmem:$0x7980] =	vst v63  }
0x1f: {  	_ =	swait.ge [sflag:s17], $0x2800  }
0x20: {  	[sflag:s17] =	ssyncset.done $0x0  }
0x21: {  	s0 =	sadd.s32 s6, s29;
	[sflag:s17] =	ssyncadd.s32 $0xFFFFD800  }
0x22: {  	[tilespmem:s19], [sflag:$0x3] =	stream.linear.gather [hbm4b:s0+s3], $0x50, $0x38;
	[tilespmem:$0x7980] =	vst v63  }
0x23: {  	_ =	swait.ge [sflag:s17], $0x50  }
0x24: {  	[sflag:s17] =	ssyncset.done $0x0  }
0x25: {  	[sflag:s17] =	ssyncadd.s32 $0xFFFFFFB0  }
0x26: {  	[tilespmem:s21], [sflag:$0x1] =	stream.indirect.gather [hbm4b:s1+s20], $0x80, s3, s20, $0xb8;
	[tilespmem:$0x7980] =	vst v63  }
0x27: {  	_ =	swait.ge [sflag:s22], $0x2800  }
0x28: {  	s31 =	simm.s32 $0x5380;
	s30 =	simm.s32 $0x2B80;
	[sflag:s22] =	ssyncset.done $0x0  }
0x29: {  	s29 =	simm.s32 $0xFFFFFFF8;
	s0 =	simm.s32 $0x280;
	[sflag:s22] =	ssyncadd.s32 $0xFFFFD800  }
.LBB2_3:
0x2a: {  	v8 =	vld [tilespmem:s0+$0xFFFFFE00];
	_ =	sdelay $0x1  }
0x2b: {  	v9 =	vld [tilespmem:s30+$0xFFFFFE00];
	_ =	sdelay $0x2  }
0x2c: {  	v7 =	vmul.f32 v8, v7;
	_ =	sdelay $0x1  }
0x2d: {  	v7 =	vadd.f32 v9, v7;
	_ =	sdelay $0x1  }
0x2e: {  	[tilespmem:s31+$0xFFFFFE00] =	vst v7  }
0x2f: {  	v53 =	vld [tilespmem:s30+$0xFFFFFE10];
	_ =	sdelay $0x2  }
0x30: {  	v6 =	vmul.f32 v8, v6;
	_ =	sdelay $0x1  }
0x31: {  	v6 =	vadd.f32 v53, v6;
	_ =	sdelay $0x1  }
0x32: {  	[tilespmem:s31+$0xFFFFFE10] =	vst v6  }
0x33: {  	v54 =	vld [tilespmem:s30+$0xFFFFFE20];
	_ =	sdelay $0x2  }
0x34: {  	v5 =	vmul.f32 v8, v5;
	_ =	sdelay $0x1  }
0x35: {  	v5 =	vadd.f32 v54, v5;
	_ =	sdelay $0x1  }
0x36: {  	[tilespmem:s31+$0xFFFFFE20] =	vst v5  }
0x37: {  	v55 =	vld [tilespmem:s30+$0xFFFFFE30];
	_ =	sdelay $0x2  }
0x38: {  	v4 =	vmul.f32 v8, v4;
	_ =	sdelay $0x1  }
0x39: {  	v4 =	vadd.f32 v55, v4;
	_ =	sdelay $0x1  }
0x3a: {  	[tilespmem:s31+$0xFFFFFE30] =	vst v4  }
0x3b: {  	v56 =	vld [tilespmem:s30+$0xFFFFFE40];
	_ =	sdelay $0x2  }
0x3c: {  	v3 =	vmul.f32 v8, v3;
	_ =	sdelay $0x1  }
0x3d: {  	v3 =	vadd.f32 v56, v3;
	_ =	sdelay $0x1  }
0x3e: {  	[tilespmem:s31+$0xFFFFFE40] =	vst v3  }
0x3f: {  	v57 =	vld [tilespmem:s30+$0xFFFFFE50];
	_ =	sdelay $0x2  }
0x40: {  	v2 =	vmul.f32 v8, v2;
	_ =	sdelay $0x1  }
0x41: {  	v2 =	vadd.f32 v57, v2;
	_ =	sdelay $0x1  }
0x42: {  	[tilespmem:s31+$0xFFFFFE50] =	vst v2  }
0x43: {  	v58 =	vld [tilespmem:s30+$0xFFFFFE60];
	_ =	sdelay $0x2  }
0x44: {  	v1 =	vmul.f32 v8, v1;
	_ =	sdelay $0x1  }
0x45: {  	v1 =	vadd.f32 v58, v1;
	_ =	sdelay $0x1  }
0x46: {  	[tilespmem:s31+$0xFFFFFE60] =	vst v1  }
0x47: {  	v59 =	vld [tilespmem:s30+$0xFFFFFE70];
	_ =	sdelay $0x2  }
0x48: {  	v0 =	vmul.f32 v8, v0;
	_ =	sdelay $0x1  }
0x49: {  	v0 =	vadd.f32 v59, v0;
	_ =	sdelay $0x1  }
0x4a: {  	[tilespmem:s31+$0xFFFFFE70] =	vst v0  }
0x4b: {  	v8 =	vld [tilespmem:s0+$0xFFFFFE80];
	_ =	sdelay $0x1  }
0x4c: {  	v60 =	vld [tilespmem:s30+$0xFFFFFE80];
	_ =	sdelay $0x2  }
0x4d: {  	v7 =	vmul.f32 v8, v7;
	_ =	sdelay $0x1  }
0x4e: {  	v7 =	vadd.f32 v60, v7;
	_ =	sdelay $0x1  }
0x4f: {  	[tilespmem:s31+$0xFFFFFE80] =	vst v7  }
0x50: {  	v61 =	vld [tilespmem:s30+$0xFFFFFE90];
	_ =	sdelay $0x2  }
0x51: {  	v6 =	vmul.f32 v8, v6;
	_ =	sdelay $0x1  }
0x52: {  	v6 =	vadd.f32 v61, v6;
	_ =	sdelay $0x1  }
0x53: {  	[tilespmem:s31+$0xFFFFFE90] =	vst v6  }
0x54: {  	v62 =	vld [tilespmem:s30+$0xFFFFFEA0];
	_ =	sdelay $0x2  }
0x55: {  	v5 =	vmul.f32 v8, v5;
	_ =	sdelay $0x1  }
0x56: {  	v5 =	vadd.f32 v62, v5;
	_ =	sdelay $0x1  }
0x57: {  	[tilespmem:s31+$0xFFFFFEA0] =	vst v5  }
0x58: {  	v63 =	vld [tilespmem:s30+$0xFFFFFEB0];
	_ =	sdelay $0x2  }
0x59: {  	v4 =	vmul.f32 v8, v4;
	_ =	sdelay $0x1  }
0x5a: {  	v4 =	vadd.f32 v63, v4;
	_ =	sdelay $0x1  }
0x5b: {  	[tilespmem:s31+$0xFFFFFEB0] =	vst v4  }
0x5c: {  	v12 =	vld [tilespmem:s30+$0xFFFFFEC0];
	_ =	sdelay $0x2  }
0x5d: {  	v3 =	vmul.f32 v8, v3;
	_ =	sdelay $0x1  }
0x5e: {  	v3 =	vadd.f32 v12, v3;
	_ =	sdelay $0x1  }
0x5f: {  	[tilespmem:s31+$0xFFFFFEC0] =	vst v3  }
0x60: {  	v13 =	vld [tilespmem:s30+$0xFFFFFED0];
	_ =	sdelay $0x2  }
0x61: {  	v2 =	vmul.f32 v8, v2;
	_ =	sdelay $0x1  }
0x62: {  	v2 =	vadd.f32 v13, v2;
	_ =	sdelay $0x1  }
0x63: {  	[tilespmem:s31+$0xFFFFFED0] =	vst v2  }
0x64: {  	v14 =	vld [tilespmem:s30+$0xFFFFFEE0];
	_ =	sdelay $0x2  }
0x65: {  	v1 =	vmul.f32 v8, v1;
	_ =	sdelay $0x1  }
0x66: {  	v1 =	vadd.f32 v14, v1;
	_ =	sdelay $0x1  }
0x67: {  	[tilespmem:s31+$0xFFFFFEE0] =	vst v1  }
0x68: {  	v15 =	vld [tilespmem:s30+$0xFFFFFEF0];
	_ =	sdelay $0x2  }
0x69: {  	v0 =	vmul.f32 v8, v0;
	_ =	sdelay $0x1  }
0x6a: {  	v0 =	vadd.f32 v15, v0;
	_ =	sdelay $0x1  }
0x6b: {  	[tilespmem:s31+$0xFFFFFEF0] =	vst v0  }
0x6c: {  	v8 =	vld [tilespmem:s0+$0xFFFFFF00];
	_ =	sdelay $0x1  }
0x6d: {  	v16 =	vld [tilespmem:s30+$0xFFFFFF00];
	_ =	sdelay $0x2  }
0x6e: {  	v7 =	vmul.f32 v8, v7;
	_ =	sdelay $0x1  }
0x6f: {  	v7 =	vadd.f32 v16, v7;
	_ =	sdelay $0x1  }
0x70: {  	[tilespmem:s31+$0xFFFFFF00] =	vst v7  }
0x71: {  	v17 =	vld [tilespmem:s30+$0xFFFFFF10];
	_ =	sdelay $0x2  }
0x72: {  	v6 =	vmul.f32 v8, v6;
	_ =	sdelay $0x1  }
0x73: {  	v6 =	vadd.f32 v17, v6;
	_ =	sdelay $0x1  }
0x74: {  	[tilespmem:s31+$0xFFFFFF10] =	vst v6  }
0x75: {  	v18 =	vld [tilespmem:s30+$0xFFFFFF20];
	_ =	sdelay $0x2  }
0x76: {  	v5 =	vmul.f32 v8, v5;
	_ =	sdelay $0x1  }
0x77: {  	v5 =	vadd.f32 v18, v5;
	_ =	sdelay $0x1  }
0x78: {  	[tilespmem:s31+$0xFFFFFF20] =	vst v5  }
0x79: {  	v19 =	vld [tilespmem:s30+$0xFFFFFF30];
	_ =	sdelay $0x2  }
0x7a: {  	v4 =	vmul.f32 v8, v4;
	_ =	sdelay $0x1  }
0x7b: {  	v4 =	vadd.f32 v19, v4;
	_ =	sdelay $0x1  }
0x7c: {  	[tilespmem:s31+$0xFFFFFF30] =	vst v4  }
0x7d: {  	v20 =	vld [tilespmem:s30+$0xFFFFFF40];
	_ =	sdelay $0x2  }
0x7e: {  	v3 =	vmul.f32 v8, v3;
	_ =	sdelay $0x1  }
0x7f: {  	v3 =	vadd.f32 v20, v3;
	_ =	sdelay $0x1  }
0x80: {  	[tilespmem:s31+$0xFFFFFF40] =	vst v3  }
0x81: {  	v21 =	vld [tilespmem:s30+$0xFFFFFF50];
	_ =	sdelay $0x2  }
0x82: {  	v2 =	vmul.f32 v8, v2;
	_ =	sdelay $0x1  }
0x83: {  	v2 =	vadd.f32 v21, v2;
	_ =	sdelay $0x1  }
0x84: {  	[tilespmem:s31+$0xFFFFFF50] =	vst v2  }
0x85: {  	v22 =	vld [tilespmem:s30+$0xFFFFFF60];
	_ =	sdelay $0x2  }
0x86: {  	v1 =	vmul.f32 v8, v1;
	_ =	sdelay $0x1  }
0x87: {  	v1 =	vadd.f32 v22, v1;
	_ =	sdelay $0x1  }
0x88: {  	[tilespmem:s31+$0xFFFFFF60] =	vst v1  }
0x89: {  	v23 =	vld [tilespmem:s30+$0xFFFFFF70];
	_ =	sdelay $0x2  }
0x8a: {  	v0 =	vmul.f32 v8, v0;
	_ =	sdelay $0x1  }
0x8b: {  	v0 =	vadd.f32 v23, v0;
	_ =	sdelay $0x1  }
0x8c: {  	[tilespmem:s31+$0xFFFFFF70] =	vst v0  }
0x8d: {  	v8 =	vld [tilespmem:s0+$0xFFFFFF80];
	_ =	sdelay $0x1  }
0x8e: {  	v24 =	vld [tilespmem:s30+$0xFFFFFF80];
	_ =	sdelay $0x2  }
0x8f: {  	v7 =	vmul.f32 v8, v7;
	_ =	sdelay $0x1  }
0x90: {  	v7 =	vadd.f32 v24, v7;
	_ =	sdelay $0x1  }
0x91: {  	[tilespmem:s31+$0xFFFFFF80] =	vst v7  }
0x92: {  	v25 =	vld [tilespmem:s30+$0xFFFFFF90];
	_ =	sdelay $0x2  }
0x93: {  	v6 =	vmul.f32 v8, v6;
	_ =	sdelay $0x1  }
0x94: {  	v6 =	vadd.f32 v25, v6;
	_ =	sdelay $0x1  }
0x95: {  	[tilespmem:s31+$0xFFFFFF90] =	vst v6  }
0x96: {  	v26 =	vld [tilespmem:s30+$0xFFFFFFA0];
	_ =	sdelay $0x2  }
0x97: {  	v5 =	vmul.f32 v8, v5;
	_ =	sdelay $0x1  }
0x98: {  	v5 =	vadd.f32 v26, v5;
	_ =	sdelay $0x1  }
0x99: {  	[tilespmem:s31+$0xFFFFFFA0] =	vst v5  }
0x9a: {  	v27 =	vld [tilespmem:s30+$0xFFFFFFB0];
	_ =	sdelay $0x2  }
0x9b: {  	v4 =	vmul.f32 v8, v4;
	_ =	sdelay $0x1  }
0x9c: {  	v4 =	vadd.f32 v27, v4;
	_ =	sdelay $0x1  }
0x9d: {  	[tilespmem:s31+$0xFFFFFFB0] =	vst v4  }
0x9e: {  	v28 =	vld [tilespmem:s30+$0xFFFFFFC0];
	_ =	sdelay $0x2  }
0x9f: {  	v3 =	vmul.f32 v8, v3;
	_ =	sdelay $0x1  }
0xa0: {  	v3 =	vadd.f32 v28, v3;
	_ =	sdelay $0x1  }
0xa1: {  	[tilespmem:s31+$0xFFFFFFC0] =	vst v3  }
0xa2: {  	v29 =	vld [tilespmem:s30+$0xFFFFFFD0];
	_ =	sdelay $0x2  }
0xa3: {  	v2 =	vmul.f32 v8, v2;
	_ =	sdelay $0x1  }
0xa4: {  	v2 =	vadd.f32 v29, v2;
	_ =	sdelay $0x1  }
0xa5: {  	[tilespmem:s31+$0xFFFFFFD0] =	vst v2  }
0xa6: {  	v30 =	vld [tilespmem:s30+$0xFFFFFFE0];
	_ =	sdelay $0x2  }
0xa7: {  	v1 =	vmul.f32 v8, v1;
	_ =	sdelay $0x1  }
0xa8: {  	v1 =	vadd.f32 v30, v1;
	_ =	sdelay $0x1  }
0xa9: {  	[tilespmem:s31+$0xFFFFFFE0] =	vst v1  }
0xaa: {  	v31 =	vld [tilespmem:s30+$0xFFFFFFF0];
	_ =	sdelay $0x2  }
0xab: {  	v0 =	vmul.f32 v8, v0;
	_ =	sdelay $0x1  }
0xac: {  	v0 =	vadd.f32 v31, v0;
	_ =	sdelay $0x1  }
0xad: {  	[tilespmem:s31+$0xFFFFFFF0] =	vst v0  }
0xae: {  	v8 =	vld [tilespmem:s0+$0x0];
	_ =	sdelay $0x1  }
0xaf: {  	v32 =	vld [tilespmem:s30+$0x0];
	_ =	sdelay $0x2  }
0xb0: {  	v7 =	vmul.f32 v8, v7;
	_ =	sdelay $0x1  }
0xb1: {  	v7 =	vadd.f32 v32, v7;
	_ =	sdelay $0x1  }
0xb2: {  	[tilespmem:s31+$0x0] =	vst v7  }
0xb3: {  	v33 =	vld [tilespmem:s30+$0x10];
	_ =	sdelay $0x2  }
0xb4: {  	v6 =	vmul.f32 v8, v6;
	_ =	sdelay $0x1  }
0xb5: {  	v6 =	vadd.f32 v33, v6;
	_ =	sdelay $0x1  }
0xb6: {  	[tilespmem:s31+$0x10] =	vst v6  }
0xb7: {  	v34 =	vld [tilespmem:s30+$0x20];
	_ =	sdelay $0x2  }
0xb8: {  	v5 =	vmul.f32 v8, v5;
	_ =	sdelay $0x1  }
0xb9: {  	v5 =	vadd.f32 v34, v5;
	_ =	sdelay $0x1  }
0xba: {  	[tilespmem:s31+$0x20] =	vst v5  }
0xbb: {  	v35 =	vld [tilespmem:s30+$0x30];
	_ =	sdelay $0x2  }
0xbc: {  	v4 =	vmul.f32 v8, v4;
	_ =	sdelay $0x1  }
0xbd: {  	v4 =	vadd.f32 v35, v4;
	_ =	sdelay $0x1  }
0xbe: {  	[tilespmem:s31+$0x30] =	vst v4  }
0xbf: {  	v36 =	vld [tilespmem:s30+$0x40];
	_ =	sdelay $0x2  }
0xc0: {  	v3 =	vmul.f32 v8, v3;
	_ =	sdelay $0x1  }
0xc1: {  	v3 =	vadd.f32 v36, v3;
	_ =	sdelay $0x1  }
0xc2: {  	[tilespmem:s31+$0x40] =	vst v3  }
0xc3: {  	v37 =	vld [tilespmem:s30+$0x50];
	_ =	sdelay $0x2  }
0xc4: {  	v2 =	vmul.f32 v8, v2;
	_ =	sdelay $0x1  }
0xc5: {  	v2 =	vadd.f32 v37, v2;
	_ =	sdelay $0x1  }
0xc6: {  	[tilespmem:s31+$0x50] =	vst v2  }
0xc7: {  	v38 =	vld [tilespmem:s30+$0x60];
	_ =	sdelay $0x2  }
0xc8: {  	v1 =	vmul.f32 v8, v1;
	_ =	sdelay $0x1  }
0xc9: {  	v1 =	vadd.f32 v38, v1;
	_ =	sdelay $0x1  }
0xca: {  	[tilespmem:s31+$0x60] =	vst v1  }
0xcb: {  	v39 =	vld [tilespmem:s30+$0x70];
	_ =	sdelay $0x2  }
0xcc: {  	v0 =	vmul.f32 v8, v0;
	_ =	sdelay $0x1  }
0xcd: {  	v0 =	vadd.f32 v39, v0;
	_ =	sdelay $0x1  }
0xce: {  	[tilespmem:s31+$0x70] =	vst v0  }
0xcf: {  	v8 =	vld [tilespmem:s0+$0x80];
	_ =	sdelay $0x1  }
0xd0: {  	v40 =	vld [tilespmem:s30+$0x80];
	_ =	sdelay $0x2  }
0xd1: {  	v7 =	vmul.f32 v8, v7;
	_ =	sdelay $0x1  }
0xd2: {  	v7 =	vadd.f32 v40, v7;
	_ =	sdelay $0x1  }
0xd3: {  	[tilespmem:s31+$0x80] =	vst v7  }
0xd4: {  	v41 =	vld [tilespmem:s30+$0x90];
	_ =	sdelay $0x2  }
0xd5: {  	v6 =	vmul.f32 v8, v6;
	_ =	sdelay $0x1  }
0xd6: {  	v6 =	vadd.f32 v41, v6;
	_ =	sdelay $0x1  }
0xd7: {  	[tilespmem:s31+$0x90] =	vst v6  }
0xd8: {  	v42 =	vld [tilespmem:s30+$0xA0];
	_ =	sdelay $0x2  }
0xd9: {  	v5 =	vmul.f32 v8, v5;
	_ =	sdelay $0x1  }
0xda: {  	v5 =	vadd.f32 v42, v5;
	_ =	sdelay $0x1  }
0xdb: {  	[tilespmem:s31+$0xA0] =	vst v5  }
0xdc: {  	v43 =	vld [tilespmem:s30+$0xB0];
	_ =	sdelay $0x2  }
0xdd: {  	v4 =	vmul.f32 v8, v4;
	_ =	sdelay $0x1  }
0xde: {  	v4 =	vadd.f32 v43, v4;
	_ =	sdelay $0x1  }
0xdf: {  	[tilespmem:s31+$0xB0] =	vst v4  }
0xe0: {  	v44 =	vld [tilespmem:s30+$0xC0];
	_ =	sdelay $0x2  }
0xe1: {  	v3 =	vmul.f32 v8, v3;
	_ =	sdelay $0x1  }
0xe2: {  	v3 =	vadd.f32 v44, v3;
	_ =	sdelay $0x1  }
0xe3: {  	[tilespmem:s31+$0xC0] =	vst v3  }
0xe4: {  	v45 =	vld [tilespmem:s30+$0xD0];
	_ =	sdelay $0x2  }
0xe5: {  	v2 =	vmul.f32 v8, v2;
	_ =	sdelay $0x1  }
0xe6: {  	v2 =	vadd.f32 v45, v2;
	_ =	sdelay $0x1  }
0xe7: {  	[tilespmem:s31+$0xD0] =	vst v2  }
0xe8: {  	v46 =	vld [tilespmem:s30+$0xE0];
	_ =	sdelay $0x2  }
0xe9: {  	v1 =	vmul.f32 v8, v1;
	_ =	sdelay $0x1  }
0xea: {  	v1 =	vadd.f32 v46, v1;
	_ =	sdelay $0x1  }
0xeb: {  	[tilespmem:s31+$0xE0] =	vst v1  }
0xec: {  	v47 =	vld [tilespmem:s30+$0xF0];
	_ =	sdelay $0x2  }
0xed: {  	v0 =	vmul.f32 v8, v0;
	_ =	sdelay $0x1  }
0xee: {  	v0 =	vadd.f32 v47, v0;
	_ =	sdelay $0x1  }
0xef: {  	[tilespmem:s31+$0xF0] =	vst v0  }
0xf0: {  	v8 =	vld [tilespmem:s0+$0x100];
	_ =	sdelay $0x1  }
0xf1: {  	v48 =	vld [tilespmem:s30+$0x100];
	_ =	sdelay $0x2  }
0xf2: {  	v7 =	vmul.f32 v8, v7;
	_ =	sdelay $0x1  }
0xf3: {  	v7 =	vadd.f32 v48, v7;
	_ =	sdelay $0x1  }
0xf4: {  	[tilespmem:s31+$0x100] =	vst v7  }
0xf5: {  	v49 =	vld [tilespmem:s30+$0x110];
	_ =	sdelay $0x2  }
0xf6: {  	v6 =	vmul.f32 v8, v6;
	_ =	sdelay $0x1  }
0xf7: {  	v6 =	vadd.f32 v49, v6;
	_ =	sdelay $0x1  }
0xf8: {  	[tilespmem:s31+$0x110] =	vst v6  }
0xf9: {  	v50 =	vld [tilespmem:s30+$0x120];
	_ =	sdelay $0x2  }
0xfa: {  	v5 =	vmul.f32 v8, v5;
	_ =	sdelay $0x1  }
0xfb: {  	v5 =	vadd.f32 v50, v5;
	_ =	sdelay $0x1  }
0xfc: {  	[tilespmem:s31+$0x120] =	vst v5  }
0xfd: {  	v51 =	vld [tilespmem:s30+$0x130];
	_ =	sdelay $0x2  }
0xfe: {  	v4 =	vmul.f32 v8, v4;
	_ =	sdelay $0x1  }
0xff: {  	v4 =	vadd.f32 v51, v4;
	_ =	sdelay $0x1  }
0x100: {  	[tilespmem:s31+$0x130] =	vst v4  }
0x101: {  	v52 =	vld [tilespmem:s30+$0x140];
	_ =	sdelay $0x2  }
0x102: {  	v3 =	vmul.f32 v8, v3;
	_ =	sdelay $0x1  }
0x103: {  	v3 =	vadd.f32 v52, v3;
	_ =	sdelay $0x1  }
0x104: {  	[tilespmem:s31+$0x140] =	vst v3  }
0x105: {  	v53 =	vld [tilespmem:s30+$0x150];
	_ =	sdelay $0x2  }
0x106: {  	v2 =	vmul.f32 v8, v2;
	_ =	sdelay $0x1  }
0x107: {  	v2 =	vadd.f32 v53, v2;
	_ =	sdelay $0x1  }
0x108: {  	[tilespmem:s31+$0x150] =	vst v2  }
0x109: {  	v54 =	vld [tilespmem:s30+$0x160];
	_ =	sdelay $0x2  }
0x10a: {  	v1 =	vmul.f32 v8, v1;
	_ =	sdelay $0x1  }
0x10b: {  	v1 =	vadd.f32 v54, v1;
	_ =	sdelay $0x1  }
0x10c: {  	[tilespmem:s31+$0x160] =	vst v1  }
0x10d: {  	v55 =	vld [tilespmem:s30+$0x170];
	_ =	sdelay $0x2  }
0x10e: {  	v0 =	vmul.f32 v8, v0;
	_ =	sdelay $0x1  }
0x10f: {  	v0 =	vadd.f32 v55, v0;
	_ =	sdelay $0x1  }
0x110: {  	[tilespmem:s31+$0x170] =	vst v0  }
0x111: {  	v8 =	vld [tilespmem:s0+$0x180];
	_ =	sdelay $0x1  }
0x112: {  	v56 =	vld [tilespmem:s30+$0x180];
	_ =	sdelay $0x2  }
0x113: {  	v7 =	vmul.f32 v8, v7;
	_ =	sdelay $0x1  }
0x114: {  	v7 =	vadd.f32 v56, v7;
	_ =	sdelay $0x1  }
0x115: {  	[tilespmem:s31+$0x180] =	vst v7  }
0x116: {  	v57 =	vld [tilespmem:s30+$0x190];
	_ =	sdelay $0x2  }
0x117: {  	v6 =	vmul.f32 v8, v6;
	_ =	sdelay $0x1  }
0x118: {  	v6 =	vadd.f32 v57, v6;
	_ =	sdelay $0x1  }
0x119: {  	[tilespmem:s31+$0x190] =	vst v6  }
0x11a: {  	v58 =	vld [tilespmem:s30+$0x1A0];
	_ =	sdelay $0x2  }
0x11b: {  	v5 =	vmul.f32 v8, v5;
	_ =	sdelay $0x1  }
0x11c: {  	v5 =	vadd.f32 v58, v5;
	_ =	sdelay $0x1  }
0x11d: {  	[tilespmem:s31+$0x1A0] =	vst v5  }
0x11e: {  	v59 =	vld [tilespmem:s30+$0x1B0];
	_ =	sdelay $0x2  }
0x11f: {  	v4 =	vmul.f32 v8, v4;
	_ =	sdelay $0x1  }
0x120: {  	v4 =	vadd.f32 v59, v4;
	_ =	sdelay $0x1  }
0x121: {  	[tilespmem:s31+$0x1B0] =	vst v4  }
0x122: {  	v60 =	vld [tilespmem:s30+$0x1C0];
	_ =	sdelay $0x2  }
0x123: {  	v3 =	vmul.f32 v8, v3;
	_ =	sdelay $0x1  }
0x124: {  	v3 =	vadd.f32 v60, v3;
	_ =	sdelay $0x1  }
0x125: {  	[tilespmem:s31+$0x1C0] =	vst v3  }
0x126: {  	v61 =	vld [tilespmem:s30+$0x1D0];
	_ =	sdelay $0x2  }
0x127: {  	v2 =	vmul.f32 v8, v2;
	_ =	sdelay $0x1  }
0x128: {  	v2 =	vadd.f32 v61, v2;
	_ =	sdelay $0x1  }
0x129: {  	[tilespmem:s31+$0x1D0] =	vst v2  }
0x12a: {  	v62 =	vld [tilespmem:s30+$0x1E0];
	_ =	sdelay $0x2  }
0x12b: {  	v1 =	vmul.f32 v8, v1;
	_ =	sdelay $0x1  }
0x12c: {  	v1 =	vadd.f32 v62, v1;
	_ =	sdelay $0x1  }
0x12d: {  	[tilespmem:s31+$0x1E0] =	vst v1  }
0x12e: {  	v63 =	vld [tilespmem:s30+$0x1F0]  }
0x12f: {  	s29 =	sadd.s32 $0x8, s29  }
0x130: {  	p1 =	slt.u32 s29, $0x48  }
.Ltmp0:
0x131: {  	v0 =	vmul.f32 v8, v0;
	(pc) =	sbr.rel @p1 .LBB2_3-.Ltmp0, $3  }
0x132: {  	_ = 	snop  }
0x133: {  	v0 =	vadd.f32 v63, v0;
	_ =	sdelay $0x1  }
0x134: {  	s0 =	sadd.s32 $0x400, s0;
	s30 =	sadd.s32 $0x400, s30;
	[tilespmem:s31+$0x1F0] =	vst v0;
	s31 =	sadd.s32 $0x400, s31  }
0x135: {  	s0 =	simm.s32 @p0 $0x50;
	s29 =	simm.s32 @p0 $0x2880;
	s30 =	simm.s32 @p0 $0x5180  }
0x136: {  	[hbm4b:s8+s0] =	stream.indirect.scatter @p0 [tilespmem:s30], [sflag:$0x2], $0x80, s29, s0, $0xb8;
	[tilespmem:$0x7980] =	vst v63  }
0x137: {  	s0 =	simm.s32 @p0 $0x2  }
0x138: {  	s28 =	sadd.s32 $0x1, s28;
	_ =	swait.ge @p0 [sflag:s0], $0x2800  }
0x139: {  	s29 =	simm.s32 @!p0 $0x2880;
	s30 =	simm.s32 @!p0 $0x5180;
	[sflag:s0] =	ssyncset.done @p0 $0x0  }
0x13a: {  	p1 =	sne.s32 s28, $0x7D;
	[sflag:s0] =	ssyncadd.s32 @p0 $0xFFFFD800;
	s0 =	simm.s32 @!p0 $0x50  }
0x13b: {  	[hbm4b:s7+s0] =	stream.indirect.scatter @!p0 [tilespmem:s30], [sflag:$0x3], $0x80, s29, s0, $0xb8;
	[tilespmem:$0x7980] =	vst v63  }
.Ltmp1:
0x13c: {  	_ = 	snop;
	(pc) =	sbr.rel @p1 .LBB2_2-.Ltmp1, $4  }
0x13d: {  	s0 =	simm.s32 @!p0 $0x3  }
0x13e: {  	_ =	swait.ge @!p0 [sflag:s0], $0x2800  }
0x13f: {  	[sflag:s0] =	ssyncset.done @!p0 $0x0  }
0x140: {  	[sflag:s0] =	ssyncadd.s32 @!p0 $0xFFFFD800  }
0x141: {  	[tilespmem:$0x5180] =	vst v7  }
0x142: {  	[tilespmem:$0x5190] =	vst v6  }
0x143: {  	[tilespmem:$0x51A0] =	vst v5  }
0x144: {  	[tilespmem:$0x51B0] =	vst v4  }
0x145: {  	[tilespmem:$0x51C0] =	vst v3  }
0x146: {  	[tilespmem:$0x51D0] =	vst v2  }
0x147: {  	[tilespmem:$0x51E0] =	vst v1  }
0x148: {  	[tilespmem:$0x51F0] =	vst v0  }
0x149: {  	[tilespmem:s23], [sflag:$0x2] =	stream.linear.gather [hbm4b:s12+s3], $0x10, $0x38;
	[tilespmem:$0x7980] =	vst v63  }
0x14a: {  	s26 =	sadd.s32 $0x1, s26;
	_ =	swait.ge [sflag:s16], $0x10  }
0x14b: {  	p1 =	sne.s32 s26, s13;
	[sflag:s16] =	ssyncset.done $0x0  }
.Ltmp2:
0x14c: {  	[sflag:s16] =	ssyncadd.s32 $0xFFFFFFF0;
	(pc) =	sbr.rel @p1 .LBB2_1-.Ltmp2, $4  }
0x14d: {  	[hbm4b:s11+s24] =	stream.indirect.scatter [tilespmem:s25], [sflag:$0x2], $0x80, s23, s24, $0xb8;
	[tilespmem:$0x7980] =	vst v63  }
0x14e: {  	_ =	swait.ge [sflag:s16], $0x800  }
0x14f: {  	[sflag:s16] =	ssyncset.done $0x0  }
0x150: {  	[sflag:s16] =	ssyncadd.s32 $0xFFFFF800  }
0x151: {  	_ =	sfence.sel $0x180000  }
0x152: {  	[bflag:$0x0] =	sbarrier.arrive $0xFFFF  }
0x153: {  	_ =	strace $0x90000050  }
0x154: {  	[bflag:$0x2] =	sbarrier.arrive $0xFFFF  }
0x155: {  	p0 =	sne.s32 s2, $0x0;
	s0 =	rddreg [dreg:$0x2]  }
0x156: {  	s0 =	sadd.s32 @!p0 $0x100000, s0  }
0x157: {  	[sflag:s0] =	ssyncadd.tile.s32 @!p0 $0x1;
	_ =	shalt  }
.Lfunc_end2:
_tile_overlayer_lowered:
.L_overlay_start_2:
0x158: {  	(tag) =	ssettag $0x2  }
0x159: {  	s0 =	rddreg [dreg:$0x0];
	s2 =	stileid.u32  }
0x15a: {  	s1 =	rddreg [dreg:$0x1];
	p0 =	sne.s32 s2, $0x0  }
0x15b: {  	s3 =	rddreg [dreg:$0x2];
	[bflag:$0x3] =	sbarrier.arrive $0xFFFF;
	s2 =	simm.s32 @!p0 $0x1C02  }
0x15c: {  	[timem:s3], [sflag:s2] =	dma.local @!p0 [hbm:s0], s1  }
0x15d: {  	s0 =	simm.s32 @!p0 $0x2  }
0x15e: {  	_ =	swait.ge @!p0 [sflag:s0], s1  }
0x15f: {  	s1 =	ssub.s32 @!p0 $0x0, s1;
	[sflag:s0] =	ssyncset.done @!p0 $0x0  }
0x160: {  	[sflag:s0] =	ssyncadd.s32 @!p0 s1  }
0x161: {  	[bflag:$0x3] =	sbarrier.arrive $0xFFFF  }
0x162: {  	_ =	shalt  }

// kernel: kernel.22.cloned.1.call-start
scs
__scs_entry_jumppad:
0x0: {  	(pc) =	sbr.rel $0x88, $3  }
0x1: {  	(tag) =	ssettag $0x0;
	lr =	simm.s32 $0x1  }
0x2: {  	[smem:$0x3F93] =	sst lr;
	_ =	strace $0xD0000000  }
0x3: {  	_ = 	snop  }
0x4: {  	_ = 	snop  }
0x5: {  	_ = 	snop  }
0x6: {  	_ = 	snop  }
0x7: {  	_ = 	snop  }
__scs_overlays_trampoline_lowered:
0x8: {  	[smem:$0x3FA2] =	sst s0  }
0x9: {  	[smem:$0x3FA3] =	sst s1  }
0xa: {  	[smem:$0x3FA4] =	sst s2  }
0xb: {  	[smem:$0x3FA5] =	sst s3  }
0xc: {  	[smem:$0x3FA6] =	sst s4  }
0xd: {  	[smem:$0x3FA7] =	sst s5  }
0xe: {  	[smem:$0x3FA8] =	sst s6  }
0xf: {  	[smem:$0x3FA9] =	sst s7  }
0x10: {  	[smem:$0x3FAA] =	sst s8  }
0x11: {  	[smem:$0x3FAB] =	sst s9;
	s0 =	simm.s32 @!p0 $0x0  }
0x12: {  	s1 =	sld [smem:$0x3F91];
	s0 =	simm.s32 @p0 $0x1  }
0x13: {  	[smem:$0x3FAC] =	sst s0;
	s0 =	simm.s32 @!p1 $0x0  }
0x14: {  	s2 =	sld [smem:$0x3F90];
	s0 =	simm.s32 @p1 $0x1  }
0x15: {  	[smem:$0x3FAD] =	sst s0;
	s0 =	simm.s32 @!p2 $0x0  }
0x16: {  	s3 =	sld [smem:$0x3FDB];
	s0 =	simm.s32 @p2 $0x1  }
0x17: {  	s4 =	simm.s32 $0x1BF5;
	[smem:$0x3FAF] =	sst s0  }
0x18: {  	s0 =	sld [smem:$0x3F92];
	_ =	swait.ge [sflag:s4], $0x0  }
0x19: {  	s7 =	sld [smem:$0x3F93]  }
0x1a: {  	s8 =	sadd.s32 $0xFFFFE003, lr  }
0x1b: {  	s9 =	sadd.s32 $0xFFFFFEF7, lr;
	s5 =	simm.s32 $0xFFFFFFFF;
	p2 =	slt.u32 s8, $0xFFFFF086  }
0x1c: {  	p1 =	slt.u32 s9, $0xF7A;
	s5 =	simm.s32 @!p2 $0x0  }
0x1d: {  	s5 =	simm.s32 @p1 $0x1;
	p0 =	seq.s32 s7, s2  }
0x1e: {  	s7 =	smul.u32 @!p0 $0xF7A, s2;
	p2 =	seq.s32 @!p0 s5, $0x0  }
0x1f: {  	s9 =	smul.u32 $0xF7A, s1;
	s8 =	simm.s32 @!p0 $0x1BF5;
	p2 =	por !p2, p0  }
0x20: {  	[sflag:s8] =	ssyncset.s32 @!p0 $0xFFFFF086;
	s6 =	sadd.s32 @!p0 s3, s7;
	s7 =	simm.s32 @!p0 $0x108  }
0x21: {  	s3 =	sadd.s32 s3, s9;
	s6 =	sadd.s32 @!p0 $0x88, s6;
	s7 =	simm.s32 @p2 $0x1082  }
0x22: {  	[simem:s7], [sflag:s8] =	dma.local @!p0 [hbm:s6], $0xF7A  }
0x23: {  	s9 =	sor.u32 $0xD0000000, s2;
	s6 =	simm.s32 $0x108;
	_ =	swait.ge @!p0 [sflag:s8], $0x0  }
0x24: {  	s3 =	sadd.s32 $0x88, s3;
	s6 =	simm.s32 @!p1 $0x1082;
	[sflag:s4] =	ssyncset.s32 $0xFFFFF086  }
0x25: {  	[simem:s6], [sflag:s4] =	dma.local [hbm:s3], $0xF7A  }
0x26: {  	[smem:$0x3F93] =	sst s1;
	(tag) =	ssettag s2;
	_ =	strace s9  }
0x27: {  	s1 =	sld [smem:$0x3FA3]  }
0x28: {  	s2 =	sld [smem:$0x3FA4]  }
0x29: {  	s4 =	sld [smem:$0x3FA6]  }
0x2a: {  	p0 =	seq.s32 s5, $0x0;
	s5 =	sld [smem:$0x3FA7]  }
0x2b: {  	s6 =	sld [smem:$0x3FA8]  }
0x2c: {  	s7 =	sld [smem:$0x3FA9]  }
0x2d: {  	s3 =	simm.s32 $0x108;
	s8 =	sld [smem:$0x3FAA]  }
0x2e: {  	s3 =	simm.s32 @!p0 $0x1082;
	s9 =	sld [smem:$0x3FAB]  }
0x2f: {  	lr =	sadd.s32 s0, s3;
	s0 =	sld [smem:$0x3FA2]  }
0x30: {  	s3 =	sld [smem:$0x3FA5]  }
0x31: {  	[smem:$0x3FAE] =	sst s10  }
0x32: {  	s10 =	sld [smem:$0x3FAC];
	_ =	sdelay $0x3  }
0x33: {  	p0 =	seq.s32 s10, $0x1;
	s10 =	sld [smem:$0x3FAE];
	_ =	sdelay $0x3  }
0x34: {  	[smem:$0x3FAE] =	sst s10  }
0x35: {  	s10 =	sld [smem:$0x3FAD];
	_ =	sdelay $0x3  }
0x36: {  	p1 =	seq.s32 s10, $0x1;
	s10 =	sld [smem:$0x3FAE];
	_ =	sdelay $0x3  }
0x37: {  	[smem:$0x3FAE] =	sst s10  }
0x38: {  	s10 =	sld [smem:$0x3FAF]  }
0x39: {  	_ = 	snop;
	(pc) =	sbr.ind lr, $3  }
0x3a: {  	_ = 	snop  }
0x3b: {  	_ = 	snop  }
0x3c: {  	p2 =	seq.s32 s10, $0x1;
	s10 =	sld [smem:$0x3FAE]  }
0x3d: {  	_ =	shalt  }
0x3e: {  	_ =	shalt  }
0x3f: {  	_ =	shalt  }
0x40: {  	_ =	shalt  }
0x41: {  	_ =	shalt  }
0x42: {  	_ =	shalt  }
0x43: {  	_ =	shalt  }
0x44: {  	_ =	shalt  }
0x45: {  	_ =	shalt  }
0x46: {  	_ =	shalt  }
0x47: {  	_ =	shalt  }
0x48: {  	_ =	shalt  }
0x49: {  	_ =	shalt  }
0x4a: {  	_ =	shalt  }
0x4b: {  	_ =	shalt  }
0x4c: {  	_ =	shalt  }
0x4d: {  	_ =	shalt  }
0x4e: {  	_ =	shalt  }
0x4f: {  	_ =	shalt  }
0x50: {  	_ =	shalt  }
0x51: {  	_ =	shalt  }
0x52: {  	_ =	shalt  }
0x53: {  	_ =	shalt  }
0x54: {  	_ =	shalt  }
0x55: {  	_ =	shalt  }
0x56: {  	_ =	shalt  }
0x57: {  	_ =	shalt  }
0x58: {  	_ =	shalt  }
0x59: {  	_ =	shalt  }
0x5a: {  	_ =	shalt  }
0x5b: {  	_ =	shalt  }
0x5c: {  	_ =	shalt  }
0x5d: {  	_ =	shalt  }
0x5e: {  	_ =	shalt  }
0x5f: {  	_ =	shalt  }
0x60: {  	_ =	shalt  }
0x61: {  	_ =	shalt  }
0x62: {  	_ =	shalt  }
0x63: {  	_ =	shalt  }
0x64: {  	_ =	shalt  }
0x65: {  	_ =	shalt  }
0x66: {  	_ =	shalt  }
0x67: {  	_ =	shalt  }
0x68: {  	_ =	shalt  }
0x69: {  	_ =	shalt  }
0x6a: {  	_ =	shalt  }
0x6b: {  	_ =	shalt  }
0x6c: {  	_ =	shalt  }
0x6d: {  	_ =	shalt  }
0x6e: {  	_ =	shalt  }
0x6f: {  	_ =	shalt  }
0x70: {  	_ =	shalt  }
0x71: {  	_ =	shalt  }
0x72: {  	_ =	shalt  }
0x73: {  	_ =	shalt  }
0x74: {  	_ =	shalt  }
0x75: {  	_ =	shalt  }
0x76: {  	_ =	shalt  }
0x77: {  	_ =	shalt  }
0x78: {  	_ =	shalt  }
0x79: {  	_ =	shalt  }
0x7a: {  	_ =	shalt  }
0x7b: {  	_ =	shalt  }
0x7c: {  	_ =	shalt  }
0x7d: {  	_ =	shalt  }
0x7e: {  	_ =	shalt  }
0x7f: {  	_ =	shalt  }
0x80: {  	_ =	shalt  }
0x81: {  	_ =	shalt  }
0x82: {  	_ =	shalt  }
0x83: {  	_ =	shalt  }
0x84: {  	_ =	shalt  }
0x85: {  	_ =	shalt  }
0x86: {  	_ =	shalt  }
0x87: {  	_ =	shalt  }
.Lfunc_end0:
.L_simem_size_0:
called_computation.4_lowered:
.L_overlay_start_0:
0x88: {  	s2 =	sld [smem:$0x3FD9]  }
0x89: {  	s3 =	sld [smem:$0x3FFE];
	_ =	sdelay $0x1  }
0x8a: {  	s1 =	srdreg.scid  }
0x8b: {  	s0 =	sand.u32 $0x1, s1  }
0x8c: {  	s17 =	sshll.u32 s0, $0xA;
	s2 =	sadd.s32 s3, s2  }
0x8d: {  	s2 =	sadd.s32 s2, s17  }
0x8e: {  	[smem:$0x3FBA] =	sst s2  }
0x8f: {  	_ = 	snop  }
0x90: {  	s2 =	sld [smem:$0x3FD0];
	(tm) =	ssettm $0x1  }
0x91: {  	s18 =	sld [smem:$0x3FFB];
	_ =	sdelay $0x3  }
0x92: {  	_ =	strace s18  }
0x93: {  	s3 =	sld [smem:$0x3FFC];
	_ =	sdelay $0x3  }
0x94: {  	_ =	strace s3  }
0x95: {  	s3 =	sld [smem:$0x3FFD];
	_ =	sdelay $0x3  }
0x96: {  	_ =	strace s3  }
0x97: {  	_ =	strace $0x8FFFFFFF  }
0x98: {  	s19 =	sld [smem:$0x3FDB];
	_ =	sdelay $0x1  }
0x99: {  	s4 =	simm.s32 $_scs_section_size  }
0x9a: {  	s5 =	simm.s32 $_size__tile_overlayer_lowered;
	s6 =	simm.s32 $_tile_overlayer_lowered  }
0x9b: {  	s22 =	simm.s32 $0x1BFF;
	s21 =	sshll.u32 s6, $0x1;
	s3 =	sadd.s32 s4, s19  }
0x9c: {  	s7 =	simm.s32 $0x0;
	s20 =	sshll.u32 s5, $0x1;
	s5 =	sadd.s32 s21, s3  }
0x9d: {  	[timem:s7], [sflag:s22] =	dma.local [hbm:s5], s20  }
0x9e: {  	_ =	swait.ge [sflag:s22], s20  }
0x9f: {  	s4 =	ssub.s32 $0x0, s20;
	[sflag:s22] =	ssyncset.done $0x0  }
0xa0: {  	[sflag:s22] =	ssyncadd.s32 s4;
	_ =	sdelay $0x1  }
0xa1: {  	s23 =	simm.s32 $0x1B8B  }
0xa2: {  	_ =	swait.ge [sflag:s23], $0x1  }
0xa3: {  	[sflag:s23] =	ssyncset.done $0x0  }
0xa4: {  	s25 =	simm.s32 $0x1B8E;
	s24 =	sld [smem:$0x3FFE];
	[sflag:s23] =	ssyncadd.s32 $0xFFFFFFFF  }
0xa5: {  	s26 =	simm.s32 $execute0_lowered;
	[smem:$0x3FD2] =	sst s25  }
0xa6: {  	s5 =	sshll.u32 s26, $0x1;
	_ =	strace $0x80000052;
	[dreg:$0x1] =	wrdreg $0xFFFFFFFF  }
0xa7: {  	s28 =	simm.s32 $_size_execute0_lowered;
	s3 =	sadd.s32 s3, s5;
	[dreg:$0x0] =	wrdreg $0x0  }
0xa8: {  	s5 =	sshll.u32 s28, $0x1;
	[dreg:$0x2] =	wrdreg s3  }
0xa9: {  	[dreg:$0x3] =	wrdreg s5  }
0xaa: {  	[dreg:$0x4] =	wrdreg $0xC0  }
0xab: {  	_ =	task [dreg:s7], $0x5FFFF  }
0xac: {  	[dreg:$0x1] =	wrdreg $0xFFFFFFFF  }
0xad: {  	[dreg:$0x0] =	wrdreg $0x60  }
0xae: {  	[dreg:$0x2] =	wrdreg s2  }
0xaf: {  	[dreg:$0x3] =	wrdreg s24  }
0xb0: {  	[dreg:$0x4] =	wrdreg $0x9  }
0xb1: {  	_ =	task.clear_ibuf [dreg:s7], $0x5FFFF;
	_ =	strace $0x90000052  }
0xb2: {  	s29 =	simm.s32 $0x9;
	_ =	strace $0x80000054  }
0xb3: {  	_ =	swait.ge [sflag:s29], $0x1  }
0xb4: {  	[sflag:s29] =	ssyncadd.s32 $0xFFFFFFFF  }
0xb5: {  	_ =	strace $0x90000054  }
0xb6: {  	_ =	sfence  }
0xb7: {  	s30 =	sld [smem:$0x0];
	_ =	sdelay $0x2  }
0xb8: {  	s31 =	sshll.u32 s1, $0xD;
	s1 =	sshrl.u32 s1, $0x2  }
0xb9: {  	s3 =	sand.u32 $0x4000, s31;
	s1 =	sadd.s32 s1, s30  }
0xba: {  	s0 =	sor.u32 s3, s0;
	s1 =	sshll.u32 s1, $0x11  }
0xbb: {  	s0 =	sor.u32 s1, s0  }
0xbc: {  	s0 =	sadd.s32 $0x8F2B, s0  }
0xbd: {  	[sflag:s0] =	ssyncadd.remote.s32 $0x1  }
0xbe: {  	_ =	sfence.sel $0xFFFF  }
0xbf: {  	[dreg:$0x0] =	wrdreg $0xFFFFFFFF;
	(pc) =	sbr.abs _section_cstart, $3  }
0xc0: {  	[dreg:$0x1] =	wrdreg $0xFFFFFFFF  }
0xc1: {  	_ =	task.clear_ibuf [dreg:s7], $0x2FFFF;
	_ =	strace $0x9FFFFFFF  }
0xc2: {  	(tm) =	ssettm $0x7FFFFFFF  }
0xc3: {  	_ =	shalt  }
tec
execute0_lowered:
.L_overlay_start_1:
0x0: {  	(tag) =	ssettag $0x1  }
0x1: {  	s1 =	rddreg [dreg:$0x0]  }
0x2: {  	s0 =	rddreg [dreg:$0x1];
	s3 =	simm.s32 $0x0;
	s4 =	srdreg.scid  }
0x3: {  	s2 =	stileid.u32;
	s16 =	simm.s32 $0x2;
	s17 =	simm.s32 $0x3  }
0x4: {  	s18 =	simm.s32 $0x80;
	s19 =	simm.s32 $0x2880;
	s20 =	simm.s32 $0x50  }
0x5: {  	s21 =	simm.s32 $0x2980;
	s22 =	simm.s32 $0x1;
	s24 =	simm.s32 $0x10  }
0x6: {  	s25 =	simm.s32 $0x5180;
	s26 =	simm.s32 $0x0;
	[smem:$0x7FF] =	sst s3  }
0x7: {  	s23 =	sand.u32 $0x1, s4;
	s7 =	smul.u32 $0x280, s2;
	s4 =	sadd.s32 $0x5200, s0  }
0x8: {  	s5 =	sadd.s32 $0x36800, s0;
	s6 =	sadd.s32 $0xF000, s0;
	s15 =	sshll.u32 s2, $0x6  }
0x9: {  	_ =	strace $0x80000053;
	s8 =	sshll.u32 s23, $0x4;
	s9 =	ssub.s32 $0x2, s23  }
0xa: {  	p0 =	seq.s32 s23, $0x0;
	s15 =	sor.u32 $0x1C02, s15;
	s10 =	sor.u32 s2, s8  }
0xb: {  	s7 =	smin.u32 s7, $0x2530;
	s13 =	sshrl.u32 s9, $0x1;
	s8 =	sshll.u32 s10, $0x1  }
0xc: {  	s14 =	sshll.u32 s7, $0x4;
	s7 =	sadd.s32 $0x540400, s0;
	s31 =	ssub.s32 s9, s13  }
0xd: {  	s12 =	sadd.s32 s8, s0;
	s11 =	sadd.s32 s14, s0;
	s8 =	sadd.s32 $0x568000, s0  }
0xe: {  	s10 =	smul.u32 $0x2710, s10;
	s9 =	sadd.s32 $0x518800, s11;
	s11 =	smov.u32 s8  }
0xf: {  	s13 =	smax.u32 s31, $0x1;
	s12 =	sadd.s32 $0x5000, s12;
	s11 =	smov.u32 @p0 s7  }
0x10: {  	p0 =	sne.s32 s23, $0x0;
	s23 =	simm.s32 $0x2900;
	s14 =	sadd.s32 s11, s14  }
.LBB2_1:
0x11: {  	[hbm:s14], [sflag:s15] =	dma.local [hbm:s9], $0x2800  }
0x12: {  	_ =	swait.ge [sflag:s16], $0x2800  }
0x13: {  	v0 =	vimm.f32 $0.0e+00;
	v1 =	vimm.f32 $0.0e+00;
	[sflag:s16] =	ssyncset.done $0x0  }
0x14: {  	v2 =	vimm.f32 $0.0e+00;
	v3 =	vimm.f32 $0.0e+00;
	v4 =	vimm.f32 $0.0e+00;
	[sflag:s16] =	ssyncadd.s32 $0xFFFFD800  }
0x15: {  	v5 =	vimm.f32 $0.0e+00;
	v6 =	vimm.f32 $0.0e+00;
	v7 =	vimm.f32 $0.0e+00;
	s28 =	simm.s32 $0x0;
	[bflag:$0x0] =	sbarrier.arrive $0xFFFF  }
.LBB2_2:
0x16: {  	s0 =	smul.u32 $0x50, s28;
	_ =	sdelay $0x1  }
0x17: {  	s0 =	sadd.s32 s10, s0  }
0x18: {  	s29 =	sshrl.u32 s0, $0x3  }
0x19: {  	s30 =	sadd.s32 s4, s29  }
0x1a: {  	[tilespmem:s3], [sflag:$0x3] =	stream.linear.gather [hbm4b:s30+s3], $0x50, $0x38;
	[tilespmem:$0x7980] =	vst v63  }
0x1b: {  	_ =	swait.ge [sflag:s17], $0x50  }
0x1c: {  	s0 =	sshll.u32 s0, $0x4;
	[sflag:s17] =	ssyncset.done $0x0  }
0x1d: {  	s0 =	sadd.s32 s5, s0;
	[sflag:s17] =	ssyncadd.s32 $0xFFFFFFB0  }
0x1e: {  	[tilespmem:s18], [sflag:$0x3] =	stream.linear.gather [hbm4b:s0+s3], $0x2800, $0x38;
	[tilespmem:$0x7980] =	vst v63  }
0x1f: {  	_ =	swait.ge [sflag:s17], $0x2800  }
0x20: {  	[sflag:s17] =	ssyncset.done $0x0  }
0x21: {  	s0 =	sadd.s32 s6, s29;
	[sflag:s17] =	ssyncadd.s32 $0xFFFFD800  }
0x22: {  	[tilespmem:s19], [sflag:$0x3] =	stream.linear.gather [hbm4b:s0+s3], $0x50, $0x38;
	[tilespmem:$0x7980] =	vst v63  }
0x23: {  	_ =	swait.ge [sflag:s17], $0x50  }
0x24: {  	[sflag:s17] =	ssyncset.done $0x0  }
0x25: {  	[sflag:s17] =	ssyncadd.s32 $0xFFFFFFB0  }
0x26: {  	[tilespmem:s21], [sflag:$0x1] =	stream.indirect.gather [hbm4b:s1+s20], $0x80, s3, s20, $0xb8;
	[tilespmem:$0x7980] =	vst v63  }
0x27: {  	_ =	swait.ge [sflag:s22], $0x2800  }
0x28: {  	s31 =	simm.s32 $0x5380;
	s30 =	simm.s32 $0x2B80;
	[sflag:s22] =	ssyncset.done $0x0  }
0x29: {  	s29 =	simm.s32 $0xFFFFFFF8;
	s0 =	simm.s32 $0x280;
	[sflag:s22] =	ssyncadd.s32 $0xFFFFD800  }
.LBB2_3:
0x2a: {  	v8 =	vld [tilespmem:s0+$0xFFFFFE00];
	_ =	sdelay $0x1  }
0x2b: {  	v9 =	vld [tilespmem:s30+$0xFFFFFE00];
	_ =	sdelay $0x2  }
0x2c: {  	v7 =	vmul.f32 v8, v7;
	_ =	sdelay $0x1  }
0x2d: {  	v7 =	vadd.f32 v9, v7;
	_ =	sdelay $0x1  }
0x2e: {  	[tilespmem:s31+$0xFFFFFE00] =	vst v7  }
0x2f: {  	v53 =	vld [tilespmem:s30+$0xFFFFFE10];
	_ =	sdelay $0x2  }
0x30: {  	v6 =	vmul.f32 v8, v6;
	_ =	sdelay $0x1  }
0x31: {  	v6 =	vadd.f32 v53, v6;
	_ =	sdelay $0x1  }
0x32: {  	[tilespmem:s31+$0xFFFFFE10] =	vst v6  }
0x33: {  	v54 =	vld [tilespmem:s30+$0xFFFFFE20];
	_ =	sdelay $0x2  }
0x34: {  	v5 =	vmul.f32 v8, v5;
	_ =	sdelay $0x1  }
0x35: {  	v5 =	vadd.f32 v54, v5;
	_ =	sdelay $0x1  }
0x36: {  	[tilespmem:s31+$0xFFFFFE20] =	vst v5  }
0x37: {  	v55 =	vld [tilespmem:s30+$0xFFFFFE30];
	_ =	sdelay $0x2  }
0x38: {  	v4 =	vmul.f32 v8, v4;
	_ =	sdelay $0x1  }
0x39: {  	v4 =	vadd.f32 v55, v4;
	_ =	sdelay $0x1  }
0x3a: {  	[tilespmem:s31+$0xFFFFFE30] =	vst v4  }
0x3b: {  	v56 =	vld [tilespmem:s30+$0xFFFFFE40];
	_ =	sdelay $0x2  }
0x3c: {  	v3 =	vmul.f32 v8, v3;
	_ =	sdelay $0x1  }
0x3d: {  	v3 =	vadd.f32 v56, v3;
	_ =	sdelay $0x1  }
0x3e: {  	[tilespmem:s31+$0xFFFFFE40] =	vst v3  }
0x3f: {  	v57 =	vld [tilespmem:s30+$0xFFFFFE50];
	_ =	sdelay $0x2  }
0x40: {  	v2 =	vmul.f32 v8, v2;
	_ =	sdelay $0x1  }
0x41: {  	v2 =	vadd.f32 v57, v2;
	_ =	sdelay $0x1  }
0x42: {  	[tilespmem:s31+$0xFFFFFE50] =	vst v2  }
0x43: {  	v58 =	vld [tilespmem:s30+$0xFFFFFE60];
	_ =	sdelay $0x2  }
0x44: {  	v1 =	vmul.f32 v8, v1;
	_ =	sdelay $0x1  }
0x45: {  	v1 =	vadd.f32 v58, v1;
	_ =	sdelay $0x1  }
0x46: {  	[tilespmem:s31+$0xFFFFFE60] =	vst v1  }
0x47: {  	v59 =	vld [tilespmem:s30+$0xFFFFFE70];
	_ =	sdelay $0x2  }
0x48: {  	v0 =	vmul.f32 v8, v0;
	_ =	sdelay $0x1  }
0x49: {  	v0 =	vadd.f32 v59, v0;
	_ =	sdelay $0x1  }
0x4a: {  	[tilespmem:s31+$0xFFFFFE70] =	vst v0  }
0x4b: {  	v8 =	vld [tilespmem:s0+$0xFFFFFE80];
	_ =	sdelay $0x1  }
0x4c: {  	v60 =	vld [tilespmem:s30+$0xFFFFFE80];
	_ =	sdelay $0x2  }
0x4d: {  	v7 =	vmul.f32 v8, v7;
	_ =	sdelay $0x1  }
0x4e: {  	v7 =	vadd.f32 v60, v7;
	_ =	sdelay $0x1  }
0x4f: {  	[tilespmem:s31+$0xFFFFFE80] =	vst v7  }
0x50: {  	v61 =	vld [tilespmem:s30+$0xFFFFFE90];
	_ =	sdelay $0x2  }
0x51: {  	v6 =	vmul.f32 v8, v6;
	_ =	sdelay $0x1  }
0x52: {  	v6 =	vadd.f32 v61, v6;
	_ =	sdelay $0x1  }
0x53: {  	[tilespmem:s31+$0xFFFFFE90] =	vst v6  }
0x54: {  	v62 =	vld [tilespmem:s30+$0xFFFFFEA0];
	_ =	sdelay $0x2  }
0x55: {  	v5 =	vmul.f32 v8, v5;
	_ =	sdelay $0x1  }
0x56: {  	v5 =	vadd.f32 v62, v5;
	_ =	sdelay $0x1  }
0x57: {  	[tilespmem:s31+$0xFFFFFEA0] =	vst v5  }
0x58: {  	v63 =	vld [tilespmem:s30+$0xFFFFFEB0];
	_ =	sdelay $0x2  }
0x59: {  	v4 =	vmul.f32 v8, v4;
	_ =	sdelay $0x1  }
0x5a: {  	v4 =	vadd.f32 v63, v4;
	_ =	sdelay $0x1  }
0x5b: {  	[tilespmem:s31+$0xFFFFFEB0] =	vst v4  }
0x5c: {  	v12 =	vld [tilespmem:s30+$0xFFFFFEC0];
	_ =	sdelay $0x2  }
0x5d: {  	v3 =	vmul.f32 v8, v3;
	_ =	sdelay $0x1  }
0x5e: {  	v3 =	vadd.f32 v12, v3;
	_ =	sdelay $0x1  }
0x5f: {  	[tilespmem:s31+$0xFFFFFEC0] =	vst v3  }
0x60: {  	v13 =	vld [tilespmem:s30+$0xFFFFFED0];
	_ =	sdelay $0x2  }
0x61: {  	v2 =	vmul.f32 v8, v2;
	_ =	sdelay $0x1  }
0x62: {  	v2 =	vadd.f32 v13, v2;
	_ =	sdelay $0x1  }
0x63: {  	[tilespmem:s31+$0xFFFFFED0] =	vst v2  }
0x64: {  	v14 =	vld [tilespmem:s30+$0xFFFFFEE0];
	_ =	sdelay $0x2  }
0x65: {  	v1 =	vmul.f32 v8, v1;
	_ =	sdelay $0x1  }
0x66: {  	v1 =	vadd.f32 v14, v1;
	_ =	sdelay $0x1  }
0x67: {  	[tilespmem:s31+$0xFFFFFEE0] =	vst v1  }
0x68: {  	v15 =	vld [tilespmem:s30+$0xFFFFFEF0];
	_ =	sdelay $0x2  }
0x69: {  	v0 =	vmul.f32 v8, v0;
	_ =	sdelay $0x1  }
0x6a: {  	v0 =	vadd.f32 v15, v0;
	_ =	sdelay $0x1  }
0x6b: {  	[tilespmem:s31+$0xFFFFFEF0] =	vst v0  }
0x6c: {  	v8 =	vld [tilespmem:s0+$0xFFFFFF00];
	_ =	sdelay $0x1  }
0x6d: {  	v16 =	vld [tilespmem:s30+$0xFFFFFF00];
	_ =	sdelay $0x2  }
0x6e: {  	v7 =	vmul.f32 v8, v7;
	_ =	sdelay $0x1  }
0x6f: {  	v7 =	vadd.f32 v16, v7;
	_ =	sdelay $0x1  }
0x70: {  	[tilespmem:s31+$0xFFFFFF00] =	vst v7  }
0x71: {  	v17 =	vld [tilespmem:s30+$0xFFFFFF10];
	_ =	sdelay $0x2  }
0x72: {  	v6 =	vmul.f32 v8, v6;
	_ =	sdelay $0x1  }
0x73: {  	v6 =	vadd.f32 v17, v6;
	_ =	sdelay $0x1  }
0x74: {  	[tilespmem:s31+$0xFFFFFF10] =	vst v6  }
0x75: {  	v18 =	vld [tilespmem:s30+$0xFFFFFF20];
	_ =	sdelay $0x2  }
0x76: {  	v5 =	vmul.f32 v8, v5;
	_ =	sdelay $0x1  }
0x77: {  	v5 =	vadd.f32 v18, v5;
	_ =	sdelay $0x1  }
0x78: {  	[tilespmem:s31+$0xFFFFFF20] =	vst v5  }
0x79: {  	v19 =	vld [tilespmem:s30+$0xFFFFFF30];
	_ =	sdelay $0x2  }
0x7a: {  	v4 =	vmul.f32 v8, v4;
	_ =	sdelay $0x1  }
0x7b: {  	v4 =	vadd.f32 v19, v4;
	_ =	sdelay $0x1  }
0x7c: {  	[tilespmem:s31+$0xFFFFFF30] =	vst v4  }
0x7d: {  	v20 =	vld [tilespmem:s30+$0xFFFFFF40];
	_ =	sdelay $0x2  }
0x7e: {  	v3 =	vmul.f32 v8, v3;
	_ =	sdelay $0x1  }
0x7f: {  	v3 =	vadd.f32 v20, v3;
	_ =	sdelay $0x1  }
0x80: {  	[tilespmem:s31+$0xFFFFFF40] =	vst v3  }
0x81: {  	v21 =	vld [tilespmem:s30+$0xFFFFFF50];
	_ =	sdelay $0x2  }
0x82: {  	v2 =	vmul.f32 v8, v2;
	_ =	sdelay $0x1  }
0x83: {  	v2 =	vadd.f32 v21, v2;
	_ =	sdelay $0x1  }
0x84: {  	[tilespmem:s31+$0xFFFFFF50] =	vst v2  }
0x85: {  	v22 =	vld [tilespmem:s30+$0xFFFFFF60];
	_ =	sdelay $0x2  }
0x86: {  	v1 =	vmul.f32 v8, v1;
	_ =	sdelay $0x1  }
0x87: {  	v1 =	vadd.f32 v22, v1;
	_ =	sdelay $0x1  }
0x88: {  	[tilespmem:s31+$0xFFFFFF60] =	vst v1  }
0x89: {  	v23 =	vld [tilespmem:s30+$0xFFFFFF70];
	_ =	sdelay $0x2  }
0x8a: {  	v0 =	vmul.f32 v8, v0;
	_ =	sdelay $0x1  }
0x8b: {  	v0 =	vadd.f32 v23, v0;
	_ =	sdelay $0x1  }
0x8c: {  	[tilespmem:s31+$0xFFFFFF70] =	vst v0  }
0x8d: {  	v8 =	vld [tilespmem:s0+$0xFFFFFF80];
	_ =	sdelay $0x1  }
0x8e: {  	v24 =	vld [tilespmem:s30+$0xFFFFFF80];
	_ =	sdelay $0x2  }
0x8f: {  	v7 =	vmul.f32 v8, v7;
	_ =	sdelay $0x1  }
0x90: {  	v7 =	vadd.f32 v24, v7;
	_ =	sdelay $0x1  }
0x91: {  	[tilespmem:s31+$0xFFFFFF80] =	vst v7  }
0x92: {  	v25 =	vld [tilespmem:s30+$0xFFFFFF90];
	_ =	sdelay $0x2  }
0x93: {  	v6 =	vmul.f32 v8, v6;
	_ =	sdelay $0x1  }
0x94: {  	v6 =	vadd.f32 v25, v6;
	_ =	sdelay $0x1  }
0x95: {  	[tilespmem:s31+$0xFFFFFF90] =	vst v6  }
0x96: {  	v26 =	vld [tilespmem:s30+$0xFFFFFFA0];
	_ =	sdelay $0x2  }
0x97: {  	v5 =	vmul.f32 v8, v5;
	_ =	sdelay $0x1  }
0x98: {  	v5 =	vadd.f32 v26, v5;
	_ =	sdelay $0x1  }
0x99: {  	[tilespmem:s31+$0xFFFFFFA0] =	vst v5  }
0x9a: {  	v27 =	vld [tilespmem:s30+$0xFFFFFFB0];
	_ =	sdelay $0x2  }
0x9b: {  	v4 =	vmul.f32 v8, v4;
	_ =	sdelay $0x1  }
0x9c: {  	v4 =	vadd.f32 v27, v4;
	_ =	sdelay $0x1  }
0x9d: {  	[tilespmem:s31+$0xFFFFFFB0] =	vst v4  }
0x9e: {  	v28 =	vld [tilespmem:s30+$0xFFFFFFC0];
	_ =	sdelay $0x2  }
0x9f: {  	v3 =	vmul.f32 v8, v3;
	_ =	sdelay $0x1  }
0xa0: {  	v3 =	vadd.f32 v28, v3;
	_ =	sdelay $0x1  }
0xa1: {  	[tilespmem:s31+$0xFFFFFFC0] =	vst v3  }
0xa2: {  	v29 =	vld [tilespmem:s30+$0xFFFFFFD0];
	_ =	sdelay $0x2  }
0xa3: {  	v2 =	vmul.f32 v8, v2;
	_ =	sdelay $0x1  }
0xa4: {  	v2 =	vadd.f32 v29, v2;
	_ =	sdelay $0x1  }
0xa5: {  	[tilespmem:s31+$0xFFFFFFD0] =	vst v2  }
0xa6: {  	v30 =	vld [tilespmem:s30+$0xFFFFFFE0];
	_ =	sdelay $0x2  }
0xa7: {  	v1 =	vmul.f32 v8, v1;
	_ =	sdelay $0x1  }
0xa8: {  	v1 =	vadd.f32 v30, v1;
	_ =	sdelay $0x1  }
0xa9: {  	[tilespmem:s31+$0xFFFFFFE0] =	vst v1  }
0xaa: {  	v31 =	vld [tilespmem:s30+$0xFFFFFFF0];
	_ =	sdelay $0x2  }
0xab: {  	v0 =	vmul.f32 v8, v0;
	_ =	sdelay $0x1  }
0xac: {  	v0 =	vadd.f32 v31, v0;
	_ =	sdelay $0x1  }
0xad: {  	[tilespmem:s31+$0xFFFFFFF0] =	vst v0  }
0xae: {  	v8 =	vld [tilespmem:s0+$0x0];
	_ =	sdelay $0x1  }
0xaf: {  	v32 =	vld [tilespmem:s30+$0x0];
	_ =	sdelay $0x2  }
0xb0: {  	v7 =	vmul.f32 v8, v7;
	_ =	sdelay $0x1  }
0xb1: {  	v7 =	vadd.f32 v32, v7;
	_ =	sdelay $0x1  }
0xb2: {  	[tilespmem:s31+$0x0] =	vst v7  }
0xb3: {  	v33 =	vld [tilespmem:s30+$0x10];
	_ =	sdelay $0x2  }
0xb4: {  	v6 =	vmul.f32 v8, v6;
	_ =	sdelay $0x1  }
0xb5: {  	v6 =	vadd.f32 v33, v6;
	_ =	sdelay $0x1  }
0xb6: {  	[tilespmem:s31+$0x10] =	vst v6  }
0xb7: {  	v34 =	vld [tilespmem:s30+$0x20];
	_ =	sdelay $0x2  }
0xb8: {  	v5 =	vmul.f32 v8, v5;
	_ =	sdelay $0x1  }
0xb9: {  	v5 =	vadd.f32 v34, v5;
	_ =	sdelay $0x1  }
0xba: {  	[tilespmem:s31+$0x20] =	vst v5  }
0xbb: {  	v35 =	vld [tilespmem:s30+$0x30];
	_ =	sdelay $0x2  }
0xbc: {  	v4 =	vmul.f32 v8, v4;
	_ =	sdelay $0x1  }
0xbd: {  	v4 =	vadd.f32 v35, v4;
	_ =	sdelay $0x1  }
0xbe: {  	[tilespmem:s31+$0x30] =	vst v4  }
0xbf: {  	v36 =	vld [tilespmem:s30+$0x40];
	_ =	sdelay $0x2  }
0xc0: {  	v3 =	vmul.f32 v8, v3;
	_ =	sdelay $0x1  }
0xc1: {  	v3 =	vadd.f32 v36, v3;
	_ =	sdelay $0x1  }
0xc2: {  	[tilespmem:s31+$0x40] =	vst v3  }
0xc3: {  	v37 =	vld [tilespmem:s30+$0x50];
	_ =	sdelay $0x2  }
0xc4: {  	v2 =	vmul.f32 v8, v2;
	_ =	sdelay $0x1  }
0xc5: {  	v2 =	vadd.f32 v37, v2;
	_ =	sdelay $0x1  }
0xc6: {  	[tilespmem:s31+$0x50] =	vst v2  }
0xc7: {  	v38 =	vld [tilespmem:s30+$0x60];
	_ =	sdelay $0x2  }
0xc8: {  	v1 =	vmul.f32 v8, v1;
	_ =	sdelay $0x1  }
0xc9: {  	v1 =	vadd.f32 v38, v1;
	_ =	sdelay $0x1  }
0xca: {  	[tilespmem:s31+$0x60] =	vst v1  }
0xcb: {  	v39 =	vld [tilespmem:s30+$0x70];
	_ =	sdelay $0x2  }
0xcc: {  	v0 =	vmul.f32 v8, v0;
	_ =	sdelay $0x1  }
0xcd: {  	v0 =	vadd.f32 v39, v0;
	_ =	sdelay $0x1  }
0xce: {  	[tilespmem:s31+$0x70] =	vst v0  }
0xcf: {  	v8 =	vld [tilespmem:s0+$0x80];
	_ =	sdelay $0x1  }
0xd0: {  	v40 =	vld [tilespmem:s30+$0x80];
	_ =	sdelay $0x2  }
0xd1: {  	v7 =	vmul.f32 v8, v7;
	_ =	sdelay $0x1  }
0xd2: {  	v7 =	vadd.f32 v40, v7;
	_ =	sdelay $0x1  }
0xd3: {  	[tilespmem:s31+$0x80] =	vst v7  }
0xd4: {  	v41 =	vld [tilespmem:s30+$0x90];
	_ =	sdelay $0x2  }
0xd5: {  	v6 =	vmul.f32 v8, v6;
	_ =	sdelay $0x1  }
0xd6: {  	v6 =	vadd.f32 v41, v6;
	_ =	sdelay $0x1  }
0xd7: {  	[tilespmem:s31+$0x90] =	vst v6  }
0xd8: {  	v42 =	vld [tilespmem:s30+$0xA0];
	_ =	sdelay $0x2  }
0xd9: {  	v5 =	vmul.f32 v8, v5;
	_ =	sdelay $0x1  }
0xda: {  	v5 =	vadd.f32 v42, v5;
	_ =	sdelay $0x1  }
0xdb: {  	[tilespmem:s31+$0xA0] =	vst v5  }
0xdc: {  	v43 =	vld [tilespmem:s30+$0xB0];
	_ =	sdelay $0x2  }
0xdd: {  	v4 =	vmul.f32 v8, v4;
	_ =	sdelay $0x1  }
0xde: {  	v4 =	vadd.f32 v43, v4;
	_ =	sdelay $0x1  }
0xdf: {  	[tilespmem:s31+$0xB0] =	vst v4  }
0xe0: {  	v44 =	vld [tilespmem:s30+$0xC0];
	_ =	sdelay $0x2  }
0xe1: {  	v3 =	vmul.f32 v8, v3;
	_ =	sdelay $0x1  }
0xe2: {  	v3 =	vadd.f32 v44, v3;
	_ =	sdelay $0x1  }
0xe3: {  	[tilespmem:s31+$0xC0] =	vst v3  }
0xe4: {  	v45 =	vld [tilespmem:s30+$0xD0];
	_ =	sdelay $0x2  }
0xe5: {  	v2 =	vmul.f32 v8, v2;
	_ =	sdelay $0x1  }
0xe6: {  	v2 =	vadd.f32 v45, v2;
	_ =	sdelay $0x1  }
0xe7: {  	[tilespmem:s31+$0xD0] =	vst v2  }
0xe8: {  	v46 =	vld [tilespmem:s30+$0xE0];
	_ =	sdelay $0x2  }
0xe9: {  	v1 =	vmul.f32 v8, v1;
	_ =	sdelay $0x1  }
0xea: {  	v1 =	vadd.f32 v46, v1;
	_ =	sdelay $0x1  }
0xeb: {  	[tilespmem:s31+$0xE0] =	vst v1  }
0xec: {  	v47 =	vld [tilespmem:s30+$0xF0];
	_ =	sdelay $0x2  }
0xed: {  	v0 =	vmul.f32 v8, v0;
	_ =	sdelay $0x1  }
0xee: {  	v0 =	vadd.f32 v47, v0;
	_ =	sdelay $0x1  }
0xef: {  	[tilespmem:s31+$0xF0] =	vst v0  }
0xf0: {  	v8 =	vld [tilespmem:s0+$0x100];
	_ =	sdelay $0x1  }
0xf1: {  	v48 =	vld [tilespmem:s30+$0x100];
	_ =	sdelay $0x2  }
0xf2: {  	v7 =	vmul.f32 v8, v7;
	_ =	sdelay $0x1  }
0xf3: {  	v7 =	vadd.f32 v48, v7;
	_ =	sdelay $0x1  }
0xf4: {  	[tilespmem:s31+$0x100] =	vst v7  }
0xf5: {  	v49 =	vld [tilespmem:s30+$0x110];
	_ =	sdelay $0x2  }
0xf6: {  	v6 =	vmul.f32 v8, v6;
	_ =	sdelay $0x1  }
0xf7: {  	v6 =	vadd.f32 v49, v6;
	_ =	sdelay $0x1  }
0xf8: {  	[tilespmem:s31+$0x110] =	vst v6  }
0xf9: {  	v50 =	vld [tilespmem:s30+$0x120];
	_ =	sdelay $0x2  }
0xfa: {  	v5 =	vmul.f32 v8, v5;
	_ =	sdelay $0x1  }
0xfb: {  	v5 =	vadd.f32 v50, v5;
	_ =	sdelay $0x1  }
0xfc: {  	[tilespmem:s31+$0x120] =	vst v5  }
0xfd: {  	v51 =	vld [tilespmem:s30+$0x130];
	_ =	sdelay $0x2  }
0xfe: {  	v4 =	vmul.f32 v8, v4;
	_ =	sdelay $0x1  }
0xff: {  	v4 =	vadd.f32 v51, v4;
	_ =	sdelay $0x1  }
0x100: {  	[tilespmem:s31+$0x130] =	vst v4  }
0x101: {  	v52 =	vld [tilespmem:s30+$0x140];
	_ =	sdelay $0x2  }
0x102: {  	v3 =	vmul.f32 v8, v3;
	_ =	sdelay $0x1  }
0x103: {  	v3 =	vadd.f32 v52, v3;
	_ =	sdelay $0x1  }
0x104: {  	[tilespmem:s31+$0x140] =	vst v3  }
0x105: {  	v53 =	vld [tilespmem:s30+$0x150];
	_ =	sdelay $0x2  }
0x106: {  	v2 =	vmul.f32 v8, v2;
	_ =	sdelay $0x1  }
0x107: {  	v2 =	vadd.f32 v53, v2;
	_ =	sdelay $0x1  }
0x108: {  	[tilespmem:s31+$0x150] =	vst v2  }
0x109: {  	v54 =	vld [tilespmem:s30+$0x160];
	_ =	sdelay $0x2  }
0x10a: {  	v1 =	vmul.f32 v8, v1;
	_ =	sdelay $0x1  }
0x10b: {  	v1 =	vadd.f32 v54, v1;
	_ =	sdelay $0x1  }
0x10c: {  	[tilespmem:s31+$0x160] =	vst v1  }
0x10d: {  	v55 =	vld [tilespmem:s30+$0x170];
	_ =	sdelay $0x2  }
0x10e: {  	v0 =	vmul.f32 v8, v0;
	_ =	sdelay $0x1  }
0x10f: {  	v0 =	vadd.f32 v55, v0;
	_ =	sdelay $0x1  }
0x110: {  	[tilespmem:s31+$0x170] =	vst v0  }
0x111: {  	v8 =	vld [tilespmem:s0+$0x180];
	_ =	sdelay $0x1  }
0x112: {  	v56 =	vld [tilespmem:s30+$0x180];
	_ =	sdelay $0x2  }
0x113: {  	v7 =	vmul.f32 v8, v7;
	_ =	sdelay $0x1  }
0x114: {  	v7 =	vadd.f32 v56, v7;
	_ =	sdelay $0x1  }
0x115: {  	[tilespmem:s31+$0x180] =	vst v7  }
0x116: {  	v57 =	vld [tilespmem:s30+$0x190];
	_ =	sdelay $0x2  }
0x117: {  	v6 =	vmul.f32 v8, v6;
	_ =	sdelay $0x1  }
0x118: {  	v6 =	vadd.f32 v57, v6;
	_ =	sdelay $0x1  }
0x119: {  	[tilespmem:s31+$0x190] =	vst v6  }
0x11a: {  	v58 =	vld [tilespmem:s30+$0x1A0];
	_ =	sdelay $0x2  }
0x11b: {  	v5 =	vmul.f32 v8, v5;
	_ =	sdelay $0x1  }
0x11c: {  	v5 =	vadd.f32 v58, v5;
	_ =	sdelay $0x1  }
0x11d: {  	[tilespmem:s31+$0x1A0] =	vst v5  }
0x11e: {  	v59 =	vld [tilespmem:s30+$0x1B0];
	_ =	sdelay $0x2  }
0x11f: {  	v4 =	vmul.f32 v8, v4;
	_ =	sdelay $0x1  }
0x120: {  	v4 =	vadd.f32 v59, v4;
	_ =	sdelay $0x1  }
0x121: {  	[tilespmem:s31+$0x1B0] =	vst v4  }
0x122: {  	v60 =	vld [tilespmem:s30+$0x1C0];
	_ =	sdelay $0x2  }
0x123: {  	v3 =	vmul.f32 v8, v3;
	_ =	sdelay $0x1  }
0x124: {  	v3 =	vadd.f32 v60, v3;
	_ =	sdelay $0x1  }
0x125: {  	[tilespmem:s31+$0x1C0] =	vst v3  }
0x126: {  	v61 =	vld [tilespmem:s30+$0x1D0];
	_ =	sdelay $0x2  }
0x127: {  	v2 =	vmul.f32 v8, v2;
	_ =	sdelay $0x1  }
0x128: {  	v2 =	vadd.f32 v61, v2;
	_ =	sdelay $0x1  }
0x129: {  	[tilespmem:s31+$0x1D0] =	vst v2  }
0x12a: {  	v62 =	vld [tilespmem:s30+$0x1E0];
	_ =	sdelay $0x2  }
0x12b: {  	v1 =	vmul.f32 v8, v1;
	_ =	sdelay $0x1  }
0x12c: {  	v1 =	vadd.f32 v62, v1;
	_ =	sdelay $0x1  }
0x12d: {  	[tilespmem:s31+$0x1E0] =	vst v1  }
0x12e: {  	v63 =	vld [tilespmem:s30+$0x1F0]  }
0x12f: {  	s29 =	sadd.s32 $0x8, s29  }
0x130: {  	p1 =	slt.u32 s29, $0x48  }
.Ltmp0:
0x131: {  	v0 =	vmul.f32 v8, v0;
	(pc) =	sbr.rel @p1 .LBB2_3-.Ltmp0, $3  }
0x132: {  	_ = 	snop  }
0x133: {  	v0 =	vadd.f32 v63, v0;
	_ =	sdelay $0x1  }
0x134: {  	s0 =	sadd.s32 $0x400, s0;
	s30 =	sadd.s32 $0x400, s30;
	[tilespmem:s31+$0x1F0] =	vst v0;
	s31 =	sadd.s32 $0x400, s31  }
0x135: {  	s0 =	simm.s32 @p0 $0x50;
	s29 =	simm.s32 @p0 $0x2880;
	s30 =	simm.s32 @p0 $0x5180  }
0x136: {  	[hbm4b:s8+s0] =	stream.indirect.scatter @p0 [tilespmem:s30], [sflag:$0x2], $0x80, s29, s0, $0xb8;
	[tilespmem:$0x7980] =	vst v63  }
0x137: {  	s0 =	simm.s32 @p0 $0x2  }
0x138: {  	s28 =	sadd.s32 $0x1, s28;
	_ =	swait.ge @p0 [sflag:s0], $0x2800  }
0x139: {  	s29 =	simm.s32 @!p0 $0x2880;
	s30 =	simm.s32 @!p0 $0x5180;
	[sflag:s0] =	ssyncset.done @p0 $0x0  }
0x13a: {  	p1 =	sne.s32 s28, $0x7D;
	[sflag:s0] =	ssyncadd.s32 @p0 $0xFFFFD800;
	s0 =	simm.s32 @!p0 $0x50  }
0x13b: {  	[hbm4b:s7+s0] =	stream.indirect.scatter @!p0 [tilespmem:s30], [sflag:$0x3], $0x80, s29, s0, $0xb8;
	[tilespmem:$0x7980] =	vst v63  }
.Ltmp1:
0x13c: {  	_ = 	snop;
	(pc) =	sbr.rel @p1 .LBB2_2-.Ltmp1, $4  }
0x13d: {  	s0 =	simm.s32 @!p0 $0x3  }
0x13e: {  	_ =	swait.ge @!p0 [sflag:s0], $0x2800  }
0x13f: {  	[sflag:s0] =	ssyncset.done @!p0 $0x0  }
0x140: {  	[sflag:s0] =	ssyncadd.s32 @!p0 $0xFFFFD800  }
0x141: {  	[tilespmem:$0x5180] =	vst v7  }
0x142: {  	[tilespmem:$0x5190] =	vst v6  }
0x143: {  	[tilespmem:$0x51A0] =	vst v5  }
0x144: {  	[tilespmem:$0x51B0] =	vst v4  }
0x145: {  	[tilespmem:$0x51C0] =	vst v3  }
0x146: {  	[tilespmem:$0x51D0] =	vst v2  }
0x147: {  	[tilespmem:$0x51E0] =	vst v1  }
0x148: {  	[tilespmem:$0x51F0] =	vst v0  }
0x149: {  	[tilespmem:s23], [sflag:$0x2] =	stream.linear.gather [hbm4b:s12+s3], $0x10, $0x38;
	[tilespmem:$0x7980] =	vst v63  }
0x14a: {  	s26 =	sadd.s32 $0x1, s26;
	_ =	swait.ge [sflag:s16], $0x10  }
0x14b: {  	p1 =	sne.s32 s26, s13;
	[sflag:s16] =	ssyncset.done $0x0  }
.Ltmp2:
0x14c: {  	[sflag:s16] =	ssyncadd.s32 $0xFFFFFFF0;
	(pc) =	sbr.rel @p1 .LBB2_1-.Ltmp2, $4  }
0x14d: {  	[hbm4b:s11+s24] =	stream.indirect.scatter [tilespmem:s25], [sflag:$0x2], $0x80, s23, s24, $0xb8;
	[tilespmem:$0x7980] =	vst v63  }
0x14e: {  	_ =	swait.ge [sflag:s16], $0x800  }
0x14f: {  	[sflag:s16] =	ssyncset.done $0x0  }
0x150: {  	[sflag:s16] =	ssyncadd.s32 $0xFFFFF800  }
0x151: {  	_ =	sfence.sel $0x180000  }
0x152: {  	[bflag:$0x0] =	sbarrier.arrive $0xFFFF  }
0x153: {  	_ =	strace $0x90000053  }
0x154: {  	[bflag:$0x2] =	sbarrier.arrive $0xFFFF  }
0x155: {  	p0 =	sne.s32 s2, $0x0;
	s0 =	rddreg [dreg:$0x2]  }
0x156: {  	s0 =	sadd.s32 @!p0 $0x100000, s0  }
0x157: {  	[sflag:s0] =	ssyncadd.tile.s32 @!p0 $0x1;
	_ =	shalt  }
.Lfunc_end2:
_tile_overlayer_lowered:
.L_overlay_start_2:
0x158: {  	(tag) =	ssettag $0x2  }
0x159: {  	s0 =	rddreg [dreg:$0x0];
	s2 =	stileid.u32  }
0x15a: {  	s1 =	rddreg [dreg:$0x1];
	p0 =	sne.s32 s2, $0x0  }
0x15b: {  	s3 =	rddreg [dreg:$0x2];
	[bflag:$0x3] =	sbarrier.arrive $0xFFFF;
	s2 =	simm.s32 @!p0 $0x1C02  }
0x15c: {  	[timem:s3], [sflag:s2] =	dma.local @!p0 [hbm:s0], s1  }
0x15d: {  	s0 =	simm.s32 @!p0 $0x2  }
0x15e: {  	_ =	swait.ge @!p0 [sflag:s0], s1  }
0x15f: {  	s1 =	ssub.s32 @!p0 $0x0, s1;
	[sflag:s0] =	ssyncset.done @!p0 $0x0  }
0x160: {  	[sflag:s0] =	ssyncadd.s32 @!p0 s1  }
0x161: {  	[bflag:$0x3] =	sbarrier.arrive $0xFFFF  }
0x162: {  	_ =	shalt  }

</sc_bundles>
